<compile_context>
chip_gen: v7x
topology: tpu7x:2x2x1
jax: 0.10.2.dev20260603
libtpu: 0.0.44.dev20260713+nightly
codegen_flags: <defaults>
</compile_context>

<pallas_src>
import functools

import jax
import jax.numpy as jnp
from jax import lax
from jax.experimental import pallas as pl
from jax.experimental.pallas import tpu as pltpu
from jax.experimental.pallas import tpu_sc as plsc

NC = 2
NS = 16
NW = NC * NS
LANES = 16
CHUNK = 128


@functools.lru_cache(maxsize=None)
def _build_transpose(H, R, V):
    VBLK = 16384
    NVB = -(-V // VBLK)
    NSUB = VBLK // 128
    OV = NVB * (VBLK // 4)

    def body(in_ref, out_ref):
        x = in_ref[0]
        for k in range(NSUB):
            g, q = k // 4, k % 4
            out_ref[0, g * 128:(g + 1) * 128, q * 32:(q + 1) * 32] = (
                x[:, k * 128:(k + 1) * 128].T)

    def tr(ft):
        return pl.pallas_call(
            body,
            grid=(H, NVB),
            in_specs=[pl.BlockSpec((1, R, VBLK), lambda m, vb: (m, 0, vb))],
            out_specs=pl.BlockSpec((1, VBLK // 4, 128),
                                   lambda m, vb: (m, vb, 0)),
            out_shape=jax.ShapeDtypeStruct((H, OV, 128), jnp.float32),
        )(ft)

    return tr


@functools.lru_cache(maxsize=None)
def _build_gather(B, H, R, VB):
    BPW = B // NW
    NCH = BPW // CHUNK
    NIDX = H * NCH

    mesh = plsc.VectorSubcoreMesh(core_axis_name="c", subcore_axis_name="s")

    @functools.partial(
        pl.kernel,
        mesh=mesh,
        out_type=jax.ShapeDtypeStruct((B,), jnp.float32),
        scratch_types=[
            pltpu.VMEM((NIDX, CHUNK), jnp.int32),
            pltpu.VMEM((NIDX, CHUNK), jnp.int32),
            pltpu.VMEM((2, CHUNK, 128), jnp.float32),
            pltpu.VMEM((BPW, R), jnp.float32),
            pltpu.VMEM((BPW,), jnp.float32),
            pltpu.VMEM((3, LANES), jnp.float32),
            pltpu.SemaphoreType.DMA,
            pltpu.SemaphoreType.DMA,
        ],
        compiler_params=pltpu.CompilerParams(needs_layout_passes=False),
    )
    def cp_kernel(fp_hbm, idx_hbm, q_hbm, wb_hbm, out_hbm,
                  idx_v, q_v, buf, prod, outv, wb_v, sem0, sem1):
        cid = lax.axis_index("c")
        sid = lax.axis_index("s")
        wid = cid * NS + sid
        sems = (sem0, sem1)

        pltpu.sync_copy(idx_hbm.at[pl.ds(wid * NIDX, NIDX)], idx_v)
        pltpu.sync_copy(q_hbm.at[pl.ds(wid * NIDX, NIDX)], q_v)
        pltpu.sync_copy(wb_hbm, wb_v)
        w0 = wb_v[0]
        w1 = wb_v[1]
        bias_vec = wb_v[2]

        def init_body(i, _):
            prod[i, pl.ds(0, LANES)] = w0
            prod[i, pl.ds(LANES, LANES)] = w1
            return 0
        lax.fori_loop(0, BPW, init_body, 0)

        def fire(t, slot):
            return pltpu.async_copy(
                fp_hbm.at[idx_v.at[t]], buf.at[slot], sems[slot])

        def wait_in(slot):
            pltpu.make_async_copy(
                fp_hbm.at[idx_v.at[0]], buf.at[slot], sems[slot]).wait()

        NT = H * NCH
        fire(0, 0)
        fire(1, 1)

        def step(g, _):
            for tt in range(2):
                t = g * 2 + tt
                wait_in(tt)
                base = (t % NCH) * CHUNK

                def mul_body(g2, _):
                    qvec = q_v[t, pl.ds(g2 * LANES, LANES)]
                    for k in range(LANES):
                        off = qvec[k]
                        i = g2 * LANES + k
                        row = base + i
                        prod[row, pl.ds(0, LANES)] = (
                            prod[row, pl.ds(0, LANES)]
                            * buf[tt, i, pl.ds(off, LANES)])
                        prod[row, pl.ds(LANES, LANES)] = (
                            prod[row, pl.ds(LANES, LANES)]
                            * buf[tt, i, pl.ds(off + LANES, LANES)])
                    return 0
                lax.fori_loop(0, CHUNK // LANES, mul_body, 0)

                @pl.when(t + 2 < NT)
                def _():
                    fire(t + 2, tt)

            return 0

        lax.fori_loop(0, NT // 2, step, 0)

        iota = lax.broadcasted_iota(jnp.int32, (LANES,), 0)

        def red_body(g, _):
            rows = g * LANES + iota
            acc = bias_vec
            for j in range(R):
                col = jnp.full((LANES,), j, dtype=jnp.int32)
                acc = acc + plsc.load_gather(prod, [rows, col])
            outv[pl.ds(g * LANES, LANES)] = acc
            return 0
        lax.fori_loop(0, BPW // LANES, red_body, 0)

        pltpu.sync_copy(outv, out_hbm.at[pl.ds(wid * BPW, BPW)])

    return cp_kernel


def kernel(coords, factors, weights, bias):
    H, V, R = factors.shape
    B = coords.shape[0]
    VBLK = 16384
    NVB = -(-V // VBLK)
    VB = NVB * (VBLK // 4)

    ft = jnp.transpose(factors, (0, 2, 1))
    fp = _build_transpose(H, R, V)(ft).reshape(H * VB, 128)

    cp_kernel = _build_gather(B, H, R, VB)

    cf = coords.astype(jnp.int32)
    marange = jnp.arange(H, dtype=jnp.int32)[None, :]
    grow = marange * VB + (cf // 512) * 128 + cf % 128
    qoff = ((cf // 128) % 4) * R
    BPW = B // NW
    NCH = BPW // CHUNK

    def pack(a):
        return (a.reshape(NW, NCH, CHUNK, H)
                .transpose(0, 3, 1, 2)
                .reshape(NW * H * NCH, CHUNK))

    idx_arr = pack(grow)
    q_arr = pack(qoff)

    wb = jnp.concatenate([
        weights.astype(jnp.float32),
        jnp.broadcast_to(bias.astype(jnp.float32), (LANES,)),
    ]).reshape(3, LANES)

    return cp_kernel(fp, idx_arr, q_arr, wb)

# --- scband reference (transcript-rebuilt; emitter-appended) ---
"""Pipeline reference for scband-cpregressor-47699906789523 (READ-ONLY COPY).

The authoritative reference and input builder live on the scoring server;
editing this copy changes nothing except your own understanding.
"""

import jax, jax.numpy as jnp
import numpy as np

V = 100000
H = 20
R = 32
B = 16384

def setup_inputs(seed: int = 0) -> dict:
    key = jax.random.key(seed)
    k1, k2, k3 = jax.random.split(key, 3)
    coords = jax.random.randint(k1, (B, H), 0, V, dtype=jnp.int64)
    # learned parameters: H factor matrices [V, R], stacked as [H, V, R]
    factors = jax.random.normal(k2, (H, V, R), dtype=jnp.float32)
    weights = jnp.ones((R,), dtype=jnp.float32)
    bias = jnp.zeros((1,), dtype=jnp.float32)
    return {"coords": coords, "factors": factors, "weights": weights, "bias": bias}

def reference(coords, factors, weights, bias):
    # CP regression: y = sum_r w_r * prod_m A_m[i_m, r] + b
    prod = jnp.ones((coords.shape[0], factors.shape[2]), dtype=factors.dtype)
    for m in range(factors.shape[0]):
        prod = prod * jnp.take(factors[m], coords[:, m], axis=0)
    return jnp.sum(prod * weights, axis=1) + bias

if __name__ == "__main__":
    import jax
    _d = setup_inputs()
    print(jax.jit(kernel)(*tuple(_d.values())))

</pallas_src>

<mosaic_0001>
#map = affine_map<(d0, d1) -> (0, 0)>
#map1 = affine_map<(d0, d1) -> (0)>
module attributes {stable_mosaic.version = 14 : i64} {
  func.func @cp_kernel(%arg0: i32, %arg1: i32, %arg2: memref<573440x128xf32, #tpu.memory_space<hbm>>, %arg3: memref<2560x128xi32, #tpu.memory_space<hbm>>, %arg4: memref<2560x128xi32, #tpu.memory_space<hbm>>, %arg5: memref<3x16xf32, #tpu.memory_space<hbm>>, %arg6: memref<16384xf32, #tpu.memory_space<hbm>>, %arg7: memref<80x128xi32, #tpu.memory_space<vmem>>, %arg8: memref<80x128xi32, #tpu.memory_space<vmem>>, %arg9: memref<2x128x128xf32, #tpu.memory_space<vmem>>, %arg10: memref<512x32xf32, #tpu.memory_space<vmem>>, %arg11: memref<512xf32, #tpu.memory_space<vmem>>, %arg12: memref<3x16xf32, #tpu.memory_space<vmem>>, %arg13: memref<!tpu.dma_semaphore, #tpu.memory_space<semaphore_mem>>, %arg14: memref<!tpu.dma_semaphore, #tpu.memory_space<semaphore_mem>>) attributes {dimension_semantics = [#tpu.dimension_semantics<core_parallel>, #tpu.dimension_semantics<subcore_parallel>], iteration_bounds = array<i64: 2, 16>, scalar_prefetch = 0 : i64, scratch_operands = 8 : i64, tpu.core_type = #tpu.core_type<sc_vector_subcore>, window_params = [{transform_indices = #map}, {transform_indices = #map}, {transform_indices = #map}, {transform_indices = #map}, {transform_indices = #map1}]} {
    %mul3A = arith.constant 16 : i32
    %mul3A_0 = arith.muli %arg0, %mul3A : i32
    %add3A = arith.addi %mul3A_0, %arg1 : i32
    %mul3A_1 = arith.constant 80 : i32
    %mul3A_2 = arith.muli %add3A, %mul3A_1 : i32
    "tpu.region"() ({
      %run_scoped3A = tpu.sem_alloc : memref<!tpu.dma_semaphore, #tpu.memory_space<semaphore_mem>>
      %dma_start3A_61 = arith.constant 0 : i32
      %dma_start3A_62 = tpu.memref_slice %arg3[%mul3A_2, %dma_start3A_61] : memref<2560x128xi32, #tpu.memory_space<hbm>> -> memref<80x128xi32, #tpu.memory_space<hbm>>
      %dma_start3A_63 = arith.constant 0 : i32
      %dma_start3A_64 = tpu.memref_slice %arg3[%mul3A_2, %dma_start3A_63] : memref<2560x128xi32, #tpu.memory_space<hbm>> -> memref<80x128xi32, #tpu.memory_space<hbm>>
      tpu.enqueue_dma source(%dma_start3A_64 : memref<80x128xi32, #tpu.memory_space<hbm>>) target(%arg7 : memref<80x128xi32, #tpu.memory_space<vmem>>) target_semaphore(%run_scoped3A : memref<!tpu.dma_semaphore, #tpu.memory_space<semaphore_mem>>)
      %dma_wait3A = arith.constant 0 : i32
      %dma_wait3A_65 = tpu.memref_slice %arg3[%mul3A_2, %dma_wait3A] : memref<2560x128xi32, #tpu.memory_space<hbm>> -> memref<80x128xi32, #tpu.memory_space<hbm>>
      %dma_wait3A_66 = arith.constant 0 : i32
      %dma_wait3A_67 = tpu.memref_slice %arg3[%mul3A_2, %dma_wait3A_66] : memref<2560x128xi32, #tpu.memory_space<hbm>> -> memref<80x128xi32, #tpu.memory_space<hbm>>
      tpu.wait_dma2 semaphore(%run_scoped3A : memref<!tpu.dma_semaphore, #tpu.memory_space<semaphore_mem>>) src(%dma_wait3A_67 : memref<80x128xi32, #tpu.memory_space<hbm>>) dst(%arg7 : memref<80x128xi32, #tpu.memory_space<vmem>>)
      tpu.yield
    }) : () -> ()
    %mul3A_3 = arith.constant 80 : i32
    %mul3A_4 = arith.muli %add3A, %mul3A_3 : i32
    "tpu.region"() ({
      %run_scoped3A = tpu.sem_alloc : memref<!tpu.dma_semaphore, #tpu.memory_space<semaphore_mem>>
      %dma_start3A_61 = arith.constant 0 : i32
      %dma_start3A_62 = tpu.memref_slice %arg4[%mul3A_4, %dma_start3A_61] : memref<2560x128xi32, #tpu.memory_space<hbm>> -> memref<80x128xi32, #tpu.memory_space<hbm>>
      %dma_start3A_63 = arith.constant 0 : i32
      %dma_start3A_64 = tpu.memref_slice %arg4[%mul3A_4, %dma_start3A_63] : memref<2560x128xi32, #tpu.memory_space<hbm>> -> memref<80x128xi32, #tpu.memory_space<hbm>>
      tpu.enqueue_dma source(%dma_start3A_64 : memref<80x128xi32, #tpu.memory_space<hbm>>) target(%arg8 : memref<80x128xi32, #tpu.memory_space<vmem>>) target_semaphore(%run_scoped3A : memref<!tpu.dma_semaphore, #tpu.memory_space<semaphore_mem>>)
      %dma_wait3A = arith.constant 0 : i32
      %dma_wait3A_65 = tpu.memref_slice %arg4[%mul3A_4, %dma_wait3A] : memref<2560x128xi32, #tpu.memory_space<hbm>> -> memref<80x128xi32, #tpu.memory_space<hbm>>
      %dma_wait3A_66 = arith.constant 0 : i32
      %dma_wait3A_67 = tpu.memref_slice %arg4[%mul3A_4, %dma_wait3A_66] : memref<2560x128xi32, #tpu.memory_space<hbm>> -> memref<80x128xi32, #tpu.memory_space<hbm>>
      tpu.wait_dma2 semaphore(%run_scoped3A : memref<!tpu.dma_semaphore, #tpu.memory_space<semaphore_mem>>) src(%dma_wait3A_67 : memref<80x128xi32, #tpu.memory_space<hbm>>) dst(%arg8 : memref<80x128xi32, #tpu.memory_space<vmem>>)
      tpu.yield
    }) : () -> ()
    "tpu.region"() ({
      %run_scoped3A = tpu.sem_alloc : memref<!tpu.dma_semaphore, #tpu.memory_space<semaphore_mem>>
      tpu.enqueue_dma source(%arg5 : memref<3x16xf32, #tpu.memory_space<hbm>>) target(%arg12 : memref<3x16xf32, #tpu.memory_space<vmem>>) target_semaphore(%run_scoped3A : memref<!tpu.dma_semaphore, #tpu.memory_space<semaphore_mem>>)
      tpu.wait_dma2 semaphore(%run_scoped3A : memref<!tpu.dma_semaphore, #tpu.memory_space<semaphore_mem>>) src(%arg5 : memref<3x16xf32, #tpu.memory_space<hbm>>) dst(%arg12 : memref<3x16xf32, #tpu.memory_space<vmem>>)
      tpu.yield
    }) : () -> ()
    %get3A = arith.constant 0 : i32
    %get3A_5 = arith.index_cast %get3A : i32 to index
    %get3A_6 = arith.constant 0 : index
    %get3A_7 = tpu.vector_load %arg12[%get3A_5, %get3A_6] {strides = array<i32>} : memref<3x16xf32, #tpu.memory_space<vmem>>, vector<16xf32>,
    %get3A_8 = arith.constant 1 : i32
    %get3A_9 = arith.index_cast %get3A_8 : i32 to index
    %get3A_10 = arith.constant 0 : index
    %get3A_11 = tpu.vector_load %arg12[%get3A_9, %get3A_10] {strides = array<i32>} : memref<3x16xf32, #tpu.memory_space<vmem>>, vector<16xf32>,
    %get3A_12 = arith.constant 2 : i32
    %get3A_13 = arith.index_cast %get3A_12 : i32 to index
    %get3A_14 = arith.constant 0 : index
    %get3A_15 = tpu.vector_load %arg12[%get3A_13, %get3A_14] {strides = array<i32>} : memref<3x16xf32, #tpu.memory_space<vmem>>, vector<16xf32>,
    %scan3A = arith.constant 0 : i32
    %scan3A_16 = arith.constant 0 : i32
    %scan3A_17 = arith.constant 512 : i32
    %scan3A_18 = arith.addi %scan3A_16, %scan3A_17 : i32
    %scan3A_19 = arith.constant 1 : i32
    %scan3A_20 = scf.for %scan3A_61 = %scan3A_16 to %scan3A_18 step %scan3A_19 iter_args(%scan3A_62 = %scan3A) -> (i32)  : i32 {
      %swap3A = arith.index_cast %scan3A_61 : i32 to index
      %swap3A_63 = arith.constant 0 : index
      %swap3A_64 = tpu.vector_load %arg10[%swap3A, %swap3A_63] {strides = array<i32>} : memref<512x32xf32, #tpu.memory_space<vmem>>, vector<16xf32>,
      tpu.vector_store %arg10[%swap3A, %swap3A_63], %get3A_7 {strides = array<i32>} : memref<512x32xf32, #tpu.memory_space<vmem>>, vector<16xf32>,
      %swap3A_65 = arith.index_cast %scan3A_61 : i32 to index
      %swap3A_66 = arith.constant 16 : index
      %swap3A_67 = tpu.vector_load %arg10[%swap3A_65, %swap3A_66] {strides = array<i32>} : memref<512x32xf32, #tpu.memory_space<vmem>>, vector<16xf32>,
      tpu.vector_store %arg10[%swap3A_65, %swap3A_66], %get3A_11 {strides = array<i32>} : memref<512x32xf32, #tpu.memory_space<vmem>>, vector<16xf32>,
      %scan3A_68 = arith.constant 0 : i32
      scf.yield %scan3A_68 : i32
    }
    %scan3A_21 = arith.constant 512 : i32
    %dma_start3A = arith.constant 0 : i32
    %dma_start3A_22 = arith.constant 0 : i32
    %dma_start3A_23 = arith.constant 0 : i32
    %dma_start3A_24 = arith.constant 0 : i32
    %dma_start3A_25 = tpu.memref_slice %arg9[%dma_start3A_22, %dma_start3A_23, %dma_start3A_24] : memref<2x128x128xf32, #tpu.memory_space<vmem>> -> memref<1x128x128xf32, #tpu.memory_space<vmem>>
    %dma_start3A_26 = tpu.memref_squeeze %dma_start3A_25 : memref<1x128x128xf32, #tpu.memory_space<vmem>> -> memref<128x128xf32, #tpu.memory_space<vmem>>
    %dma_start3A_27 = arith.constant 0 : i32
    %dma_start3A_28 = tpu.memref_slice %arg7[%dma_start3A, %dma_start3A_27] : memref<80x128xi32, #tpu.memory_space<vmem>> -> memref<1x128xi32, #tpu.memory_space<vmem>>
    %dma_start3A_29 = tpu.memref_squeeze %dma_start3A_28 : memref<1x128xi32, #tpu.memory_space<vmem>> -> memref<128xi32, #tpu.memory_space<vmem>>
    %dma_start3A_30 = arith.constant 0 : i32
    %dma_start3A_31 = arith.constant 0 : i32
    %dma_start3A_32 = tpu.memref_slice %arg2[%dma_start3A_30, %dma_start3A_31] : memref<573440x128xf32, #tpu.memory_space<hbm>> -> memref<573440x128xf32, #tpu.memory_space<hbm>>
    tpu.enqueue_indirect_dma source(%dma_start3A_32 : memref<573440x128xf32, #tpu.memory_space<hbm>>) target(%dma_start3A_26 : memref<128x128xf32, #tpu.memory_space<vmem>>) offsets(%dma_start3A_29 : memref<128xi32, #tpu.memory_space<vmem>>) semaphore(%arg13 : memref<!tpu.dma_semaphore, #tpu.memory_space<semaphore_mem>>)
    %dma_start3A_33 = arith.constant 1 : i32
    %dma_start3A_34 = arith.constant 1 : i32
    %dma_start3A_35 = arith.constant 0 : i32
    %dma_start3A_36 = arith.constant 0 : i32
    %dma_start3A_37 = tpu.memref_slice %arg9[%dma_start3A_34, %dma_start3A_35, %dma_start3A_36] : memref<2x128x128xf32, #tpu.memory_space<vmem>> -> memref<1x128x128xf32, #tpu.memory_space<vmem>>
    %dma_start3A_38 = tpu.memref_squeeze %dma_start3A_37 : memref<1x128x128xf32, #tpu.memory_space<vmem>> -> memref<128x128xf32, #tpu.memory_space<vmem>>
    %dma_start3A_39 = arith.constant 0 : i32
    %dma_start3A_40 = tpu.memref_slice %arg7[%dma_start3A_33, %dma_start3A_39] : memref<80x128xi32, #tpu.memory_space<vmem>> -> memref<1x128xi32, #tpu.memory_space<vmem>>
    %dma_start3A_41 = tpu.memref_squeeze %dma_start3A_40 : memref<1x128xi32, #tpu.memory_space<vmem>> -> memref<128xi32, #tpu.memory_space<vmem>>
    %dma_start3A_42 = arith.constant 0 : i32
    %dma_start3A_43 = arith.constant 0 : i32
    %dma_start3A_44 = tpu.memref_slice %arg2[%dma_start3A_42, %dma_start3A_43] : memref<573440x128xf32, #tpu.memory_space<hbm>> -> memref<573440x128xf32, #tpu.memory_space<hbm>>
    tpu.enqueue_indirect_dma source(%dma_start3A_44 : memref<573440x128xf32, #tpu.memory_space<hbm>>) target(%dma_start3A_38 : memref<128x128xf32, #tpu.memory_space<vmem>>) offsets(%dma_start3A_41 : memref<128xi32, #tpu.memory_space<vmem>>) semaphore(%arg14 : memref<!tpu.dma_semaphore, #tpu.memory_space<semaphore_mem>>)
    %scan3A_45 = arith.constant 0 : i32
    %scan3A_46 = arith.constant 0 : i32
    %scan3A_47 = arith.constant 40 : i32
    %scan3A_48 = arith.addi %scan3A_46, %scan3A_47 : i32
    %scan3A_49 = arith.constant 1 : i32
    %scan3A_50 = scf.for %scan3A_61 = %scan3A_46 to %scan3A_48 step %scan3A_49 iter_args(%scan3A_62 = %scan3A_45) -> (i32)  : i32 {
      %mul3A_63 = arith.constant 2 : i32
      %mul3A_64 = arith.muli %scan3A_61, %mul3A_63 : i32
      %add3A_65 = arith.constant 0 : i32
      %add3A_66 = arith.addi %mul3A_64, %add3A_65 : i32
      %dma_wait3A = arith.constant 0 : i32
      %dma_wait3A_67 = arith.constant 0 : i32
      %dma_wait3A_68 = arith.constant 0 : i32
      %dma_wait3A_69 = arith.constant 0 : i32
      %dma_wait3A_70 = tpu.memref_slice %arg9[%dma_wait3A_67, %dma_wait3A_68, %dma_wait3A_69] : memref<2x128x128xf32, #tpu.memory_space<vmem>> -> memref<1x128x128xf32, #tpu.memory_space<vmem>>
      %dma_wait3A_71 = tpu.memref_squeeze %dma_wait3A_70 : memref<1x128x128xf32, #tpu.memory_space<vmem>> -> memref<128x128xf32, #tpu.memory_space<vmem>>
      %dma_wait3A_72 = arith.constant 0 : i32
      %dma_wait3A_73 = tpu.memref_slice %arg7[%dma_wait3A, %dma_wait3A_72] : memref<80x128xi32, #tpu.memory_space<vmem>> -> memref<1x128xi32, #tpu.memory_space<vmem>>
      %dma_wait3A_74 = tpu.memref_squeeze %dma_wait3A_73 : memref<1x128xi32, #tpu.memory_space<vmem>> -> memref<128xi32, #tpu.memory_space<vmem>>
      %dma_wait3A_75 = arith.constant 0 : i32
      %dma_wait3A_76 = arith.constant 0 : i32
      %dma_wait3A_77 = tpu.memref_slice %arg2[%dma_wait3A_75, %dma_wait3A_76] : memref<573440x128xf32, #tpu.memory_space<hbm>> -> memref<573440x128xf32, #tpu.memory_space<hbm>>
      tpu.wait_indirect_dma semaphore(%arg13 : memref<!tpu.dma_semaphore, #tpu.memory_space<semaphore_mem>>) src(%dma_wait3A_77 : memref<573440x128xf32, #tpu.memory_space<hbm>>) dst(%dma_wait3A_71 : memref<128x128xf32, #tpu.memory_space<vmem>>)
      %jit3A = arith.constant 4 : i32
      %eq3A = arith.constant 0 : i32
      %eq3A_78 = arith.cmpi eq, %jit3A, %eq3A : i32
      %jit3A_79 = arith.constant 1 : i32
      %select_n3A = arith.select %eq3A_78, %jit3A_79, %jit3A : i32
      %rem3A = arith.remsi %add3A_66, %select_n3A : i32
      %ne3A = arith.constant 0 : i32
      %ne3A_80 = arith.cmpi ne, %rem3A, %ne3A : i32
      %lt3A = arith.constant 0 : i32
      %lt3A_81 = arith.cmpi slt, %rem3A, %lt3A : i32
      %lt3A_82 = arith.constant 0 : i32
      %lt3A_83 = arith.cmpi slt, %select_n3A, %lt3A_82 : i32
      %ne3A_84 = arith.xori %lt3A_81, %lt3A_83 : i1
      %and3A = arith.andi %ne3A_84, %ne3A_80 : i1
      %add3A_85 = arith.addi %rem3A, %select_n3A : i32
      %select_n3A_86 = arith.select %and3A, %add3A_85, %rem3A : i32
      %mul3A_87 = arith.constant 128 : i32
      %mul3A_88 = arith.muli %select_n3A_86, %mul3A_87 : i32
      %scan3A_89 = arith.constant 0 : i32
      %scan3A_90 = arith.constant 0 : i32
      %scan3A_91 = arith.constant 8 : i32
      %scan3A_92 = arith.addi %scan3A_90, %scan3A_91 : i32
      %scan3A_93 = arith.constant 1 : i32
      %scan3A_94 = scf.for %scan3A_150 = %scan3A_90 to %scan3A_92 step %scan3A_93 iter_args(%scan3A_151 = %scan3A_89) -> (i32)  : i32 {
        %mul3A_152 = arith.constant 16 : i32
        %mul3A_153 = arith.muli %scan3A_150, %mul3A_152 : i32
        %get3A_154 = arith.index_cast %add3A_66 : i32 to index
        %get3A_155 = arith.index_cast %mul3A_153 : i32 to index
        %get3A_156 = tpu.vector_load %arg8[%get3A_154, %get3A_155] {strides = array<i32>} : memref<80x128xi32, #tpu.memory_space<vmem>>, vector<16xi32>,
        %slice3A = vector.extract_strided_slice %get3A_156 {offsets = [0], sizes = [1], strides = [1]} : vector<16xi32> to vector<1xi32>
        %squeeze3A = vector.extract %slice3A[0] : i32 from vector<1xi32>
        %mul3A_157 = arith.constant 16 : i32
        %mul3A_158 = arith.muli %scan3A_150, %mul3A_157 : i32
        %add3A_159 = arith.constant 0 : i32
        %add3A_160 = arith.addi %mul3A_158, %add3A_159 : i32
        %add3A_161 = arith.addi %mul3A_88, %add3A_160 : i32
        %get3A_162 = arith.index_cast %add3A_161 : i32 to index
        %get3A_163 = arith.constant 0 : index
        %get3A_164 = tpu.vector_load %arg10[%get3A_162, %get3A_163] {strides = array<i32>} : memref<512x32xf32, #tpu.memory_space<vmem>>, vector<16xf32>,
        %get3A_165 = arith.constant 0 : i32
        %get3A_166 = arith.index_cast %get3A_165 : i32 to index
        %get3A_167 = arith.index_cast %add3A_160 : i32 to index
        %get3A_168 = arith.index_cast %squeeze3A : i32 to index
        %get3A_169 = tpu.vector_load %arg9[%get3A_166, %get3A_167, %get3A_168] {strides = array<i32>} : memref<2x128x128xf32, #tpu.memory_space<vmem>>, vector<16xf32>,
        %mul3A_170 = arith.mulf %get3A_164, %get3A_169 : vector<16xf32>
        %swap3A = arith.index_cast %add3A_161 : i32 to index
        %swap3A_171 = arith.constant 0 : index
        %swap3A_172 = tpu.vector_load %arg10[%swap3A, %swap3A_171] {strides = array<i32>} : memref<512x32xf32, #tpu.memory_space<vmem>>, vector<16xf32>,
        tpu.vector_store %arg10[%swap3A, %swap3A_171], %mul3A_170 {strides = array<i32>} : memref<512x32xf32, #tpu.memory_space<vmem>>, vector<16xf32>,
        %get3A_173 = arith.index_cast %add3A_161 : i32 to index
        %get3A_174 = arith.constant 16 : index
        %get3A_175 = tpu.vector_load %arg10[%get3A_173, %get3A_174] {strides = array<i32>} : memref<512x32xf32, #tpu.memory_space<vmem>>, vector<16xf32>,
        %add3A_176 = arith.constant 16 : i32
        %add3A_177 = arith.addi %squeeze3A, %add3A_176 : i32
        %get3A_178 = arith.constant 0 : i32
        %get3A_179 = arith.index_cast %get3A_178 : i32 to index
        %get3A_180 = arith.index_cast %add3A_160 : i32 to index
        %get3A_181 = arith.index_cast %add3A_177 : i32 to index
        %get3A_182 = tpu.vector_load %arg9[%get3A_179, %get3A_180, %get3A_181] {strides = array<i32>} : memref<2x128x128xf32, #tpu.memory_space<vmem>>, vector<16xf32>,
        %mul3A_183 = arith.mulf %get3A_175, %get3A_182 : vector<16xf32>
        %swap3A_184 = arith.index_cast %add3A_161 : i32 to index
        %swap3A_185 = arith.constant 16 : index
        %swap3A_186 = tpu.vector_load %arg10[%swap3A_184, %swap3A_185] {strides = array<i32>} : memref<512x32xf32, #tpu.memory_space<vmem>>, vector<16xf32>,
        tpu.vector_store %arg10[%swap3A_184, %swap3A_185], %mul3A_183 {strides = array<i32>} : memref<512x32xf32, #tpu.memory_space<vmem>>, vector<16xf32>,
        %slice3A_187 = vector.extract_strided_slice %get3A_156 {offsets = [1], sizes = [1], strides = [1]} : vector<16xi32> to vector<1xi32>
        %squeeze3A_188 = vector.extract %slice3A_187[0] : i32 from vector<1xi32>
        %mul3A_189 = arith.constant 16 : i32
        %mul3A_190 = arith.muli %scan3A_150, %mul3A_189 : i32
        %add3A_191 = arith.constant 1 : i32
        %add3A_192 = arith.addi %mul3A_190, %add3A_191 : i32
        %add3A_193 = arith.addi %mul3A_88, %add3A_192 : i32
        %get3A_194 = arith.index_cast %add3A_193 : i32 to index
        %get3A_195 = arith.constant 0 : index
        %get3A_196 = tpu.vector_load %arg10[%get3A_194, %get3A_195] {strides = array<i32>} : memref<512x32xf32, #tpu.memory_space<vmem>>, vector<16xf32>,
        %get3A_197 = arith.constant 0 : i32
        %get3A_198 = arith.index_cast %get3A_197 : i32 to index
        %get3A_199 = arith.index_cast %add3A_192 : i32 to index
        %get3A_200 = arith.index_cast %squeeze3A_188 : i32 to index
        %get3A_201 = tpu.vector_load %arg9[%get3A_198, %get3A_199, %get3A_200] {strides = array<i32>} : memref<2x128x128xf32, #tpu.memory_space<vmem>>, vector<16xf32>,
        %mul3A_202 = arith.mulf %get3A_196, %get3A_201 : vector<16xf32>
        %swap3A_203 = arith.index_cast %add3A_193 : i32 to index
        %swap3A_204 = arith.constant 0 : index
        %swap3A_205 = tpu.vector_load %arg10[%swap3A_203, %swap3A_204] {strides = array<i32>} : memref<512x32xf32, #tpu.memory_space<vmem>>, vector<16xf32>,
        tpu.vector_store %arg10[%swap3A_203, %swap3A_204], %mul3A_202 {strides = array<i32>} : memref<512x32xf32, #tpu.memory_space<vmem>>, vector<16xf32>,
        %get3A_206 = arith.index_cast %add3A_193 : i32 to index
        %get3A_207 = arith.constant 16 : index
        %get3A_208 = tpu.vector_load %arg10[%get3A_206, %get3A_207] {strides = array<i32>} : memref<512x32xf32, #tpu.memory_space<vmem>>, vector<16xf32>,
        %add3A_209 = arith.constant 16 : i32
        %add3A_210 = arith.addi %squeeze3A_188, %add3A_209 : i32
        %get3A_211 = arith.constant 0 : i32
        %get3A_212 = arith.index_cast %get3A_211 : i32 to index
        %get3A_213 = arith.index_cast %add3A_192 : i32 to index
        %get3A_214 = arith.index_cast %add3A_210 : i32 to index
        %get3A_215 = tpu.vector_load %arg9[%get3A_212, %get3A_213, %get3A_214] {strides = array<i32>} : memref<2x128x128xf32, #tpu.memory_space<vmem>>, vector<16xf32>,
        %mul3A_216 = arith.mulf %get3A_208, %get3A_215 : vector<16xf32>
        %swap3A_217 = arith.index_cast %add3A_193 : i32 to index
        %swap3A_218 = arith.constant 16 : index
        %swap3A_219 = tpu.vector_load %arg10[%swap3A_217, %swap3A_218] {strides = array<i32>} : memref<512x32xf32, #tpu.memory_space<vmem>>, vector<16xf32>,
        tpu.vector_store %arg10[%swap3A_217, %swap3A_218], %mul3A_216 {strides = array<i32>} : memref<512x32xf32, #tpu.memory_space<vmem>>, vector<16xf32>,
        %slice3A_220 = vector.extract_strided_slice %get3A_156 {offsets = [2], sizes = [1], strides = [1]} : vector<16xi32> to vector<1xi32>
        %squeeze3A_221 = vector.extract %slice3A_220[0] : i32 from vector<1xi32>
        %mul3A_222 = arith.constant 16 : i32
        %mul3A_223 = arith.muli %scan3A_150, %mul3A_222 : i32
        %add3A_224 = arith.constant 2 : i32
        %add3A_225 = arith.addi %mul3A_223, %add3A_224 : i32
        %add3A_226 = arith.addi %mul3A_88, %add3A_225 : i32
        %get3A_227 = arith.index_cast %add3A_226 : i32 to index
        %get3A_228 = arith.constant 0 : index
        %get3A_229 = tpu.vector_load %arg10[%get3A_227, %get3A_228] {strides = array<i32>} : memref<512x32xf32, #tpu.memory_space<vmem>>, vector<16xf32>,
        %get3A_230 = arith.constant 0 : i32
        %get3A_231 = arith.index_cast %get3A_230 : i32 to index
        %get3A_232 = arith.index_cast %add3A_225 : i32 to index
        %get3A_233 = arith.index_cast %squeeze3A_221 : i32 to index
        %get3A_234 = tpu.vector_load %arg9[%get3A_231, %get3A_232, %get3A_233] {strides = array<i32>} : memref<2x128x128xf32, #tpu.memory_space<vmem>>, vector<16xf32>,
        %mul3A_235 = arith.mulf %get3A_229, %get3A_234 : vector<16xf32>
        %swap3A_236 = arith.index_cast %add3A_226 : i32 to index
        %swap3A_237 = arith.constant 0 : index
        %swap3A_238 = tpu.vector_load %arg10[%swap3A_236, %swap3A_237] {strides = array<i32>} : memref<512x32xf32, #tpu.memory_space<vmem>>, vector<16xf32>,
        tpu.vector_store %arg10[%swap3A_236, %swap3A_237], %mul3A_235 {strides = array<i32>} : memref<512x32xf32, #tpu.memory_space<vmem>>, vector<16xf32>,
        %get3A_239 = arith.index_cast %add3A_226 : i32 to index
        %get3A_240 = arith.constant 16 : index
        %get3A_241 = tpu.vector_load %arg10[%get3A_239, %get3A_240] {strides = array<i32>} : memref<512x32xf32, #tpu.memory_space<vmem>>, vector<16xf32>,
        %add3A_242 = arith.constant 16 : i32
        %add3A_243 = arith.addi %squeeze3A_221, %add3A_242 : i32
        %get3A_244 = arith.constant 0 : i32
        %get3A_245 = arith.index_cast %get3A_244 : i32 to index
        %get3A_246 = arith.index_cast %add3A_225 : i32 to index
        %get3A_247 = arith.index_cast %add3A_243 : i32 to index
        %get3A_248 = tpu.vector_load %arg9[%get3A_245, %get3A_246, %get3A_247] {strides = array<i32>} : memref<2x128x128xf32, #tpu.memory_space<vmem>>, vector<16xf32>,
        %mul3A_249 = arith.mulf %get3A_241, %get3A_248 : vector<16xf32>
        %swap3A_250 = arith.index_cast %add3A_226 : i32 to index
        %swap3A_251 = arith.constant 16 : index
        %swap3A_252 = tpu.vector_load %arg10[%swap3A_250, %swap3A_251] {strides = array<i32>} : memref<512x32xf32, #tpu.memory_space<vmem>>, vector<16xf32>,
        tpu.vector_store %arg10[%swap3A_250, %swap3A_251], %mul3A_249 {strides = array<i32>} : memref<512x32xf32, #tpu.memory_space<vmem>>, vector<16xf32>,
        %slice3A_253 = vector.extract_strided_slice %get3A_156 {offsets = [3], sizes = [1], strides = [1]} : vector<16xi32> to vector<1xi32>
        %squeeze3A_254 = vector.extract %slice3A_253[0] : i32 from vector<1xi32>
        %mul3A_255 = arith.constant 16 : i32
        %mul3A_256 = arith.muli %scan3A_150, %mul3A_255 : i32
        %add3A_257 = arith.constant 3 : i32
        %add3A_258 = arith.addi %mul3A_256, %add3A_257 : i32
        %add3A_259 = arith.addi %mul3A_88, %add3A_258 : i32
        %get3A_260 = arith.index_cast %add3A_259 : i32 to index
        %get3A_261 = arith.constant 0 : index
        %get3A_262 = tpu.vector_load %arg10[%get3A_260, %get3A_261] {strides = array<i32>} : memref<512x32xf32, #tpu.memory_space<vmem>>, vector<16xf32>,
        %get3A_263 = arith.constant 0 : i32
        %get3A_264 = arith.index_cast %get3A_263 : i32 to index
        %get3A_265 = arith.index_cast %add3A_258 : i32 to index
        %get3A_266 = arith.index_cast %squeeze3A_254 : i32 to index
        %get3A_267 = tpu.vector_load %arg9[%get3A_264, %get3A_265, %get3A_266] {strides = array<i32>} : memref<2x128x128xf32, #tpu.memory_space<vmem>>, vector<16xf32>,
        %mul3A_268 = arith.mulf %get3A_262, %get3A_267 : vector<16xf32>
        %swap3A_269 = arith.index_cast %add3A_259 : i32 to index
        %swap3A_270 = arith.constant 0 : index
        %swap3A_271 = tpu.vector_load %arg10[%swap3A_269, %swap3A_270] {strides = array<i32>} : memref<512x32xf32, #tpu.memory_space<vmem>>, vector<16xf32>,
        tpu.vector_store %arg10[%swap3A_269, %swap3A_270], %mul3A_268 {strides = array<i32>} : memref<512x32xf32, #tpu.memory_space<vmem>>, vector<16xf32>,
        %get3A_272 = arith.index_cast %add3A_259 : i32 to index
        %get3A_273 = arith.constant 16 : index
        %get3A_274 = tpu.vector_load %arg10[%get3A_272, %get3A_273] {strides = array<i32>} : memref<512x32xf32, #tpu.memory_space<vmem>>, vector<16xf32>,
        %add3A_275 = arith.constant 16 : i32
        %add3A_276 = arith.addi %squeeze3A_254, %add3A_275 : i32
        %get3A_277 = arith.constant 0 : i32
        %get3A_278 = arith.index_cast %get3A_277 : i32 to index
        %get3A_279 = arith.index_cast %add3A_258 : i32 to index
        %get3A_280 = arith.index_cast %add3A_276 : i32 to index
        %get3A_281 = tpu.vector_load %arg9[%get3A_278, %get3A_279, %get3A_280] {strides = array<i32>} : memref<2x128x128xf32, #tpu.memory_space<vmem>>, vector<16xf32>,
        %mul3A_282 = arith.mulf %get3A_274, %get3A_281 : vector<16xf32>
        %swap3A_283 = arith.index_cast %add3A_259 : i32 to index
        %swap3A_284 = arith.constant 16 : index
        %swap3A_285 = tpu.vector_load %arg10[%swap3A_283, %swap3A_284] {strides = array<i32>} : memref<512x32xf32, #tpu.memory_space<vmem>>, vector<16xf32>,
        tpu.vector_store %arg10[%swap3A_283, %swap3A_284], %mul3A_282 {strides = array<i32>} : memref<512x32xf32, #tpu.memory_space<vmem>>, vector<16xf32>,
        %slice3A_286 = vector.extract_strided_slice %get3A_156 {offsets = [4], sizes = [1], strides = [1]} : vector<16xi32> to vector<1xi32>
        %squeeze3A_287 = vector.extract %slice3A_286[0] : i32 from vector<1xi32>
        %mul3A_288 = arith.constant 16 : i32
        %mul3A_289 = arith.muli %scan3A_150, %mul3A_288 : i32
        %add3A_290 = arith.constant 4 : i32
        %add3A_291 = arith.addi %mul3A_289, %add3A_290 : i32
        %add3A_292 = arith.addi %mul3A_88, %add3A_291 : i32
        %get3A_293 = arith.index_cast %add3A_292 : i32 to index
        %get3A_294 = arith.constant 0 : index
        %get3A_295 = tpu.vector_load %arg10[%get3A_293, %get3A_294] {strides = array<i32>} : memref<512x32xf32, #tpu.memory_space<vmem>>, vector<16xf32>,
        %get3A_296 = arith.constant 0 : i32
        %get3A_297 = arith.index_cast %get3A_296 : i32 to index
        %get3A_298 = arith.index_cast %add3A_291 : i32 to index
        %get3A_299 = arith.index_cast %squeeze3A_287 : i32 to index
        %get3A_300 = tpu.vector_load %arg9[%get3A_297, %get3A_298, %get3A_299] {strides = array<i32>} : memref<2x128x128xf32, #tpu.memory_space<vmem>>, vector<16xf32>,
        %mul3A_301 = arith.mulf %get3A_295, %get3A_300 : vector<16xf32>
        %swap3A_302 = arith.index_cast %add3A_292 : i32 to index
        %swap3A_303 = arith.constant 0 : index
        %swap3A_304 = tpu.vector_load %arg10[%swap3A_302, %swap3A_303] {strides = array<i32>} : memref<512x32xf32, #tpu.memory_space<vmem>>, vector<16xf32>,
        tpu.vector_store %arg10[%swap3A_302, %swap3A_303], %mul3A_301 {strides = array<i32>} : memref<512x32xf32, #tpu.memory_space<vmem>>, vector<16xf32>,
        %get3A_305 = arith.index_cast %add3A_292 : i32 to index
        %get3A_306 = arith.constant 16 : index
        %get3A_307 = tpu.vector_load %arg10[%get3A_305, %get3A_306] {strides = array<i32>} : memref<512x32xf32, #tpu.memory_space<vmem>>, vector<16xf32>,
        %add3A_308 = arith.constant 16 : i32
        %add3A_309 = arith.addi %squeeze3A_287, %add3A_308 : i32
        %get3A_310 = arith.constant 0 : i32
        %get3A_311 = arith.index_cast %get3A_310 : i32 to index
        %get3A_312 = arith.index_cast %add3A_291 : i32 to index
        %get3A_313 = arith.index_cast %add3A_309 : i32 to index
        %get3A_314 = tpu.vector_load %arg9[%get3A_311, %get3A_312, %get3A_313] {strides = array<i32>} : memref<2x128x128xf32, #tpu.memory_space<vmem>>, vector<16xf32>,
        %mul3A_315 = arith.mulf %get3A_307, %get3A_314 : vector<16xf32>
        %swap3A_316 = arith.index_cast %add3A_292 : i32 to index
        %swap3A_317 = arith.constant 16 : index
        %swap3A_318 = tpu.vector_load %arg10[%swap3A_316, %swap3A_317] {strides = array<i32>} : memref<512x32xf32, #tpu.memory_space<vmem>>, vector<16xf32>,
        tpu.vector_store %arg10[%swap3A_316, %swap3A_317], %mul3A_315 {strides = array<i32>} : memref<512x32xf32, #tpu.memory_space<vmem>>, vector<16xf32>,
        %slice3A_319 = vector.extract_strided_slice %get3A_156 {offsets = [5], sizes = [1], strides = [1]} : vector<16xi32> to vector<1xi32>
        %squeeze3A_320 = vector.extract %slice3A_319[0] : i32 from vector<1xi32>
        %mul3A_321 = arith.constant 16 : i32
        %mul3A_322 = arith.muli %scan3A_150, %mul3A_321 : i32
        %add3A_323 = arith.constant 5 : i32
        %add3A_324 = arith.addi %mul3A_322, %add3A_323 : i32
        %add3A_325 = arith.addi %mul3A_88, %add3A_324 : i32
        %get3A_326 = arith.index_cast %add3A_325 : i32 to index
        %get3A_327 = arith.constant 0 : index
        %get3A_328 = tpu.vector_load %arg10[%get3A_326, %get3A_327] {strides = array<i32>} : memref<512x32xf32, #tpu.memory_space<vmem>>, vector<16xf32>,
        %get3A_329 = arith.constant 0 : i32
        %get3A_330 = arith.index_cast %get3A_329 : i32 to index
        %get3A_331 = arith.index_cast %add3A_324 : i32 to index
        %get3A_332 = arith.index_cast %squeeze3A_320 : i32 to index
        %get3A_333 = tpu.vector_load %arg9[%get3A_330, %get3A_331, %get3A_332] {strides = array<i32>} : memref<2x128x128xf32, #tpu.memory_space<vmem>>, vector<16xf32>,
        %mul3A_334 = arith.mulf %get3A_328, %get3A_333 : vector<16xf32>
        %swap3A_335 = arith.index_cast %add3A_325 : i32 to index
        %swap3A_336 = arith.constant 0 : index
        %swap3A_337 = tpu.vector_load %arg10[%swap3A_335, %swap3A_336] {strides = array<i32>} : memref<512x32xf32, #tpu.memory_space<vmem>>, vector<16xf32>,
        tpu.vector_store %arg10[%swap3A_335, %swap3A_336], %mul3A_334 {strides = array<i32>} : memref<512x32xf32, #tpu.memory_space<vmem>>, vector<16xf32>,
        %get3A_338 = arith.index_cast %add3A_325 : i32 to index
        %get3A_339 = arith.constant 16 : index
        %get3A_340 = tpu.vector_load %arg10[%get3A_338, %get3A_339] {strides = array<i32>} : memref<512x32xf32, #tpu.memory_space<vmem>>, vector<16xf32>,
        %add3A_341 = arith.constant 16 : i32
        %add3A_342 = arith.addi %squeeze3A_320, %add3A_341 : i32
        %get3A_343 = arith.constant 0 : i32
        %get3A_344 = arith.index_cast %get3A_343 : i32 to index
        %get3A_345 = arith.index_cast %add3A_324 : i32 to index
        %get3A_346 = arith.index_cast %add3A_342 : i32 to index
        %get3A_347 = tpu.vector_load %arg9[%get3A_344, %get3A_345, %get3A_346] {strides = array<i32>} : memref<2x128x128xf32, #tpu.memory_space<vmem>>, vector<16xf32>,
        %mul3A_348 = arith.mulf %get3A_340, %get3A_347 : vector<16xf32>
        %swap3A_349 = arith.index_cast %add3A_325 : i32 to index
        %swap3A_350 = arith.constant 16 : index
        %swap3A_351 = tpu.vector_load %arg10[%swap3A_349, %swap3A_350] {strides = array<i32>} : memref<512x32xf32, #tpu.memory_space<vmem>>, vector<16xf32>,
        tpu.vector_store %arg10[%swap3A_349, %swap3A_350], %mul3A_348 {strides = array<i32>} : memref<512x32xf32, #tpu.memory_space<vmem>>, vector<16xf32>,
        %slice3A_352 = vector.extract_strided_slice %get3A_156 {offsets = [6], sizes = [1], strides = [1]} : vector<16xi32> to vector<1xi32>
        %squeeze3A_353 = vector.extract %slice3A_352[0] : i32 from vector<1xi32>
        %mul3A_354 = arith.constant 16 : i32
        %mul3A_355 = arith.muli %scan3A_150, %mul3A_354 : i32
        %add3A_356 = arith.constant 6 : i32
        %add3A_357 = arith.addi %mul3A_355, %add3A_356 : i32
        %add3A_358 = arith.addi %mul3A_88, %add3A_357 : i32
        %get3A_359 = arith.index_cast %add3A_358 : i32 to index
        %get3A_360 = arith.constant 0 : index
        %get3A_361 = tpu.vector_load %arg10[%get3A_359, %get3A_360] {strides = array<i32>} : memref<512x32xf32, #tpu.memory_space<vmem>>, vector<16xf32>,
        %get3A_362 = arith.constant 0 : i32
        %get3A_363 = arith.index_cast %get3A_362 : i32 to index
        %get3A_364 = arith.index_cast %add3A_357 : i32 to index
        %get3A_365 = arith.index_cast %squeeze3A_353 : i32 to index
        %get3A_366 = tpu.vector_load %arg9[%get3A_363, %get3A_364, %get3A_365] {strides = array<i32>} : memref<2x128x128xf32, #tpu.memory_space<vmem>>, vector<16xf32>,
        %mul3A_367 = arith.mulf %get3A_361, %get3A_366 : vector<16xf32>
        %swap3A_368 = arith.index_cast %add3A_358 : i32 to index
        %swap3A_369 = arith.constant 0 : index
        %swap3A_370 = tpu.vector_load %arg10[%swap3A_368, %swap3A_369] {strides = array<i32>} : memref<512x32xf32, #tpu.memory_space<vmem>>, vector<16xf32>,
        tpu.vector_store %arg10[%swap3A_368, %swap3A_369], %mul3A_367 {strides = array<i32>} : memref<512x32xf32, #tpu.memory_space<vmem>>, vector<16xf32>,
        %get3A_371 = arith.index_cast %add3A_358 : i32 to index
        %get3A_372 = arith.constant 16 : index
        %get3A_373 = tpu.vector_load %arg10[%get3A_371, %get3A_372] {strides = array<i32>} : memref<512x32xf32, #tpu.memory_space<vmem>>, vector<16xf32>,
        %add3A_374 = arith.constant 16 : i32
        %add3A_375 = arith.addi %squeeze3A_353, %add3A_374 : i32
        %get3A_376 = arith.constant 0 : i32
        %get3A_377 = arith.index_cast %get3A_376 : i32 to index
        %get3A_378 = arith.index_cast %add3A_357 : i32 to index
        %get3A_379 = arith.index_cast %add3A_375 : i32 to index
        %get3A_380 = tpu.vector_load %arg9[%get3A_377, %get3A_378, %get3A_379] {strides = array<i32>} : memref<2x128x128xf32, #tpu.memory_space<vmem>>, vector<16xf32>,
        %mul3A_381 = arith.mulf %get3A_373, %get3A_380 : vector<16xf32>
        %swap3A_382 = arith.index_cast %add3A_358 : i32 to index
        %swap3A_383 = arith.constant 16 : index
        %swap3A_384 = tpu.vector_load %arg10[%swap3A_382, %swap3A_383] {strides = array<i32>} : memref<512x32xf32, #tpu.memory_space<vmem>>, vector<16xf32>,
        tpu.vector_store %arg10[%swap3A_382, %swap3A_383], %mul3A_381 {strides = array<i32>} : memref<512x32xf32, #tpu.memory_space<vmem>>, vector<16xf32>,
        %slice3A_385 = vector.extract_strided_slice %get3A_156 {offsets = [7], sizes = [1], strides = [1]} : vector<16xi32> to vector<1xi32>
        %squeeze3A_386 = vector.extract %slice3A_385[0] : i32 from vector<1xi32>
        %mul3A_387 = arith.constant 16 : i32
        %mul3A_388 = arith.muli %scan3A_150, %mul3A_387 : i32
        %add3A_389 = arith.constant 7 : i32
        %add3A_390 = arith.addi %mul3A_388, %add3A_389 : i32
        %add3A_391 = arith.addi %mul3A_88, %add3A_390 : i32
        %get3A_392 = arith.index_cast %add3A_391 : i32 to index
        %get3A_393 = arith.constant 0 : index
        %get3A_394 = tpu.vector_load %arg10[%get3A_392, %get3A_393] {strides = array<i32>} : memref<512x32xf32, #tpu.memory_space<vmem>>, vector<16xf32>,
        %get3A_395 = arith.constant 0 : i32
        %get3A_396 = arith.index_cast %get3A_395 : i32 to index
        %get3A_397 = arith.index_cast %add3A_390 : i32 to index
        %get3A_398 = arith.index_cast %squeeze3A_386 : i32 to index
        %get3A_399 = tpu.vector_load %arg9[%get3A_396, %get3A_397, %get3A_398] {strides = array<i32>} : memref<2x128x128xf32, #tpu.memory_space<vmem>>, vector<16xf32>,
        %mul3A_400 = arith.mulf %get3A_394, %get3A_399 : vector<16xf32>
        %swap3A_401 = arith.index_cast %add3A_391 : i32 to index
        %swap3A_402 = arith.constant 0 : index
        %swap3A_403 = tpu.vector_load %arg10[%swap3A_401, %swap3A_402] {strides = array<i32>} : memref<512x32xf32, #tpu.memory_space<vmem>>, vector<16xf32>,
        tpu.vector_store %arg10[%swap3A_401, %swap3A_402], %mul3A_400 {strides = array<i32>} : memref<512x32xf32, #tpu.memory_space<vmem>>, vector<16xf32>,
        %get3A_404 = arith.index_cast %add3A_391 : i32 to index
        %get3A_405 = arith.constant 16 : index
        %get3A_406 = tpu.vector_load %arg10[%get3A_404, %get3A_405] {strides = array<i32>} : memref<512x32xf32, #tpu.memory_space<vmem>>, vector<16xf32>,
        %add3A_407 = arith.constant 16 : i32
        %add3A_408 = arith.addi %squeeze3A_386, %add3A_407 : i32
        %get3A_409 = arith.constant 0 : i32
        %get3A_410 = arith.index_cast %get3A_409 : i32 to index
        %get3A_411 = arith.index_cast %add3A_390 : i32 to index
        %get3A_412 = arith.index_cast %add3A_408 : i32 to index
        %get3A_413 = tpu.vector_load %arg9[%get3A_410, %get3A_411, %get3A_412] {strides = array<i32>} : memref<2x128x128xf32, #tpu.memory_space<vmem>>, vector<16xf32>,
        %mul3A_414 = arith.mulf %get3A_406, %get3A_413 : vector<16xf32>
        %swap3A_415 = arith.index_cast %add3A_391 : i32 to index
        %swap3A_416 = arith.constant 16 : index
        %swap3A_417 = tpu.vector_load %arg10[%swap3A_415, %swap3A_416] {strides = array<i32>} : memref<512x32xf32, #tpu.memory_space<vmem>>, vector<16xf32>,
        tpu.vector_store %arg10[%swap3A_415, %swap3A_416], %mul3A_414 {strides = array<i32>} : memref<512x32xf32, #tpu.memory_space<vmem>>, vector<16xf32>,
        %slice3A_418 = vector.extract_strided_slice %get3A_156 {offsets = [8], sizes = [1], strides = [1]} : vector<16xi32> to vector<1xi32>
        %squeeze3A_419 = vector.extract %slice3A_418[0] : i32 from vector<1xi32>
        %mul3A_420 = arith.constant 16 : i32
        %mul3A_421 = arith.muli %scan3A_150, %mul3A_420 : i32
        %add3A_422 = arith.constant 8 : i32
        %add3A_423 = arith.addi %mul3A_421, %add3A_422 : i32
        %add3A_424 = arith.addi %mul3A_88, %add3A_423 : i32
        %get3A_425 = arith.index_cast %add3A_424 : i32 to index
        %get3A_426 = arith.constant 0 : index
        %get3A_427 = tpu.vector_load %arg10[%get3A_425, %get3A_426] {strides = array<i32>} : memref<512x32xf32, #tpu.memory_space<vmem>>, vector<16xf32>,
        %get3A_428 = arith.constant 0 : i32
        %get3A_429 = arith.index_cast %get3A_428 : i32 to index
        %get3A_430 = arith.index_cast %add3A_423 : i32 to index
        %get3A_431 = arith.index_cast %squeeze3A_419 : i32 to index
        %get3A_432 = tpu.vector_load %arg9[%get3A_429, %get3A_430, %get3A_431] {strides = array<i32>} : memref<2x128x128xf32, #tpu.memory_space<vmem>>, vector<16xf32>,
        %mul3A_433 = arith.mulf %get3A_427, %get3A_432 : vector<16xf32>
        %swap3A_434 = arith.index_cast %add3A_424 : i32 to index
        %swap3A_435 = arith.constant 0 : index
        %swap3A_436 = tpu.vector_load %arg10[%swap3A_434, %swap3A_435] {strides = array<i32>} : memref<512x32xf32, #tpu.memory_space<vmem>>, vector<16xf32>,
        tpu.vector_store %arg10[%swap3A_434, %swap3A_435], %mul3A_433 {strides = array<i32>} : memref<512x32xf32, #tpu.memory_space<vmem>>, vector<16xf32>,
        %get3A_437 = arith.index_cast %add3A_424 : i32 to index
        %get3A_438 = arith.constant 16 : index
        %get3A_439 = tpu.vector_load %arg10[%get3A_437, %get3A_438] {strides = array<i32>} : memref<512x32xf32, #tpu.memory_space<vmem>>, vector<16xf32>,
        %add3A_440 = arith.constant 16 : i32
        %add3A_441 = arith.addi %squeeze3A_419, %add3A_440 : i32
        %get3A_442 = arith.constant 0 : i32
        %get3A_443 = arith.index_cast %get3A_442 : i32 to index
        %get3A_444 = arith.index_cast %add3A_423 : i32 to index
        %get3A_445 = arith.index_cast %add3A_441 : i32 to index
        %get3A_446 = tpu.vector_load %arg9[%get3A_443, %get3A_444, %get3A_445] {strides = array<i32>} : memref<2x128x128xf32, #tpu.memory_space<vmem>>, vector<16xf32>,
        %mul3A_447 = arith.mulf %get3A_439, %get3A_446 : vector<16xf32>
        %swap3A_448 = arith.index_cast %add3A_424 : i32 to index
        %swap3A_449 = arith.constant 16 : index
        %swap3A_450 = tpu.vector_load %arg10[%swap3A_448, %swap3A_449] {strides = array<i32>} : memref<512x32xf32, #tpu.memory_space<vmem>>, vector<16xf32>,
        tpu.vector_store %arg10[%swap3A_448, %swap3A_449], %mul3A_447 {strides = array<i32>} : memref<512x32xf32, #tpu.memory_space<vmem>>, vector<16xf32>,
        %slice3A_451 = vector.extract_strided_slice %get3A_156 {offsets = [9], sizes = [1], strides = [1]} : vector<16xi32> to vector<1xi32>
        %squeeze3A_452 = vector.extract %slice3A_451[0] : i32 from vector<1xi32>
        %mul3A_453 = arith.constant 16 : i32
        %mul3A_454 = arith.muli %scan3A_150, %mul3A_453 : i32
        %add3A_455 = arith.constant 9 : i32
        %add3A_456 = arith.addi %mul3A_454, %add3A_455 : i32
        %add3A_457 = arith.addi %mul3A_88, %add3A_456 : i32
        %get3A_458 = arith.index_cast %add3A_457 : i32 to index
        %get3A_459 = arith.constant 0 : index
        %get3A_460 = tpu.vector_load %arg10[%get3A_458, %get3A_459] {strides = array<i32>} : memref<512x32xf32, #tpu.memory_space<vmem>>, vector<16xf32>,
        %get3A_461 = arith.constant 0 : i32
        %get3A_462 = arith.index_cast %get3A_461 : i32 to index
        %get3A_463 = arith.index_cast %add3A_456 : i32 to index
        %get3A_464 = arith.index_cast %squeeze3A_452 : i32 to index
        %get3A_465 = tpu.vector_load %arg9[%get3A_462, %get3A_463, %get3A_464] {strides = array<i32>} : memref<2x128x128xf32, #tpu.memory_space<vmem>>, vector<16xf32>,
        %mul3A_466 = arith.mulf %get3A_460, %get3A_465 : vector<16xf32>
        %swap3A_467 = arith.index_cast %add3A_457 : i32 to index
        %swap3A_468 = arith.constant 0 : index
        %swap3A_469 = tpu.vector_load %arg10[%swap3A_467, %swap3A_468] {strides = array<i32>} : memref<512x32xf32, #tpu.memory_space<vmem>>, vector<16xf32>,
        tpu.vector_store %arg10[%swap3A_467, %swap3A_468], %mul3A_466 {strides = array<i32>} : memref<512x32xf32, #tpu.memory_space<vmem>>, vector<16xf32>,
        %get3A_470 = arith.index_cast %add3A_457 : i32 to index
        %get3A_471 = arith.constant 16 : index
        %get3A_472 = tpu.vector_load %arg10[%get3A_470, %get3A_471] {strides = array<i32>} : memref<512x32xf32, #tpu.memory_space<vmem>>, vector<16xf32>,
        %add3A_473 = arith.constant 16 : i32
        %add3A_474 = arith.addi %squeeze3A_452, %add3A_473 : i32
        %get3A_475 = arith.constant 0 : i32
        %get3A_476 = arith.index_cast %get3A_475 : i32 to index
        %get3A_477 = arith.index_cast %add3A_456 : i32 to index
        %get3A_478 = arith.index_cast %add3A_474 : i32 to index
        %get3A_479 = tpu.vector_load %arg9[%get3A_476, %get3A_477, %get3A_478] {strides = array<i32>} : memref<2x128x128xf32, #tpu.memory_space<vmem>>, vector<16xf32>,
        %mul3A_480 = arith.mulf %get3A_472, %get3A_479 : vector<16xf32>
        %swap3A_481 = arith.index_cast %add3A_457 : i32 to index
        %swap3A_482 = arith.constant 16 : index
        %swap3A_483 = tpu.vector_load %arg10[%swap3A_481, %swap3A_482] {strides = array<i32>} : memref<512x32xf32, #tpu.memory_space<vmem>>, vector<16xf32>,
        tpu.vector_store %arg10[%swap3A_481, %swap3A_482], %mul3A_480 {strides = array<i32>} : memref<512x32xf32, #tpu.memory_space<vmem>>, vector<16xf32>,
        %slice3A_484 = vector.extract_strided_slice %get3A_156 {offsets = [10], sizes = [1], strides = [1]} : vector<16xi32> to vector<1xi32>
        %squeeze3A_485 = vector.extract %slice3A_484[0] : i32 from vector<1xi32>
        %mul3A_486 = arith.constant 16 : i32
        %mul3A_487 = arith.muli %scan3A_150, %mul3A_486 : i32
        %add3A_488 = arith.constant 10 : i32
        %add3A_489 = arith.addi %mul3A_487, %add3A_488 : i32
        %add3A_490 = arith.addi %mul3A_88, %add3A_489 : i32
        %get3A_491 = arith.index_cast %add3A_490 : i32 to index
        %get3A_492 = arith.constant 0 : index
        %get3A_493 = tpu.vector_load %arg10[%get3A_491, %get3A_492] {strides = array<i32>} : memref<512x32xf32, #tpu.memory_space<vmem>>, vector<16xf32>,
        %get3A_494 = arith.constant 0 : i32
        %get3A_495 = arith.index_cast %get3A_494 : i32 to index
        %get3A_496 = arith.index_cast %add3A_489 : i32 to index
        %get3A_497 = arith.index_cast %squeeze3A_485 : i32 to index
        %get3A_498 = tpu.vector_load %arg9[%get3A_495, %get3A_496, %get3A_497] {strides = array<i32>} : memref<2x128x128xf32, #tpu.memory_space<vmem>>, vector<16xf32>,
        %mul3A_499 = arith.mulf %get3A_493, %get3A_498 : vector<16xf32>
        %swap3A_500 = arith.index_cast %add3A_490 : i32 to index
        %swap3A_501 = arith.constant 0 : index
        %swap3A_502 = tpu.vector_load %arg10[%swap3A_500, %swap3A_501] {strides = array<i32>} : memref<512x32xf32, #tpu.memory_space<vmem>>, vector<16xf32>,
        tpu.vector_store %arg10[%swap3A_500, %swap3A_501], %mul3A_499 {strides = array<i32>} : memref<512x32xf32, #tpu.memory_space<vmem>>, vector<16xf32>,
        %get3A_503 = arith.index_cast %add3A_490 : i32 to index
        %get3A_504 = arith.constant 16 : index
        %get3A_505 = tpu.vector_load %arg10[%get3A_503, %get3A_504] {strides = array<i32>} : memref<512x32xf32, #tpu.memory_space<vmem>>, vector<16xf32>,
        %add3A_506 = arith.constant 16 : i32
        %add3A_507 = arith.addi %squeeze3A_485, %add3A_506 : i32
        %get3A_508 = arith.constant 0 : i32
        %get3A_509 = arith.index_cast %get3A_508 : i32 to index
        %get3A_510 = arith.index_cast %add3A_489 : i32 to index
        %get3A_511 = arith.index_cast %add3A_507 : i32 to index
        %get3A_512 = tpu.vector_load %arg9[%get3A_509, %get3A_510, %get3A_511] {strides = array<i32>} : memref<2x128x128xf32, #tpu.memory_space<vmem>>, vector<16xf32>,
        %mul3A_513 = arith.mulf %get3A_505, %get3A_512 : vector<16xf32>
        %swap3A_514 = arith.index_cast %add3A_490 : i32 to index
        %swap3A_515 = arith.constant 16 : index
        %swap3A_516 = tpu.vector_load %arg10[%swap3A_514, %swap3A_515] {strides = array<i32>} : memref<512x32xf32, #tpu.memory_space<vmem>>, vector<16xf32>,
        tpu.vector_store %arg10[%swap3A_514, %swap3A_515], %mul3A_513 {strides = array<i32>} : memref<512x32xf32, #tpu.memory_space<vmem>>, vector<16xf32>,
        %slice3A_517 = vector.extract_strided_slice %get3A_156 {offsets = [11], sizes = [1], strides = [1]} : vector<16xi32> to vector<1xi32>
        %squeeze3A_518 = vector.extract %slice3A_517[0] : i32 from vector<1xi32>
        %mul3A_519 = arith.constant 16 : i32
        %mul3A_520 = arith.muli %scan3A_150, %mul3A_519 : i32
        %add3A_521 = arith.constant 11 : i32
        %add3A_522 = arith.addi %mul3A_520, %add3A_521 : i32
        %add3A_523 = arith.addi %mul3A_88, %add3A_522 : i32
        %get3A_524 = arith.index_cast %add3A_523 : i32 to index
        %get3A_525 = arith.constant 0 : index
        %get3A_526 = tpu.vector_load %arg10[%get3A_524, %get3A_525] {strides = array<i32>} : memref<512x32xf32, #tpu.memory_space<vmem>>, vector<16xf32>,
        %get3A_527 = arith.constant 0 : i32
        %get3A_528 = arith.index_cast %get3A_527 : i32 to index
        %get3A_529 = arith.index_cast %add3A_522 : i32 to index
        %get3A_530 = arith.index_cast %squeeze3A_518 : i32 to index
        %get3A_531 = tpu.vector_load %arg9[%get3A_528, %get3A_529, %get3A_530] {strides = array<i32>} : memref<2x128x128xf32, #tpu.memory_space<vmem>>, vector<16xf32>,
        %mul3A_532 = arith.mulf %get3A_526, %get3A_531 : vector<16xf32>
        %swap3A_533 = arith.index_cast %add3A_523 : i32 to index
        %swap3A_534 = arith.constant 0 : index
        %swap3A_535 = tpu.vector_load %arg10[%swap3A_533, %swap3A_534] {strides = array<i32>} : memref<512x32xf32, #tpu.memory_space<vmem>>, vector<16xf32>,
        tpu.vector_store %arg10[%swap3A_533, %swap3A_534], %mul3A_532 {strides = array<i32>} : memref<512x32xf32, #tpu.memory_space<vmem>>, vector<16xf32>,
        %get3A_536 = arith.index_cast %add3A_523 : i32 to index
        %get3A_537 = arith.constant 16 : index
        %get3A_538 = tpu.vector_load %arg10[%get3A_536, %get3A_537] {strides = array<i32>} : memref<512x32xf32, #tpu.memory_space<vmem>>, vector<16xf32>,
        %add3A_539 = arith.constant 16 : i32
        %add3A_540 = arith.addi %squeeze3A_518, %add3A_539 : i32
        %get3A_541 = arith.constant 0 : i32
        %get3A_542 = arith.index_cast %get3A_541 : i32 to index
        %get3A_543 = arith.index_cast %add3A_522 : i32 to index
        %get3A_544 = arith.index_cast %add3A_540 : i32 to index
        %get3A_545 = tpu.vector_load %arg9[%get3A_542, %get3A_543, %get3A_544] {strides = array<i32>} : memref<2x128x128xf32, #tpu.memory_space<vmem>>, vector<16xf32>,
        %mul3A_546 = arith.mulf %get3A_538, %get3A_545 : vector<16xf32>
        %swap3A_547 = arith.index_cast %add3A_523 : i32 to index
        %swap3A_548 = arith.constant 16 : index
        %swap3A_549 = tpu.vector_load %arg10[%swap3A_547, %swap3A_548] {strides = array<i32>} : memref<512x32xf32, #tpu.memory_space<vmem>>, vector<16xf32>,
        tpu.vector_store %arg10[%swap3A_547, %swap3A_548], %mul3A_546 {strides = array<i32>} : memref<512x32xf32, #tpu.memory_space<vmem>>, vector<16xf32>,
        %slice3A_550 = vector.extract_strided_slice %get3A_156 {offsets = [12], sizes = [1], strides = [1]} : vector<16xi32> to vector<1xi32>
        %squeeze3A_551 = vector.extract %slice3A_550[0] : i32 from vector<1xi32>
        %mul3A_552 = arith.constant 16 : i32
        %mul3A_553 = arith.muli %scan3A_150, %mul3A_552 : i32
        %add3A_554 = arith.constant 12 : i32
        %add3A_555 = arith.addi %mul3A_553, %add3A_554 : i32
        %add3A_556 = arith.addi %mul3A_88, %add3A_555 : i32
        %get3A_557 = arith.index_cast %add3A_556 : i32 to index
        %get3A_558 = arith.constant 0 : index
        %get3A_559 = tpu.vector_load %arg10[%get3A_557, %get3A_558] {strides = array<i32>} : memref<512x32xf32, #tpu.memory_space<vmem>>, vector<16xf32>,
        %get3A_560 = arith.constant 0 : i32
        %get3A_561 = arith.index_cast %get3A_560 : i32 to index
        %get3A_562 = arith.index_cast %add3A_555 : i32 to index
        %get3A_563 = arith.index_cast %squeeze3A_551 : i32 to index
        %get3A_564 = tpu.vector_load %arg9[%get3A_561, %get3A_562, %get3A_563] {strides = array<i32>} : memref<2x128x128xf32, #tpu.memory_space<vmem>>, vector<16xf32>,
        %mul3A_565 = arith.mulf %get3A_559, %get3A_564 : vector<16xf32>
        %swap3A_566 = arith.index_cast %add3A_556 : i32 to index
        %swap3A_567 = arith.constant 0 : index
        %swap3A_568 = tpu.vector_load %arg10[%swap3A_566, %swap3A_567] {strides = array<i32>} : memref<512x32xf32, #tpu.memory_space<vmem>>, vector<16xf32>,
        tpu.vector_store %arg10[%swap3A_566, %swap3A_567], %mul3A_565 {strides = array<i32>} : memref<512x32xf32, #tpu.memory_space<vmem>>, vector<16xf32>,
        %get3A_569 = arith.index_cast %add3A_556 : i32 to index
        %get3A_570 = arith.constant 16 : index
        %get3A_571 = tpu.vector_load %arg10[%get3A_569, %get3A_570] {strides = array<i32>} : memref<512x32xf32, #tpu.memory_space<vmem>>, vector<16xf32>,
        %add3A_572 = arith.constant 16 : i32
        %add3A_573 = arith.addi %squeeze3A_551, %add3A_572 : i32
        %get3A_574 = arith.constant 0 : i32
        %get3A_575 = arith.index_cast %get3A_574 : i32 to index
        %get3A_576 = arith.index_cast %add3A_555 : i32 to index
        %get3A_577 = arith.index_cast %add3A_573 : i32 to index
        %get3A_578 = tpu.vector_load %arg9[%get3A_575, %get3A_576, %get3A_577] {strides = array<i32>} : memref<2x128x128xf32, #tpu.memory_space<vmem>>, vector<16xf32>,
        %mul3A_579 = arith.mulf %get3A_571, %get3A_578 : vector<16xf32>
        %swap3A_580 = arith.index_cast %add3A_556 : i32 to index
        %swap3A_581 = arith.constant 16 : index
        %swap3A_582 = tpu.vector_load %arg10[%swap3A_580, %swap3A_581] {strides = array<i32>} : memref<512x32xf32, #tpu.memory_space<vmem>>, vector<16xf32>,
        tpu.vector_store %arg10[%swap3A_580, %swap3A_581], %mul3A_579 {strides = array<i32>} : memref<512x32xf32, #tpu.memory_space<vmem>>, vector<16xf32>,
        %slice3A_583 = vector.extract_strided_slice %get3A_156 {offsets = [13], sizes = [1], strides = [1]} : vector<16xi32> to vector<1xi32>
        %squeeze3A_584 = vector.extract %slice3A_583[0] : i32 from vector<1xi32>
        %mul3A_585 = arith.constant 16 : i32
        %mul3A_586 = arith.muli %scan3A_150, %mul3A_585 : i32
        %add3A_587 = arith.constant 13 : i32
        %add3A_588 = arith.addi %mul3A_586, %add3A_587 : i32
        %add3A_589 = arith.addi %mul3A_88, %add3A_588 : i32
        %get3A_590 = arith.index_cast %add3A_589 : i32 to index
        %get3A_591 = arith.constant 0 : index
        %get3A_592 = tpu.vector_load %arg10[%get3A_590, %get3A_591] {strides = array<i32>} : memref<512x32xf32, #tpu.memory_space<vmem>>, vector<16xf32>,
        %get3A_593 = arith.constant 0 : i32
        %get3A_594 = arith.index_cast %get3A_593 : i32 to index
        %get3A_595 = arith.index_cast %add3A_588 : i32 to index
        %get3A_596 = arith.index_cast %squeeze3A_584 : i32 to index
        %get3A_597 = tpu.vector_load %arg9[%get3A_594, %get3A_595, %get3A_596] {strides = array<i32>} : memref<2x128x128xf32, #tpu.memory_space<vmem>>, vector<16xf32>,
        %mul3A_598 = arith.mulf %get3A_592, %get3A_597 : vector<16xf32>
        %swap3A_599 = arith.index_cast %add3A_589 : i32 to index
        %swap3A_600 = arith.constant 0 : index
        %swap3A_601 = tpu.vector_load %arg10[%swap3A_599, %swap3A_600] {strides = array<i32>} : memref<512x32xf32, #tpu.memory_space<vmem>>, vector<16xf32>,
        tpu.vector_store %arg10[%swap3A_599, %swap3A_600], %mul3A_598 {strides = array<i32>} : memref<512x32xf32, #tpu.memory_space<vmem>>, vector<16xf32>,
        %get3A_602 = arith.index_cast %add3A_589 : i32 to index
        %get3A_603 = arith.constant 16 : index
        %get3A_604 = tpu.vector_load %arg10[%get3A_602, %get3A_603] {strides = array<i32>} : memref<512x32xf32, #tpu.memory_space<vmem>>, vector<16xf32>,
        %add3A_605 = arith.constant 16 : i32
        %add3A_606 = arith.addi %squeeze3A_584, %add3A_605 : i32
        %get3A_607 = arith.constant 0 : i32
        %get3A_608 = arith.index_cast %get3A_607 : i32 to index
        %get3A_609 = arith.index_cast %add3A_588 : i32 to index
        %get3A_610 = arith.index_cast %add3A_606 : i32 to index
        %get3A_611 = tpu.vector_load %arg9[%get3A_608, %get3A_609, %get3A_610] {strides = array<i32>} : memref<2x128x128xf32, #tpu.memory_space<vmem>>, vector<16xf32>,
        %mul3A_612 = arith.mulf %get3A_604, %get3A_611 : vector<16xf32>
        %swap3A_613 = arith.index_cast %add3A_589 : i32 to index
        %swap3A_614 = arith.constant 16 : index
        %swap3A_615 = tpu.vector_load %arg10[%swap3A_613, %swap3A_614] {strides = array<i32>} : memref<512x32xf32, #tpu.memory_space<vmem>>, vector<16xf32>,
        tpu.vector_store %arg10[%swap3A_613, %swap3A_614], %mul3A_612 {strides = array<i32>} : memref<512x32xf32, #tpu.memory_space<vmem>>, vector<16xf32>,
        %slice3A_616 = vector.extract_strided_slice %get3A_156 {offsets = [14], sizes = [1], strides = [1]} : vector<16xi32> to vector<1xi32>
        %squeeze3A_617 = vector.extract %slice3A_616[0] : i32 from vector<1xi32>
        %mul3A_618 = arith.constant 16 : i32
        %mul3A_619 = arith.muli %scan3A_150, %mul3A_618 : i32
        %add3A_620 = arith.constant 14 : i32
        %add3A_621 = arith.addi %mul3A_619, %add3A_620 : i32
        %add3A_622 = arith.addi %mul3A_88, %add3A_621 : i32
        %get3A_623 = arith.index_cast %add3A_622 : i32 to index
        %get3A_624 = arith.constant 0 : index
        %get3A_625 = tpu.vector_load %arg10[%get3A_623, %get3A_624] {strides = array<i32>} : memref<512x32xf32, #tpu.memory_space<vmem>>, vector<16xf32>,
        %get3A_626 = arith.constant 0 : i32
        %get3A_627 = arith.index_cast %get3A_626 : i32 to index
        %get3A_628 = arith.index_cast %add3A_621 : i32 to index
        %get3A_629 = arith.index_cast %squeeze3A_617 : i32 to index
        %get3A_630 = tpu.vector_load %arg9[%get3A_627, %get3A_628, %get3A_629] {strides = array<i32>} : memref<2x128x128xf32, #tpu.memory_space<vmem>>, vector<16xf32>,
        %mul3A_631 = arith.mulf %get3A_625, %get3A_630 : vector<16xf32>
        %swap3A_632 = arith.index_cast %add3A_622 : i32 to index
        %swap3A_633 = arith.constant 0 : index
        %swap3A_634 = tpu.vector_load %arg10[%swap3A_632, %swap3A_633] {strides = array<i32>} : memref<512x32xf32, #tpu.memory_space<vmem>>, vector<16xf32>,
        tpu.vector_store %arg10[%swap3A_632, %swap3A_633], %mul3A_631 {strides = array<i32>} : memref<512x32xf32, #tpu.memory_space<vmem>>, vector<16xf32>,
        %get3A_635 = arith.index_cast %add3A_622 : i32 to index
        %get3A_636 = arith.constant 16 : index
        %get3A_637 = tpu.vector_load %arg10[%get3A_635, %get3A_636] {strides = array<i32>} : memref<512x32xf32, #tpu.memory_space<vmem>>, vector<16xf32>,
        %add3A_638 = arith.constant 16 : i32
        %add3A_639 = arith.addi %squeeze3A_617, %add3A_638 : i32
        %get3A_640 = arith.constant 0 : i32
        %get3A_641 = arith.index_cast %get3A_640 : i32 to index
        %get3A_642 = arith.index_cast %add3A_621 : i32 to index
        %get3A_643 = arith.index_cast %add3A_639 : i32 to index
        %get3A_644 = tpu.vector_load %arg9[%get3A_641, %get3A_642, %get3A_643] {strides = array<i32>} : memref<2x128x128xf32, #tpu.memory_space<vmem>>, vector<16xf32>,
        %mul3A_645 = arith.mulf %get3A_637, %get3A_644 : vector<16xf32>
        %swap3A_646 = arith.index_cast %add3A_622 : i32 to index
        %swap3A_647 = arith.constant 16 : index
        %swap3A_648 = tpu.vector_load %arg10[%swap3A_646, %swap3A_647] {strides = array<i32>} : memref<512x32xf32, #tpu.memory_space<vmem>>, vector<16xf32>,
        tpu.vector_store %arg10[%swap3A_646, %swap3A_647], %mul3A_645 {strides = array<i32>} : memref<512x32xf32, #tpu.memory_space<vmem>>, vector<16xf32>,
        %slice3A_649 = vector.extract_strided_slice %get3A_156 {offsets = [15], sizes = [1], strides = [1]} : vector<16xi32> to vector<1xi32>
        %squeeze3A_650 = vector.extract %slice3A_649[0] : i32 from vector<1xi32>
        %mul3A_651 = arith.constant 16 : i32
        %mul3A_652 = arith.muli %scan3A_150, %mul3A_651 : i32
        %add3A_653 = arith.constant 15 : i32
        %add3A_654 = arith.addi %mul3A_652, %add3A_653 : i32
        %add3A_655 = arith.addi %mul3A_88, %add3A_654 : i32
        %get3A_656 = arith.index_cast %add3A_655 : i32 to index
        %get3A_657 = arith.constant 0 : index
        %get3A_658 = tpu.vector_load %arg10[%get3A_656, %get3A_657] {strides = array<i32>} : memref<512x32xf32, #tpu.memory_space<vmem>>, vector<16xf32>,
        %get3A_659 = arith.constant 0 : i32
        %get3A_660 = arith.index_cast %get3A_659 : i32 to index
        %get3A_661 = arith.index_cast %add3A_654 : i32 to index
        %get3A_662 = arith.index_cast %squeeze3A_650 : i32 to index
        %get3A_663 = tpu.vector_load %arg9[%get3A_660, %get3A_661, %get3A_662] {strides = array<i32>} : memref<2x128x128xf32, #tpu.memory_space<vmem>>, vector<16xf32>,
        %mul3A_664 = arith.mulf %get3A_658, %get3A_663 : vector<16xf32>
        %swap3A_665 = arith.index_cast %add3A_655 : i32 to index
        %swap3A_666 = arith.constant 0 : index
        %swap3A_667 = tpu.vector_load %arg10[%swap3A_665, %swap3A_666] {strides = array<i32>} : memref<512x32xf32, #tpu.memory_space<vmem>>, vector<16xf32>,
        tpu.vector_store %arg10[%swap3A_665, %swap3A_666], %mul3A_664 {strides = array<i32>} : memref<512x32xf32, #tpu.memory_space<vmem>>, vector<16xf32>,
        %get3A_668 = arith.index_cast %add3A_655 : i32 to index
        %get3A_669 = arith.constant 16 : index
        %get3A_670 = tpu.vector_load %arg10[%get3A_668, %get3A_669] {strides = array<i32>} : memref<512x32xf32, #tpu.memory_space<vmem>>, vector<16xf32>,
        %add3A_671 = arith.constant 16 : i32
        %add3A_672 = arith.addi %squeeze3A_650, %add3A_671 : i32
        %get3A_673 = arith.constant 0 : i32
        %get3A_674 = arith.index_cast %get3A_673 : i32 to index
        %get3A_675 = arith.index_cast %add3A_654 : i32 to index
        %get3A_676 = arith.index_cast %add3A_672 : i32 to index
        %get3A_677 = tpu.vector_load %arg9[%get3A_674, %get3A_675, %get3A_676] {strides = array<i32>} : memref<2x128x128xf32, #tpu.memory_space<vmem>>, vector<16xf32>,
        %mul3A_678 = arith.mulf %get3A_670, %get3A_677 : vector<16xf32>
        %swap3A_679 = arith.index_cast %add3A_655 : i32 to index
        %swap3A_680 = arith.constant 16 : index
        %swap3A_681 = tpu.vector_load %arg10[%swap3A_679, %swap3A_680] {strides = array<i32>} : memref<512x32xf32, #tpu.memory_space<vmem>>, vector<16xf32>,
        tpu.vector_store %arg10[%swap3A_679, %swap3A_680], %mul3A_678 {strides = array<i32>} : memref<512x32xf32, #tpu.memory_space<vmem>>, vector<16xf32>,
        %scan3A_682 = arith.constant 0 : i32
        scf.yield %scan3A_682 : i32
      }
      %scan3A_95 = arith.constant 8 : i32
      %add3A_96 = arith.constant 2 : i32
      %add3A_97 = arith.addi %add3A_66, %add3A_96 : i32
      %lt3A_98 = arith.constant 80 : i32
      %lt3A_99 = arith.cmpi slt, %add3A_97, %lt3A_98 : i32
      %convert_element_type3A = arith.extui %lt3A_99 : i1 to i32
      %cond3A = arith.constant 0 : i32
      %cond3A_100 = arith.cmpi ne, %convert_element_type3A, %cond3A : i32
      scf.if %cond3A_100 {
        %add3A_150 = arith.constant 2 : i32
        %add3A_151 = arith.addi %add3A_66, %add3A_150 : i32
        %dma_start3A_152 = arith.constant 0 : i32
        %dma_start3A_153 = arith.constant 0 : i32
        %dma_start3A_154 = arith.constant 0 : i32
        %dma_start3A_155 = tpu.memref_slice %arg9[%dma_start3A_152, %dma_start3A_153, %dma_start3A_154] : memref<2x128x128xf32, #tpu.memory_space<vmem>> -> memref<1x128x128xf32, #tpu.memory_space<vmem>>
        %dma_start3A_156 = tpu.memref_squeeze %dma_start3A_155 : memref<1x128x128xf32, #tpu.memory_space<vmem>> -> memref<128x128xf32, #tpu.memory_space<vmem>>
        %dma_start3A_157 = arith.constant 0 : i32
        %dma_start3A_158 = tpu.memref_slice %arg7[%add3A_151, %dma_start3A_157] : memref<80x128xi32, #tpu.memory_space<vmem>> -> memref<1x128xi32, #tpu.memory_space<vmem>>
        %dma_start3A_159 = tpu.memref_squeeze %dma_start3A_158 : memref<1x128xi32, #tpu.memory_space<vmem>> -> memref<128xi32, #tpu.memory_space<vmem>>
        %dma_start3A_160 = arith.constant 0 : i32
        %dma_start3A_161 = arith.constant 0 : i32
        %dma_start3A_162 = tpu.memref_slice %arg2[%dma_start3A_160, %dma_start3A_161] : memref<573440x128xf32, #tpu.memory_space<hbm>> -> memref<573440x128xf32, #tpu.memory_space<hbm>>
        tpu.enqueue_indirect_dma source(%dma_start3A_162 : memref<573440x128xf32, #tpu.memory_space<hbm>>) target(%dma_start3A_156 : memref<128x128xf32, #tpu.memory_space<vmem>>) offsets(%dma_start3A_159 : memref<128xi32, #tpu.memory_space<vmem>>) semaphore(%arg13 : memref<!tpu.dma_semaphore, #tpu.memory_space<semaphore_mem>>)
      } else {
      }
      %mul3A_101 = arith.constant 2 : i32
      %mul3A_102 = arith.muli %scan3A_61, %mul3A_101 : i32
      %add3A_103 = arith.constant 1 : i32
      %add3A_104 = arith.addi %mul3A_102, %add3A_103 : i32
      %dma_wait3A_105 = arith.constant 0 : i32
      %dma_wait3A_106 = arith.constant 1 : i32
      %dma_wait3A_107 = arith.constant 0 : i32
      %dma_wait3A_108 = arith.constant 0 : i32
      %dma_wait3A_109 = tpu.memref_slice %arg9[%dma_wait3A_106, %dma_wait3A_107, %dma_wait3A_108] : memref<2x128x128xf32, #tpu.memory_space<vmem>> -> memref<1x128x128xf32, #tpu.memory_space<vmem>>
      %dma_wait3A_110 = tpu.memref_squeeze %dma_wait3A_109 : memref<1x128x128xf32, #tpu.memory_space<vmem>> -> memref<128x128xf32, #tpu.memory_space<vmem>>
      %dma_wait3A_111 = arith.constant 0 : i32
      %dma_wait3A_112 = tpu.memref_slice %arg7[%dma_wait3A_105, %dma_wait3A_111] : memref<80x128xi32, #tpu.memory_space<vmem>> -> memref<1x128xi32, #tpu.memory_space<vmem>>
      %dma_wait3A_113 = tpu.memref_squeeze %dma_wait3A_112 : memref<1x128xi32, #tpu.memory_space<vmem>> -> memref<128xi32, #tpu.memory_space<vmem>>
      %dma_wait3A_114 = arith.constant 0 : i32
      %dma_wait3A_115 = arith.constant 0 : i32
      %dma_wait3A_116 = tpu.memref_slice %arg2[%dma_wait3A_114, %dma_wait3A_115] : memref<573440x128xf32, #tpu.memory_space<hbm>> -> memref<573440x128xf32, #tpu.memory_space<hbm>>
      tpu.wait_indirect_dma semaphore(%arg14 : memref<!tpu.dma_semaphore, #tpu.memory_space<semaphore_mem>>) src(%dma_wait3A_116 : memref<573440x128xf32, #tpu.memory_space<hbm>>) dst(%dma_wait3A_110 : memref<128x128xf32, #tpu.memory_space<vmem>>)
      %jit3A_117 = arith.constant 4 : i32
      %eq3A_118 = arith.constant 0 : i32
      %eq3A_119 = arith.cmpi eq, %jit3A_117, %eq3A_118 : i32
      %jit3A_120 = arith.constant 1 : i32
      %select_n3A_121 = arith.select %eq3A_119, %jit3A_120, %jit3A_117 : i32
      %rem3A_122 = arith.remsi %add3A_104, %select_n3A_121 : i32
      %ne3A_123 = arith.constant 0 : i32
      %ne3A_124 = arith.cmpi ne, %rem3A_122, %ne3A_123 : i32
      %lt3A_125 = arith.constant 0 : i32
      %lt3A_126 = arith.cmpi slt, %rem3A_122, %lt3A_125 : i32
      %lt3A_127 = arith.constant 0 : i32
      %lt3A_128 = arith.cmpi slt, %select_n3A_121, %lt3A_127 : i32
      %ne3A_129 = arith.xori %lt3A_126, %lt3A_128 : i1
      %and3A_130 = arith.andi %ne3A_129, %ne3A_124 : i1
      %add3A_131 = arith.addi %rem3A_122, %select_n3A_121 : i32
      %select_n3A_132 = arith.select %and3A_130, %add3A_131, %rem3A_122 : i32
      %mul3A_133 = arith.constant 128 : i32
      %mul3A_134 = arith.muli %select_n3A_132, %mul3A_133 : i32
      %scan3A_135 = arith.constant 0 : i32
      %scan3A_136 = arith.constant 0 : i32
      %scan3A_137 = arith.constant 8 : i32
      %scan3A_138 = arith.addi %scan3A_136, %scan3A_137 : i32
      %scan3A_139 = arith.constant 1 : i32
      %scan3A_140 = scf.for %scan3A_150 = %scan3A_136 to %scan3A_138 step %scan3A_139 iter_args(%scan3A_151 = %scan3A_135) -> (i32)  : i32 {
        %mul3A_152 = arith.constant 16 : i32
        %mul3A_153 = arith.muli %scan3A_150, %mul3A_152 : i32
        %get3A_154 = arith.index_cast %add3A_104 : i32 to index
        %get3A_155 = arith.index_cast %mul3A_153 : i32 to index
        %get3A_156 = tpu.vector_load %arg8[%get3A_154, %get3A_155] {strides = array<i32>} : memref<80x128xi32, #tpu.memory_space<vmem>>, vector<16xi32>,
        %slice3A = vector.extract_strided_slice %get3A_156 {offsets = [0], sizes = [1], strides = [1]} : vector<16xi32> to vector<1xi32>
        %squeeze3A = vector.extract %slice3A[0] : i32 from vector<1xi32>
        %mul3A_157 = arith.constant 16 : i32
        %mul3A_158 = arith.muli %scan3A_150, %mul3A_157 : i32
        %add3A_159 = arith.constant 0 : i32
        %add3A_160 = arith.addi %mul3A_158, %add3A_159 : i32
        %add3A_161 = arith.addi %mul3A_134, %add3A_160 : i32
        %get3A_162 = arith.index_cast %add3A_161 : i32 to index
        %get3A_163 = arith.constant 0 : index
        %get3A_164 = tpu.vector_load %arg10[%get3A_162, %get3A_163] {strides = array<i32>} : memref<512x32xf32, #tpu.memory_space<vmem>>, vector<16xf32>,
        %get3A_165 = arith.constant 1 : i32
        %get3A_166 = arith.index_cast %get3A_165 : i32 to index
        %get3A_167 = arith.index_cast %add3A_160 : i32 to index
        %get3A_168 = arith.index_cast %squeeze3A : i32 to index
        %get3A_169 = tpu.vector_load %arg9[%get3A_166, %get3A_167, %get3A_168] {strides = array<i32>} : memref<2x128x128xf32, #tpu.memory_space<vmem>>, vector<16xf32>,
        %mul3A_170 = arith.mulf %get3A_164, %get3A_169 : vector<16xf32>
        %swap3A = arith.index_cast %add3A_161 : i32 to index
        %swap3A_171 = arith.constant 0 : index
        %swap3A_172 = tpu.vector_load %arg10[%swap3A, %swap3A_171] {strides = array<i32>} : memref<512x32xf32, #tpu.memory_space<vmem>>, vector<16xf32>,
        tpu.vector_store %arg10[%swap3A, %swap3A_171], %mul3A_170 {strides = array<i32>} : memref<512x32xf32, #tpu.memory_space<vmem>>, vector<16xf32>,
        %get3A_173 = arith.index_cast %add3A_161 : i32 to index
        %get3A_174 = arith.constant 16 : index
        %get3A_175 = tpu.vector_load %arg10[%get3A_173, %get3A_174] {strides = array<i32>} : memref<512x32xf32, #tpu.memory_space<vmem>>, vector<16xf32>,
        %add3A_176 = arith.constant 16 : i32
        %add3A_177 = arith.addi %squeeze3A, %add3A_176 : i32
        %get3A_178 = arith.constant 1 : i32
        %get3A_179 = arith.index_cast %get3A_178 : i32 to index
        %get3A_180 = arith.index_cast %add3A_160 : i32 to index
        %get3A_181 = arith.index_cast %add3A_177 : i32 to index
        %get3A_182 = tpu.vector_load %arg9[%get3A_179, %get3A_180, %get3A_181] {strides = array<i32>} : memref<2x128x128xf32, #tpu.memory_space<vmem>>, vector<16xf32>,
        %mul3A_183 = arith.mulf %get3A_175, %get3A_182 : vector<16xf32>
        %swap3A_184 = arith.index_cast %add3A_161 : i32 to index
        %swap3A_185 = arith.constant 16 : index
        %swap3A_186 = tpu.vector_load %arg10[%swap3A_184, %swap3A_185] {strides = array<i32>} : memref<512x32xf32, #tpu.memory_space<vmem>>, vector<16xf32>,
        tpu.vector_store %arg10[%swap3A_184, %swap3A_185], %mul3A_183 {strides = array<i32>} : memref<512x32xf32, #tpu.memory_space<vmem>>, vector<16xf32>,
        %slice3A_187 = vector.extract_strided_slice %get3A_156 {offsets = [1], sizes = [1], strides = [1]} : vector<16xi32> to vector<1xi32>
        %squeeze3A_188 = vector.extract %slice3A_187[0] : i32 from vector<1xi32>
        %mul3A_189 = arith.constant 16 : i32
        %mul3A_190 = arith.muli %scan3A_150, %mul3A_189 : i32
        %add3A_191 = arith.constant 1 : i32
        %add3A_192 = arith.addi %mul3A_190, %add3A_191 : i32
        %add3A_193 = arith.addi %mul3A_134, %add3A_192 : i32
        %get3A_194 = arith.index_cast %add3A_193 : i32 to index
        %get3A_195 = arith.constant 0 : index
        %get3A_196 = tpu.vector_load %arg10[%get3A_194, %get3A_195] {strides = array<i32>} : memref<512x32xf32, #tpu.memory_space<vmem>>, vector<16xf32>,
        %get3A_197 = arith.constant 1 : i32
        %get3A_198 = arith.index_cast %get3A_197 : i32 to index
        %get3A_199 = arith.index_cast %add3A_192 : i32 to index
        %get3A_200 = arith.index_cast %squeeze3A_188 : i32 to index
        %get3A_201 = tpu.vector_load %arg9[%get3A_198, %get3A_199, %get3A_200] {strides = array<i32>} : memref<2x128x128xf32, #tpu.memory_space<vmem>>, vector<16xf32>,
        %mul3A_202 = arith.mulf %get3A_196, %get3A_201 : vector<16xf32>
        %swap3A_203 = arith.index_cast %add3A_193 : i32 to index
        %swap3A_204 = arith.constant 0 : index
        %swap3A_205 = tpu.vector_load %arg10[%swap3A_203, %swap3A_204] {strides = array<i32>} : memref<512x32xf32, #tpu.memory_space<vmem>>, vector<16xf32>,
        tpu.vector_store %arg10[%swap3A_203, %swap3A_204], %mul3A_202 {strides = array<i32>} : memref<512x32xf32, #tpu.memory_space<vmem>>, vector<16xf32>,
        %get3A_206 = arith.index_cast %add3A_193 : i32 to index
        %get3A_207 = arith.constant 16 : index
        %get3A_208 = tpu.vector_load %arg10[%get3A_206, %get3A_207] {strides = array<i32>} : memref<512x32xf32, #tpu.memory_space<vmem>>, vector<16xf32>,
        %add3A_209 = arith.constant 16 : i32
        %add3A_210 = arith.addi %squeeze3A_188, %add3A_209 : i32
        %get3A_211 = arith.constant 1 : i32
        %get3A_212 = arith.index_cast %get3A_211 : i32 to index
        %get3A_213 = arith.index_cast %add3A_192 : i32 to index
        %get3A_214 = arith.index_cast %add3A_210 : i32 to index
        %get3A_215 = tpu.vector_load %arg9[%get3A_212, %get3A_213, %get3A_214] {strides = array<i32>} : memref<2x128x128xf32, #tpu.memory_space<vmem>>, vector<16xf32>,
        %mul3A_216 = arith.mulf %get3A_208, %get3A_215 : vector<16xf32>
        %swap3A_217 = arith.index_cast %add3A_193 : i32 to index
        %swap3A_218 = arith.constant 16 : index
        %swap3A_219 = tpu.vector_load %arg10[%swap3A_217, %swap3A_218] {strides = array<i32>} : memref<512x32xf32, #tpu.memory_space<vmem>>, vector<16xf32>,
        tpu.vector_store %arg10[%swap3A_217, %swap3A_218], %mul3A_216 {strides = array<i32>} : memref<512x32xf32, #tpu.memory_space<vmem>>, vector<16xf32>,
        %slice3A_220 = vector.extract_strided_slice %get3A_156 {offsets = [2], sizes = [1], strides = [1]} : vector<16xi32> to vector<1xi32>
        %squeeze3A_221 = vector.extract %slice3A_220[0] : i32 from vector<1xi32>
        %mul3A_222 = arith.constant 16 : i32
        %mul3A_223 = arith.muli %scan3A_150, %mul3A_222 : i32
        %add3A_224 = arith.constant 2 : i32
        %add3A_225 = arith.addi %mul3A_223, %add3A_224 : i32
        %add3A_226 = arith.addi %mul3A_134, %add3A_225 : i32
        %get3A_227 = arith.index_cast %add3A_226 : i32 to index
        %get3A_228 = arith.constant 0 : index
        %get3A_229 = tpu.vector_load %arg10[%get3A_227, %get3A_228] {strides = array<i32>} : memref<512x32xf32, #tpu.memory_space<vmem>>, vector<16xf32>,
        %get3A_230 = arith.constant 1 : i32
        %get3A_231 = arith.index_cast %get3A_230 : i32 to index
        %get3A_232 = arith.index_cast %add3A_225 : i32 to index
        %get3A_233 = arith.index_cast %squeeze3A_221 : i32 to index
        %get3A_234 = tpu.vector_load %arg9[%get3A_231, %get3A_232, %get3A_233] {strides = array<i32>} : memref<2x128x128xf32, #tpu.memory_space<vmem>>, vector<16xf32>,
        %mul3A_235 = arith.mulf %get3A_229, %get3A_234 : vector<16xf32>
        %swap3A_236 = arith.index_cast %add3A_226 : i32 to index
        %swap3A_237 = arith.constant 0 : index
        %swap3A_238 = tpu.vector_load %arg10[%swap3A_236, %swap3A_237] {strides = array<i32>} : memref<512x32xf32, #tpu.memory_space<vmem>>, vector<16xf32>,
        tpu.vector_store %arg10[%swap3A_236, %swap3A_237], %mul3A_235 {strides = array<i32>} : memref<512x32xf32, #tpu.memory_space<vmem>>, vector<16xf32>,
        %get3A_239 = arith.index_cast %add3A_226 : i32 to index
        %get3A_240 = arith.constant 16 : index
        %get3A_241 = tpu.vector_load %arg10[%get3A_239, %get3A_240] {strides = array<i32>} : memref<512x32xf32, #tpu.memory_space<vmem>>, vector<16xf32>,
        %add3A_242 = arith.constant 16 : i32
        %add3A_243 = arith.addi %squeeze3A_221, %add3A_242 : i32
        %get3A_244 = arith.constant 1 : i32
        %get3A_245 = arith.index_cast %get3A_244 : i32 to index
        %get3A_246 = arith.index_cast %add3A_225 : i32 to index
        %get3A_247 = arith.index_cast %add3A_243 : i32 to index
        %get3A_248 = tpu.vector_load %arg9[%get3A_245, %get3A_246, %get3A_247] {strides = array<i32>} : memref<2x128x128xf32, #tpu.memory_space<vmem>>, vector<16xf32>,
        %mul3A_249 = arith.mulf %get3A_241, %get3A_248 : vector<16xf32>
        %swap3A_250 = arith.index_cast %add3A_226 : i32 to index
        %swap3A_251 = arith.constant 16 : index
        %swap3A_252 = tpu.vector_load %arg10[%swap3A_250, %swap3A_251] {strides = array<i32>} : memref<512x32xf32, #tpu.memory_space<vmem>>, vector<16xf32>,
        tpu.vector_store %arg10[%swap3A_250, %swap3A_251], %mul3A_249 {strides = array<i32>} : memref<512x32xf32, #tpu.memory_space<vmem>>, vector<16xf32>,
        %slice3A_253 = vector.extract_strided_slice %get3A_156 {offsets = [3], sizes = [1], strides = [1]} : vector<16xi32> to vector<1xi32>
        %squeeze3A_254 = vector.extract %slice3A_253[0] : i32 from vector<1xi32>
        %mul3A_255 = arith.constant 16 : i32
        %mul3A_256 = arith.muli %scan3A_150, %mul3A_255 : i32
        %add3A_257 = arith.constant 3 : i32
        %add3A_258 = arith.addi %mul3A_256, %add3A_257 : i32
        %add3A_259 = arith.addi %mul3A_134, %add3A_258 : i32
        %get3A_260 = arith.index_cast %add3A_259 : i32 to index
        %get3A_261 = arith.constant 0 : index
        %get3A_262 = tpu.vector_load %arg10[%get3A_260, %get3A_261] {strides = array<i32>} : memref<512x32xf32, #tpu.memory_space<vmem>>, vector<16xf32>,
        %get3A_263 = arith.constant 1 : i32
        %get3A_264 = arith.index_cast %get3A_263 : i32 to index
        %get3A_265 = arith.index_cast %add3A_258 : i32 to index
        %get3A_266 = arith.index_cast %squeeze3A_254 : i32 to index
        %get3A_267 = tpu.vector_load %arg9[%get3A_264, %get3A_265, %get3A_266] {strides = array<i32>} : memref<2x128x128xf32, #tpu.memory_space<vmem>>, vector<16xf32>,
        %mul3A_268 = arith.mulf %get3A_262, %get3A_267 : vector<16xf32>
        %swap3A_269 = arith.index_cast %add3A_259 : i32 to index
        %swap3A_270 = arith.constant 0 : index
        %swap3A_271 = tpu.vector_load %arg10[%swap3A_269, %swap3A_270] {strides = array<i32>} : memref<512x32xf32, #tpu.memory_space<vmem>>, vector<16xf32>,
        tpu.vector_store %arg10[%swap3A_269, %swap3A_270], %mul3A_268 {strides = array<i32>} : memref<512x32xf32, #tpu.memory_space<vmem>>, vector<16xf32>,
        %get3A_272 = arith.index_cast %add3A_259 : i32 to index
        %get3A_273 = arith.constant 16 : index
        %get3A_274 = tpu.vector_load %arg10[%get3A_272, %get3A_273] {strides = array<i32>} : memref<512x32xf32, #tpu.memory_space<vmem>>, vector<16xf32>,
        %add3A_275 = arith.constant 16 : i32
        %add3A_276 = arith.addi %squeeze3A_254, %add3A_275 : i32
        %get3A_277 = arith.constant 1 : i32
        %get3A_278 = arith.index_cast %get3A_277 : i32 to index
        %get3A_279 = arith.index_cast %add3A_258 : i32 to index
        %get3A_280 = arith.index_cast %add3A_276 : i32 to index
        %get3A_281 = tpu.vector_load %arg9[%get3A_278, %get3A_279, %get3A_280] {strides = array<i32>} : memref<2x128x128xf32, #tpu.memory_space<vmem>>, vector<16xf32>,
        %mul3A_282 = arith.mulf %get3A_274, %get3A_281 : vector<16xf32>
        %swap3A_283 = arith.index_cast %add3A_259 : i32 to index
        %swap3A_284 = arith.constant 16 : index
        %swap3A_285 = tpu.vector_load %arg10[%swap3A_283, %swap3A_284] {strides = array<i32>} : memref<512x32xf32, #tpu.memory_space<vmem>>, vector<16xf32>,
        tpu.vector_store %arg10[%swap3A_283, %swap3A_284], %mul3A_282 {strides = array<i32>} : memref<512x32xf32, #tpu.memory_space<vmem>>, vector<16xf32>,
        %slice3A_286 = vector.extract_strided_slice %get3A_156 {offsets = [4], sizes = [1], strides = [1]} : vector<16xi32> to vector<1xi32>
        %squeeze3A_287 = vector.extract %slice3A_286[0] : i32 from vector<1xi32>
        %mul3A_288 = arith.constant 16 : i32
        %mul3A_289 = arith.muli %scan3A_150, %mul3A_288 : i32
        %add3A_290 = arith.constant 4 : i32
        %add3A_291 = arith.addi %mul3A_289, %add3A_290 : i32
        %add3A_292 = arith.addi %mul3A_134, %add3A_291 : i32
        %get3A_293 = arith.index_cast %add3A_292 : i32 to index
        %get3A_294 = arith.constant 0 : index
        %get3A_295 = tpu.vector_load %arg10[%get3A_293, %get3A_294] {strides = array<i32>} : memref<512x32xf32, #tpu.memory_space<vmem>>, vector<16xf32>,
        %get3A_296 = arith.constant 1 : i32
        %get3A_297 = arith.index_cast %get3A_296 : i32 to index
        %get3A_298 = arith.index_cast %add3A_291 : i32 to index
        %get3A_299 = arith.index_cast %squeeze3A_287 : i32 to index
        %get3A_300 = tpu.vector_load %arg9[%get3A_297, %get3A_298, %get3A_299] {strides = array<i32>} : memref<2x128x128xf32, #tpu.memory_space<vmem>>, vector<16xf32>,
        %mul3A_301 = arith.mulf %get3A_295, %get3A_300 : vector<16xf32>
        %swap3A_302 = arith.index_cast %add3A_292 : i32 to index
        %swap3A_303 = arith.constant 0 : index
        %swap3A_304 = tpu.vector_load %arg10[%swap3A_302, %swap3A_303] {strides = array<i32>} : memref<512x32xf32, #tpu.memory_space<vmem>>, vector<16xf32>,
        tpu.vector_store %arg10[%swap3A_302, %swap3A_303], %mul3A_301 {strides = array<i32>} : memref<512x32xf32, #tpu.memory_space<vmem>>, vector<16xf32>,
        %get3A_305 = arith.index_cast %add3A_292 : i32 to index
        %get3A_306 = arith.constant 16 : index
        %get3A_307 = tpu.vector_load %arg10[%get3A_305, %get3A_306] {strides = array<i32>} : memref<512x32xf32, #tpu.memory_space<vmem>>, vector<16xf32>,
        %add3A_308 = arith.constant 16 : i32
        %add3A_309 = arith.addi %squeeze3A_287, %add3A_308 : i32
        %get3A_310 = arith.constant 1 : i32
        %get3A_311 = arith.index_cast %get3A_310 : i32 to index
        %get3A_312 = arith.index_cast %add3A_291 : i32 to index
        %get3A_313 = arith.index_cast %add3A_309 : i32 to index
        %get3A_314 = tpu.vector_load %arg9[%get3A_311, %get3A_312, %get3A_313] {strides = array<i32>} : memref<2x128x128xf32, #tpu.memory_space<vmem>>, vector<16xf32>,
        %mul3A_315 = arith.mulf %get3A_307, %get3A_314 : vector<16xf32>
        %swap3A_316 = arith.index_cast %add3A_292 : i32 to index
        %swap3A_317 = arith.constant 16 : index
        %swap3A_318 = tpu.vector_load %arg10[%swap3A_316, %swap3A_317] {strides = array<i32>} : memref<512x32xf32, #tpu.memory_space<vmem>>, vector<16xf32>,
        tpu.vector_store %arg10[%swap3A_316, %swap3A_317], %mul3A_315 {strides = array<i32>} : memref<512x32xf32, #tpu.memory_space<vmem>>, vector<16xf32>,
        %slice3A_319 = vector.extract_strided_slice %get3A_156 {offsets = [5], sizes = [1], strides = [1]} : vector<16xi32> to vector<1xi32>
        %squeeze3A_320 = vector.extract %slice3A_319[0] : i32 from vector<1xi32>
        %mul3A_321 = arith.constant 16 : i32
        %mul3A_322 = arith.muli %scan3A_150, %mul3A_321 : i32
        %add3A_323 = arith.constant 5 : i32
        %add3A_324 = arith.addi %mul3A_322, %add3A_323 : i32
        %add3A_325 = arith.addi %mul3A_134, %add3A_324 : i32
        %get3A_326 = arith.index_cast %add3A_325 : i32 to index
        %get3A_327 = arith.constant 0 : index
        %get3A_328 = tpu.vector_load %arg10[%get3A_326, %get3A_327] {strides = array<i32>} : memref<512x32xf32, #tpu.memory_space<vmem>>, vector<16xf32>,
        %get3A_329 = arith.constant 1 : i32
        %get3A_330 = arith.index_cast %get3A_329 : i32 to index
        %get3A_331 = arith.index_cast %add3A_324 : i32 to index
        %get3A_332 = arith.index_cast %squeeze3A_320 : i32 to index
        %get3A_333 = tpu.vector_load %arg9[%get3A_330, %get3A_331, %get3A_332] {strides = array<i32>} : memref<2x128x128xf32, #tpu.memory_space<vmem>>, vector<16xf32>,
        %mul3A_334 = arith.mulf %get3A_328, %get3A_333 : vector<16xf32>
        %swap3A_335 = arith.index_cast %add3A_325 : i32 to index
        %swap3A_336 = arith.constant 0 : index
        %swap3A_337 = tpu.vector_load %arg10[%swap3A_335, %swap3A_336] {strides = array<i32>} : memref<512x32xf32, #tpu.memory_space<vmem>>, vector<16xf32>,
        tpu.vector_store %arg10[%swap3A_335, %swap3A_336], %mul3A_334 {strides = array<i32>} : memref<512x32xf32, #tpu.memory_space<vmem>>, vector<16xf32>,
        %get3A_338 = arith.index_cast %add3A_325 : i32 to index
        %get3A_339 = arith.constant 16 : index
        %get3A_340 = tpu.vector_load %arg10[%get3A_338, %get3A_339] {strides = array<i32>} : memref<512x32xf32, #tpu.memory_space<vmem>>, vector<16xf32>,
        %add3A_341 = arith.constant 16 : i32
        %add3A_342 = arith.addi %squeeze3A_320, %add3A_341 : i32
        %get3A_343 = arith.constant 1 : i32
        %get3A_344 = arith.index_cast %get3A_343 : i32 to index
        %get3A_345 = arith.index_cast %add3A_324 : i32 to index
        %get3A_346 = arith.index_cast %add3A_342 : i32 to index
        %get3A_347 = tpu.vector_load %arg9[%get3A_344, %get3A_345, %get3A_346] {strides = array<i32>} : memref<2x128x128xf32, #tpu.memory_space<vmem>>, vector<16xf32>,
        %mul3A_348 = arith.mulf %get3A_340, %get3A_347 : vector<16xf32>
        %swap3A_349 = arith.index_cast %add3A_325 : i32 to index
        %swap3A_350 = arith.constant 16 : index
        %swap3A_351 = tpu.vector_load %arg10[%swap3A_349, %swap3A_350] {strides = array<i32>} : memref<512x32xf32, #tpu.memory_space<vmem>>, vector<16xf32>,
        tpu.vector_store %arg10[%swap3A_349, %swap3A_350], %mul3A_348 {strides = array<i32>} : memref<512x32xf32, #tpu.memory_space<vmem>>, vector<16xf32>,
        %slice3A_352 = vector.extract_strided_slice %get3A_156 {offsets = [6], sizes = [1], strides = [1]} : vector<16xi32> to vector<1xi32>
        %squeeze3A_353 = vector.extract %slice3A_352[0] : i32 from vector<1xi32>
        %mul3A_354 = arith.constant 16 : i32
        %mul3A_355 = arith.muli %scan3A_150, %mul3A_354 : i32
        %add3A_356 = arith.constant 6 : i32
        %add3A_357 = arith.addi %mul3A_355, %add3A_356 : i32
        %add3A_358 = arith.addi %mul3A_134, %add3A_357 : i32
        %get3A_359 = arith.index_cast %add3A_358 : i32 to index
        %get3A_360 = arith.constant 0 : index
        %get3A_361 = tpu.vector_load %arg10[%get3A_359, %get3A_360] {strides = array<i32>} : memref<512x32xf32, #tpu.memory_space<vmem>>, vector<16xf32>,
        %get3A_362 = arith.constant 1 : i32
        %get3A_363 = arith.index_cast %get3A_362 : i32 to index
        %get3A_364 = arith.index_cast %add3A_357 : i32 to index
        %get3A_365 = arith.index_cast %squeeze3A_353 : i32 to index
        %get3A_366 = tpu.vector_load %arg9[%get3A_363, %get3A_364, %get3A_365] {strides = array<i32>} : memref<2x128x128xf32, #tpu.memory_space<vmem>>, vector<16xf32>,
        %mul3A_367 = arith.mulf %get3A_361, %get3A_366 : vector<16xf32>
        %swap3A_368 = arith.index_cast %add3A_358 : i32 to index
        %swap3A_369 = arith.constant 0 : index
        %swap3A_370 = tpu.vector_load %arg10[%swap3A_368, %swap3A_369] {strides = array<i32>} : memref<512x32xf32, #tpu.memory_space<vmem>>, vector<16xf32>,
        tpu.vector_store %arg10[%swap3A_368, %swap3A_369], %mul3A_367 {strides = array<i32>} : memref<512x32xf32, #tpu.memory_space<vmem>>, vector<16xf32>,
        %get3A_371 = arith.index_cast %add3A_358 : i32 to index
        %get3A_372 = arith.constant 16 : index
        %get3A_373 = tpu.vector_load %arg10[%get3A_371, %get3A_372] {strides = array<i32>} : memref<512x32xf32, #tpu.memory_space<vmem>>, vector<16xf32>,
        %add3A_374 = arith.constant 16 : i32
        %add3A_375 = arith.addi %squeeze3A_353, %add3A_374 : i32
        %get3A_376 = arith.constant 1 : i32
        %get3A_377 = arith.index_cast %get3A_376 : i32 to index
        %get3A_378 = arith.index_cast %add3A_357 : i32 to index
        %get3A_379 = arith.index_cast %add3A_375 : i32 to index
        %get3A_380 = tpu.vector_load %arg9[%get3A_377, %get3A_378, %get3A_379] {strides = array<i32>} : memref<2x128x128xf32, #tpu.memory_space<vmem>>, vector<16xf32>,
        %mul3A_381 = arith.mulf %get3A_373, %get3A_380 : vector<16xf32>
        %swap3A_382 = arith.index_cast %add3A_358 : i32 to index
        %swap3A_383 = arith.constant 16 : index
        %swap3A_384 = tpu.vector_load %arg10[%swap3A_382, %swap3A_383] {strides = array<i32>} : memref<512x32xf32, #tpu.memory_space<vmem>>, vector<16xf32>,
        tpu.vector_store %arg10[%swap3A_382, %swap3A_383], %mul3A_381 {strides = array<i32>} : memref<512x32xf32, #tpu.memory_space<vmem>>, vector<16xf32>,
        %slice3A_385 = vector.extract_strided_slice %get3A_156 {offsets = [7], sizes = [1], strides = [1]} : vector<16xi32> to vector<1xi32>
        %squeeze3A_386 = vector.extract %slice3A_385[0] : i32 from vector<1xi32>
        %mul3A_387 = arith.constant 16 : i32
        %mul3A_388 = arith.muli %scan3A_150, %mul3A_387 : i32
        %add3A_389 = arith.constant 7 : i32
        %add3A_390 = arith.addi %mul3A_388, %add3A_389 : i32
        %add3A_391 = arith.addi %mul3A_134, %add3A_390 : i32
        %get3A_392 = arith.index_cast %add3A_391 : i32 to index
        %get3A_393 = arith.constant 0 : index
        %get3A_394 = tpu.vector_load %arg10[%get3A_392, %get3A_393] {strides = array<i32>} : memref<512x32xf32, #tpu.memory_space<vmem>>, vector<16xf32>,
        %get3A_395 = arith.constant 1 : i32
        %get3A_396 = arith.index_cast %get3A_395 : i32 to index
        %get3A_397 = arith.index_cast %add3A_390 : i32 to index
        %get3A_398 = arith.index_cast %squeeze3A_386 : i32 to index
        %get3A_399 = tpu.vector_load %arg9[%get3A_396, %get3A_397, %get3A_398] {strides = array<i32>} : memref<2x128x128xf32, #tpu.memory_space<vmem>>, vector<16xf32>,
        %mul3A_400 = arith.mulf %get3A_394, %get3A_399 : vector<16xf32>
        %swap3A_401 = arith.index_cast %add3A_391 : i32 to index
        %swap3A_402 = arith.constant 0 : index
        %swap3A_403 = tpu.vector_load %arg10[%swap3A_401, %swap3A_402] {strides = array<i32>} : memref<512x32xf32, #tpu.memory_space<vmem>>, vector<16xf32>,
        tpu.vector_store %arg10[%swap3A_401, %swap3A_402], %mul3A_400 {strides = array<i32>} : memref<512x32xf32, #tpu.memory_space<vmem>>, vector<16xf32>,
        %get3A_404 = arith.index_cast %add3A_391 : i32 to index
        %get3A_405 = arith.constant 16 : index
        %get3A_406 = tpu.vector_load %arg10[%get3A_404, %get3A_405] {strides = array<i32>} : memref<512x32xf32, #tpu.memory_space<vmem>>, vector<16xf32>,
        %add3A_407 = arith.constant 16 : i32
        %add3A_408 = arith.addi %squeeze3A_386, %add3A_407 : i32
        %get3A_409 = arith.constant 1 : i32
        %get3A_410 = arith.index_cast %get3A_409 : i32 to index
        %get3A_411 = arith.index_cast %add3A_390 : i32 to index
        %get3A_412 = arith.index_cast %add3A_408 : i32 to index
        %get3A_413 = tpu.vector_load %arg9[%get3A_410, %get3A_411, %get3A_412] {strides = array<i32>} : memref<2x128x128xf32, #tpu.memory_space<vmem>>, vector<16xf32>,
        %mul3A_414 = arith.mulf %get3A_406, %get3A_413 : vector<16xf32>
        %swap3A_415 = arith.index_cast %add3A_391 : i32 to index
        %swap3A_416 = arith.constant 16 : index
        %swap3A_417 = tpu.vector_load %arg10[%swap3A_415, %swap3A_416] {strides = array<i32>} : memref<512x32xf32, #tpu.memory_space<vmem>>, vector<16xf32>,
        tpu.vector_store %arg10[%swap3A_415, %swap3A_416], %mul3A_414 {strides = array<i32>} : memref<512x32xf32, #tpu.memory_space<vmem>>, vector<16xf32>,
        %slice3A_418 = vector.extract_strided_slice %get3A_156 {offsets = [8], sizes = [1], strides = [1]} : vector<16xi32> to vector<1xi32>
        %squeeze3A_419 = vector.extract %slice3A_418[0] : i32 from vector<1xi32>
        %mul3A_420 = arith.constant 16 : i32
        %mul3A_421 = arith.muli %scan3A_150, %mul3A_420 : i32
        %add3A_422 = arith.constant 8 : i32
        %add3A_423 = arith.addi %mul3A_421, %add3A_422 : i32
        %add3A_424 = arith.addi %mul3A_134, %add3A_423 : i32
        %get3A_425 = arith.index_cast %add3A_424 : i32 to index
        %get3A_426 = arith.constant 0 : index
        %get3A_427 = tpu.vector_load %arg10[%get3A_425, %get3A_426] {strides = array<i32>} : memref<512x32xf32, #tpu.memory_space<vmem>>, vector<16xf32>,
        %get3A_428 = arith.constant 1 : i32
        %get3A_429 = arith.index_cast %get3A_428 : i32 to index
        %get3A_430 = arith.index_cast %add3A_423 : i32 to index
        %get3A_431 = arith.index_cast %squeeze3A_419 : i32 to index
        %get3A_432 = tpu.vector_load %arg9[%get3A_429, %get3A_430, %get3A_431] {strides = array<i32>} : memref<2x128x128xf32, #tpu.memory_space<vmem>>, vector<16xf32>,
        %mul3A_433 = arith.mulf %get3A_427, %get3A_432 : vector<16xf32>
        %swap3A_434 = arith.index_cast %add3A_424 : i32 to index
        %swap3A_435 = arith.constant 0 : index
        %swap3A_436 = tpu.vector_load %arg10[%swap3A_434, %swap3A_435] {strides = array<i32>} : memref<512x32xf32, #tpu.memory_space<vmem>>, vector<16xf32>,
        tpu.vector_store %arg10[%swap3A_434, %swap3A_435], %mul3A_433 {strides = array<i32>} : memref<512x32xf32, #tpu.memory_space<vmem>>, vector<16xf32>,
        %get3A_437 = arith.index_cast %add3A_424 : i32 to index
        %get3A_438 = arith.constant 16 : index
        %get3A_439 = tpu.vector_load %arg10[%get3A_437, %get3A_438] {strides = array<i32>} : memref<512x32xf32, #tpu.memory_space<vmem>>, vector<16xf32>,
        %add3A_440 = arith.constant 16 : i32
        %add3A_441 = arith.addi %squeeze3A_419, %add3A_440 : i32
        %get3A_442 = arith.constant 1 : i32
        %get3A_443 = arith.index_cast %get3A_442 : i32 to index
        %get3A_444 = arith.index_cast %add3A_423 : i32 to index
        %get3A_445 = arith.index_cast %add3A_441 : i32 to index
        %get3A_446 = tpu.vector_load %arg9[%get3A_443, %get3A_444, %get3A_445] {strides = array<i32>} : memref<2x128x128xf32, #tpu.memory_space<vmem>>, vector<16xf32>,
        %mul3A_447 = arith.mulf %get3A_439, %get3A_446 : vector<16xf32>
        %swap3A_448 = arith.index_cast %add3A_424 : i32 to index
        %swap3A_449 = arith.constant 16 : index
        %swap3A_450 = tpu.vector_load %arg10[%swap3A_448, %swap3A_449] {strides = array<i32>} : memref<512x32xf32, #tpu.memory_space<vmem>>, vector<16xf32>,
        tpu.vector_store %arg10[%swap3A_448, %swap3A_449], %mul3A_447 {strides = array<i32>} : memref<512x32xf32, #tpu.memory_space<vmem>>, vector<16xf32>,
        %slice3A_451 = vector.extract_strided_slice %get3A_156 {offsets = [9], sizes = [1], strides = [1]} : vector<16xi32> to vector<1xi32>
        %squeeze3A_452 = vector.extract %slice3A_451[0] : i32 from vector<1xi32>
        %mul3A_453 = arith.constant 16 : i32
        %mul3A_454 = arith.muli %scan3A_150, %mul3A_453 : i32
        %add3A_455 = arith.constant 9 : i32
        %add3A_456 = arith.addi %mul3A_454, %add3A_455 : i32
        %add3A_457 = arith.addi %mul3A_134, %add3A_456 : i32
        %get3A_458 = arith.index_cast %add3A_457 : i32 to index
        %get3A_459 = arith.constant 0 : index
        %get3A_460 = tpu.vector_load %arg10[%get3A_458, %get3A_459] {strides = array<i32>} : memref<512x32xf32, #tpu.memory_space<vmem>>, vector<16xf32>,
        %get3A_461 = arith.constant 1 : i32
        %get3A_462 = arith.index_cast %get3A_461 : i32 to index
        %get3A_463 = arith.index_cast %add3A_456 : i32 to index
        %get3A_464 = arith.index_cast %squeeze3A_452 : i32 to index
        %get3A_465 = tpu.vector_load %arg9[%get3A_462, %get3A_463, %get3A_464] {strides = array<i32>} : memref<2x128x128xf32, #tpu.memory_space<vmem>>, vector<16xf32>,
        %mul3A_466 = arith.mulf %get3A_460, %get3A_465 : vector<16xf32>
        %swap3A_467 = arith.index_cast %add3A_457 : i32 to index
        %swap3A_468 = arith.constant 0 : index
        %swap3A_469 = tpu.vector_load %arg10[%swap3A_467, %swap3A_468] {strides = array<i32>} : memref<512x32xf32, #tpu.memory_space<vmem>>, vector<16xf32>,
        tpu.vector_store %arg10[%swap3A_467, %swap3A_468], %mul3A_466 {strides = array<i32>} : memref<512x32xf32, #tpu.memory_space<vmem>>, vector<16xf32>,
        %get3A_470 = arith.index_cast %add3A_457 : i32 to index
        %get3A_471 = arith.constant 16 : index
        %get3A_472 = tpu.vector_load %arg10[%get3A_470, %get3A_471] {strides = array<i32>} : memref<512x32xf32, #tpu.memory_space<vmem>>, vector<16xf32>,
        %add3A_473 = arith.constant 16 : i32
        %add3A_474 = arith.addi %squeeze3A_452, %add3A_473 : i32
        %get3A_475 = arith.constant 1 : i32
        %get3A_476 = arith.index_cast %get3A_475 : i32 to index
        %get3A_477 = arith.index_cast %add3A_456 : i32 to index
        %get3A_478 = arith.index_cast %add3A_474 : i32 to index
        %get3A_479 = tpu.vector_load %arg9[%get3A_476, %get3A_477, %get3A_478] {strides = array<i32>} : memref<2x128x128xf32, #tpu.memory_space<vmem>>, vector<16xf32>,
        %mul3A_480 = arith.mulf %get3A_472, %get3A_479 : vector<16xf32>
        %swap3A_481 = arith.index_cast %add3A_457 : i32 to index
        %swap3A_482 = arith.constant 16 : index
        %swap3A_483 = tpu.vector_load %arg10[%swap3A_481, %swap3A_482] {strides = array<i32>} : memref<512x32xf32, #tpu.memory_space<vmem>>, vector<16xf32>,
        tpu.vector_store %arg10[%swap3A_481, %swap3A_482], %mul3A_480 {strides = array<i32>} : memref<512x32xf32, #tpu.memory_space<vmem>>, vector<16xf32>,
        %slice3A_484 = vector.extract_strided_slice %get3A_156 {offsets = [10], sizes = [1], strides = [1]} : vector<16xi32> to vector<1xi32>
        %squeeze3A_485 = vector.extract %slice3A_484[0] : i32 from vector<1xi32>
        %mul3A_486 = arith.constant 16 : i32
        %mul3A_487 = arith.muli %scan3A_150, %mul3A_486 : i32
        %add3A_488 = arith.constant 10 : i32
        %add3A_489 = arith.addi %mul3A_487, %add3A_488 : i32
        %add3A_490 = arith.addi %mul3A_134, %add3A_489 : i32
        %get3A_491 = arith.index_cast %add3A_490 : i32 to index
        %get3A_492 = arith.constant 0 : index
        %get3A_493 = tpu.vector_load %arg10[%get3A_491, %get3A_492] {strides = array<i32>} : memref<512x32xf32, #tpu.memory_space<vmem>>, vector<16xf32>,
        %get3A_494 = arith.constant 1 : i32
        %get3A_495 = arith.index_cast %get3A_494 : i32 to index
        %get3A_496 = arith.index_cast %add3A_489 : i32 to index
        %get3A_497 = arith.index_cast %squeeze3A_485 : i32 to index
        %get3A_498 = tpu.vector_load %arg9[%get3A_495, %get3A_496, %get3A_497] {strides = array<i32>} : memref<2x128x128xf32, #tpu.memory_space<vmem>>, vector<16xf32>,
        %mul3A_499 = arith.mulf %get3A_493, %get3A_498 : vector<16xf32>
        %swap3A_500 = arith.index_cast %add3A_490 : i32 to index
        %swap3A_501 = arith.constant 0 : index
        %swap3A_502 = tpu.vector_load %arg10[%swap3A_500, %swap3A_501] {strides = array<i32>} : memref<512x32xf32, #tpu.memory_space<vmem>>, vector<16xf32>,
        tpu.vector_store %arg10[%swap3A_500, %swap3A_501], %mul3A_499 {strides = array<i32>} : memref<512x32xf32, #tpu.memory_space<vmem>>, vector<16xf32>,
        %get3A_503 = arith.index_cast %add3A_490 : i32 to index
        %get3A_504 = arith.constant 16 : index
        %get3A_505 = tpu.vector_load %arg10[%get3A_503, %get3A_504] {strides = array<i32>} : memref<512x32xf32, #tpu.memory_space<vmem>>, vector<16xf32>,
        %add3A_506 = arith.constant 16 : i32
        %add3A_507 = arith.addi %squeeze3A_485, %add3A_506 : i32
        %get3A_508 = arith.constant 1 : i32
        %get3A_509 = arith.index_cast %get3A_508 : i32 to index
        %get3A_510 = arith.index_cast %add3A_489 : i32 to index
        %get3A_511 = arith.index_cast %add3A_507 : i32 to index
        %get3A_512 = tpu.vector_load %arg9[%get3A_509, %get3A_510, %get3A_511] {strides = array<i32>} : memref<2x128x128xf32, #tpu.memory_space<vmem>>, vector<16xf32>,
        %mul3A_513 = arith.mulf %get3A_505, %get3A_512 : vector<16xf32>
        %swap3A_514 = arith.index_cast %add3A_490 : i32 to index
        %swap3A_515 = arith.constant 16 : index
        %swap3A_516 = tpu.vector_load %arg10[%swap3A_514, %swap3A_515] {strides = array<i32>} : memref<512x32xf32, #tpu.memory_space<vmem>>, vector<16xf32>,
        tpu.vector_store %arg10[%swap3A_514, %swap3A_515], %mul3A_513 {strides = array<i32>} : memref<512x32xf32, #tpu.memory_space<vmem>>, vector<16xf32>,
        %slice3A_517 = vector.extract_strided_slice %get3A_156 {offsets = [11], sizes = [1], strides = [1]} : vector<16xi32> to vector<1xi32>
        %squeeze3A_518 = vector.extract %slice3A_517[0] : i32 from vector<1xi32>
        %mul3A_519 = arith.constant 16 : i32
        %mul3A_520 = arith.muli %scan3A_150, %mul3A_519 : i32
        %add3A_521 = arith.constant 11 : i32
        %add3A_522 = arith.addi %mul3A_520, %add3A_521 : i32
        %add3A_523 = arith.addi %mul3A_134, %add3A_522 : i32
        %get3A_524 = arith.index_cast %add3A_523 : i32 to index
        %get3A_525 = arith.constant 0 : index
        %get3A_526 = tpu.vector_load %arg10[%get3A_524, %get3A_525] {strides = array<i32>} : memref<512x32xf32, #tpu.memory_space<vmem>>, vector<16xf32>,
        %get3A_527 = arith.constant 1 : i32
        %get3A_528 = arith.index_cast %get3A_527 : i32 to index
        %get3A_529 = arith.index_cast %add3A_522 : i32 to index
        %get3A_530 = arith.index_cast %squeeze3A_518 : i32 to index
        %get3A_531 = tpu.vector_load %arg9[%get3A_528, %get3A_529, %get3A_530] {strides = array<i32>} : memref<2x128x128xf32, #tpu.memory_space<vmem>>, vector<16xf32>,
        %mul3A_532 = arith.mulf %get3A_526, %get3A_531 : vector<16xf32>
        %swap3A_533 = arith.index_cast %add3A_523 : i32 to index
        %swap3A_534 = arith.constant 0 : index
        %swap3A_535 = tpu.vector_load %arg10[%swap3A_533, %swap3A_534] {strides = array<i32>} : memref<512x32xf32, #tpu.memory_space<vmem>>, vector<16xf32>,
        tpu.vector_store %arg10[%swap3A_533, %swap3A_534], %mul3A_532 {strides = array<i32>} : memref<512x32xf32, #tpu.memory_space<vmem>>, vector<16xf32>,
        %get3A_536 = arith.index_cast %add3A_523 : i32 to index
        %get3A_537 = arith.constant 16 : index
        %get3A_538 = tpu.vector_load %arg10[%get3A_536, %get3A_537] {strides = array<i32>} : memref<512x32xf32, #tpu.memory_space<vmem>>, vector<16xf32>,
        %add3A_539 = arith.constant 16 : i32
        %add3A_540 = arith.addi %squeeze3A_518, %add3A_539 : i32
        %get3A_541 = arith.constant 1 : i32
        %get3A_542 = arith.index_cast %get3A_541 : i32 to index
        %get3A_543 = arith.index_cast %add3A_522 : i32 to index
        %get3A_544 = arith.index_cast %add3A_540 : i32 to index
        %get3A_545 = tpu.vector_load %arg9[%get3A_542, %get3A_543, %get3A_544] {strides = array<i32>} : memref<2x128x128xf32, #tpu.memory_space<vmem>>, vector<16xf32>,
        %mul3A_546 = arith.mulf %get3A_538, %get3A_545 : vector<16xf32>
        %swap3A_547 = arith.index_cast %add3A_523 : i32 to index
        %swap3A_548 = arith.constant 16 : index
        %swap3A_549 = tpu.vector_load %arg10[%swap3A_547, %swap3A_548] {strides = array<i32>} : memref<512x32xf32, #tpu.memory_space<vmem>>, vector<16xf32>,
        tpu.vector_store %arg10[%swap3A_547, %swap3A_548], %mul3A_546 {strides = array<i32>} : memref<512x32xf32, #tpu.memory_space<vmem>>, vector<16xf32>,
        %slice3A_550 = vector.extract_strided_slice %get3A_156 {offsets = [12], sizes = [1], strides = [1]} : vector<16xi32> to vector<1xi32>
        %squeeze3A_551 = vector.extract %slice3A_550[0] : i32 from vector<1xi32>
        %mul3A_552 = arith.constant 16 : i32
        %mul3A_553 = arith.muli %scan3A_150, %mul3A_552 : i32
        %add3A_554 = arith.constant 12 : i32
        %add3A_555 = arith.addi %mul3A_553, %add3A_554 : i32
        %add3A_556 = arith.addi %mul3A_134, %add3A_555 : i32
        %get3A_557 = arith.index_cast %add3A_556 : i32 to index
        %get3A_558 = arith.constant 0 : index
        %get3A_559 = tpu.vector_load %arg10[%get3A_557, %get3A_558] {strides = array<i32>} : memref<512x32xf32, #tpu.memory_space<vmem>>, vector<16xf32>,
        %get3A_560 = arith.constant 1 : i32
        %get3A_561 = arith.index_cast %get3A_560 : i32 to index
        %get3A_562 = arith.index_cast %add3A_555 : i32 to index
        %get3A_563 = arith.index_cast %squeeze3A_551 : i32 to index
        %get3A_564 = tpu.vector_load %arg9[%get3A_561, %get3A_562, %get3A_563] {strides = array<i32>} : memref<2x128x128xf32, #tpu.memory_space<vmem>>, vector<16xf32>,
        %mul3A_565 = arith.mulf %get3A_559, %get3A_564 : vector<16xf32>
        %swap3A_566 = arith.index_cast %add3A_556 : i32 to index
        %swap3A_567 = arith.constant 0 : index
        %swap3A_568 = tpu.vector_load %arg10[%swap3A_566, %swap3A_567] {strides = array<i32>} : memref<512x32xf32, #tpu.memory_space<vmem>>, vector<16xf32>,
        tpu.vector_store %arg10[%swap3A_566, %swap3A_567], %mul3A_565 {strides = array<i32>} : memref<512x32xf32, #tpu.memory_space<vmem>>, vector<16xf32>,
        %get3A_569 = arith.index_cast %add3A_556 : i32 to index
        %get3A_570 = arith.constant 16 : index
        %get3A_571 = tpu.vector_load %arg10[%get3A_569, %get3A_570] {strides = array<i32>} : memref<512x32xf32, #tpu.memory_space<vmem>>, vector<16xf32>,
        %add3A_572 = arith.constant 16 : i32
        %add3A_573 = arith.addi %squeeze3A_551, %add3A_572 : i32
        %get3A_574 = arith.constant 1 : i32
        %get3A_575 = arith.index_cast %get3A_574 : i32 to index
        %get3A_576 = arith.index_cast %add3A_555 : i32 to index
        %get3A_577 = arith.index_cast %add3A_573 : i32 to index
        %get3A_578 = tpu.vector_load %arg9[%get3A_575, %get3A_576, %get3A_577] {strides = array<i32>} : memref<2x128x128xf32, #tpu.memory_space<vmem>>, vector<16xf32>,
        %mul3A_579 = arith.mulf %get3A_571, %get3A_578 : vector<16xf32>
        %swap3A_580 = arith.index_cast %add3A_556 : i32 to index
        %swap3A_581 = arith.constant 16 : index
        %swap3A_582 = tpu.vector_load %arg10[%swap3A_580, %swap3A_581] {strides = array<i32>} : memref<512x32xf32, #tpu.memory_space<vmem>>, vector<16xf32>,
        tpu.vector_store %arg10[%swap3A_580, %swap3A_581], %mul3A_579 {strides = array<i32>} : memref<512x32xf32, #tpu.memory_space<vmem>>, vector<16xf32>,
        %slice3A_583 = vector.extract_strided_slice %get3A_156 {offsets = [13], sizes = [1], strides = [1]} : vector<16xi32> to vector<1xi32>
        %squeeze3A_584 = vector.extract %slice3A_583[0] : i32 from vector<1xi32>
        %mul3A_585 = arith.constant 16 : i32
        %mul3A_586 = arith.muli %scan3A_150, %mul3A_585 : i32
        %add3A_587 = arith.constant 13 : i32
        %add3A_588 = arith.addi %mul3A_586, %add3A_587 : i32
        %add3A_589 = arith.addi %mul3A_134, %add3A_588 : i32
        %get3A_590 = arith.index_cast %add3A_589 : i32 to index
        %get3A_591 = arith.constant 0 : index
        %get3A_592 = tpu.vector_load %arg10[%get3A_590, %get3A_591] {strides = array<i32>} : memref<512x32xf32, #tpu.memory_space<vmem>>, vector<16xf32>,
        %get3A_593 = arith.constant 1 : i32
        %get3A_594 = arith.index_cast %get3A_593 : i32 to index
        %get3A_595 = arith.index_cast %add3A_588 : i32 to index
        %get3A_596 = arith.index_cast %squeeze3A_584 : i32 to index
        %get3A_597 = tpu.vector_load %arg9[%get3A_594, %get3A_595, %get3A_596] {strides = array<i32>} : memref<2x128x128xf32, #tpu.memory_space<vmem>>, vector<16xf32>,
        %mul3A_598 = arith.mulf %get3A_592, %get3A_597 : vector<16xf32>
        %swap3A_599 = arith.index_cast %add3A_589 : i32 to index
        %swap3A_600 = arith.constant 0 : index
        %swap3A_601 = tpu.vector_load %arg10[%swap3A_599, %swap3A_600] {strides = array<i32>} : memref<512x32xf32, #tpu.memory_space<vmem>>, vector<16xf32>,
        tpu.vector_store %arg10[%swap3A_599, %swap3A_600], %mul3A_598 {strides = array<i32>} : memref<512x32xf32, #tpu.memory_space<vmem>>, vector<16xf32>,
        %get3A_602 = arith.index_cast %add3A_589 : i32 to index
        %get3A_603 = arith.constant 16 : index
        %get3A_604 = tpu.vector_load %arg10[%get3A_602, %get3A_603] {strides = array<i32>} : memref<512x32xf32, #tpu.memory_space<vmem>>, vector<16xf32>,
        %add3A_605 = arith.constant 16 : i32
        %add3A_606 = arith.addi %squeeze3A_584, %add3A_605 : i32
        %get3A_607 = arith.constant 1 : i32
        %get3A_608 = arith.index_cast %get3A_607 : i32 to index
        %get3A_609 = arith.index_cast %add3A_588 : i32 to index
        %get3A_610 = arith.index_cast %add3A_606 : i32 to index
        %get3A_611 = tpu.vector_load %arg9[%get3A_608, %get3A_609, %get3A_610] {strides = array<i32>} : memref<2x128x128xf32, #tpu.memory_space<vmem>>, vector<16xf32>,
        %mul3A_612 = arith.mulf %get3A_604, %get3A_611 : vector<16xf32>
        %swap3A_613 = arith.index_cast %add3A_589 : i32 to index
        %swap3A_614 = arith.constant 16 : index
        %swap3A_615 = tpu.vector_load %arg10[%swap3A_613, %swap3A_614] {strides = array<i32>} : memref<512x32xf32, #tpu.memory_space<vmem>>, vector<16xf32>,
        tpu.vector_store %arg10[%swap3A_613, %swap3A_614], %mul3A_612 {strides = array<i32>} : memref<512x32xf32, #tpu.memory_space<vmem>>, vector<16xf32>,
        %slice3A_616 = vector.extract_strided_slice %get3A_156 {offsets = [14], sizes = [1], strides = [1]} : vector<16xi32> to vector<1xi32>
        %squeeze3A_617 = vector.extract %slice3A_616[0] : i32 from vector<1xi32>
        %mul3A_618 = arith.constant 16 : i32
        %mul3A_619 = arith.muli %scan3A_150, %mul3A_618 : i32
        %add3A_620 = arith.constant 14 : i32
        %add3A_621 = arith.addi %mul3A_619, %add3A_620 : i32
        %add3A_622 = arith.addi %mul3A_134, %add3A_621 : i32
        %get3A_623 = arith.index_cast %add3A_622 : i32 to index
        %get3A_624 = arith.constant 0 : index
        %get3A_625 = tpu.vector_load %arg10[%get3A_623, %get3A_624] {strides = array<i32>} : memref<512x32xf32, #tpu.memory_space<vmem>>, vector<16xf32>,
        %get3A_626 = arith.constant 1 : i32
        %get3A_627 = arith.index_cast %get3A_626 : i32 to index
        %get3A_628 = arith.index_cast %add3A_621 : i32 to index
        %get3A_629 = arith.index_cast %squeeze3A_617 : i32 to index
        %get3A_630 = tpu.vector_load %arg9[%get3A_627, %get3A_628, %get3A_629] {strides = array<i32>} : memref<2x128x128xf32, #tpu.memory_space<vmem>>, vector<16xf32>,
        %mul3A_631 = arith.mulf %get3A_625, %get3A_630 : vector<16xf32>
        %swap3A_632 = arith.index_cast %add3A_622 : i32 to index
        %swap3A_633 = arith.constant 0 : index
        %swap3A_634 = tpu.vector_load %arg10[%swap3A_632, %swap3A_633] {strides = array<i32>} : memref<512x32xf32, #tpu.memory_space<vmem>>, vector<16xf32>,
        tpu.vector_store %arg10[%swap3A_632, %swap3A_633], %mul3A_631 {strides = array<i32>} : memref<512x32xf32, #tpu.memory_space<vmem>>, vector<16xf32>,
        %get3A_635 = arith.index_cast %add3A_622 : i32 to index
        %get3A_636 = arith.constant 16 : index
        %get3A_637 = tpu.vector_load %arg10[%get3A_635, %get3A_636] {strides = array<i32>} : memref<512x32xf32, #tpu.memory_space<vmem>>, vector<16xf32>,
        %add3A_638 = arith.constant 16 : i32
        %add3A_639 = arith.addi %squeeze3A_617, %add3A_638 : i32
        %get3A_640 = arith.constant 1 : i32
        %get3A_641 = arith.index_cast %get3A_640 : i32 to index
        %get3A_642 = arith.index_cast %add3A_621 : i32 to index
        %get3A_643 = arith.index_cast %add3A_639 : i32 to index
        %get3A_644 = tpu.vector_load %arg9[%get3A_641, %get3A_642, %get3A_643] {strides = array<i32>} : memref<2x128x128xf32, #tpu.memory_space<vmem>>, vector<16xf32>,
        %mul3A_645 = arith.mulf %get3A_637, %get3A_644 : vector<16xf32>
        %swap3A_646 = arith.index_cast %add3A_622 : i32 to index
        %swap3A_647 = arith.constant 16 : index
        %swap3A_648 = tpu.vector_load %arg10[%swap3A_646, %swap3A_647] {strides = array<i32>} : memref<512x32xf32, #tpu.memory_space<vmem>>, vector<16xf32>,
        tpu.vector_store %arg10[%swap3A_646, %swap3A_647], %mul3A_645 {strides = array<i32>} : memref<512x32xf32, #tpu.memory_space<vmem>>, vector<16xf32>,
        %slice3A_649 = vector.extract_strided_slice %get3A_156 {offsets = [15], sizes = [1], strides = [1]} : vector<16xi32> to vector<1xi32>
        %squeeze3A_650 = vector.extract %slice3A_649[0] : i32 from vector<1xi32>
        %mul3A_651 = arith.constant 16 : i32
        %mul3A_652 = arith.muli %scan3A_150, %mul3A_651 : i32
        %add3A_653 = arith.constant 15 : i32
        %add3A_654 = arith.addi %mul3A_652, %add3A_653 : i32
        %add3A_655 = arith.addi %mul3A_134, %add3A_654 : i32
        %get3A_656 = arith.index_cast %add3A_655 : i32 to index
        %get3A_657 = arith.constant 0 : index
        %get3A_658 = tpu.vector_load %arg10[%get3A_656, %get3A_657] {strides = array<i32>} : memref<512x32xf32, #tpu.memory_space<vmem>>, vector<16xf32>,
        %get3A_659 = arith.constant 1 : i32
        %get3A_660 = arith.index_cast %get3A_659 : i32 to index
        %get3A_661 = arith.index_cast %add3A_654 : i32 to index
        %get3A_662 = arith.index_cast %squeeze3A_650 : i32 to index
        %get3A_663 = tpu.vector_load %arg9[%get3A_660, %get3A_661, %get3A_662] {strides = array<i32>} : memref<2x128x128xf32, #tpu.memory_space<vmem>>, vector<16xf32>,
        %mul3A_664 = arith.mulf %get3A_658, %get3A_663 : vector<16xf32>
        %swap3A_665 = arith.index_cast %add3A_655 : i32 to index
        %swap3A_666 = arith.constant 0 : index
        %swap3A_667 = tpu.vector_load %arg10[%swap3A_665, %swap3A_666] {strides = array<i32>} : memref<512x32xf32, #tpu.memory_space<vmem>>, vector<16xf32>,
        tpu.vector_store %arg10[%swap3A_665, %swap3A_666], %mul3A_664 {strides = array<i32>} : memref<512x32xf32, #tpu.memory_space<vmem>>, vector<16xf32>,
        %get3A_668 = arith.index_cast %add3A_655 : i32 to index
        %get3A_669 = arith.constant 16 : index
        %get3A_670 = tpu.vector_load %arg10[%get3A_668, %get3A_669] {strides = array<i32>} : memref<512x32xf32, #tpu.memory_space<vmem>>, vector<16xf32>,
        %add3A_671 = arith.constant 16 : i32
        %add3A_672 = arith.addi %squeeze3A_650, %add3A_671 : i32
        %get3A_673 = arith.constant 1 : i32
        %get3A_674 = arith.index_cast %get3A_673 : i32 to index
        %get3A_675 = arith.index_cast %add3A_654 : i32 to index
        %get3A_676 = arith.index_cast %add3A_672 : i32 to index
        %get3A_677 = tpu.vector_load %arg9[%get3A_674, %get3A_675, %get3A_676] {strides = array<i32>} : memref<2x128x128xf32, #tpu.memory_space<vmem>>, vector<16xf32>,
        %mul3A_678 = arith.mulf %get3A_670, %get3A_677 : vector<16xf32>
        %swap3A_679 = arith.index_cast %add3A_655 : i32 to index
        %swap3A_680 = arith.constant 16 : index
        %swap3A_681 = tpu.vector_load %arg10[%swap3A_679, %swap3A_680] {strides = array<i32>} : memref<512x32xf32, #tpu.memory_space<vmem>>, vector<16xf32>,
        tpu.vector_store %arg10[%swap3A_679, %swap3A_680], %mul3A_678 {strides = array<i32>} : memref<512x32xf32, #tpu.memory_space<vmem>>, vector<16xf32>,
        %scan3A_682 = arith.constant 0 : i32
        scf.yield %scan3A_682 : i32
      }
      %scan3A_141 = arith.constant 8 : i32
      %add3A_142 = arith.constant 2 : i32
      %add3A_143 = arith.addi %add3A_104, %add3A_142 : i32
      %lt3A_144 = arith.constant 80 : i32
      %lt3A_145 = arith.cmpi slt, %add3A_143, %lt3A_144 : i32
      %convert_element_type3A_146 = arith.extui %lt3A_145 : i1 to i32
      %cond3A_147 = arith.constant 0 : i32
      %cond3A_148 = arith.cmpi ne, %convert_element_type3A_146, %cond3A_147 : i32
      scf.if %cond3A_148 {
        %add3A_150 = arith.constant 2 : i32
        %add3A_151 = arith.addi %add3A_104, %add3A_150 : i32
        %dma_start3A_152 = arith.constant 1 : i32
        %dma_start3A_153 = arith.constant 0 : i32
        %dma_start3A_154 = arith.constant 0 : i32
        %dma_start3A_155 = tpu.memref_slice %arg9[%dma_start3A_152, %dma_start3A_153, %dma_start3A_154] : memref<2x128x128xf32, #tpu.memory_space<vmem>> -> memref<1x128x128xf32, #tpu.memory_space<vmem>>
        %dma_start3A_156 = tpu.memref_squeeze %dma_start3A_155 : memref<1x128x128xf32, #tpu.memory_space<vmem>> -> memref<128x128xf32, #tpu.memory_space<vmem>>
        %dma_start3A_157 = arith.constant 0 : i32
        %dma_start3A_158 = tpu.memref_slice %arg7[%add3A_151, %dma_start3A_157] : memref<80x128xi32, #tpu.memory_space<vmem>> -> memref<1x128xi32, #tpu.memory_space<vmem>>
        %dma_start3A_159 = tpu.memref_squeeze %dma_start3A_158 : memref<1x128xi32, #tpu.memory_space<vmem>> -> memref<128xi32, #tpu.memory_space<vmem>>
        %dma_start3A_160 = arith.constant 0 : i32
        %dma_start3A_161 = arith.constant 0 : i32
        %dma_start3A_162 = tpu.memref_slice %arg2[%dma_start3A_160, %dma_start3A_161] : memref<573440x128xf32, #tpu.memory_space<hbm>> -> memref<573440x128xf32, #tpu.memory_space<hbm>>
        tpu.enqueue_indirect_dma source(%dma_start3A_162 : memref<573440x128xf32, #tpu.memory_space<hbm>>) target(%dma_start3A_156 : memref<128x128xf32, #tpu.memory_space<vmem>>) offsets(%dma_start3A_159 : memref<128xi32, #tpu.memory_space<vmem>>) semaphore(%arg14 : memref<!tpu.dma_semaphore, #tpu.memory_space<semaphore_mem>>)
      } else {
      }
      %scan3A_149 = arith.constant 0 : i32
      scf.yield %scan3A_149 : i32
    }
    %scan3A_51 = arith.constant 40 : i32
    %iota3A = tpu.iota {dimensions = array<i32: 0>} : vector<16xi32>
    %scan3A_52 = arith.constant 0 : i32
    %scan3A_53 = arith.constant 0 : i32
    %scan3A_54 = arith.constant 32 : i32
    %scan3A_55 = arith.addi %scan3A_53, %scan3A_54 : i32
    %scan3A_56 = arith.constant 1 : i32
    %scan3A_57 = scf.for %scan3A_61 = %scan3A_53 to %scan3A_55 step %scan3A_56 iter_args(%scan3A_62 = %scan3A_52) -> (i32)  : i32 {
      %mul3A_63 = arith.constant 16 : i32
      %mul3A_64 = arith.muli %scan3A_61, %mul3A_63 : i32
      %add3A_65 = vector.broadcast %mul3A_64 : i32 to vector<16xi32>
      %add3A_66 = arith.addi %add3A_65, %iota3A : vector<16xi32>
      %broadcast_in_dim3A = arith.constant 0 : i32
      %broadcast_in_dim3A_67 = vector.broadcast %broadcast_in_dim3A : i32 to vector<16xi32>
      %gather3A = tpu.vector_load_idx %arg10[%add3A_66, %broadcast_in_dim3A_67] : memref<512x32xf32, #tpu.memory_space<vmem>>[vector<16xi32>, vector<16xi32>], vector<16xf32>,
      %add3A_68 = arith.addf %get3A_15, %gather3A : vector<16xf32>
      %broadcast_in_dim3A_69 = arith.constant 1 : i32
      %broadcast_in_dim3A_70 = vector.broadcast %broadcast_in_dim3A_69 : i32 to vector<16xi32>
      %gather3A_71 = tpu.vector_load_idx %arg10[%add3A_66, %broadcast_in_dim3A_70] : memref<512x32xf32, #tpu.memory_space<vmem>>[vector<16xi32>, vector<16xi32>], vector<16xf32>,
      %add3A_72 = arith.addf %add3A_68, %gather3A_71 : vector<16xf32>
      %broadcast_in_dim3A_73 = arith.constant 2 : i32
      %broadcast_in_dim3A_74 = vector.broadcast %broadcast_in_dim3A_73 : i32 to vector<16xi32>
      %gather3A_75 = tpu.vector_load_idx %arg10[%add3A_66, %broadcast_in_dim3A_74] : memref<512x32xf32, #tpu.memory_space<vmem>>[vector<16xi32>, vector<16xi32>], vector<16xf32>,
      %add3A_76 = arith.addf %add3A_72, %gather3A_75 : vector<16xf32>
      %broadcast_in_dim3A_77 = arith.constant 3 : i32
      %broadcast_in_dim3A_78 = vector.broadcast %broadcast_in_dim3A_77 : i32 to vector<16xi32>
      %gather3A_79 = tpu.vector_load_idx %arg10[%add3A_66, %broadcast_in_dim3A_78] : memref<512x32xf32, #tpu.memory_space<vmem>>[vector<16xi32>, vector<16xi32>], vector<16xf32>,
      %add3A_80 = arith.addf %add3A_76, %gather3A_79 : vector<16xf32>
      %broadcast_in_dim3A_81 = arith.constant 4 : i32
      %broadcast_in_dim3A_82 = vector.broadcast %broadcast_in_dim3A_81 : i32 to vector<16xi32>
      %gather3A_83 = tpu.vector_load_idx %arg10[%add3A_66, %broadcast_in_dim3A_82] : memref<512x32xf32, #tpu.memory_space<vmem>>[vector<16xi32>, vector<16xi32>], vector<16xf32>,
      %add3A_84 = arith.addf %add3A_80, %gather3A_83 : vector<16xf32>
      %broadcast_in_dim3A_85 = arith.constant 5 : i32
      %broadcast_in_dim3A_86 = vector.broadcast %broadcast_in_dim3A_85 : i32 to vector<16xi32>
      %gather3A_87 = tpu.vector_load_idx %arg10[%add3A_66, %broadcast_in_dim3A_86] : memref<512x32xf32, #tpu.memory_space<vmem>>[vector<16xi32>, vector<16xi32>], vector<16xf32>,
      %add3A_88 = arith.addf %add3A_84, %gather3A_87 : vector<16xf32>
      %broadcast_in_dim3A_89 = arith.constant 6 : i32
      %broadcast_in_dim3A_90 = vector.broadcast %broadcast_in_dim3A_89 : i32 to vector<16xi32>
      %gather3A_91 = tpu.vector_load_idx %arg10[%add3A_66, %broadcast_in_dim3A_90] : memref<512x32xf32, #tpu.memory_space<vmem>>[vector<16xi32>, vector<16xi32>], vector<16xf32>,
      %add3A_92 = arith.addf %add3A_88, %gather3A_91 : vector<16xf32>
      %broadcast_in_dim3A_93 = arith.constant 7 : i32
      %broadcast_in_dim3A_94 = vector.broadcast %broadcast_in_dim3A_93 : i32 to vector<16xi32>
      %gather3A_95 = tpu.vector_load_idx %arg10[%add3A_66, %broadcast_in_dim3A_94] : memref<512x32xf32, #tpu.memory_space<vmem>>[vector<16xi32>, vector<16xi32>], vector<16xf32>,
      %add3A_96 = arith.addf %add3A_92, %gather3A_95 : vector<16xf32>
      %broadcast_in_dim3A_97 = arith.constant 8 : i32
      %broadcast_in_dim3A_98 = vector.broadcast %broadcast_in_dim3A_97 : i32 to vector<16xi32>
      %gather3A_99 = tpu.vector_load_idx %arg10[%add3A_66, %broadcast_in_dim3A_98] : memref<512x32xf32, #tpu.memory_space<vmem>>[vector<16xi32>, vector<16xi32>], vector<16xf32>,
      %add3A_100 = arith.addf %add3A_96, %gather3A_99 : vector<16xf32>
      %broadcast_in_dim3A_101 = arith.constant 9 : i32
      %broadcast_in_dim3A_102 = vector.broadcast %broadcast_in_dim3A_101 : i32 to vector<16xi32>
      %gather3A_103 = tpu.vector_load_idx %arg10[%add3A_66, %broadcast_in_dim3A_102] : memref<512x32xf32, #tpu.memory_space<vmem>>[vector<16xi32>, vector<16xi32>], vector<16xf32>,
      %add3A_104 = arith.addf %add3A_100, %gather3A_103 : vector<16xf32>
      %broadcast_in_dim3A_105 = arith.constant 10 : i32
      %broadcast_in_dim3A_106 = vector.broadcast %broadcast_in_dim3A_105 : i32 to vector<16xi32>
      %gather3A_107 = tpu.vector_load_idx %arg10[%add3A_66, %broadcast_in_dim3A_106] : memref<512x32xf32, #tpu.memory_space<vmem>>[vector<16xi32>, vector<16xi32>], vector<16xf32>,
      %add3A_108 = arith.addf %add3A_104, %gather3A_107 : vector<16xf32>
      %broadcast_in_dim3A_109 = arith.constant 11 : i32
      %broadcast_in_dim3A_110 = vector.broadcast %broadcast_in_dim3A_109 : i32 to vector<16xi32>
      %gather3A_111 = tpu.vector_load_idx %arg10[%add3A_66, %broadcast_in_dim3A_110] : memref<512x32xf32, #tpu.memory_space<vmem>>[vector<16xi32>, vector<16xi32>], vector<16xf32>,
      %add3A_112 = arith.addf %add3A_108, %gather3A_111 : vector<16xf32>
      %broadcast_in_dim3A_113 = arith.constant 12 : i32
      %broadcast_in_dim3A_114 = vector.broadcast %broadcast_in_dim3A_113 : i32 to vector<16xi32>
      %gather3A_115 = tpu.vector_load_idx %arg10[%add3A_66, %broadcast_in_dim3A_114] : memref<512x32xf32, #tpu.memory_space<vmem>>[vector<16xi32>, vector<16xi32>], vector<16xf32>,
      %add3A_116 = arith.addf %add3A_112, %gather3A_115 : vector<16xf32>
      %broadcast_in_dim3A_117 = arith.constant 13 : i32
      %broadcast_in_dim3A_118 = vector.broadcast %broadcast_in_dim3A_117 : i32 to vector<16xi32>
      %gather3A_119 = tpu.vector_load_idx %arg10[%add3A_66, %broadcast_in_dim3A_118] : memref<512x32xf32, #tpu.memory_space<vmem>>[vector<16xi32>, vector<16xi32>], vector<16xf32>,
      %add3A_120 = arith.addf %add3A_116, %gather3A_119 : vector<16xf32>
      %broadcast_in_dim3A_121 = arith.constant 14 : i32
      %broadcast_in_dim3A_122 = vector.broadcast %broadcast_in_dim3A_121 : i32 to vector<16xi32>
      %gather3A_123 = tpu.vector_load_idx %arg10[%add3A_66, %broadcast_in_dim3A_122] : memref<512x32xf32, #tpu.memory_space<vmem>>[vector<16xi32>, vector<16xi32>], vector<16xf32>,
      %add3A_124 = arith.addf %add3A_120, %gather3A_123 : vector<16xf32>
      %broadcast_in_dim3A_125 = arith.constant 15 : i32
      %broadcast_in_dim3A_126 = vector.broadcast %broadcast_in_dim3A_125 : i32 to vector<16xi32>
      %gather3A_127 = tpu.vector_load_idx %arg10[%add3A_66, %broadcast_in_dim3A_126] : memref<512x32xf32, #tpu.memory_space<vmem>>[vector<16xi32>, vector<16xi32>], vector<16xf32>,
      %add3A_128 = arith.addf %add3A_124, %gather3A_127 : vector<16xf32>
      %broadcast_in_dim3A_129 = arith.constant 16 : i32
      %broadcast_in_dim3A_130 = vector.broadcast %broadcast_in_dim3A_129 : i32 to vector<16xi32>
      %gather3A_131 = tpu.vector_load_idx %arg10[%add3A_66, %broadcast_in_dim3A_130] : memref<512x32xf32, #tpu.memory_space<vmem>>[vector<16xi32>, vector<16xi32>], vector<16xf32>,
      %add3A_132 = arith.addf %add3A_128, %gather3A_131 : vector<16xf32>
      %broadcast_in_dim3A_133 = arith.constant 17 : i32
      %broadcast_in_dim3A_134 = vector.broadcast %broadcast_in_dim3A_133 : i32 to vector<16xi32>
      %gather3A_135 = tpu.vector_load_idx %arg10[%add3A_66, %broadcast_in_dim3A_134] : memref<512x32xf32, #tpu.memory_space<vmem>>[vector<16xi32>, vector<16xi32>], vector<16xf32>,
      %add3A_136 = arith.addf %add3A_132, %gather3A_135 : vector<16xf32>
      %broadcast_in_dim3A_137 = arith.constant 18 : i32
      %broadcast_in_dim3A_138 = vector.broadcast %broadcast_in_dim3A_137 : i32 to vector<16xi32>
      %gather3A_139 = tpu.vector_load_idx %arg10[%add3A_66, %broadcast_in_dim3A_138] : memref<512x32xf32, #tpu.memory_space<vmem>>[vector<16xi32>, vector<16xi32>], vector<16xf32>,
      %add3A_140 = arith.addf %add3A_136, %gather3A_139 : vector<16xf32>
      %broadcast_in_dim3A_141 = arith.constant 19 : i32
      %broadcast_in_dim3A_142 = vector.broadcast %broadcast_in_dim3A_141 : i32 to vector<16xi32>
      %gather3A_143 = tpu.vector_load_idx %arg10[%add3A_66, %broadcast_in_dim3A_142] : memref<512x32xf32, #tpu.memory_space<vmem>>[vector<16xi32>, vector<16xi32>], vector<16xf32>,
      %add3A_144 = arith.addf %add3A_140, %gather3A_143 : vector<16xf32>
      %broadcast_in_dim3A_145 = arith.constant 20 : i32
      %broadcast_in_dim3A_146 = vector.broadcast %broadcast_in_dim3A_145 : i32 to vector<16xi32>
      %gather3A_147 = tpu.vector_load_idx %arg10[%add3A_66, %broadcast_in_dim3A_146] : memref<512x32xf32, #tpu.memory_space<vmem>>[vector<16xi32>, vector<16xi32>], vector<16xf32>,
      %add3A_148 = arith.addf %add3A_144, %gather3A_147 : vector<16xf32>
      %broadcast_in_dim3A_149 = arith.constant 21 : i32
      %broadcast_in_dim3A_150 = vector.broadcast %broadcast_in_dim3A_149 : i32 to vector<16xi32>
      %gather3A_151 = tpu.vector_load_idx %arg10[%add3A_66, %broadcast_in_dim3A_150] : memref<512x32xf32, #tpu.memory_space<vmem>>[vector<16xi32>, vector<16xi32>], vector<16xf32>,
      %add3A_152 = arith.addf %add3A_148, %gather3A_151 : vector<16xf32>
      %broadcast_in_dim3A_153 = arith.constant 22 : i32
      %broadcast_in_dim3A_154 = vector.broadcast %broadcast_in_dim3A_153 : i32 to vector<16xi32>
      %gather3A_155 = tpu.vector_load_idx %arg10[%add3A_66, %broadcast_in_dim3A_154] : memref<512x32xf32, #tpu.memory_space<vmem>>[vector<16xi32>, vector<16xi32>], vector<16xf32>,
      %add3A_156 = arith.addf %add3A_152, %gather3A_155 : vector<16xf32>
      %broadcast_in_dim3A_157 = arith.constant 23 : i32
      %broadcast_in_dim3A_158 = vector.broadcast %broadcast_in_dim3A_157 : i32 to vector<16xi32>
      %gather3A_159 = tpu.vector_load_idx %arg10[%add3A_66, %broadcast_in_dim3A_158] : memref<512x32xf32, #tpu.memory_space<vmem>>[vector<16xi32>, vector<16xi32>], vector<16xf32>,
      %add3A_160 = arith.addf %add3A_156, %gather3A_159 : vector<16xf32>
      %broadcast_in_dim3A_161 = arith.constant 24 : i32
      %broadcast_in_dim3A_162 = vector.broadcast %broadcast_in_dim3A_161 : i32 to vector<16xi32>
      %gather3A_163 = tpu.vector_load_idx %arg10[%add3A_66, %broadcast_in_dim3A_162] : memref<512x32xf32, #tpu.memory_space<vmem>>[vector<16xi32>, vector<16xi32>], vector<16xf32>,
      %add3A_164 = arith.addf %add3A_160, %gather3A_163 : vector<16xf32>
      %broadcast_in_dim3A_165 = arith.constant 25 : i32
      %broadcast_in_dim3A_166 = vector.broadcast %broadcast_in_dim3A_165 : i32 to vector<16xi32>
      %gather3A_167 = tpu.vector_load_idx %arg10[%add3A_66, %broadcast_in_dim3A_166] : memref<512x32xf32, #tpu.memory_space<vmem>>[vector<16xi32>, vector<16xi32>], vector<16xf32>,
      %add3A_168 = arith.addf %add3A_164, %gather3A_167 : vector<16xf32>
      %broadcast_in_dim3A_169 = arith.constant 26 : i32
      %broadcast_in_dim3A_170 = vector.broadcast %broadcast_in_dim3A_169 : i32 to vector<16xi32>
      %gather3A_171 = tpu.vector_load_idx %arg10[%add3A_66, %broadcast_in_dim3A_170] : memref<512x32xf32, #tpu.memory_space<vmem>>[vector<16xi32>, vector<16xi32>], vector<16xf32>,
      %add3A_172 = arith.addf %add3A_168, %gather3A_171 : vector<16xf32>
      %broadcast_in_dim3A_173 = arith.constant 27 : i32
      %broadcast_in_dim3A_174 = vector.broadcast %broadcast_in_dim3A_173 : i32 to vector<16xi32>
      %gather3A_175 = tpu.vector_load_idx %arg10[%add3A_66, %broadcast_in_dim3A_174] : memref<512x32xf32, #tpu.memory_space<vmem>>[vector<16xi32>, vector<16xi32>], vector<16xf32>,
      %add3A_176 = arith.addf %add3A_172, %gather3A_175 : vector<16xf32>
      %broadcast_in_dim3A_177 = arith.constant 28 : i32
      %broadcast_in_dim3A_178 = vector.broadcast %broadcast_in_dim3A_177 : i32 to vector<16xi32>
      %gather3A_179 = tpu.vector_load_idx %arg10[%add3A_66, %broadcast_in_dim3A_178] : memref<512x32xf32, #tpu.memory_space<vmem>>[vector<16xi32>, vector<16xi32>], vector<16xf32>,
      %add3A_180 = arith.addf %add3A_176, %gather3A_179 : vector<16xf32>
      %broadcast_in_dim3A_181 = arith.constant 29 : i32
      %broadcast_in_dim3A_182 = vector.broadcast %broadcast_in_dim3A_181 : i32 to vector<16xi32>
      %gather3A_183 = tpu.vector_load_idx %arg10[%add3A_66, %broadcast_in_dim3A_182] : memref<512x32xf32, #tpu.memory_space<vmem>>[vector<16xi32>, vector<16xi32>], vector<16xf32>,
      %add3A_184 = arith.addf %add3A_180, %gather3A_183 : vector<16xf32>
      %broadcast_in_dim3A_185 = arith.constant 30 : i32
      %broadcast_in_dim3A_186 = vector.broadcast %broadcast_in_dim3A_185 : i32 to vector<16xi32>
      %gather3A_187 = tpu.vector_load_idx %arg10[%add3A_66, %broadcast_in_dim3A_186] : memref<512x32xf32, #tpu.memory_space<vmem>>[vector<16xi32>, vector<16xi32>], vector<16xf32>,
      %add3A_188 = arith.addf %add3A_184, %gather3A_187 : vector<16xf32>
      %broadcast_in_dim3A_189 = arith.constant 31 : i32
      %broadcast_in_dim3A_190 = vector.broadcast %broadcast_in_dim3A_189 : i32 to vector<16xi32>
      %gather3A_191 = tpu.vector_load_idx %arg10[%add3A_66, %broadcast_in_dim3A_190] : memref<512x32xf32, #tpu.memory_space<vmem>>[vector<16xi32>, vector<16xi32>], vector<16xf32>,
      %add3A_192 = arith.addf %add3A_188, %gather3A_191 : vector<16xf32>
      %mul3A_193 = arith.constant 16 : i32
      %mul3A_194 = arith.muli %scan3A_61, %mul3A_193 : i32
      %swap3A = arith.index_cast %mul3A_194 : i32 to index
      %swap3A_195 = tpu.vector_load %arg11[%swap3A] {strides = array<i32>} : memref<512xf32, #tpu.memory_space<vmem>>, vector<16xf32>,
      tpu.vector_store %arg11[%swap3A], %add3A_192 {strides = array<i32>} : memref<512xf32, #tpu.memory_space<vmem>>, vector<16xf32>,
      %scan3A_196 = arith.constant 0 : i32
      scf.yield %scan3A_196 : i32
    }
    %scan3A_58 = arith.constant 32 : i32
    %mul3A_59 = arith.constant 512 : i32
    %mul3A_60 = arith.muli %add3A, %mul3A_59 : i32
    "tpu.region"() ({
      %run_scoped3A = tpu.sem_alloc : memref<!tpu.dma_semaphore, #tpu.memory_space<semaphore_mem>>
      %dma_start3A_61 = tpu.memref_slice %arg6[%mul3A_60] : memref<16384xf32, #tpu.memory_space<hbm>> -> memref<512xf32, #tpu.memory_space<hbm>>
      %dma_start3A_62 = tpu.memref_slice %arg6[%mul3A_60] : memref<16384xf32, #tpu.memory_space<hbm>> -> memref<512xf32, #tpu.memory_space<hbm>>
      tpu.enqueue_dma source(%arg11 : memref<512xf32, #tpu.memory_space<vmem>>) target(%dma_start3A_62 : memref<512xf32, #tpu.memory_space<hbm>>) target_semaphore(%run_scoped3A : memref<!tpu.dma_semaphore, #tpu.memory_space<semaphore_mem>>)
      %dma_wait3A = tpu.memref_slice %arg6[%mul3A_60] : memref<16384xf32, #tpu.memory_space<hbm>> -> memref<512xf32, #tpu.memory_space<hbm>>
      %dma_wait3A_63 = tpu.memref_slice %arg6[%mul3A_60] : memref<16384xf32, #tpu.memory_space<hbm>> -> memref<512xf32, #tpu.memory_space<hbm>>
      tpu.wait_dma2 semaphore(%run_scoped3A : memref<!tpu.dma_semaphore, #tpu.memory_space<semaphore_mem>>) src(%arg11 : memref<512xf32, #tpu.memory_space<vmem>>) dst(%dma_wait3A_63 : memref<512xf32, #tpu.memory_space<hbm>>)
      tpu.yield
    }) : () -> ()
    return
  }
}

module attributes {stable_mosaic.version = 14 : i64} {
  func.func @body(%arg0: i32, %arg1: i32, %arg2: memref<1x32x16384xf32, #tpu.memory_space<vmem>>, %arg3: memref<1x4096x128xf32, #tpu.memory_space<vmem>>) attributes {dimension_semantics = [#tpu.dimension_semantics<arbitrary>, #tpu.dimension_semantics<arbitrary>], iteration_bounds = array<i64: 20, 7>, scalar_prefetch = 0 : i64, scratch_operands = 0 : i64, tpu.core_type = #tpu.core_type<tc>, window_params = [{transform_indices = @transform_0, window_bounds = array<i64: 1, 32, 16384>}, {transform_indices = @transform_1, window_bounds = array<i64: 1, 4096, 128>}]} {
    %get3A = arith.constant 0 : index
    %get3A_0 = arith.constant 0 : index
    %get3A_1 = arith.constant 0 : index
    %get3A_2 = vector.load %arg2[%get3A, %get3A_0, %get3A_1] : memref<1x32x16384xf32, #tpu.memory_space<vmem>>, vector<1x32x16384xf32>
    %get3A_3 = vector.shape_cast %get3A_2 : vector<1x32x16384xf32> to vector<32x16384xf32>
    %slice3A = vector.extract_strided_slice %get3A_3 {offsets = [0, 0], sizes = [32, 128], strides = [1, 1]} : vector<32x16384xf32> to vector<32x128xf32>
    %transpose3A = tpu.transpose %slice3A, [1, 0] : vector<32x128xf32> -> vector<128x32xf32>
    %swap3A = arith.constant 0 : index
    %swap3A_4 = arith.constant 0 : index
    %swap3A_5 = arith.constant 0 : index
    %swap3A_6 = vector.load %arg3[%swap3A, %swap3A_4, %swap3A_5] : memref<1x4096x128xf32, #tpu.memory_space<vmem>>, vector<1x128x32xf32>
    %swap3A_7 = vector.shape_cast %swap3A_6 : vector<1x128x32xf32> to vector<128x32xf32>
    %swap3A_8 = vector.shape_cast %transpose3A : vector<128x32xf32> to vector<1x128x32xf32>
    tpu.vector_store %arg3[%swap3A, %swap3A_4, %swap3A_5], %swap3A_8 {strides = array<i32>} : memref<1x4096x128xf32, #tpu.memory_space<vmem>>, vector<1x128x32xf32>,
    %slice3A_9 = vector.extract_strided_slice %get3A_3 {offsets = [0, 128], sizes = [32, 128], strides = [1, 1]} : vector<32x16384xf32> to vector<32x128xf32>
    %transpose3A_10 = tpu.transpose %slice3A_9, [1, 0] : vector<32x128xf32> -> vector<128x32xf32>
    %swap3A_11 = arith.constant 0 : index
    %swap3A_12 = arith.constant 0 : index
    %swap3A_13 = arith.constant 32 : index
    %swap3A_14 = vector.load %arg3[%swap3A_11, %swap3A_12, %swap3A_13] : memref<1x4096x128xf32, #tpu.memory_space<vmem>>, vector<1x128x32xf32>
    %swap3A_15 = vector.shape_cast %swap3A_14 : vector<1x128x32xf32> to vector<128x32xf32>
    %swap3A_16 = vector.shape_cast %transpose3A_10 : vector<128x32xf32> to vector<1x128x32xf32>
    tpu.vector_store %arg3[%swap3A_11, %swap3A_12, %swap3A_13], %swap3A_16 {strides = array<i32>} : memref<1x4096x128xf32, #tpu.memory_space<vmem>>, vector<1x128x32xf32>,
    %slice3A_17 = vector.extract_strided_slice %get3A_3 {offsets = [0, 256], sizes = [32, 128], strides = [1, 1]} : vector<32x16384xf32> to vector<32x128xf32>
    %transpose3A_18 = tpu.transpose %slice3A_17, [1, 0] : vector<32x128xf32> -> vector<128x32xf32>
    %swap3A_19 = arith.constant 0 : index
    %swap3A_20 = arith.constant 0 : index
    %swap3A_21 = arith.constant 64 : index
    %swap3A_22 = vector.load %arg3[%swap3A_19, %swap3A_20, %swap3A_21] : memref<1x4096x128xf32, #tpu.memory_space<vmem>>, vector<1x128x32xf32>
    %swap3A_23 = vector.shape_cast %swap3A_22 : vector<1x128x32xf32> to vector<128x32xf32>
    %swap3A_24 = vector.shape_cast %transpose3A_18 : vector<128x32xf32> to vector<1x128x32xf32>
    tpu.vector_store %arg3[%swap3A_19, %swap3A_20, %swap3A_21], %swap3A_24 {strides = array<i32>} : memref<1x4096x128xf32, #tpu.memory_space<vmem>>, vector<1x128x32xf32>,
    %slice3A_25 = vector.extract_strided_slice %get3A_3 {offsets = [0, 384], sizes = [32, 128], strides = [1, 1]} : vector<32x16384xf32> to vector<32x128xf32>
    %transpose3A_26 = tpu.transpose %slice3A_25, [1, 0] : vector<32x128xf32> -> vector<128x32xf32>
    %swap3A_27 = arith.constant 0 : index
    %swap3A_28 = arith.constant 0 : index
    %swap3A_29 = arith.constant 96 : index
    %swap3A_30 = vector.load %arg3[%swap3A_27, %swap3A_28, %swap3A_29] : memref<1x4096x128xf32, #tpu.memory_space<vmem>>, vector<1x128x32xf32>
    %swap3A_31 = vector.shape_cast %swap3A_30 : vector<1x128x32xf32> to vector<128x32xf32>
    %swap3A_32 = vector.shape_cast %transpose3A_26 : vector<128x32xf32> to vector<1x128x32xf32>
    tpu.vector_store %arg3[%swap3A_27, %swap3A_28, %swap3A_29], %swap3A_32 {strides = array<i32>} : memref<1x4096x128xf32, #tpu.memory_space<vmem>>, vector<1x128x32xf32>,
    %slice3A_33 = vector.extract_strided_slice %get3A_3 {offsets = [0, 512], sizes = [32, 128], strides = [1, 1]} : vector<32x16384xf32> to vector<32x128xf32>
    %transpose3A_34 = tpu.transpose %slice3A_33, [1, 0] : vector<32x128xf32> -> vector<128x32xf32>
    %swap3A_35 = arith.constant 0 : index
    %swap3A_36 = arith.constant 128 : index
    %swap3A_37 = arith.constant 0 : index
    %swap3A_38 = vector.load %arg3[%swap3A_35, %swap3A_36, %swap3A_37] : memref<1x4096x128xf32, #tpu.memory_space<vmem>>, vector<1x128x32xf32>
    %swap3A_39 = vector.shape_cast %swap3A_38 : vector<1x128x32xf32> to vector<128x32xf32>
    %swap3A_40 = vector.shape_cast %transpose3A_34 : vector<128x32xf32> to vector<1x128x32xf32>
    tpu.vector_store %arg3[%swap3A_35, %swap3A_36, %swap3A_37], %swap3A_40 {strides = array<i32>} : memref<1x4096x128xf32, #tpu.memory_space<vmem>>, vector<1x128x32xf32>,
    %slice3A_41 = vector.extract_strided_slice %get3A_3 {offsets = [0, 640], sizes = [32, 128], strides = [1, 1]} : vector<32x16384xf32> to vector<32x128xf32>
    %transpose3A_42 = tpu.transpose %slice3A_41, [1, 0] : vector<32x128xf32> -> vector<128x32xf32>
    %swap3A_43 = arith.constant 0 : index
    %swap3A_44 = arith.constant 128 : index
    %swap3A_45 = arith.constant 32 : index
    %swap3A_46 = vector.load %arg3[%swap3A_43, %swap3A_44, %swap3A_45] : memref<1x4096x128xf32, #tpu.memory_space<vmem>>, vector<1x128x32xf32>
    %swap3A_47 = vector.shape_cast %swap3A_46 : vector<1x128x32xf32> to vector<128x32xf32>
    %swap3A_48 = vector.shape_cast %transpose3A_42 : vector<128x32xf32> to vector<1x128x32xf32>
    tpu.vector_store %arg3[%swap3A_43, %swap3A_44, %swap3A_45], %swap3A_48 {strides = array<i32>} : memref<1x4096x128xf32, #tpu.memory_space<vmem>>, vector<1x128x32xf32>,
    %slice3A_49 = vector.extract_strided_slice %get3A_3 {offsets = [0, 768], sizes = [32, 128], strides = [1, 1]} : vector<32x16384xf32> to vector<32x128xf32>
    %transpose3A_50 = tpu.transpose %slice3A_49, [1, 0] : vector<32x128xf32> -> vector<128x32xf32>
    %swap3A_51 = arith.constant 0 : index
    %swap3A_52 = arith.constant 128 : index
    %swap3A_53 = arith.constant 64 : index
    %swap3A_54 = vector.load %arg3[%swap3A_51, %swap3A_52, %swap3A_53] : memref<1x4096x128xf32, #tpu.memory_space<vmem>>, vector<1x128x32xf32>
    %swap3A_55 = vector.shape_cast %swap3A_54 : vector<1x128x32xf32> to vector<128x32xf32>
    %swap3A_56 = vector.shape_cast %transpose3A_50 : vector<128x32xf32> to vector<1x128x32xf32>
    tpu.vector_store %arg3[%swap3A_51, %swap3A_52, %swap3A_53], %swap3A_56 {strides = array<i32>} : memref<1x4096x128xf32, #tpu.memory_space<vmem>>, vector<1x128x32xf32>,
    %slice3A_57 = vector.extract_strided_slice %get3A_3 {offsets = [0, 896], sizes = [32, 128], strides = [1, 1]} : vector<32x16384xf32> to vector<32x128xf32>
    %transpose3A_58 = tpu.transpose %slice3A_57, [1, 0] : vector<32x128xf32> -> vector<128x32xf32>
    %swap3A_59 = arith.constant 0 : index
    %swap3A_60 = arith.constant 128 : index
    %swap3A_61 = arith.constant 96 : index
    %swap3A_62 = vector.load %arg3[%swap3A_59, %swap3A_60, %swap3A_61] : memref<1x4096x128xf32, #tpu.memory_space<vmem>>, vector<1x128x32xf32>
    %swap3A_63 = vector.shape_cast %swap3A_62 : vector<1x128x32xf32> to vector<128x32xf32>
    %swap3A_64 = vector.shape_cast %transpose3A_58 : vector<128x32xf32> to vector<1x128x32xf32>
    tpu.vector_store %arg3[%swap3A_59, %swap3A_60, %swap3A_61], %swap3A_64 {strides = array<i32>} : memref<1x4096x128xf32, #tpu.memory_space<vmem>>, vector<1x128x32xf32>,
    %slice3A_65 = vector.extract_strided_slice %get3A_3 {offsets = [0, 1024], sizes = [32, 128], strides = [1, 1]} : vector<32x16384xf32> to vector<32x128xf32>
    %transpose3A_66 = tpu.transpose %slice3A_65, [1, 0] : vector<32x128xf32> -> vector<128x32xf32>
    %swap3A_67 = arith.constant 0 : index
    %swap3A_68 = arith.constant 256 : index
    %swap3A_69 = arith.constant 0 : index
    %swap3A_70 = vector.load %arg3[%swap3A_67, %swap3A_68, %swap3A_69] : memref<1x4096x128xf32, #tpu.memory_space<vmem>>, vector<1x128x32xf32>
    %swap3A_71 = vector.shape_cast %swap3A_70 : vector<1x128x32xf32> to vector<128x32xf32>
    %swap3A_72 = vector.shape_cast %transpose3A_66 : vector<128x32xf32> to vector<1x128x32xf32>
    tpu.vector_store %arg3[%swap3A_67, %swap3A_68, %swap3A_69], %swap3A_72 {strides = array<i32>} : memref<1x4096x128xf32, #tpu.memory_space<vmem>>, vector<1x128x32xf32>,
    %slice3A_73 = vector.extract_strided_slice %get3A_3 {offsets = [0, 1152], sizes = [32, 128], strides = [1, 1]} : vector<32x16384xf32> to vector<32x128xf32>
    %transpose3A_74 = tpu.transpose %slice3A_73, [1, 0] : vector<32x128xf32> -> vector<128x32xf32>
    %swap3A_75 = arith.constant 0 : index
    %swap3A_76 = arith.constant 256 : index
    %swap3A_77 = arith.constant 32 : index
    %swap3A_78 = vector.load %arg3[%swap3A_75, %swap3A_76, %swap3A_77] : memref<1x4096x128xf32, #tpu.memory_space<vmem>>, vector<1x128x32xf32>
    %swap3A_79 = vector.shape_cast %swap3A_78 : vector<1x128x32xf32> to vector<128x32xf32>
    %swap3A_80 = vector.shape_cast %transpose3A_74 : vector<128x32xf32> to vector<1x128x32xf32>
    tpu.vector_store %arg3[%swap3A_75, %swap3A_76, %swap3A_77], %swap3A_80 {strides = array<i32>} : memref<1x4096x128xf32, #tpu.memory_space<vmem>>, vector<1x128x32xf32>,
    %slice3A_81 = vector.extract_strided_slice %get3A_3 {offsets = [0, 1280], sizes = [32, 128], strides = [1, 1]} : vector<32x16384xf32> to vector<32x128xf32>
    %transpose3A_82 = tpu.transpose %slice3A_81, [1, 0] : vector<32x128xf32> -> vector<128x32xf32>
    %swap3A_83 = arith.constant 0 : index
    %swap3A_84 = arith.constant 256 : index
    %swap3A_85 = arith.constant 64 : index
    %swap3A_86 = vector.load %arg3[%swap3A_83, %swap3A_84, %swap3A_85] : memref<1x4096x128xf32, #tpu.memory_space<vmem>>, vector<1x128x32xf32>
    %swap3A_87 = vector.shape_cast %swap3A_86 : vector<1x128x32xf32> to vector<128x32xf32>
    %swap3A_88 = vector.shape_cast %transpose3A_82 : vector<128x32xf32> to vector<1x128x32xf32>
    tpu.vector_store %arg3[%swap3A_83, %swap3A_84, %swap3A_85], %swap3A_88 {strides = array<i32>} : memref<1x4096x128xf32, #tpu.memory_space<vmem>>, vector<1x128x32xf32>,
    %slice3A_89 = vector.extract_strided_slice %get3A_3 {offsets = [0, 1408], sizes = [32, 128], strides = [1, 1]} : vector<32x16384xf32> to vector<32x128xf32>
    %transpose3A_90 = tpu.transpose %slice3A_89, [1, 0] : vector<32x128xf32> -> vector<128x32xf32>
    %swap3A_91 = arith.constant 0 : index
    %swap3A_92 = arith.constant 256 : index
    %swap3A_93 = arith.constant 96 : index
    %swap3A_94 = vector.load %arg3[%swap3A_91, %swap3A_92, %swap3A_93] : memref<1x4096x128xf32, #tpu.memory_space<vmem>>, vector<1x128x32xf32>
    %swap3A_95 = vector.shape_cast %swap3A_94 : vector<1x128x32xf32> to vector<128x32xf32>
    %swap3A_96 = vector.shape_cast %transpose3A_90 : vector<128x32xf32> to vector<1x128x32xf32>
    tpu.vector_store %arg3[%swap3A_91, %swap3A_92, %swap3A_93], %swap3A_96 {strides = array<i32>} : memref<1x4096x128xf32, #tpu.memory_space<vmem>>, vector<1x128x32xf32>,
    %slice3A_97 = vector.extract_strided_slice %get3A_3 {offsets = [0, 1536], sizes = [32, 128], strides = [1, 1]} : vector<32x16384xf32> to vector<32x128xf32>
    %transpose3A_98 = tpu.transpose %slice3A_97, [1, 0] : vector<32x128xf32> -> vector<128x32xf32>
    %swap3A_99 = arith.constant 0 : index
    %swap3A_100 = arith.constant 384 : index
    %swap3A_101 = arith.constant 0 : index
    %swap3A_102 = vector.load %arg3[%swap3A_99, %swap3A_100, %swap3A_101] : memref<1x4096x128xf32, #tpu.memory_space<vmem>>, vector<1x128x32xf32>
    %swap3A_103 = vector.shape_cast %swap3A_102 : vector<1x128x32xf32> to vector<128x32xf32>
    %swap3A_104 = vector.shape_cast %transpose3A_98 : vector<128x32xf32> to vector<1x128x32xf32>
    tpu.vector_store %arg3[%swap3A_99, %swap3A_100, %swap3A_101], %swap3A_104 {strides = array<i32>} : memref<1x4096x128xf32, #tpu.memory_space<vmem>>, vector<1x128x32xf32>,
    %slice3A_105 = vector.extract_strided_slice %get3A_3 {offsets = [0, 1664], sizes = [32, 128], strides = [1, 1]} : vector<32x16384xf32> to vector<32x128xf32>
    %transpose3A_106 = tpu.transpose %slice3A_105, [1, 0] : vector<32x128xf32> -> vector<128x32xf32>
    %swap3A_107 = arith.constant 0 : index
    %swap3A_108 = arith.constant 384 : index
    %swap3A_109 = arith.constant 32 : index
    %swap3A_110 = vector.load %arg3[%swap3A_107, %swap3A_108, %swap3A_109] : memref<1x4096x128xf32, #tpu.memory_space<vmem>>, vector<1x128x32xf32>
    %swap3A_111 = vector.shape_cast %swap3A_110 : vector<1x128x32xf32> to vector<128x32xf32>
    %swap3A_112 = vector.shape_cast %transpose3A_106 : vector<128x32xf32> to vector<1x128x32xf32>
    tpu.vector_store %arg3[%swap3A_107, %swap3A_108, %swap3A_109], %swap3A_112 {strides = array<i32>} : memref<1x4096x128xf32, #tpu.memory_space<vmem>>, vector<1x128x32xf32>,
    %slice3A_113 = vector.extract_strided_slice %get3A_3 {offsets = [0, 1792], sizes = [32, 128], strides = [1, 1]} : vector<32x16384xf32> to vector<32x128xf32>
    %transpose3A_114 = tpu.transpose %slice3A_113, [1, 0] : vector<32x128xf32> -> vector<128x32xf32>
    %swap3A_115 = arith.constant 0 : index
    %swap3A_116 = arith.constant 384 : index
    %swap3A_117 = arith.constant 64 : index
    %swap3A_118 = vector.load %arg3[%swap3A_115, %swap3A_116, %swap3A_117] : memref<1x4096x128xf32, #tpu.memory_space<vmem>>, vector<1x128x32xf32>
    %swap3A_119 = vector.shape_cast %swap3A_118 : vector<1x128x32xf32> to vector<128x32xf32>
    %swap3A_120 = vector.shape_cast %transpose3A_114 : vector<128x32xf32> to vector<1x128x32xf32>
    tpu.vector_store %arg3[%swap3A_115, %swap3A_116, %swap3A_117], %swap3A_120 {strides = array<i32>} : memref<1x4096x128xf32, #tpu.memory_space<vmem>>, vector<1x128x32xf32>,
    %slice3A_121 = vector.extract_strided_slice %get3A_3 {offsets = [0, 1920], sizes = [32, 128], strides = [1, 1]} : vector<32x16384xf32> to vector<32x128xf32>
    %transpose3A_122 = tpu.transpose %slice3A_121, [1, 0] : vector<32x128xf32> -> vector<128x32xf32>
    %swap3A_123 = arith.constant 0 : index
    %swap3A_124 = arith.constant 384 : index
    %swap3A_125 = arith.constant 96 : index
    %swap3A_126 = vector.load %arg3[%swap3A_123, %swap3A_124, %swap3A_125] : memref<1x4096x128xf32, #tpu.memory_space<vmem>>, vector<1x128x32xf32>
    %swap3A_127 = vector.shape_cast %swap3A_126 : vector<1x128x32xf32> to vector<128x32xf32>
    %swap3A_128 = vector.shape_cast %transpose3A_122 : vector<128x32xf32> to vector<1x128x32xf32>
    tpu.vector_store %arg3[%swap3A_123, %swap3A_124, %swap3A_125], %swap3A_128 {strides = array<i32>} : memref<1x4096x128xf32, #tpu.memory_space<vmem>>, vector<1x128x32xf32>,
    %slice3A_129 = vector.extract_strided_slice %get3A_3 {offsets = [0, 2048], sizes = [32, 128], strides = [1, 1]} : vector<32x16384xf32> to vector<32x128xf32>
    %transpose3A_130 = tpu.transpose %slice3A_129, [1, 0] : vector<32x128xf32> -> vector<128x32xf32>
    %swap3A_131 = arith.constant 0 : index
    %swap3A_132 = arith.constant 512 : index
    %swap3A_133 = arith.constant 0 : index
    %swap3A_134 = vector.load %arg3[%swap3A_131, %swap3A_132, %swap3A_133] : memref<1x4096x128xf32, #tpu.memory_space<vmem>>, vector<1x128x32xf32>
    %swap3A_135 = vector.shape_cast %swap3A_134 : vector<1x128x32xf32> to vector<128x32xf32>
    %swap3A_136 = vector.shape_cast %transpose3A_130 : vector<128x32xf32> to vector<1x128x32xf32>
    tpu.vector_store %arg3[%swap3A_131, %swap3A_132, %swap3A_133], %swap3A_136 {strides = array<i32>} : memref<1x4096x128xf32, #tpu.memory_space<vmem>>, vector<1x128x32xf32>,
    %slice3A_137 = vector.extract_strided_slice %get3A_3 {offsets = [0, 2176], sizes = [32, 128], strides = [1, 1]} : vector<32x16384xf32> to vector<32x128xf32>
    %transpose3A_138 = tpu.transpose %slice3A_137, [1, 0] : vector<32x128xf32> -> vector<128x32xf32>
    %swap3A_139 = arith.constant 0 : index
    %swap3A_140 = arith.constant 512 : index
    %swap3A_141 = arith.constant 32 : index
    %swap3A_142 = vector.load %arg3[%swap3A_139, %swap3A_140, %swap3A_141] : memref<1x4096x128xf32, #tpu.memory_space<vmem>>, vector<1x128x32xf32>
    %swap3A_143 = vector.shape_cast %swap3A_142 : vector<1x128x32xf32> to vector<128x32xf32>
    %swap3A_144 = vector.shape_cast %transpose3A_138 : vector<128x32xf32> to vector<1x128x32xf32>
    tpu.vector_store %arg3[%swap3A_139, %swap3A_140, %swap3A_141], %swap3A_144 {strides = array<i32>} : memref<1x4096x128xf32, #tpu.memory_space<vmem>>, vector<1x128x32xf32>,
    %slice3A_145 = vector.extract_strided_slice %get3A_3 {offsets = [0, 2304], sizes = [32, 128], strides = [1, 1]} : vector<32x16384xf32> to vector<32x128xf32>
    %transpose3A_146 = tpu.transpose %slice3A_145, [1, 0] : vector<32x128xf32> -> vector<128x32xf32>
    %swap3A_147 = arith.constant 0 : index
    %swap3A_148 = arith.constant 512 : index
    %swap3A_149 = arith.constant 64 : index
    %swap3A_150 = vector.load %arg3[%swap3A_147, %swap3A_148, %swap3A_149] : memref<1x4096x128xf32, #tpu.memory_space<vmem>>, vector<1x128x32xf32>
    %swap3A_151 = vector.shape_cast %swap3A_150 : vector<1x128x32xf32> to vector<128x32xf32>
    %swap3A_152 = vector.shape_cast %transpose3A_146 : vector<128x32xf32> to vector<1x128x32xf32>
    tpu.vector_store %arg3[%swap3A_147, %swap3A_148, %swap3A_149], %swap3A_152 {strides = array<i32>} : memref<1x4096x128xf32, #tpu.memory_space<vmem>>, vector<1x128x32xf32>,
    %slice3A_153 = vector.extract_strided_slice %get3A_3 {offsets = [0, 2432], sizes = [32, 128], strides = [1, 1]} : vector<32x16384xf32> to vector<32x128xf32>
    %transpose3A_154 = tpu.transpose %slice3A_153, [1, 0] : vector<32x128xf32> -> vector<128x32xf32>
    %swap3A_155 = arith.constant 0 : index
    %swap3A_156 = arith.constant 512 : index
    %swap3A_157 = arith.constant 96 : index
    %swap3A_158 = vector.load %arg3[%swap3A_155, %swap3A_156, %swap3A_157] : memref<1x4096x128xf32, #tpu.memory_space<vmem>>, vector<1x128x32xf32>
    %swap3A_159 = vector.shape_cast %swap3A_158 : vector<1x128x32xf32> to vector<128x32xf32>
    %swap3A_160 = vector.shape_cast %transpose3A_154 : vector<128x32xf32> to vector<1x128x32xf32>
    tpu.vector_store %arg3[%swap3A_155, %swap3A_156, %swap3A_157], %swap3A_160 {strides = array<i32>} : memref<1x4096x128xf32, #tpu.memory_space<vmem>>, vector<1x128x32xf32>,
    %slice3A_161 = vector.extract_strided_slice %get3A_3 {offsets = [0, 2560], sizes = [32, 128], strides = [1, 1]} : vector<32x16384xf32> to vector<32x128xf32>
    %transpose3A_162 = tpu.transpose %slice3A_161, [1, 0] : vector<32x128xf32> -> vector<128x32xf32>
    %swap3A_163 = arith.constant 0 : index
    %swap3A_164 = arith.constant 640 : index
    %swap3A_165 = arith.constant 0 : index
    %swap3A_166 = vector.load %arg3[%swap3A_163, %swap3A_164, %swap3A_165] : memref<1x4096x128xf32, #tpu.memory_space<vmem>>, vector<1x128x32xf32>
    %swap3A_167 = vector.shape_cast %swap3A_166 : vector<1x128x32xf32> to vector<128x32xf32>
    %swap3A_168 = vector.shape_cast %transpose3A_162 : vector<128x32xf32> to vector<1x128x32xf32>
    tpu.vector_store %arg3[%swap3A_163, %swap3A_164, %swap3A_165], %swap3A_168 {strides = array<i32>} : memref<1x4096x128xf32, #tpu.memory_space<vmem>>, vector<1x128x32xf32>,
    %slice3A_169 = vector.extract_strided_slice %get3A_3 {offsets = [0, 2688], sizes = [32, 128], strides = [1, 1]} : vector<32x16384xf32> to vector<32x128xf32>
    %transpose3A_170 = tpu.transpose %slice3A_169, [1, 0] : vector<32x128xf32> -> vector<128x32xf32>
    %swap3A_171 = arith.constant 0 : index
    %swap3A_172 = arith.constant 640 : index
    %swap3A_173 = arith.constant 32 : index
    %swap3A_174 = vector.load %arg3[%swap3A_171, %swap3A_172, %swap3A_173] : memref<1x4096x128xf32, #tpu.memory_space<vmem>>, vector<1x128x32xf32>
    %swap3A_175 = vector.shape_cast %swap3A_174 : vector<1x128x32xf32> to vector<128x32xf32>
    %swap3A_176 = vector.shape_cast %transpose3A_170 : vector<128x32xf32> to vector<1x128x32xf32>
    tpu.vector_store %arg3[%swap3A_171, %swap3A_172, %swap3A_173], %swap3A_176 {strides = array<i32>} : memref<1x4096x128xf32, #tpu.memory_space<vmem>>, vector<1x128x32xf32>,
    %slice3A_177 = vector.extract_strided_slice %get3A_3 {offsets = [0, 2816], sizes = [32, 128], strides = [1, 1]} : vector<32x16384xf32> to vector<32x128xf32>
    %transpose3A_178 = tpu.transpose %slice3A_177, [1, 0] : vector<32x128xf32> -> vector<128x32xf32>
    %swap3A_179 = arith.constant 0 : index
    %swap3A_180 = arith.constant 640 : index
    %swap3A_181 = arith.constant 64 : index
    %swap3A_182 = vector.load %arg3[%swap3A_179, %swap3A_180, %swap3A_181] : memref<1x4096x128xf32, #tpu.memory_space<vmem>>, vector<1x128x32xf32>
    %swap3A_183 = vector.shape_cast %swap3A_182 : vector<1x128x32xf32> to vector<128x32xf32>
    %swap3A_184 = vector.shape_cast %transpose3A_178 : vector<128x32xf32> to vector<1x128x32xf32>
    tpu.vector_store %arg3[%swap3A_179, %swap3A_180, %swap3A_181], %swap3A_184 {strides = array<i32>} : memref<1x4096x128xf32, #tpu.memory_space<vmem>>, vector<1x128x32xf32>,
    %slice3A_185 = vector.extract_strided_slice %get3A_3 {offsets = [0, 2944], sizes = [32, 128], strides = [1, 1]} : vector<32x16384xf32> to vector<32x128xf32>
    %transpose3A_186 = tpu.transpose %slice3A_185, [1, 0] : vector<32x128xf32> -> vector<128x32xf32>
    %swap3A_187 = arith.constant 0 : index
    %swap3A_188 = arith.constant 640 : index
    %swap3A_189 = arith.constant 96 : index
    %swap3A_190 = vector.load %arg3[%swap3A_187, %swap3A_188, %swap3A_189] : memref<1x4096x128xf32, #tpu.memory_space<vmem>>, vector<1x128x32xf32>
    %swap3A_191 = vector.shape_cast %swap3A_190 : vector<1x128x32xf32> to vector<128x32xf32>
    %swap3A_192 = vector.shape_cast %transpose3A_186 : vector<128x32xf32> to vector<1x128x32xf32>
    tpu.vector_store %arg3[%swap3A_187, %swap3A_188, %swap3A_189], %swap3A_192 {strides = array<i32>} : memref<1x4096x128xf32, #tpu.memory_space<vmem>>, vector<1x128x32xf32>,
    %slice3A_193 = vector.extract_strided_slice %get3A_3 {offsets = [0, 3072], sizes = [32, 128], strides = [1, 1]} : vector<32x16384xf32> to vector<32x128xf32>
    %transpose3A_194 = tpu.transpose %slice3A_193, [1, 0] : vector<32x128xf32> -> vector<128x32xf32>
    %swap3A_195 = arith.constant 0 : index
    %swap3A_196 = arith.constant 768 : index
    %swap3A_197 = arith.constant 0 : index
    %swap3A_198 = vector.load %arg3[%swap3A_195, %swap3A_196, %swap3A_197] : memref<1x4096x128xf32, #tpu.memory_space<vmem>>, vector<1x128x32xf32>
    %swap3A_199 = vector.shape_cast %swap3A_198 : vector<1x128x32xf32> to vector<128x32xf32>
    %swap3A_200 = vector.shape_cast %transpose3A_194 : vector<128x32xf32> to vector<1x128x32xf32>
    tpu.vector_store %arg3[%swap3A_195, %swap3A_196, %swap3A_197], %swap3A_200 {strides = array<i32>} : memref<1x4096x128xf32, #tpu.memory_space<vmem>>, vector<1x128x32xf32>,
    %slice3A_201 = vector.extract_strided_slice %get3A_3 {offsets = [0, 3200], sizes = [32, 128], strides = [1, 1]} : vector<32x16384xf32> to vector<32x128xf32>
    %transpose3A_202 = tpu.transpose %slice3A_201, [1, 0] : vector<32x128xf32> -> vector<128x32xf32>
    %swap3A_203 = arith.constant 0 : index
    %swap3A_204 = arith.constant 768 : index
    %swap3A_205 = arith.constant 32 : index
    %swap3A_206 = vector.load %arg3[%swap3A_203, %swap3A_204, %swap3A_205] : memref<1x4096x128xf32, #tpu.memory_space<vmem>>, vector<1x128x32xf32>
    %swap3A_207 = vector.shape_cast %swap3A_206 : vector<1x128x32xf32> to vector<128x32xf32>
    %swap3A_208 = vector.shape_cast %transpose3A_202 : vector<128x32xf32> to vector<1x128x32xf32>
    tpu.vector_store %arg3[%swap3A_203, %swap3A_204, %swap3A_205], %swap3A_208 {strides = array<i32>} : memref<1x4096x128xf32, #tpu.memory_space<vmem>>, vector<1x128x32xf32>,
    %slice3A_209 = vector.extract_strided_slice %get3A_3 {offsets = [0, 3328], sizes = [32, 128], strides = [1, 1]} : vector<32x16384xf32> to vector<32x128xf32>
    %transpose3A_210 = tpu.transpose %slice3A_209, [1, 0] : vector<32x128xf32> -> vector<128x32xf32>
    %swap3A_211 = arith.constant 0 : index
    %swap3A_212 = arith.constant 768 : index
    %swap3A_213 = arith.constant 64 : index
    %swap3A_214 = vector.load %arg3[%swap3A_211, %swap3A_212, %swap3A_213] : memref<1x4096x128xf32, #tpu.memory_space<vmem>>, vector<1x128x32xf32>
    %swap3A_215 = vector.shape_cast %swap3A_214 : vector<1x128x32xf32> to vector<128x32xf32>
    %swap3A_216 = vector.shape_cast %transpose3A_210 : vector<128x32xf32> to vector<1x128x32xf32>
    tpu.vector_store %arg3[%swap3A_211, %swap3A_212, %swap3A_213], %swap3A_216 {strides = array<i32>} : memref<1x4096x128xf32, #tpu.memory_space<vmem>>, vector<1x128x32xf32>,
    %slice3A_217 = vector.extract_strided_slice %get3A_3 {offsets = [0, 3456], sizes = [32, 128], strides = [1, 1]} : vector<32x16384xf32> to vector<32x128xf32>
    %transpose3A_218 = tpu.transpose %slice3A_217, [1, 0] : vector<32x128xf32> -> vector<128x32xf32>
    %swap3A_219 = arith.constant 0 : index
    %swap3A_220 = arith.constant 768 : index
    %swap3A_221 = arith.constant 96 : index
    %swap3A_222 = vector.load %arg3[%swap3A_219, %swap3A_220, %swap3A_221] : memref<1x4096x128xf32, #tpu.memory_space<vmem>>, vector<1x128x32xf32>
    %swap3A_223 = vector.shape_cast %swap3A_222 : vector<1x128x32xf32> to vector<128x32xf32>
    %swap3A_224 = vector.shape_cast %transpose3A_218 : vector<128x32xf32> to vector<1x128x32xf32>
    tpu.vector_store %arg3[%swap3A_219, %swap3A_220, %swap3A_221], %swap3A_224 {strides = array<i32>} : memref<1x4096x128xf32, #tpu.memory_space<vmem>>, vector<1x128x32xf32>,
    %slice3A_225 = vector.extract_strided_slice %get3A_3 {offsets = [0, 3584], sizes = [32, 128], strides = [1, 1]} : vector<32x16384xf32> to vector<32x128xf32>
    %transpose3A_226 = tpu.transpose %slice3A_225, [1, 0] : vector<32x128xf32> -> vector<128x32xf32>
    %swap3A_227 = arith.constant 0 : index
    %swap3A_228 = arith.constant 896 : index
    %swap3A_229 = arith.constant 0 : index
    %swap3A_230 = vector.load %arg3[%swap3A_227, %swap3A_228, %swap3A_229] : memref<1x4096x128xf32, #tpu.memory_space<vmem>>, vector<1x128x32xf32>
    %swap3A_231 = vector.shape_cast %swap3A_230 : vector<1x128x32xf32> to vector<128x32xf32>
    %swap3A_232 = vector.shape_cast %transpose3A_226 : vector<128x32xf32> to vector<1x128x32xf32>
    tpu.vector_store %arg3[%swap3A_227, %swap3A_228, %swap3A_229], %swap3A_232 {strides = array<i32>} : memref<1x4096x128xf32, #tpu.memory_space<vmem>>, vector<1x128x32xf32>,
    %slice3A_233 = vector.extract_strided_slice %get3A_3 {offsets = [0, 3712], sizes = [32, 128], strides = [1, 1]} : vector<32x16384xf32> to vector<32x128xf32>
    %transpose3A_234 = tpu.transpose %slice3A_233, [1, 0] : vector<32x128xf32> -> vector<128x32xf32>
    %swap3A_235 = arith.constant 0 : index
    %swap3A_236 = arith.constant 896 : index
    %swap3A_237 = arith.constant 32 : index
    %swap3A_238 = vector.load %arg3[%swap3A_235, %swap3A_236, %swap3A_237] : memref<1x4096x128xf32, #tpu.memory_space<vmem>>, vector<1x128x32xf32>
    %swap3A_239 = vector.shape_cast %swap3A_238 : vector<1x128x32xf32> to vector<128x32xf32>
    %swap3A_240 = vector.shape_cast %transpose3A_234 : vector<128x32xf32> to vector<1x128x32xf32>
    tpu.vector_store %arg3[%swap3A_235, %swap3A_236, %swap3A_237], %swap3A_240 {strides = array<i32>} : memref<1x4096x128xf32, #tpu.memory_space<vmem>>, vector<1x128x32xf32>,
    %slice3A_241 = vector.extract_strided_slice %get3A_3 {offsets = [0, 3840], sizes = [32, 128], strides = [1, 1]} : vector<32x16384xf32> to vector<32x128xf32>
    %transpose3A_242 = tpu.transpose %slice3A_241, [1, 0] : vector<32x128xf32> -> vector<128x32xf32>
    %swap3A_243 = arith.constant 0 : index
    %swap3A_244 = arith.constant 896 : index
    %swap3A_245 = arith.constant 64 : index
    %swap3A_246 = vector.load %arg3[%swap3A_243, %swap3A_244, %swap3A_245] : memref<1x4096x128xf32, #tpu.memory_space<vmem>>, vector<1x128x32xf32>
    %swap3A_247 = vector.shape_cast %swap3A_246 : vector<1x128x32xf32> to vector<128x32xf32>
    %swap3A_248 = vector.shape_cast %transpose3A_242 : vector<128x32xf32> to vector<1x128x32xf32>
    tpu.vector_store %arg3[%swap3A_243, %swap3A_244, %swap3A_245], %swap3A_248 {strides = array<i32>} : memref<1x4096x128xf32, #tpu.memory_space<vmem>>, vector<1x128x32xf32>,
    %slice3A_249 = vector.extract_strided_slice %get3A_3 {offsets = [0, 3968], sizes = [32, 128], strides = [1, 1]} : vector<32x16384xf32> to vector<32x128xf32>
    %transpose3A_250 = tpu.transpose %slice3A_249, [1, 0] : vector<32x128xf32> -> vector<128x32xf32>
    %swap3A_251 = arith.constant 0 : index
    %swap3A_252 = arith.constant 896 : index
    %swap3A_253 = arith.constant 96 : index
    %swap3A_254 = vector.load %arg3[%swap3A_251, %swap3A_252, %swap3A_253] : memref<1x4096x128xf32, #tpu.memory_space<vmem>>, vector<1x128x32xf32>
    %swap3A_255 = vector.shape_cast %swap3A_254 : vector<1x128x32xf32> to vector<128x32xf32>
    %swap3A_256 = vector.shape_cast %transpose3A_250 : vector<128x32xf32> to vector<1x128x32xf32>
    tpu.vector_store %arg3[%swap3A_251, %swap3A_252, %swap3A_253], %swap3A_256 {strides = array<i32>} : memref<1x4096x128xf32, #tpu.memory_space<vmem>>, vector<1x128x32xf32>,
    %slice3A_257 = vector.extract_strided_slice %get3A_3 {offsets = [0, 4096], sizes = [32, 128], strides = [1, 1]} : vector<32x16384xf32> to vector<32x128xf32>
    %transpose3A_258 = tpu.transpose %slice3A_257, [1, 0] : vector<32x128xf32> -> vector<128x32xf32>
    %swap3A_259 = arith.constant 0 : index
    %swap3A_260 = arith.constant 1024 : index
    %swap3A_261 = arith.constant 0 : index
    %swap3A_262 = vector.load %arg3[%swap3A_259, %swap3A_260, %swap3A_261] : memref<1x4096x128xf32, #tpu.memory_space<vmem>>, vector<1x128x32xf32>
    %swap3A_263 = vector.shape_cast %swap3A_262 : vector<1x128x32xf32> to vector<128x32xf32>
    %swap3A_264 = vector.shape_cast %transpose3A_258 : vector<128x32xf32> to vector<1x128x32xf32>
    tpu.vector_store %arg3[%swap3A_259, %swap3A_260, %swap3A_261], %swap3A_264 {strides = array<i32>} : memref<1x4096x128xf32, #tpu.memory_space<vmem>>, vector<1x128x32xf32>,
    %slice3A_265 = vector.extract_strided_slice %get3A_3 {offsets = [0, 4224], sizes = [32, 128], strides = [1, 1]} : vector<32x16384xf32> to vector<32x128xf32>
    %transpose3A_266 = tpu.transpose %slice3A_265, [1, 0] : vector<32x128xf32> -> vector<128x32xf32>
    %swap3A_267 = arith.constant 0 : index
    %swap3A_268 = arith.constant 1024 : index
    %swap3A_269 = arith.constant 32 : index
    %swap3A_270 = vector.load %arg3[%swap3A_267, %swap3A_268, %swap3A_269] : memref<1x4096x128xf32, #tpu.memory_space<vmem>>, vector<1x128x32xf32>
    %swap3A_271 = vector.shape_cast %swap3A_270 : vector<1x128x32xf32> to vector<128x32xf32>
    %swap3A_272 = vector.shape_cast %transpose3A_266 : vector<128x32xf32> to vector<1x128x32xf32>
    tpu.vector_store %arg3[%swap3A_267, %swap3A_268, %swap3A_269], %swap3A_272 {strides = array<i32>} : memref<1x4096x128xf32, #tpu.memory_space<vmem>>, vector<1x128x32xf32>,
    %slice3A_273 = vector.extract_strided_slice %get3A_3 {offsets = [0, 4352], sizes = [32, 128], strides = [1, 1]} : vector<32x16384xf32> to vector<32x128xf32>
    %transpose3A_274 = tpu.transpose %slice3A_273, [1, 0] : vector<32x128xf32> -> vector<128x32xf32>
    %swap3A_275 = arith.constant 0 : index
    %swap3A_276 = arith.constant 1024 : index
    %swap3A_277 = arith.constant 64 : index
    %swap3A_278 = vector.load %arg3[%swap3A_275, %swap3A_276, %swap3A_277] : memref<1x4096x128xf32, #tpu.memory_space<vmem>>, vector<1x128x32xf32>
    %swap3A_279 = vector.shape_cast %swap3A_278 : vector<1x128x32xf32> to vector<128x32xf32>
    %swap3A_280 = vector.shape_cast %transpose3A_274 : vector<128x32xf32> to vector<1x128x32xf32>
    tpu.vector_store %arg3[%swap3A_275, %swap3A_276, %swap3A_277], %swap3A_280 {strides = array<i32>} : memref<1x4096x128xf32, #tpu.memory_space<vmem>>, vector<1x128x32xf32>,
    %slice3A_281 = vector.extract_strided_slice %get3A_3 {offsets = [0, 4480], sizes = [32, 128], strides = [1, 1]} : vector<32x16384xf32> to vector<32x128xf32>
    %transpose3A_282 = tpu.transpose %slice3A_281, [1, 0] : vector<32x128xf32> -> vector<128x32xf32>
    %swap3A_283 = arith.constant 0 : index
    %swap3A_284 = arith.constant 1024 : index
    %swap3A_285 = arith.constant 96 : index
    %swap3A_286 = vector.load %arg3[%swap3A_283, %swap3A_284, %swap3A_285] : memref<1x4096x128xf32, #tpu.memory_space<vmem>>, vector<1x128x32xf32>
    %swap3A_287 = vector.shape_cast %swap3A_286 : vector<1x128x32xf32> to vector<128x32xf32>
    %swap3A_288 = vector.shape_cast %transpose3A_282 : vector<128x32xf32> to vector<1x128x32xf32>
    tpu.vector_store %arg3[%swap3A_283, %swap3A_284, %swap3A_285], %swap3A_288 {strides = array<i32>} : memref<1x4096x128xf32, #tpu.memory_space<vmem>>, vector<1x128x32xf32>,
    %slice3A_289 = vector.extract_strided_slice %get3A_3 {offsets = [0, 4608], sizes = [32, 128], strides = [1, 1]} : vector<32x16384xf32> to vector<32x128xf32>
    %transpose3A_290 = tpu.transpose %slice3A_289, [1, 0] : vector<32x128xf32> -> vector<128x32xf32>
    %swap3A_291 = arith.constant 0 : index
    %swap3A_292 = arith.constant 1152 : index
    %swap3A_293 = arith.constant 0 : index
    %swap3A_294 = vector.load %arg3[%swap3A_291, %swap3A_292, %swap3A_293] : memref<1x4096x128xf32, #tpu.memory_space<vmem>>, vector<1x128x32xf32>
    %swap3A_295 = vector.shape_cast %swap3A_294 : vector<1x128x32xf32> to vector<128x32xf32>
    %swap3A_296 = vector.shape_cast %transpose3A_290 : vector<128x32xf32> to vector<1x128x32xf32>
    tpu.vector_store %arg3[%swap3A_291, %swap3A_292, %swap3A_293], %swap3A_296 {strides = array<i32>} : memref<1x4096x128xf32, #tpu.memory_space<vmem>>, vector<1x128x32xf32>,
    %slice3A_297 = vector.extract_strided_slice %get3A_3 {offsets = [0, 4736], sizes = [32, 128], strides = [1, 1]} : vector<32x16384xf32> to vector<32x128xf32>
    %transpose3A_298 = tpu.transpose %slice3A_297, [1, 0] : vector<32x128xf32> -> vector<128x32xf32>
    %swap3A_299 = arith.constant 0 : index
    %swap3A_300 = arith.constant 1152 : index
    %swap3A_301 = arith.constant 32 : index
    %swap3A_302 = vector.load %arg3[%swap3A_299, %swap3A_300, %swap3A_301] : memref<1x4096x128xf32, #tpu.memory_space<vmem>>, vector<1x128x32xf32>
    %swap3A_303 = vector.shape_cast %swap3A_302 : vector<1x128x32xf32> to vector<128x32xf32>
    %swap3A_304 = vector.shape_cast %transpose3A_298 : vector<128x32xf32> to vector<1x128x32xf32>
    tpu.vector_store %arg3[%swap3A_299, %swap3A_300, %swap3A_301], %swap3A_304 {strides = array<i32>} : memref<1x4096x128xf32, #tpu.memory_space<vmem>>, vector<1x128x32xf32>,
    %slice3A_305 = vector.extract_strided_slice %get3A_3 {offsets = [0, 4864], sizes = [32, 128], strides = [1, 1]} : vector<32x16384xf32> to vector<32x128xf32>
    %transpose3A_306 = tpu.transpose %slice3A_305, [1, 0] : vector<32x128xf32> -> vector<128x32xf32>
    %swap3A_307 = arith.constant 0 : index
    %swap3A_308 = arith.constant 1152 : index
    %swap3A_309 = arith.constant 64 : index
    %swap3A_310 = vector.load %arg3[%swap3A_307, %swap3A_308, %swap3A_309] : memref<1x4096x128xf32, #tpu.memory_space<vmem>>, vector<1x128x32xf32>
    %swap3A_311 = vector.shape_cast %swap3A_310 : vector<1x128x32xf32> to vector<128x32xf32>
    %swap3A_312 = vector.shape_cast %transpose3A_306 : vector<128x32xf32> to vector<1x128x32xf32>
    tpu.vector_store %arg3[%swap3A_307, %swap3A_308, %swap3A_309], %swap3A_312 {strides = array<i32>} : memref<1x4096x128xf32, #tpu.memory_space<vmem>>, vector<1x128x32xf32>,
    %slice3A_313 = vector.extract_strided_slice %get3A_3 {offsets = [0, 4992], sizes = [32, 128], strides = [1, 1]} : vector<32x16384xf32> to vector<32x128xf32>
    %transpose3A_314 = tpu.transpose %slice3A_313, [1, 0] : vector<32x128xf32> -> vector<128x32xf32>
    %swap3A_315 = arith.constant 0 : index
    %swap3A_316 = arith.constant 1152 : index
    %swap3A_317 = arith.constant 96 : index
    %swap3A_318 = vector.load %arg3[%swap3A_315, %swap3A_316, %swap3A_317] : memref<1x4096x128xf32, #tpu.memory_space<vmem>>, vector<1x128x32xf32>
    %swap3A_319 = vector.shape_cast %swap3A_318 : vector<1x128x32xf32> to vector<128x32xf32>
    %swap3A_320 = vector.shape_cast %transpose3A_314 : vector<128x32xf32> to vector<1x128x32xf32>
    tpu.vector_store %arg3[%swap3A_315, %swap3A_316, %swap3A_317], %swap3A_320 {strides = array<i32>} : memref<1x4096x128xf32, #tpu.memory_space<vmem>>, vector<1x128x32xf32>,
    %slice3A_321 = vector.extract_strided_slice %get3A_3 {offsets = [0, 5120], sizes = [32, 128], strides = [1, 1]} : vector<32x16384xf32> to vector<32x128xf32>
    %transpose3A_322 = tpu.transpose %slice3A_321, [1, 0] : vector<32x128xf32> -> vector<128x32xf32>
    %swap3A_323 = arith.constant 0 : index
    %swap3A_324 = arith.constant 1280 : index
    %swap3A_325 = arith.constant 0 : index
    %swap3A_326 = vector.load %arg3[%swap3A_323, %swap3A_324, %swap3A_325] : memref<1x4096x128xf32, #tpu.memory_space<vmem>>, vector<1x128x32xf32>
    %swap3A_327 = vector.shape_cast %swap3A_326 : vector<1x128x32xf32> to vector<128x32xf32>
    %swap3A_328 = vector.shape_cast %transpose3A_322 : vector<128x32xf32> to vector<1x128x32xf32>
    tpu.vector_store %arg3[%swap3A_323, %swap3A_324, %swap3A_325], %swap3A_328 {strides = array<i32>} : memref<1x4096x128xf32, #tpu.memory_space<vmem>>, vector<1x128x32xf32>,
    %slice3A_329 = vector.extract_strided_slice %get3A_3 {offsets = [0, 5248], sizes = [32, 128], strides = [1, 1]} : vector<32x16384xf32> to vector<32x128xf32>
    %transpose3A_330 = tpu.transpose %slice3A_329, [1, 0] : vector<32x128xf32> -> vector<128x32xf32>
    %swap3A_331 = arith.constant 0 : index
    %swap3A_332 = arith.constant 1280 : index
    %swap3A_333 = arith.constant 32 : index
    %swap3A_334 = vector.load %arg3[%swap3A_331, %swap3A_332, %swap3A_333] : memref<1x4096x128xf32, #tpu.memory_space<vmem>>, vector<1x128x32xf32>
    %swap3A_335 = vector.shape_cast %swap3A_334 : vector<1x128x32xf32> to vector<128x32xf32>
    %swap3A_336 = vector.shape_cast %transpose3A_330 : vector<128x32xf32> to vector<1x128x32xf32>
    tpu.vector_store %arg3[%swap3A_331, %swap3A_332, %swap3A_333], %swap3A_336 {strides = array<i32>} : memref<1x4096x128xf32, #tpu.memory_space<vmem>>, vector<1x128x32xf32>,
    %slice3A_337 = vector.extract_strided_slice %get3A_3 {offsets = [0, 5376], sizes = [32, 128], strides = [1, 1]} : vector<32x16384xf32> to vector<32x128xf32>
    %transpose3A_338 = tpu.transpose %slice3A_337, [1, 0] : vector<32x128xf32> -> vector<128x32xf32>
    %swap3A_339 = arith.constant 0 : index
    %swap3A_340 = arith.constant 1280 : index
    %swap3A_341 = arith.constant 64 : index
    %swap3A_342 = vector.load %arg3[%swap3A_339, %swap3A_340, %swap3A_341] : memref<1x4096x128xf32, #tpu.memory_space<vmem>>, vector<1x128x32xf32>
    %swap3A_343 = vector.shape_cast %swap3A_342 : vector<1x128x32xf32> to vector<128x32xf32>
    %swap3A_344 = vector.shape_cast %transpose3A_338 : vector<128x32xf32> to vector<1x128x32xf32>
    tpu.vector_store %arg3[%swap3A_339, %swap3A_340, %swap3A_341], %swap3A_344 {strides = array<i32>} : memref<1x4096x128xf32, #tpu.memory_space<vmem>>, vector<1x128x32xf32>,
    %slice3A_345 = vector.extract_strided_slice %get3A_3 {offsets = [0, 5504], sizes = [32, 128], strides = [1, 1]} : vector<32x16384xf32> to vector<32x128xf32>
    %transpose3A_346 = tpu.transpose %slice3A_345, [1, 0] : vector<32x128xf32> -> vector<128x32xf32>
    %swap3A_347 = arith.constant 0 : index
    %swap3A_348 = arith.constant 1280 : index
    %swap3A_349 = arith.constant 96 : index
    %swap3A_350 = vector.load %arg3[%swap3A_347, %swap3A_348, %swap3A_349] : memref<1x4096x128xf32, #tpu.memory_space<vmem>>, vector<1x128x32xf32>
    %swap3A_351 = vector.shape_cast %swap3A_350 : vector<1x128x32xf32> to vector<128x32xf32>
    %swap3A_352 = vector.shape_cast %transpose3A_346 : vector<128x32xf32> to vector<1x128x32xf32>
    tpu.vector_store %arg3[%swap3A_347, %swap3A_348, %swap3A_349], %swap3A_352 {strides = array<i32>} : memref<1x4096x128xf32, #tpu.memory_space<vmem>>, vector<1x128x32xf32>,
    %slice3A_353 = vector.extract_strided_slice %get3A_3 {offsets = [0, 5632], sizes = [32, 128], strides = [1, 1]} : vector<32x16384xf32> to vector<32x128xf32>
    %transpose3A_354 = tpu.transpose %slice3A_353, [1, 0] : vector<32x128xf32> -> vector<128x32xf32>
    %swap3A_355 = arith.constant 0 : index
    %swap3A_356 = arith.constant 1408 : index
    %swap3A_357 = arith.constant 0 : index
    %swap3A_358 = vector.load %arg3[%swap3A_355, %swap3A_356, %swap3A_357] : memref<1x4096x128xf32, #tpu.memory_space<vmem>>, vector<1x128x32xf32>
    %swap3A_359 = vector.shape_cast %swap3A_358 : vector<1x128x32xf32> to vector<128x32xf32>
    %swap3A_360 = vector.shape_cast %transpose3A_354 : vector<128x32xf32> to vector<1x128x32xf32>
    tpu.vector_store %arg3[%swap3A_355, %swap3A_356, %swap3A_357], %swap3A_360 {strides = array<i32>} : memref<1x4096x128xf32, #tpu.memory_space<vmem>>, vector<1x128x32xf32>,
    %slice3A_361 = vector.extract_strided_slice %get3A_3 {offsets = [0, 5760], sizes = [32, 128], strides = [1, 1]} : vector<32x16384xf32> to vector<32x128xf32>
    %transpose3A_362 = tpu.transpose %slice3A_361, [1, 0] : vector<32x128xf32> -> vector<128x32xf32>
    %swap3A_363 = arith.constant 0 : index
    %swap3A_364 = arith.constant 1408 : index
    %swap3A_365 = arith.constant 32 : index
    %swap3A_366 = vector.load %arg3[%swap3A_363, %swap3A_364, %swap3A_365] : memref<1x4096x128xf32, #tpu.memory_space<vmem>>, vector<1x128x32xf32>
    %swap3A_367 = vector.shape_cast %swap3A_366 : vector<1x128x32xf32> to vector<128x32xf32>
    %swap3A_368 = vector.shape_cast %transpose3A_362 : vector<128x32xf32> to vector<1x128x32xf32>
    tpu.vector_store %arg3[%swap3A_363, %swap3A_364, %swap3A_365], %swap3A_368 {strides = array<i32>} : memref<1x4096x128xf32, #tpu.memory_space<vmem>>, vector<1x128x32xf32>,
    %slice3A_369 = vector.extract_strided_slice %get3A_3 {offsets = [0, 5888], sizes = [32, 128], strides = [1, 1]} : vector<32x16384xf32> to vector<32x128xf32>
    %transpose3A_370 = tpu.transpose %slice3A_369, [1, 0] : vector<32x128xf32> -> vector<128x32xf32>
    %swap3A_371 = arith.constant 0 : index
    %swap3A_372 = arith.constant 1408 : index
    %swap3A_373 = arith.constant 64 : index
    %swap3A_374 = vector.load %arg3[%swap3A_371, %swap3A_372, %swap3A_373] : memref<1x4096x128xf32, #tpu.memory_space<vmem>>, vector<1x128x32xf32>
    %swap3A_375 = vector.shape_cast %swap3A_374 : vector<1x128x32xf32> to vector<128x32xf32>
    %swap3A_376 = vector.shape_cast %transpose3A_370 : vector<128x32xf32> to vector<1x128x32xf32>
    tpu.vector_store %arg3[%swap3A_371, %swap3A_372, %swap3A_373], %swap3A_376 {strides = array<i32>} : memref<1x4096x128xf32, #tpu.memory_space<vmem>>, vector<1x128x32xf32>,
    %slice3A_377 = vector.extract_strided_slice %get3A_3 {offsets = [0, 6016], sizes = [32, 128], strides = [1, 1]} : vector<32x16384xf32> to vector<32x128xf32>
    %transpose3A_378 = tpu.transpose %slice3A_377, [1, 0] : vector<32x128xf32> -> vector<128x32xf32>
    %swap3A_379 = arith.constant 0 : index
    %swap3A_380 = arith.constant 1408 : index
    %swap3A_381 = arith.constant 96 : index
    %swap3A_382 = vector.load %arg3[%swap3A_379, %swap3A_380, %swap3A_381] : memref<1x4096x128xf32, #tpu.memory_space<vmem>>, vector<1x128x32xf32>
    %swap3A_383 = vector.shape_cast %swap3A_382 : vector<1x128x32xf32> to vector<128x32xf32>
    %swap3A_384 = vector.shape_cast %transpose3A_378 : vector<128x32xf32> to vector<1x128x32xf32>
    tpu.vector_store %arg3[%swap3A_379, %swap3A_380, %swap3A_381], %swap3A_384 {strides = array<i32>} : memref<1x4096x128xf32, #tpu.memory_space<vmem>>, vector<1x128x32xf32>,
    %slice3A_385 = vector.extract_strided_slice %get3A_3 {offsets = [0, 6144], sizes = [32, 128], strides = [1, 1]} : vector<32x16384xf32> to vector<32x128xf32>
    %transpose3A_386 = tpu.transpose %slice3A_385, [1, 0] : vector<32x128xf32> -> vector<128x32xf32>
    %swap3A_387 = arith.constant 0 : index
    %swap3A_388 = arith.constant 1536 : index
    %swap3A_389 = arith.constant 0 : index
    %swap3A_390 = vector.load %arg3[%swap3A_387, %swap3A_388, %swap3A_389] : memref<1x4096x128xf32, #tpu.memory_space<vmem>>, vector<1x128x32xf32>
    %swap3A_391 = vector.shape_cast %swap3A_390 : vector<1x128x32xf32> to vector<128x32xf32>
    %swap3A_392 = vector.shape_cast %transpose3A_386 : vector<128x32xf32> to vector<1x128x32xf32>
    tpu.vector_store %arg3[%swap3A_387, %swap3A_388, %swap3A_389], %swap3A_392 {strides = array<i32>} : memref<1x4096x128xf32, #tpu.memory_space<vmem>>, vector<1x128x32xf32>,
    %slice3A_393 = vector.extract_strided_slice %get3A_3 {offsets = [0, 6272], sizes = [32, 128], strides = [1, 1]} : vector<32x16384xf32> to vector<32x128xf32>
    %transpose3A_394 = tpu.transpose %slice3A_393, [1, 0] : vector<32x128xf32> -> vector<128x32xf32>
    %swap3A_395 = arith.constant 0 : index
    %swap3A_396 = arith.constant 1536 : index
    %swap3A_397 = arith.constant 32 : index
    %swap3A_398 = vector.load %arg3[%swap3A_395, %swap3A_396, %swap3A_397] : memref<1x4096x128xf32, #tpu.memory_space<vmem>>, vector<1x128x32xf32>
    %swap3A_399 = vector.shape_cast %swap3A_398 : vector<1x128x32xf32> to vector<128x32xf32>
    %swap3A_400 = vector.shape_cast %transpose3A_394 : vector<128x32xf32> to vector<1x128x32xf32>
    tpu.vector_store %arg3[%swap3A_395, %swap3A_396, %swap3A_397], %swap3A_400 {strides = array<i32>} : memref<1x4096x128xf32, #tpu.memory_space<vmem>>, vector<1x128x32xf32>,
    %slice3A_401 = vector.extract_strided_slice %get3A_3 {offsets = [0, 6400], sizes = [32, 128], strides = [1, 1]} : vector<32x16384xf32> to vector<32x128xf32>
    %transpose3A_402 = tpu.transpose %slice3A_401, [1, 0] : vector<32x128xf32> -> vector<128x32xf32>
    %swap3A_403 = arith.constant 0 : index
    %swap3A_404 = arith.constant 1536 : index
    %swap3A_405 = arith.constant 64 : index
    %swap3A_406 = vector.load %arg3[%swap3A_403, %swap3A_404, %swap3A_405] : memref<1x4096x128xf32, #tpu.memory_space<vmem>>, vector<1x128x32xf32>
    %swap3A_407 = vector.shape_cast %swap3A_406 : vector<1x128x32xf32> to vector<128x32xf32>
    %swap3A_408 = vector.shape_cast %transpose3A_402 : vector<128x32xf32> to vector<1x128x32xf32>
    tpu.vector_store %arg3[%swap3A_403, %swap3A_404, %swap3A_405], %swap3A_408 {strides = array<i32>} : memref<1x4096x128xf32, #tpu.memory_space<vmem>>, vector<1x128x32xf32>,
    %slice3A_409 = vector.extract_strided_slice %get3A_3 {offsets = [0, 6528], sizes = [32, 128], strides = [1, 1]} : vector<32x16384xf32> to vector<32x128xf32>
    %transpose3A_410 = tpu.transpose %slice3A_409, [1, 0] : vector<32x128xf32> -> vector<128x32xf32>
    %swap3A_411 = arith.constant 0 : index
    %swap3A_412 = arith.constant 1536 : index
    %swap3A_413 = arith.constant 96 : index
    %swap3A_414 = vector.load %arg3[%swap3A_411, %swap3A_412, %swap3A_413] : memref<1x4096x128xf32, #tpu.memory_space<vmem>>, vector<1x128x32xf32>
    %swap3A_415 = vector.shape_cast %swap3A_414 : vector<1x128x32xf32> to vector<128x32xf32>
    %swap3A_416 = vector.shape_cast %transpose3A_410 : vector<128x32xf32> to vector<1x128x32xf32>
    tpu.vector_store %arg3[%swap3A_411, %swap3A_412, %swap3A_413], %swap3A_416 {strides = array<i32>} : memref<1x4096x128xf32, #tpu.memory_space<vmem>>, vector<1x128x32xf32>,
    %slice3A_417 = vector.extract_strided_slice %get3A_3 {offsets = [0, 6656], sizes = [32, 128], strides = [1, 1]} : vector<32x16384xf32> to vector<32x128xf32>
    %transpose3A_418 = tpu.transpose %slice3A_417, [1, 0] : vector<32x128xf32> -> vector<128x32xf32>
    %swap3A_419 = arith.constant 0 : index
    %swap3A_420 = arith.constant 1664 : index
    %swap3A_421 = arith.constant 0 : index
    %swap3A_422 = vector.load %arg3[%swap3A_419, %swap3A_420, %swap3A_421] : memref<1x4096x128xf32, #tpu.memory_space<vmem>>, vector<1x128x32xf32>
    %swap3A_423 = vector.shape_cast %swap3A_422 : vector<1x128x32xf32> to vector<128x32xf32>
    %swap3A_424 = vector.shape_cast %transpose3A_418 : vector<128x32xf32> to vector<1x128x32xf32>
    tpu.vector_store %arg3[%swap3A_419, %swap3A_420, %swap3A_421], %swap3A_424 {strides = array<i32>} : memref<1x4096x128xf32, #tpu.memory_space<vmem>>, vector<1x128x32xf32>,
    %slice3A_425 = vector.extract_strided_slice %get3A_3 {offsets = [0, 6784], sizes = [32, 128], strides = [1, 1]} : vector<32x16384xf32> to vector<32x128xf32>
    %transpose3A_426 = tpu.transpose %slice3A_425, [1, 0] : vector<32x128xf32> -> vector<128x32xf32>
    %swap3A_427 = arith.constant 0 : index
    %swap3A_428 = arith.constant 1664 : index
    %swap3A_429 = arith.constant 32 : index
    %swap3A_430 = vector.load %arg3[%swap3A_427, %swap3A_428, %swap3A_429] : memref<1x4096x128xf32, #tpu.memory_space<vmem>>, vector<1x128x32xf32>
    %swap3A_431 = vector.shape_cast %swap3A_430 : vector<1x128x32xf32> to vector<128x32xf32>
    %swap3A_432 = vector.shape_cast %transpose3A_426 : vector<128x32xf32> to vector<1x128x32xf32>
    tpu.vector_store %arg3[%swap3A_427, %swap3A_428, %swap3A_429], %swap3A_432 {strides = array<i32>} : memref<1x4096x128xf32, #tpu.memory_space<vmem>>, vector<1x128x32xf32>,
    %slice3A_433 = vector.extract_strided_slice %get3A_3 {offsets = [0, 6912], sizes = [32, 128], strides = [1, 1]} : vector<32x16384xf32> to vector<32x128xf32>
    %transpose3A_434 = tpu.transpose %slice3A_433, [1, 0] : vector<32x128xf32> -> vector<128x32xf32>
    %swap3A_435 = arith.constant 0 : index
    %swap3A_436 = arith.constant 1664 : index
    %swap3A_437 = arith.constant 64 : index
    %swap3A_438 = vector.load %arg3[%swap3A_435, %swap3A_436, %swap3A_437] : memref<1x4096x128xf32, #tpu.memory_space<vmem>>, vector<1x128x32xf32>
    %swap3A_439 = vector.shape_cast %swap3A_438 : vector<1x128x32xf32> to vector<128x32xf32>
    %swap3A_440 = vector.shape_cast %transpose3A_434 : vector<128x32xf32> to vector<1x128x32xf32>
    tpu.vector_store %arg3[%swap3A_435, %swap3A_436, %swap3A_437], %swap3A_440 {strides = array<i32>} : memref<1x4096x128xf32, #tpu.memory_space<vmem>>, vector<1x128x32xf32>,
    %slice3A_441 = vector.extract_strided_slice %get3A_3 {offsets = [0, 7040], sizes = [32, 128], strides = [1, 1]} : vector<32x16384xf32> to vector<32x128xf32>
    %transpose3A_442 = tpu.transpose %slice3A_441, [1, 0] : vector<32x128xf32> -> vector<128x32xf32>
    %swap3A_443 = arith.constant 0 : index
    %swap3A_444 = arith.constant 1664 : index
    %swap3A_445 = arith.constant 96 : index
    %swap3A_446 = vector.load %arg3[%swap3A_443, %swap3A_444, %swap3A_445] : memref<1x4096x128xf32, #tpu.memory_space<vmem>>, vector<1x128x32xf32>
    %swap3A_447 = vector.shape_cast %swap3A_446 : vector<1x128x32xf32> to vector<128x32xf32>
    %swap3A_448 = vector.shape_cast %transpose3A_442 : vector<128x32xf32> to vector<1x128x32xf32>
    tpu.vector_store %arg3[%swap3A_443, %swap3A_444, %swap3A_445], %swap3A_448 {strides = array<i32>} : memref<1x4096x128xf32, #tpu.memory_space<vmem>>, vector<1x128x32xf32>,
    %slice3A_449 = vector.extract_strided_slice %get3A_3 {offsets = [0, 7168], sizes = [32, 128], strides = [1, 1]} : vector<32x16384xf32> to vector<32x128xf32>
    %transpose3A_450 = tpu.transpose %slice3A_449, [1, 0] : vector<32x128xf32> -> vector<128x32xf32>
    %swap3A_451 = arith.constant 0 : index
    %swap3A_452 = arith.constant 1792 : index
    %swap3A_453 = arith.constant 0 : index
    %swap3A_454 = vector.load %arg3[%swap3A_451, %swap3A_452, %swap3A_453] : memref<1x4096x128xf32, #tpu.memory_space<vmem>>, vector<1x128x32xf32>
    %swap3A_455 = vector.shape_cast %swap3A_454 : vector<1x128x32xf32> to vector<128x32xf32>
    %swap3A_456 = vector.shape_cast %transpose3A_450 : vector<128x32xf32> to vector<1x128x32xf32>
    tpu.vector_store %arg3[%swap3A_451, %swap3A_452, %swap3A_453], %swap3A_456 {strides = array<i32>} : memref<1x4096x128xf32, #tpu.memory_space<vmem>>, vector<1x128x32xf32>,
    %slice3A_457 = vector.extract_strided_slice %get3A_3 {offsets = [0, 7296], sizes = [32, 128], strides = [1, 1]} : vector<32x16384xf32> to vector<32x128xf32>
    %transpose3A_458 = tpu.transpose %slice3A_457, [1, 0] : vector<32x128xf32> -> vector<128x32xf32>
    %swap3A_459 = arith.constant 0 : index
    %swap3A_460 = arith.constant 1792 : index
    %swap3A_461 = arith.constant 32 : index
    %swap3A_462 = vector.load %arg3[%swap3A_459, %swap3A_460, %swap3A_461] : memref<1x4096x128xf32, #tpu.memory_space<vmem>>, vector<1x128x32xf32>
    %swap3A_463 = vector.shape_cast %swap3A_462 : vector<1x128x32xf32> to vector<128x32xf32>
    %swap3A_464 = vector.shape_cast %transpose3A_458 : vector<128x32xf32> to vector<1x128x32xf32>
    tpu.vector_store %arg3[%swap3A_459, %swap3A_460, %swap3A_461], %swap3A_464 {strides = array<i32>} : memref<1x4096x128xf32, #tpu.memory_space<vmem>>, vector<1x128x32xf32>,
    %slice3A_465 = vector.extract_strided_slice %get3A_3 {offsets = [0, 7424], sizes = [32, 128], strides = [1, 1]} : vector<32x16384xf32> to vector<32x128xf32>
    %transpose3A_466 = tpu.transpose %slice3A_465, [1, 0] : vector<32x128xf32> -> vector<128x32xf32>
    %swap3A_467 = arith.constant 0 : index
    %swap3A_468 = arith.constant 1792 : index
    %swap3A_469 = arith.constant 64 : index
    %swap3A_470 = vector.load %arg3[%swap3A_467, %swap3A_468, %swap3A_469] : memref<1x4096x128xf32, #tpu.memory_space<vmem>>, vector<1x128x32xf32>
    %swap3A_471 = vector.shape_cast %swap3A_470 : vector<1x128x32xf32> to vector<128x32xf32>
    %swap3A_472 = vector.shape_cast %transpose3A_466 : vector<128x32xf32> to vector<1x128x32xf32>
    tpu.vector_store %arg3[%swap3A_467, %swap3A_468, %swap3A_469], %swap3A_472 {strides = array<i32>} : memref<1x4096x128xf32, #tpu.memory_space<vmem>>, vector<1x128x32xf32>,
    %slice3A_473 = vector.extract_strided_slice %get3A_3 {offsets = [0, 7552], sizes = [32, 128], strides = [1, 1]} : vector<32x16384xf32> to vector<32x128xf32>
    %transpose3A_474 = tpu.transpose %slice3A_473, [1, 0] : vector<32x128xf32> -> vector<128x32xf32>
    %swap3A_475 = arith.constant 0 : index
    %swap3A_476 = arith.constant 1792 : index
    %swap3A_477 = arith.constant 96 : index
    %swap3A_478 = vector.load %arg3[%swap3A_475, %swap3A_476, %swap3A_477] : memref<1x4096x128xf32, #tpu.memory_space<vmem>>, vector<1x128x32xf32>
    %swap3A_479 = vector.shape_cast %swap3A_478 : vector<1x128x32xf32> to vector<128x32xf32>
    %swap3A_480 = vector.shape_cast %transpose3A_474 : vector<128x32xf32> to vector<1x128x32xf32>
    tpu.vector_store %arg3[%swap3A_475, %swap3A_476, %swap3A_477], %swap3A_480 {strides = array<i32>} : memref<1x4096x128xf32, #tpu.memory_space<vmem>>, vector<1x128x32xf32>,
    %slice3A_481 = vector.extract_strided_slice %get3A_3 {offsets = [0, 7680], sizes = [32, 128], strides = [1, 1]} : vector<32x16384xf32> to vector<32x128xf32>
    %transpose3A_482 = tpu.transpose %slice3A_481, [1, 0] : vector<32x128xf32> -> vector<128x32xf32>
    %swap3A_483 = arith.constant 0 : index
    %swap3A_484 = arith.constant 1920 : index
    %swap3A_485 = arith.constant 0 : index
    %swap3A_486 = vector.load %arg3[%swap3A_483, %swap3A_484, %swap3A_485] : memref<1x4096x128xf32, #tpu.memory_space<vmem>>, vector<1x128x32xf32>
    %swap3A_487 = vector.shape_cast %swap3A_486 : vector<1x128x32xf32> to vector<128x32xf32>
    %swap3A_488 = vector.shape_cast %transpose3A_482 : vector<128x32xf32> to vector<1x128x32xf32>
    tpu.vector_store %arg3[%swap3A_483, %swap3A_484, %swap3A_485], %swap3A_488 {strides = array<i32>} : memref<1x4096x128xf32, #tpu.memory_space<vmem>>, vector<1x128x32xf32>,
    %slice3A_489 = vector.extract_strided_slice %get3A_3 {offsets = [0, 7808], sizes = [32, 128], strides = [1, 1]} : vector<32x16384xf32> to vector<32x128xf32>
    %transpose3A_490 = tpu.transpose %slice3A_489, [1, 0] : vector<32x128xf32> -> vector<128x32xf32>
    %swap3A_491 = arith.constant 0 : index
    %swap3A_492 = arith.constant 1920 : index
    %swap3A_493 = arith.constant 32 : index
    %swap3A_494 = vector.load %arg3[%swap3A_491, %swap3A_492, %swap3A_493] : memref<1x4096x128xf32, #tpu.memory_space<vmem>>, vector<1x128x32xf32>
    %swap3A_495 = vector.shape_cast %swap3A_494 : vector<1x128x32xf32> to vector<128x32xf32>
    %swap3A_496 = vector.shape_cast %transpose3A_490 : vector<128x32xf32> to vector<1x128x32xf32>
    tpu.vector_store %arg3[%swap3A_491, %swap3A_492, %swap3A_493], %swap3A_496 {strides = array<i32>} : memref<1x4096x128xf32, #tpu.memory_space<vmem>>, vector<1x128x32xf32>,
    %slice3A_497 = vector.extract_strided_slice %get3A_3 {offsets = [0, 7936], sizes = [32, 128], strides = [1, 1]} : vector<32x16384xf32> to vector<32x128xf32>
    %transpose3A_498 = tpu.transpose %slice3A_497, [1, 0] : vector<32x128xf32> -> vector<128x32xf32>
    %swap3A_499 = arith.constant 0 : index
    %swap3A_500 = arith.constant 1920 : index
    %swap3A_501 = arith.constant 64 : index
    %swap3A_502 = vector.load %arg3[%swap3A_499, %swap3A_500, %swap3A_501] : memref<1x4096x128xf32, #tpu.memory_space<vmem>>, vector<1x128x32xf32>
    %swap3A_503 = vector.shape_cast %swap3A_502 : vector<1x128x32xf32> to vector<128x32xf32>
    %swap3A_504 = vector.shape_cast %transpose3A_498 : vector<128x32xf32> to vector<1x128x32xf32>
    tpu.vector_store %arg3[%swap3A_499, %swap3A_500, %swap3A_501], %swap3A_504 {strides = array<i32>} : memref<1x4096x128xf32, #tpu.memory_space<vmem>>, vector<1x128x32xf32>,
    %slice3A_505 = vector.extract_strided_slice %get3A_3 {offsets = [0, 8064], sizes = [32, 128], strides = [1, 1]} : vector<32x16384xf32> to vector<32x128xf32>
    %transpose3A_506 = tpu.transpose %slice3A_505, [1, 0] : vector<32x128xf32> -> vector<128x32xf32>
    %swap3A_507 = arith.constant 0 : index
    %swap3A_508 = arith.constant 1920 : index
    %swap3A_509 = arith.constant 96 : index
    %swap3A_510 = vector.load %arg3[%swap3A_507, %swap3A_508, %swap3A_509] : memref<1x4096x128xf32, #tpu.memory_space<vmem>>, vector<1x128x32xf32>
    %swap3A_511 = vector.shape_cast %swap3A_510 : vector<1x128x32xf32> to vector<128x32xf32>
    %swap3A_512 = vector.shape_cast %transpose3A_506 : vector<128x32xf32> to vector<1x128x32xf32>
    tpu.vector_store %arg3[%swap3A_507, %swap3A_508, %swap3A_509], %swap3A_512 {strides = array<i32>} : memref<1x4096x128xf32, #tpu.memory_space<vmem>>, vector<1x128x32xf32>,
    %slice3A_513 = vector.extract_strided_slice %get3A_3 {offsets = [0, 8192], sizes = [32, 128], strides = [1, 1]} : vector<32x16384xf32> to vector<32x128xf32>
    %transpose3A_514 = tpu.transpose %slice3A_513, [1, 0] : vector<32x128xf32> -> vector<128x32xf32>
    %swap3A_515 = arith.constant 0 : index
    %swap3A_516 = arith.constant 2048 : index
    %swap3A_517 = arith.constant 0 : index
    %swap3A_518 = vector.load %arg3[%swap3A_515, %swap3A_516, %swap3A_517] : memref<1x4096x128xf32, #tpu.memory_space<vmem>>, vector<1x128x32xf32>
    %swap3A_519 = vector.shape_cast %swap3A_518 : vector<1x128x32xf32> to vector<128x32xf32>
    %swap3A_520 = vector.shape_cast %transpose3A_514 : vector<128x32xf32> to vector<1x128x32xf32>
    tpu.vector_store %arg3[%swap3A_515, %swap3A_516, %swap3A_517], %swap3A_520 {strides = array<i32>} : memref<1x4096x128xf32, #tpu.memory_space<vmem>>, vector<1x128x32xf32>,
    %slice3A_521 = vector.extract_strided_slice %get3A_3 {offsets = [0, 8320], sizes = [32, 128], strides = [1, 1]} : vector<32x16384xf32> to vector<32x128xf32>
    %transpose3A_522 = tpu.transpose %slice3A_521, [1, 0] : vector<32x128xf32> -> vector<128x32xf32>
    %swap3A_523 = arith.constant 0 : index
    %swap3A_524 = arith.constant 2048 : index
    %swap3A_525 = arith.constant 32 : index
    %swap3A_526 = vector.load %arg3[%swap3A_523, %swap3A_524, %swap3A_525] : memref<1x4096x128xf32, #tpu.memory_space<vmem>>, vector<1x128x32xf32>
    %swap3A_527 = vector.shape_cast %swap3A_526 : vector<1x128x32xf32> to vector<128x32xf32>
    %swap3A_528 = vector.shape_cast %transpose3A_522 : vector<128x32xf32> to vector<1x128x32xf32>
    tpu.vector_store %arg3[%swap3A_523, %swap3A_524, %swap3A_525], %swap3A_528 {strides = array<i32>} : memref<1x4096x128xf32, #tpu.memory_space<vmem>>, vector<1x128x32xf32>,
    %slice3A_529 = vector.extract_strided_slice %get3A_3 {offsets = [0, 8448], sizes = [32, 128], strides = [1, 1]} : vector<32x16384xf32> to vector<32x128xf32>
    %transpose3A_530 = tpu.transpose %slice3A_529, [1, 0] : vector<32x128xf32> -> vector<128x32xf32>
    %swap3A_531 = arith.constant 0 : index
    %swap3A_532 = arith.constant 2048 : index
    %swap3A_533 = arith.constant 64 : index
    %swap3A_534 = vector.load %arg3[%swap3A_531, %swap3A_532, %swap3A_533] : memref<1x4096x128xf32, #tpu.memory_space<vmem>>, vector<1x128x32xf32>
    %swap3A_535 = vector.shape_cast %swap3A_534 : vector<1x128x32xf32> to vector<128x32xf32>
    %swap3A_536 = vector.shape_cast %transpose3A_530 : vector<128x32xf32> to vector<1x128x32xf32>
    tpu.vector_store %arg3[%swap3A_531, %swap3A_532, %swap3A_533], %swap3A_536 {strides = array<i32>} : memref<1x4096x128xf32, #tpu.memory_space<vmem>>, vector<1x128x32xf32>,
    %slice3A_537 = vector.extract_strided_slice %get3A_3 {offsets = [0, 8576], sizes = [32, 128], strides = [1, 1]} : vector<32x16384xf32> to vector<32x128xf32>
    %transpose3A_538 = tpu.transpose %slice3A_537, [1, 0] : vector<32x128xf32> -> vector<128x32xf32>
    %swap3A_539 = arith.constant 0 : index
    %swap3A_540 = arith.constant 2048 : index
    %swap3A_541 = arith.constant 96 : index
    %swap3A_542 = vector.load %arg3[%swap3A_539, %swap3A_540, %swap3A_541] : memref<1x4096x128xf32, #tpu.memory_space<vmem>>, vector<1x128x32xf32>
    %swap3A_543 = vector.shape_cast %swap3A_542 : vector<1x128x32xf32> to vector<128x32xf32>
    %swap3A_544 = vector.shape_cast %transpose3A_538 : vector<128x32xf32> to vector<1x128x32xf32>
    tpu.vector_store %arg3[%swap3A_539, %swap3A_540, %swap3A_541], %swap3A_544 {strides = array<i32>} : memref<1x4096x128xf32, #tpu.memory_space<vmem>>, vector<1x128x32xf32>,
    %slice3A_545 = vector.extract_strided_slice %get3A_3 {offsets = [0, 8704], sizes = [32, 128], strides = [1, 1]} : vector<32x16384xf32> to vector<32x128xf32>
    %transpose3A_546 = tpu.transpose %slice3A_545, [1, 0] : vector<32x128xf32> -> vector<128x32xf32>
    %swap3A_547 = arith.constant 0 : index
    %swap3A_548 = arith.constant 2176 : index
    %swap3A_549 = arith.constant 0 : index
    %swap3A_550 = vector.load %arg3[%swap3A_547, %swap3A_548, %swap3A_549] : memref<1x4096x128xf32, #tpu.memory_space<vmem>>, vector<1x128x32xf32>
    %swap3A_551 = vector.shape_cast %swap3A_550 : vector<1x128x32xf32> to vector<128x32xf32>
    %swap3A_552 = vector.shape_cast %transpose3A_546 : vector<128x32xf32> to vector<1x128x32xf32>
    tpu.vector_store %arg3[%swap3A_547, %swap3A_548, %swap3A_549], %swap3A_552 {strides = array<i32>} : memref<1x4096x128xf32, #tpu.memory_space<vmem>>, vector<1x128x32xf32>,
    %slice3A_553 = vector.extract_strided_slice %get3A_3 {offsets = [0, 8832], sizes = [32, 128], strides = [1, 1]} : vector<32x16384xf32> to vector<32x128xf32>
    %transpose3A_554 = tpu.transpose %slice3A_553, [1, 0] : vector<32x128xf32> -> vector<128x32xf32>
    %swap3A_555 = arith.constant 0 : index
    %swap3A_556 = arith.constant 2176 : index
    %swap3A_557 = arith.constant 32 : index
    %swap3A_558 = vector.load %arg3[%swap3A_555, %swap3A_556, %swap3A_557] : memref<1x4096x128xf32, #tpu.memory_space<vmem>>, vector<1x128x32xf32>
    %swap3A_559 = vector.shape_cast %swap3A_558 : vector<1x128x32xf32> to vector<128x32xf32>
    %swap3A_560 = vector.shape_cast %transpose3A_554 : vector<128x32xf32> to vector<1x128x32xf32>
    tpu.vector_store %arg3[%swap3A_555, %swap3A_556, %swap3A_557], %swap3A_560 {strides = array<i32>} : memref<1x4096x128xf32, #tpu.memory_space<vmem>>, vector<1x128x32xf32>,
    %slice3A_561 = vector.extract_strided_slice %get3A_3 {offsets = [0, 8960], sizes = [32, 128], strides = [1, 1]} : vector<32x16384xf32> to vector<32x128xf32>
    %transpose3A_562 = tpu.transpose %slice3A_561, [1, 0] : vector<32x128xf32> -> vector<128x32xf32>
    %swap3A_563 = arith.constant 0 : index
    %swap3A_564 = arith.constant 2176 : index
    %swap3A_565 = arith.constant 64 : index
    %swap3A_566 = vector.load %arg3[%swap3A_563, %swap3A_564, %swap3A_565] : memref<1x4096x128xf32, #tpu.memory_space<vmem>>, vector<1x128x32xf32>
    %swap3A_567 = vector.shape_cast %swap3A_566 : vector<1x128x32xf32> to vector<128x32xf32>
    %swap3A_568 = vector.shape_cast %transpose3A_562 : vector<128x32xf32> to vector<1x128x32xf32>
    tpu.vector_store %arg3[%swap3A_563, %swap3A_564, %swap3A_565], %swap3A_568 {strides = array<i32>} : memref<1x4096x128xf32, #tpu.memory_space<vmem>>, vector<1x128x32xf32>,
    %slice3A_569 = vector.extract_strided_slice %get3A_3 {offsets = [0, 9088], sizes = [32, 128], strides = [1, 1]} : vector<32x16384xf32> to vector<32x128xf32>
    %transpose3A_570 = tpu.transpose %slice3A_569, [1, 0] : vector<32x128xf32> -> vector<128x32xf32>
    %swap3A_571 = arith.constant 0 : index
    %swap3A_572 = arith.constant 2176 : index
    %swap3A_573 = arith.constant 96 : index
    %swap3A_574 = vector.load %arg3[%swap3A_571, %swap3A_572, %swap3A_573] : memref<1x4096x128xf32, #tpu.memory_space<vmem>>, vector<1x128x32xf32>
    %swap3A_575 = vector.shape_cast %swap3A_574 : vector<1x128x32xf32> to vector<128x32xf32>
    %swap3A_576 = vector.shape_cast %transpose3A_570 : vector<128x32xf32> to vector<1x128x32xf32>
    tpu.vector_store %arg3[%swap3A_571, %swap3A_572, %swap3A_573], %swap3A_576 {strides = array<i32>} : memref<1x4096x128xf32, #tpu.memory_space<vmem>>, vector<1x128x32xf32>,
    %slice3A_577 = vector.extract_strided_slice %get3A_3 {offsets = [0, 9216], sizes = [32, 128], strides = [1, 1]} : vector<32x16384xf32> to vector<32x128xf32>
    %transpose3A_578 = tpu.transpose %slice3A_577, [1, 0] : vector<32x128xf32> -> vector<128x32xf32>
    %swap3A_579 = arith.constant 0 : index
    %swap3A_580 = arith.constant 2304 : index
    %swap3A_581 = arith.constant 0 : index
    %swap3A_582 = vector.load %arg3[%swap3A_579, %swap3A_580, %swap3A_581] : memref<1x4096x128xf32, #tpu.memory_space<vmem>>, vector<1x128x32xf32>
    %swap3A_583 = vector.shape_cast %swap3A_582 : vector<1x128x32xf32> to vector<128x32xf32>
    %swap3A_584 = vector.shape_cast %transpose3A_578 : vector<128x32xf32> to vector<1x128x32xf32>
    tpu.vector_store %arg3[%swap3A_579, %swap3A_580, %swap3A_581], %swap3A_584 {strides = array<i32>} : memref<1x4096x128xf32, #tpu.memory_space<vmem>>, vector<1x128x32xf32>,
    %slice3A_585 = vector.extract_strided_slice %get3A_3 {offsets = [0, 9344], sizes = [32, 128], strides = [1, 1]} : vector<32x16384xf32> to vector<32x128xf32>
    %transpose3A_586 = tpu.transpose %slice3A_585, [1, 0] : vector<32x128xf32> -> vector<128x32xf32>
    %swap3A_587 = arith.constant 0 : index
    %swap3A_588 = arith.constant 2304 : index
    %swap3A_589 = arith.constant 32 : index
    %swap3A_590 = vector.load %arg3[%swap3A_587, %swap3A_588, %swap3A_589] : memref<1x4096x128xf32, #tpu.memory_space<vmem>>, vector<1x128x32xf32>
    %swap3A_591 = vector.shape_cast %swap3A_590 : vector<1x128x32xf32> to vector<128x32xf32>
    %swap3A_592 = vector.shape_cast %transpose3A_586 : vector<128x32xf32> to vector<1x128x32xf32>
    tpu.vector_store %arg3[%swap3A_587, %swap3A_588, %swap3A_589], %swap3A_592 {strides = array<i32>} : memref<1x4096x128xf32, #tpu.memory_space<vmem>>, vector<1x128x32xf32>,
    %slice3A_593 = vector.extract_strided_slice %get3A_3 {offsets = [0, 9472], sizes = [32, 128], strides = [1, 1]} : vector<32x16384xf32> to vector<32x128xf32>
    %transpose3A_594 = tpu.transpose %slice3A_593, [1, 0] : vector<32x128xf32> -> vector<128x32xf32>
    %swap3A_595 = arith.constant 0 : index
    %swap3A_596 = arith.constant 2304 : index
    %swap3A_597 = arith.constant 64 : index
    %swap3A_598 = vector.load %arg3[%swap3A_595, %swap3A_596, %swap3A_597] : memref<1x4096x128xf32, #tpu.memory_space<vmem>>, vector<1x128x32xf32>
    %swap3A_599 = vector.shape_cast %swap3A_598 : vector<1x128x32xf32> to vector<128x32xf32>
    %swap3A_600 = vector.shape_cast %transpose3A_594 : vector<128x32xf32> to vector<1x128x32xf32>
    tpu.vector_store %arg3[%swap3A_595, %swap3A_596, %swap3A_597], %swap3A_600 {strides = array<i32>} : memref<1x4096x128xf32, #tpu.memory_space<vmem>>, vector<1x128x32xf32>,
    %slice3A_601 = vector.extract_strided_slice %get3A_3 {offsets = [0, 9600], sizes = [32, 128], strides = [1, 1]} : vector<32x16384xf32> to vector<32x128xf32>
    %transpose3A_602 = tpu.transpose %slice3A_601, [1, 0] : vector<32x128xf32> -> vector<128x32xf32>
    %swap3A_603 = arith.constant 0 : index
    %swap3A_604 = arith.constant 2304 : index
    %swap3A_605 = arith.constant 96 : index
    %swap3A_606 = vector.load %arg3[%swap3A_603, %swap3A_604, %swap3A_605] : memref<1x4096x128xf32, #tpu.memory_space<vmem>>, vector<1x128x32xf32>
    %swap3A_607 = vector.shape_cast %swap3A_606 : vector<1x128x32xf32> to vector<128x32xf32>
    %swap3A_608 = vector.shape_cast %transpose3A_602 : vector<128x32xf32> to vector<1x128x32xf32>
    tpu.vector_store %arg3[%swap3A_603, %swap3A_604, %swap3A_605], %swap3A_608 {strides = array<i32>} : memref<1x4096x128xf32, #tpu.memory_space<vmem>>, vector<1x128x32xf32>,
    %slice3A_609 = vector.extract_strided_slice %get3A_3 {offsets = [0, 9728], sizes = [32, 128], strides = [1, 1]} : vector<32x16384xf32> to vector<32x128xf32>
    %transpose3A_610 = tpu.transpose %slice3A_609, [1, 0] : vector<32x128xf32> -> vector<128x32xf32>
    %swap3A_611 = arith.constant 0 : index
    %swap3A_612 = arith.constant 2432 : index
    %swap3A_613 = arith.constant 0 : index
    %swap3A_614 = vector.load %arg3[%swap3A_611, %swap3A_612, %swap3A_613] : memref<1x4096x128xf32, #tpu.memory_space<vmem>>, vector<1x128x32xf32>
    %swap3A_615 = vector.shape_cast %swap3A_614 : vector<1x128x32xf32> to vector<128x32xf32>
    %swap3A_616 = vector.shape_cast %transpose3A_610 : vector<128x32xf32> to vector<1x128x32xf32>
    tpu.vector_store %arg3[%swap3A_611, %swap3A_612, %swap3A_613], %swap3A_616 {strides = array<i32>} : memref<1x4096x128xf32, #tpu.memory_space<vmem>>, vector<1x128x32xf32>,
    %slice3A_617 = vector.extract_strided_slice %get3A_3 {offsets = [0, 9856], sizes = [32, 128], strides = [1, 1]} : vector<32x16384xf32> to vector<32x128xf32>
    %transpose3A_618 = tpu.transpose %slice3A_617, [1, 0] : vector<32x128xf32> -> vector<128x32xf32>
    %swap3A_619 = arith.constant 0 : index
    %swap3A_620 = arith.constant 2432 : index
    %swap3A_621 = arith.constant 32 : index
    %swap3A_622 = vector.load %arg3[%swap3A_619, %swap3A_620, %swap3A_621] : memref<1x4096x128xf32, #tpu.memory_space<vmem>>, vector<1x128x32xf32>
    %swap3A_623 = vector.shape_cast %swap3A_622 : vector<1x128x32xf32> to vector<128x32xf32>
    %swap3A_624 = vector.shape_cast %transpose3A_618 : vector<128x32xf32> to vector<1x128x32xf32>
    tpu.vector_store %arg3[%swap3A_619, %swap3A_620, %swap3A_621], %swap3A_624 {strides = array<i32>} : memref<1x4096x128xf32, #tpu.memory_space<vmem>>, vector<1x128x32xf32>,
    %slice3A_625 = vector.extract_strided_slice %get3A_3 {offsets = [0, 9984], sizes = [32, 128], strides = [1, 1]} : vector<32x16384xf32> to vector<32x128xf32>
    %transpose3A_626 = tpu.transpose %slice3A_625, [1, 0] : vector<32x128xf32> -> vector<128x32xf32>
    %swap3A_627 = arith.constant 0 : index
    %swap3A_628 = arith.constant 2432 : index
    %swap3A_629 = arith.constant 64 : index
    %swap3A_630 = vector.load %arg3[%swap3A_627, %swap3A_628, %swap3A_629] : memref<1x4096x128xf32, #tpu.memory_space<vmem>>, vector<1x128x32xf32>
    %swap3A_631 = vector.shape_cast %swap3A_630 : vector<1x128x32xf32> to vector<128x32xf32>
    %swap3A_632 = vector.shape_cast %transpose3A_626 : vector<128x32xf32> to vector<1x128x32xf32>
    tpu.vector_store %arg3[%swap3A_627, %swap3A_628, %swap3A_629], %swap3A_632 {strides = array<i32>} : memref<1x4096x128xf32, #tpu.memory_space<vmem>>, vector<1x128x32xf32>,
    %slice3A_633 = vector.extract_strided_slice %get3A_3 {offsets = [0, 10112], sizes = [32, 128], strides = [1, 1]} : vector<32x16384xf32> to vector<32x128xf32>
    %transpose3A_634 = tpu.transpose %slice3A_633, [1, 0] : vector<32x128xf32> -> vector<128x32xf32>
    %swap3A_635 = arith.constant 0 : index
    %swap3A_636 = arith.constant 2432 : index
    %swap3A_637 = arith.constant 96 : index
    %swap3A_638 = vector.load %arg3[%swap3A_635, %swap3A_636, %swap3A_637] : memref<1x4096x128xf32, #tpu.memory_space<vmem>>, vector<1x128x32xf32>
    %swap3A_639 = vector.shape_cast %swap3A_638 : vector<1x128x32xf32> to vector<128x32xf32>
    %swap3A_640 = vector.shape_cast %transpose3A_634 : vector<128x32xf32> to vector<1x128x32xf32>
    tpu.vector_store %arg3[%swap3A_635, %swap3A_636, %swap3A_637], %swap3A_640 {strides = array<i32>} : memref<1x4096x128xf32, #tpu.memory_space<vmem>>, vector<1x128x32xf32>,
    %slice3A_641 = vector.extract_strided_slice %get3A_3 {offsets = [0, 10240], sizes = [32, 128], strides = [1, 1]} : vector<32x16384xf32> to vector<32x128xf32>
    %transpose3A_642 = tpu.transpose %slice3A_641, [1, 0] : vector<32x128xf32> -> vector<128x32xf32>
    %swap3A_643 = arith.constant 0 : index
    %swap3A_644 = arith.constant 2560 : index
    %swap3A_645 = arith.constant 0 : index
    %swap3A_646 = vector.load %arg3[%swap3A_643, %swap3A_644, %swap3A_645] : memref<1x4096x128xf32, #tpu.memory_space<vmem>>, vector<1x128x32xf32>
    %swap3A_647 = vector.shape_cast %swap3A_646 : vector<1x128x32xf32> to vector<128x32xf32>
    %swap3A_648 = vector.shape_cast %transpose3A_642 : vector<128x32xf32> to vector<1x128x32xf32>
    tpu.vector_store %arg3[%swap3A_643, %swap3A_644, %swap3A_645], %swap3A_648 {strides = array<i32>} : memref<1x4096x128xf32, #tpu.memory_space<vmem>>, vector<1x128x32xf32>,
    %slice3A_649 = vector.extract_strided_slice %get3A_3 {offsets = [0, 10368], sizes = [32, 128], strides = [1, 1]} : vector<32x16384xf32> to vector<32x128xf32>
    %transpose3A_650 = tpu.transpose %slice3A_649, [1, 0] : vector<32x128xf32> -> vector<128x32xf32>
    %swap3A_651 = arith.constant 0 : index
    %swap3A_652 = arith.constant 2560 : index
    %swap3A_653 = arith.constant 32 : index
    %swap3A_654 = vector.load %arg3[%swap3A_651, %swap3A_652, %swap3A_653] : memref<1x4096x128xf32, #tpu.memory_space<vmem>>, vector<1x128x32xf32>
    %swap3A_655 = vector.shape_cast %swap3A_654 : vector<1x128x32xf32> to vector<128x32xf32>
    %swap3A_656 = vector.shape_cast %transpose3A_650 : vector<128x32xf32> to vector<1x128x32xf32>
    tpu.vector_store %arg3[%swap3A_651, %swap3A_652, %swap3A_653], %swap3A_656 {strides = array<i32>} : memref<1x4096x128xf32, #tpu.memory_space<vmem>>, vector<1x128x32xf32>,
    %slice3A_657 = vector.extract_strided_slice %get3A_3 {offsets = [0, 10496], sizes = [32, 128], strides = [1, 1]} : vector<32x16384xf32> to vector<32x128xf32>
    %transpose3A_658 = tpu.transpose %slice3A_657, [1, 0] : vector<32x128xf32> -> vector<128x32xf32>
    %swap3A_659 = arith.constant 0 : index
    %swap3A_660 = arith.constant 2560 : index
    %swap3A_661 = arith.constant 64 : index
    %swap3A_662 = vector.load %arg3[%swap3A_659, %swap3A_660, %swap3A_661] : memref<1x4096x128xf32, #tpu.memory_space<vmem>>, vector<1x128x32xf32>
    %swap3A_663 = vector.shape_cast %swap3A_662 : vector<1x128x32xf32> to vector<128x32xf32>
    %swap3A_664 = vector.shape_cast %transpose3A_658 : vector<128x32xf32> to vector<1x128x32xf32>
    tpu.vector_store %arg3[%swap3A_659, %swap3A_660, %swap3A_661], %swap3A_664 {strides = array<i32>} : memref<1x4096x128xf32, #tpu.memory_space<vmem>>, vector<1x128x32xf32>,
    %slice3A_665 = vector.extract_strided_slice %get3A_3 {offsets = [0, 10624], sizes = [32, 128], strides = [1, 1]} : vector<32x16384xf32> to vector<32x128xf32>
    %transpose3A_666 = tpu.transpose %slice3A_665, [1, 0] : vector<32x128xf32> -> vector<128x32xf32>
    %swap3A_667 = arith.constant 0 : index
    %swap3A_668 = arith.constant 2560 : index
    %swap3A_669 = arith.constant 96 : index
    %swap3A_670 = vector.load %arg3[%swap3A_667, %swap3A_668, %swap3A_669] : memref<1x4096x128xf32, #tpu.memory_space<vmem>>, vector<1x128x32xf32>
    %swap3A_671 = vector.shape_cast %swap3A_670 : vector<1x128x32xf32> to vector<128x32xf32>
    %swap3A_672 = vector.shape_cast %transpose3A_666 : vector<128x32xf32> to vector<1x128x32xf32>
    tpu.vector_store %arg3[%swap3A_667, %swap3A_668, %swap3A_669], %swap3A_672 {strides = array<i32>} : memref<1x4096x128xf32, #tpu.memory_space<vmem>>, vector<1x128x32xf32>,
    %slice3A_673 = vector.extract_strided_slice %get3A_3 {offsets = [0, 10752], sizes = [32, 128], strides = [1, 1]} : vector<32x16384xf32> to vector<32x128xf32>
    %transpose3A_674 = tpu.transpose %slice3A_673, [1, 0] : vector<32x128xf32> -> vector<128x32xf32>
    %swap3A_675 = arith.constant 0 : index
    %swap3A_676 = arith.constant 2688 : index
    %swap3A_677 = arith.constant 0 : index
    %swap3A_678 = vector.load %arg3[%swap3A_675, %swap3A_676, %swap3A_677] : memref<1x4096x128xf32, #tpu.memory_space<vmem>>, vector<1x128x32xf32>
    %swap3A_679 = vector.shape_cast %swap3A_678 : vector<1x128x32xf32> to vector<128x32xf32>
    %swap3A_680 = vector.shape_cast %transpose3A_674 : vector<128x32xf32> to vector<1x128x32xf32>
    tpu.vector_store %arg3[%swap3A_675, %swap3A_676, %swap3A_677], %swap3A_680 {strides = array<i32>} : memref<1x4096x128xf32, #tpu.memory_space<vmem>>, vector<1x128x32xf32>,
    %slice3A_681 = vector.extract_strided_slice %get3A_3 {offsets = [0, 10880], sizes = [32, 128], strides = [1, 1]} : vector<32x16384xf32> to vector<32x128xf32>
    %transpose3A_682 = tpu.transpose %slice3A_681, [1, 0] : vector<32x128xf32> -> vector<128x32xf32>
    %swap3A_683 = arith.constant 0 : index
    %swap3A_684 = arith.constant 2688 : index
    %swap3A_685 = arith.constant 32 : index
    %swap3A_686 = vector.load %arg3[%swap3A_683, %swap3A_684, %swap3A_685] : memref<1x4096x128xf32, #tpu.memory_space<vmem>>, vector<1x128x32xf32>
    %swap3A_687 = vector.shape_cast %swap3A_686 : vector<1x128x32xf32> to vector<128x32xf32>
    %swap3A_688 = vector.shape_cast %transpose3A_682 : vector<128x32xf32> to vector<1x128x32xf32>
    tpu.vector_store %arg3[%swap3A_683, %swap3A_684, %swap3A_685], %swap3A_688 {strides = array<i32>} : memref<1x4096x128xf32, #tpu.memory_space<vmem>>, vector<1x128x32xf32>,
    %slice3A_689 = vector.extract_strided_slice %get3A_3 {offsets = [0, 11008], sizes = [32, 128], strides = [1, 1]} : vector<32x16384xf32> to vector<32x128xf32>
    %transpose3A_690 = tpu.transpose %slice3A_689, [1, 0] : vector<32x128xf32> -> vector<128x32xf32>
    %swap3A_691 = arith.constant 0 : index
    %swap3A_692 = arith.constant 2688 : index
    %swap3A_693 = arith.constant 64 : index
    %swap3A_694 = vector.load %arg3[%swap3A_691, %swap3A_692, %swap3A_693] : memref<1x4096x128xf32, #tpu.memory_space<vmem>>, vector<1x128x32xf32>
    %swap3A_695 = vector.shape_cast %swap3A_694 : vector<1x128x32xf32> to vector<128x32xf32>
    %swap3A_696 = vector.shape_cast %transpose3A_690 : vector<128x32xf32> to vector<1x128x32xf32>
    tpu.vector_store %arg3[%swap3A_691, %swap3A_692, %swap3A_693], %swap3A_696 {strides = array<i32>} : memref<1x4096x128xf32, #tpu.memory_space<vmem>>, vector<1x128x32xf32>,
    %slice3A_697 = vector.extract_strided_slice %get3A_3 {offsets = [0, 11136], sizes = [32, 128], strides = [1, 1]} : vector<32x16384xf32> to vector<32x128xf32>
    %transpose3A_698 = tpu.transpose %slice3A_697, [1, 0] : vector<32x128xf32> -> vector<128x32xf32>
    %swap3A_699 = arith.constant 0 : index
    %swap3A_700 = arith.constant 2688 : index
    %swap3A_701 = arith.constant 96 : index
    %swap3A_702 = vector.load %arg3[%swap3A_699, %swap3A_700, %swap3A_701] : memref<1x4096x128xf32, #tpu.memory_space<vmem>>, vector<1x128x32xf32>
    %swap3A_703 = vector.shape_cast %swap3A_702 : vector<1x128x32xf32> to vector<128x32xf32>
    %swap3A_704 = vector.shape_cast %transpose3A_698 : vector<128x32xf32> to vector<1x128x32xf32>
    tpu.vector_store %arg3[%swap3A_699, %swap3A_700, %swap3A_701], %swap3A_704 {strides = array<i32>} : memref<1x4096x128xf32, #tpu.memory_space<vmem>>, vector<1x128x32xf32>,
    %slice3A_705 = vector.extract_strided_slice %get3A_3 {offsets = [0, 11264], sizes = [32, 128], strides = [1, 1]} : vector<32x16384xf32> to vector<32x128xf32>
    %transpose3A_706 = tpu.transpose %slice3A_705, [1, 0] : vector<32x128xf32> -> vector<128x32xf32>
    %swap3A_707 = arith.constant 0 : index
    %swap3A_708 = arith.constant 2816 : index
    %swap3A_709 = arith.constant 0 : index
    %swap3A_710 = vector.load %arg3[%swap3A_707, %swap3A_708, %swap3A_709] : memref<1x4096x128xf32, #tpu.memory_space<vmem>>, vector<1x128x32xf32>
    %swap3A_711 = vector.shape_cast %swap3A_710 : vector<1x128x32xf32> to vector<128x32xf32>
    %swap3A_712 = vector.shape_cast %transpose3A_706 : vector<128x32xf32> to vector<1x128x32xf32>
    tpu.vector_store %arg3[%swap3A_707, %swap3A_708, %swap3A_709], %swap3A_712 {strides = array<i32>} : memref<1x4096x128xf32, #tpu.memory_space<vmem>>, vector<1x128x32xf32>,
    %slice3A_713 = vector.extract_strided_slice %get3A_3 {offsets = [0, 11392], sizes = [32, 128], strides = [1, 1]} : vector<32x16384xf32> to vector<32x128xf32>
    %transpose3A_714 = tpu.transpose %slice3A_713, [1, 0] : vector<32x128xf32> -> vector<128x32xf32>
    %swap3A_715 = arith.constant 0 : index
    %swap3A_716 = arith.constant 2816 : index
    %swap3A_717 = arith.constant 32 : index
    %swap3A_718 = vector.load %arg3[%swap3A_715, %swap3A_716, %swap3A_717] : memref<1x4096x128xf32, #tpu.memory_space<vmem>>, vector<1x128x32xf32>
    %swap3A_719 = vector.shape_cast %swap3A_718 : vector<1x128x32xf32> to vector<128x32xf32>
    %swap3A_720 = vector.shape_cast %transpose3A_714 : vector<128x32xf32> to vector<1x128x32xf32>
    tpu.vector_store %arg3[%swap3A_715, %swap3A_716, %swap3A_717], %swap3A_720 {strides = array<i32>} : memref<1x4096x128xf32, #tpu.memory_space<vmem>>, vector<1x128x32xf32>,
    %slice3A_721 = vector.extract_strided_slice %get3A_3 {offsets = [0, 11520], sizes = [32, 128], strides = [1, 1]} : vector<32x16384xf32> to vector<32x128xf32>
    %transpose3A_722 = tpu.transpose %slice3A_721, [1, 0] : vector<32x128xf32> -> vector<128x32xf32>
    %swap3A_723 = arith.constant 0 : index
    %swap3A_724 = arith.constant 2816 : index
    %swap3A_725 = arith.constant 64 : index
    %swap3A_726 = vector.load %arg3[%swap3A_723, %swap3A_724, %swap3A_725] : memref<1x4096x128xf32, #tpu.memory_space<vmem>>, vector<1x128x32xf32>
    %swap3A_727 = vector.shape_cast %swap3A_726 : vector<1x128x32xf32> to vector<128x32xf32>
    %swap3A_728 = vector.shape_cast %transpose3A_722 : vector<128x32xf32> to vector<1x128x32xf32>
    tpu.vector_store %arg3[%swap3A_723, %swap3A_724, %swap3A_725], %swap3A_728 {strides = array<i32>} : memref<1x4096x128xf32, #tpu.memory_space<vmem>>, vector<1x128x32xf32>,
    %slice3A_729 = vector.extract_strided_slice %get3A_3 {offsets = [0, 11648], sizes = [32, 128], strides = [1, 1]} : vector<32x16384xf32> to vector<32x128xf32>
    %transpose3A_730 = tpu.transpose %slice3A_729, [1, 0] : vector<32x128xf32> -> vector<128x32xf32>
    %swap3A_731 = arith.constant 0 : index
    %swap3A_732 = arith.constant 2816 : index
    %swap3A_733 = arith.constant 96 : index
    %swap3A_734 = vector.load %arg3[%swap3A_731, %swap3A_732, %swap3A_733] : memref<1x4096x128xf32, #tpu.memory_space<vmem>>, vector<1x128x32xf32>
    %swap3A_735 = vector.shape_cast %swap3A_734 : vector<1x128x32xf32> to vector<128x32xf32>
    %swap3A_736 = vector.shape_cast %transpose3A_730 : vector<128x32xf32> to vector<1x128x32xf32>
    tpu.vector_store %arg3[%swap3A_731, %swap3A_732, %swap3A_733], %swap3A_736 {strides = array<i32>} : memref<1x4096x128xf32, #tpu.memory_space<vmem>>, vector<1x128x32xf32>,
    %slice3A_737 = vector.extract_strided_slice %get3A_3 {offsets = [0, 11776], sizes = [32, 128], strides = [1, 1]} : vector<32x16384xf32> to vector<32x128xf32>
    %transpose3A_738 = tpu.transpose %slice3A_737, [1, 0] : vector<32x128xf32> -> vector<128x32xf32>
    %swap3A_739 = arith.constant 0 : index
    %swap3A_740 = arith.constant 2944 : index
    %swap3A_741 = arith.constant 0 : index
    %swap3A_742 = vector.load %arg3[%swap3A_739, %swap3A_740, %swap3A_741] : memref<1x4096x128xf32, #tpu.memory_space<vmem>>, vector<1x128x32xf32>
    %swap3A_743 = vector.shape_cast %swap3A_742 : vector<1x128x32xf32> to vector<128x32xf32>
    %swap3A_744 = vector.shape_cast %transpose3A_738 : vector<128x32xf32> to vector<1x128x32xf32>
    tpu.vector_store %arg3[%swap3A_739, %swap3A_740, %swap3A_741], %swap3A_744 {strides = array<i32>} : memref<1x4096x128xf32, #tpu.memory_space<vmem>>, vector<1x128x32xf32>,
    %slice3A_745 = vector.extract_strided_slice %get3A_3 {offsets = [0, 11904], sizes = [32, 128], strides = [1, 1]} : vector<32x16384xf32> to vector<32x128xf32>
    %transpose3A_746 = tpu.transpose %slice3A_745, [1, 0] : vector<32x128xf32> -> vector<128x32xf32>
    %swap3A_747 = arith.constant 0 : index
    %swap3A_748 = arith.constant 2944 : index
    %swap3A_749 = arith.constant 32 : index
    %swap3A_750 = vector.load %arg3[%swap3A_747, %swap3A_748, %swap3A_749] : memref<1x4096x128xf32, #tpu.memory_space<vmem>>, vector<1x128x32xf32>
    %swap3A_751 = vector.shape_cast %swap3A_750 : vector<1x128x32xf32> to vector<128x32xf32>
    %swap3A_752 = vector.shape_cast %transpose3A_746 : vector<128x32xf32> to vector<1x128x32xf32>
    tpu.vector_store %arg3[%swap3A_747, %swap3A_748, %swap3A_749], %swap3A_752 {strides = array<i32>} : memref<1x4096x128xf32, #tpu.memory_space<vmem>>, vector<1x128x32xf32>,
    %slice3A_753 = vector.extract_strided_slice %get3A_3 {offsets = [0, 12032], sizes = [32, 128], strides = [1, 1]} : vector<32x16384xf32> to vector<32x128xf32>
    %transpose3A_754 = tpu.transpose %slice3A_753, [1, 0] : vector<32x128xf32> -> vector<128x32xf32>
    %swap3A_755 = arith.constant 0 : index
    %swap3A_756 = arith.constant 2944 : index
    %swap3A_757 = arith.constant 64 : index
    %swap3A_758 = vector.load %arg3[%swap3A_755, %swap3A_756, %swap3A_757] : memref<1x4096x128xf32, #tpu.memory_space<vmem>>, vector<1x128x32xf32>
    %swap3A_759 = vector.shape_cast %swap3A_758 : vector<1x128x32xf32> to vector<128x32xf32>
    %swap3A_760 = vector.shape_cast %transpose3A_754 : vector<128x32xf32> to vector<1x128x32xf32>
    tpu.vector_store %arg3[%swap3A_755, %swap3A_756, %swap3A_757], %swap3A_760 {strides = array<i32>} : memref<1x4096x128xf32, #tpu.memory_space<vmem>>, vector<1x128x32xf32>,
    %slice3A_761 = vector.extract_strided_slice %get3A_3 {offsets = [0, 12160], sizes = [32, 128], strides = [1, 1]} : vector<32x16384xf32> to vector<32x128xf32>
    %transpose3A_762 = tpu.transpose %slice3A_761, [1, 0] : vector<32x128xf32> -> vector<128x32xf32>
    %swap3A_763 = arith.constant 0 : index
    %swap3A_764 = arith.constant 2944 : index
    %swap3A_765 = arith.constant 96 : index
    %swap3A_766 = vector.load %arg3[%swap3A_763, %swap3A_764, %swap3A_765] : memref<1x4096x128xf32, #tpu.memory_space<vmem>>, vector<1x128x32xf32>
    %swap3A_767 = vector.shape_cast %swap3A_766 : vector<1x128x32xf32> to vector<128x32xf32>
    %swap3A_768 = vector.shape_cast %transpose3A_762 : vector<128x32xf32> to vector<1x128x32xf32>
    tpu.vector_store %arg3[%swap3A_763, %swap3A_764, %swap3A_765], %swap3A_768 {strides = array<i32>} : memref<1x4096x128xf32, #tpu.memory_space<vmem>>, vector<1x128x32xf32>,
    %slice3A_769 = vector.extract_strided_slice %get3A_3 {offsets = [0, 12288], sizes = [32, 128], strides = [1, 1]} : vector<32x16384xf32> to vector<32x128xf32>
    %transpose3A_770 = tpu.transpose %slice3A_769, [1, 0] : vector<32x128xf32> -> vector<128x32xf32>
    %swap3A_771 = arith.constant 0 : index
    %swap3A_772 = arith.constant 3072 : index
    %swap3A_773 = arith.constant 0 : index
    %swap3A_774 = vector.load %arg3[%swap3A_771, %swap3A_772, %swap3A_773] : memref<1x4096x128xf32, #tpu.memory_space<vmem>>, vector<1x128x32xf32>
    %swap3A_775 = vector.shape_cast %swap3A_774 : vector<1x128x32xf32> to vector<128x32xf32>
    %swap3A_776 = vector.shape_cast %transpose3A_770 : vector<128x32xf32> to vector<1x128x32xf32>
    tpu.vector_store %arg3[%swap3A_771, %swap3A_772, %swap3A_773], %swap3A_776 {strides = array<i32>} : memref<1x4096x128xf32, #tpu.memory_space<vmem>>, vector<1x128x32xf32>,
    %slice3A_777 = vector.extract_strided_slice %get3A_3 {offsets = [0, 12416], sizes = [32, 128], strides = [1, 1]} : vector<32x16384xf32> to vector<32x128xf32>
    %transpose3A_778 = tpu.transpose %slice3A_777, [1, 0] : vector<32x128xf32> -> vector<128x32xf32>
    %swap3A_779 = arith.constant 0 : index
    %swap3A_780 = arith.constant 3072 : index
    %swap3A_781 = arith.constant 32 : index
    %swap3A_782 = vector.load %arg3[%swap3A_779, %swap3A_780, %swap3A_781] : memref<1x4096x128xf32, #tpu.memory_space<vmem>>, vector<1x128x32xf32>
    %swap3A_783 = vector.shape_cast %swap3A_782 : vector<1x128x32xf32> to vector<128x32xf32>
    %swap3A_784 = vector.shape_cast %transpose3A_778 : vector<128x32xf32> to vector<1x128x32xf32>
    tpu.vector_store %arg3[%swap3A_779, %swap3A_780, %swap3A_781], %swap3A_784 {strides = array<i32>} : memref<1x4096x128xf32, #tpu.memory_space<vmem>>, vector<1x128x32xf32>,
    %slice3A_785 = vector.extract_strided_slice %get3A_3 {offsets = [0, 12544], sizes = [32, 128], strides = [1, 1]} : vector<32x16384xf32> to vector<32x128xf32>
    %transpose3A_786 = tpu.transpose %slice3A_785, [1, 0] : vector<32x128xf32> -> vector<128x32xf32>
    %swap3A_787 = arith.constant 0 : index
    %swap3A_788 = arith.constant 3072 : index
    %swap3A_789 = arith.constant 64 : index
    %swap3A_790 = vector.load %arg3[%swap3A_787, %swap3A_788, %swap3A_789] : memref<1x4096x128xf32, #tpu.memory_space<vmem>>, vector<1x128x32xf32>
    %swap3A_791 = vector.shape_cast %swap3A_790 : vector<1x128x32xf32> to vector<128x32xf32>
    %swap3A_792 = vector.shape_cast %transpose3A_786 : vector<128x32xf32> to vector<1x128x32xf32>
    tpu.vector_store %arg3[%swap3A_787, %swap3A_788, %swap3A_789], %swap3A_792 {strides = array<i32>} : memref<1x4096x128xf32, #tpu.memory_space<vmem>>, vector<1x128x32xf32>,
    %slice3A_793 = vector.extract_strided_slice %get3A_3 {offsets = [0, 12672], sizes = [32, 128], strides = [1, 1]} : vector<32x16384xf32> to vector<32x128xf32>
    %transpose3A_794 = tpu.transpose %slice3A_793, [1, 0] : vector<32x128xf32> -> vector<128x32xf32>
    %swap3A_795 = arith.constant 0 : index
    %swap3A_796 = arith.constant 3072 : index
    %swap3A_797 = arith.constant 96 : index
    %swap3A_798 = vector.load %arg3[%swap3A_795, %swap3A_796, %swap3A_797] : memref<1x4096x128xf32, #tpu.memory_space<vmem>>, vector<1x128x32xf32>
    %swap3A_799 = vector.shape_cast %swap3A_798 : vector<1x128x32xf32> to vector<128x32xf32>
    %swap3A_800 = vector.shape_cast %transpose3A_794 : vector<128x32xf32> to vector<1x128x32xf32>
    tpu.vector_store %arg3[%swap3A_795, %swap3A_796, %swap3A_797], %swap3A_800 {strides = array<i32>} : memref<1x4096x128xf32, #tpu.memory_space<vmem>>, vector<1x128x32xf32>,
    %slice3A_801 = vector.extract_strided_slice %get3A_3 {offsets = [0, 12800], sizes = [32, 128], strides = [1, 1]} : vector<32x16384xf32> to vector<32x128xf32>
    %transpose3A_802 = tpu.transpose %slice3A_801, [1, 0] : vector<32x128xf32> -> vector<128x32xf32>
    %swap3A_803 = arith.constant 0 : index
    %swap3A_804 = arith.constant 3200 : index
    %swap3A_805 = arith.constant 0 : index
    %swap3A_806 = vector.load %arg3[%swap3A_803, %swap3A_804, %swap3A_805] : memref<1x4096x128xf32, #tpu.memory_space<vmem>>, vector<1x128x32xf32>
    %swap3A_807 = vector.shape_cast %swap3A_806 : vector<1x128x32xf32> to vector<128x32xf32>
    %swap3A_808 = vector.shape_cast %transpose3A_802 : vector<128x32xf32> to vector<1x128x32xf32>
    tpu.vector_store %arg3[%swap3A_803, %swap3A_804, %swap3A_805], %swap3A_808 {strides = array<i32>} : memref<1x4096x128xf32, #tpu.memory_space<vmem>>, vector<1x128x32xf32>,
    %slice3A_809 = vector.extract_strided_slice %get3A_3 {offsets = [0, 12928], sizes = [32, 128], strides = [1, 1]} : vector<32x16384xf32> to vector<32x128xf32>
    %transpose3A_810 = tpu.transpose %slice3A_809, [1, 0] : vector<32x128xf32> -> vector<128x32xf32>
    %swap3A_811 = arith.constant 0 : index
    %swap3A_812 = arith.constant 3200 : index
    %swap3A_813 = arith.constant 32 : index
    %swap3A_814 = vector.load %arg3[%swap3A_811, %swap3A_812, %swap3A_813] : memref<1x4096x128xf32, #tpu.memory_space<vmem>>, vector<1x128x32xf32>
    %swap3A_815 = vector.shape_cast %swap3A_814 : vector<1x128x32xf32> to vector<128x32xf32>
    %swap3A_816 = vector.shape_cast %transpose3A_810 : vector<128x32xf32> to vector<1x128x32xf32>
    tpu.vector_store %arg3[%swap3A_811, %swap3A_812, %swap3A_813], %swap3A_816 {strides = array<i32>} : memref<1x4096x128xf32, #tpu.memory_space<vmem>>, vector<1x128x32xf32>,
    %slice3A_817 = vector.extract_strided_slice %get3A_3 {offsets = [0, 13056], sizes = [32, 128], strides = [1, 1]} : vector<32x16384xf32> to vector<32x128xf32>
    %transpose3A_818 = tpu.transpose %slice3A_817, [1, 0] : vector<32x128xf32> -> vector<128x32xf32>
    %swap3A_819 = arith.constant 0 : index
    %swap3A_820 = arith.constant 3200 : index
    %swap3A_821 = arith.constant 64 : index
    %swap3A_822 = vector.load %arg3[%swap3A_819, %swap3A_820, %swap3A_821] : memref<1x4096x128xf32, #tpu.memory_space<vmem>>, vector<1x128x32xf32>
    %swap3A_823 = vector.shape_cast %swap3A_822 : vector<1x128x32xf32> to vector<128x32xf32>
    %swap3A_824 = vector.shape_cast %transpose3A_818 : vector<128x32xf32> to vector<1x128x32xf32>
    tpu.vector_store %arg3[%swap3A_819, %swap3A_820, %swap3A_821], %swap3A_824 {strides = array<i32>} : memref<1x4096x128xf32, #tpu.memory_space<vmem>>, vector<1x128x32xf32>,
    %slice3A_825 = vector.extract_strided_slice %get3A_3 {offsets = [0, 13184], sizes = [32, 128], strides = [1, 1]} : vector<32x16384xf32> to vector<32x128xf32>
    %transpose3A_826 = tpu.transpose %slice3A_825, [1, 0] : vector<32x128xf32> -> vector<128x32xf32>
    %swap3A_827 = arith.constant 0 : index
    %swap3A_828 = arith.constant 3200 : index
    %swap3A_829 = arith.constant 96 : index
    %swap3A_830 = vector.load %arg3[%swap3A_827, %swap3A_828, %swap3A_829] : memref<1x4096x128xf32, #tpu.memory_space<vmem>>, vector<1x128x32xf32>
    %swap3A_831 = vector.shape_cast %swap3A_830 : vector<1x128x32xf32> to vector<128x32xf32>
    %swap3A_832 = vector.shape_cast %transpose3A_826 : vector<128x32xf32> to vector<1x128x32xf32>
    tpu.vector_store %arg3[%swap3A_827, %swap3A_828, %swap3A_829], %swap3A_832 {strides = array<i32>} : memref<1x4096x128xf32, #tpu.memory_space<vmem>>, vector<1x128x32xf32>,
    %slice3A_833 = vector.extract_strided_slice %get3A_3 {offsets = [0, 13312], sizes = [32, 128], strides = [1, 1]} : vector<32x16384xf32> to vector<32x128xf32>
    %transpose3A_834 = tpu.transpose %slice3A_833, [1, 0] : vector<32x128xf32> -> vector<128x32xf32>
    %swap3A_835 = arith.constant 0 : index
    %swap3A_836 = arith.constant 3328 : index
    %swap3A_837 = arith.constant 0 : index
    %swap3A_838 = vector.load %arg3[%swap3A_835, %swap3A_836, %swap3A_837] : memref<1x4096x128xf32, #tpu.memory_space<vmem>>, vector<1x128x32xf32>
    %swap3A_839 = vector.shape_cast %swap3A_838 : vector<1x128x32xf32> to vector<128x32xf32>
    %swap3A_840 = vector.shape_cast %transpose3A_834 : vector<128x32xf32> to vector<1x128x32xf32>
    tpu.vector_store %arg3[%swap3A_835, %swap3A_836, %swap3A_837], %swap3A_840 {strides = array<i32>} : memref<1x4096x128xf32, #tpu.memory_space<vmem>>, vector<1x128x32xf32>,
    %slice3A_841 = vector.extract_strided_slice %get3A_3 {offsets = [0, 13440], sizes = [32, 128], strides = [1, 1]} : vector<32x16384xf32> to vector<32x128xf32>
    %transpose3A_842 = tpu.transpose %slice3A_841, [1, 0] : vector<32x128xf32> -> vector<128x32xf32>
    %swap3A_843 = arith.constant 0 : index
    %swap3A_844 = arith.constant 3328 : index
    %swap3A_845 = arith.constant 32 : index
    %swap3A_846 = vector.load %arg3[%swap3A_843, %swap3A_844, %swap3A_845] : memref<1x4096x128xf32, #tpu.memory_space<vmem>>, vector<1x128x32xf32>
    %swap3A_847 = vector.shape_cast %swap3A_846 : vector<1x128x32xf32> to vector<128x32xf32>
    %swap3A_848 = vector.shape_cast %transpose3A_842 : vector<128x32xf32> to vector<1x128x32xf32>
    tpu.vector_store %arg3[%swap3A_843, %swap3A_844, %swap3A_845], %swap3A_848 {strides = array<i32>} : memref<1x4096x128xf32, #tpu.memory_space<vmem>>, vector<1x128x32xf32>,
    %slice3A_849 = vector.extract_strided_slice %get3A_3 {offsets = [0, 13568], sizes = [32, 128], strides = [1, 1]} : vector<32x16384xf32> to vector<32x128xf32>
    %transpose3A_850 = tpu.transpose %slice3A_849, [1, 0] : vector<32x128xf32> -> vector<128x32xf32>
    %swap3A_851 = arith.constant 0 : index
    %swap3A_852 = arith.constant 3328 : index
    %swap3A_853 = arith.constant 64 : index
    %swap3A_854 = vector.load %arg3[%swap3A_851, %swap3A_852, %swap3A_853] : memref<1x4096x128xf32, #tpu.memory_space<vmem>>, vector<1x128x32xf32>
    %swap3A_855 = vector.shape_cast %swap3A_854 : vector<1x128x32xf32> to vector<128x32xf32>
    %swap3A_856 = vector.shape_cast %transpose3A_850 : vector<128x32xf32> to vector<1x128x32xf32>
    tpu.vector_store %arg3[%swap3A_851, %swap3A_852, %swap3A_853], %swap3A_856 {strides = array<i32>} : memref<1x4096x128xf32, #tpu.memory_space<vmem>>, vector<1x128x32xf32>,
    %slice3A_857 = vector.extract_strided_slice %get3A_3 {offsets = [0, 13696], sizes = [32, 128], strides = [1, 1]} : vector<32x16384xf32> to vector<32x128xf32>
    %transpose3A_858 = tpu.transpose %slice3A_857, [1, 0] : vector<32x128xf32> -> vector<128x32xf32>
    %swap3A_859 = arith.constant 0 : index
    %swap3A_860 = arith.constant 3328 : index
    %swap3A_861 = arith.constant 96 : index
    %swap3A_862 = vector.load %arg3[%swap3A_859, %swap3A_860, %swap3A_861] : memref<1x4096x128xf32, #tpu.memory_space<vmem>>, vector<1x128x32xf32>
    %swap3A_863 = vector.shape_cast %swap3A_862 : vector<1x128x32xf32> to vector<128x32xf32>
    %swap3A_864 = vector.shape_cast %transpose3A_858 : vector<128x32xf32> to vector<1x128x32xf32>
    tpu.vector_store %arg3[%swap3A_859, %swap3A_860, %swap3A_861], %swap3A_864 {strides = array<i32>} : memref<1x4096x128xf32, #tpu.memory_space<vmem>>, vector<1x128x32xf32>,
    %slice3A_865 = vector.extract_strided_slice %get3A_3 {offsets = [0, 13824], sizes = [32, 128], strides = [1, 1]} : vector<32x16384xf32> to vector<32x128xf32>
    %transpose3A_866 = tpu.transpose %slice3A_865, [1, 0] : vector<32x128xf32> -> vector<128x32xf32>
    %swap3A_867 = arith.constant 0 : index
    %swap3A_868 = arith.constant 3456 : index
    %swap3A_869 = arith.constant 0 : index
    %swap3A_870 = vector.load %arg3[%swap3A_867, %swap3A_868, %swap3A_869] : memref<1x4096x128xf32, #tpu.memory_space<vmem>>, vector<1x128x32xf32>
    %swap3A_871 = vector.shape_cast %swap3A_870 : vector<1x128x32xf32> to vector<128x32xf32>
    %swap3A_872 = vector.shape_cast %transpose3A_866 : vector<128x32xf32> to vector<1x128x32xf32>
    tpu.vector_store %arg3[%swap3A_867, %swap3A_868, %swap3A_869], %swap3A_872 {strides = array<i32>} : memref<1x4096x128xf32, #tpu.memory_space<vmem>>, vector<1x128x32xf32>,
    %slice3A_873 = vector.extract_strided_slice %get3A_3 {offsets = [0, 13952], sizes = [32, 128], strides = [1, 1]} : vector<32x16384xf32> to vector<32x128xf32>
    %transpose3A_874 = tpu.transpose %slice3A_873, [1, 0] : vector<32x128xf32> -> vector<128x32xf32>
    %swap3A_875 = arith.constant 0 : index
    %swap3A_876 = arith.constant 3456 : index
    %swap3A_877 = arith.constant 32 : index
    %swap3A_878 = vector.load %arg3[%swap3A_875, %swap3A_876, %swap3A_877] : memref<1x4096x128xf32, #tpu.memory_space<vmem>>, vector<1x128x32xf32>
    %swap3A_879 = vector.shape_cast %swap3A_878 : vector<1x128x32xf32> to vector<128x32xf32>
    %swap3A_880 = vector.shape_cast %transpose3A_874 : vector<128x32xf32> to vector<1x128x32xf32>
    tpu.vector_store %arg3[%swap3A_875, %swap3A_876, %swap3A_877], %swap3A_880 {strides = array<i32>} : memref<1x4096x128xf32, #tpu.memory_space<vmem>>, vector<1x128x32xf32>,
    %slice3A_881 = vector.extract_strided_slice %get3A_3 {offsets = [0, 14080], sizes = [32, 128], strides = [1, 1]} : vector<32x16384xf32> to vector<32x128xf32>
    %transpose3A_882 = tpu.transpose %slice3A_881, [1, 0] : vector<32x128xf32> -> vector<128x32xf32>
    %swap3A_883 = arith.constant 0 : index
    %swap3A_884 = arith.constant 3456 : index
    %swap3A_885 = arith.constant 64 : index
    %swap3A_886 = vector.load %arg3[%swap3A_883, %swap3A_884, %swap3A_885] : memref<1x4096x128xf32, #tpu.memory_space<vmem>>, vector<1x128x32xf32>
    %swap3A_887 = vector.shape_cast %swap3A_886 : vector<1x128x32xf32> to vector<128x32xf32>
    %swap3A_888 = vector.shape_cast %transpose3A_882 : vector<128x32xf32> to vector<1x128x32xf32>
    tpu.vector_store %arg3[%swap3A_883, %swap3A_884, %swap3A_885], %swap3A_888 {strides = array<i32>} : memref<1x4096x128xf32, #tpu.memory_space<vmem>>, vector<1x128x32xf32>,
    %slice3A_889 = vector.extract_strided_slice %get3A_3 {offsets = [0, 14208], sizes = [32, 128], strides = [1, 1]} : vector<32x16384xf32> to vector<32x128xf32>
    %transpose3A_890 = tpu.transpose %slice3A_889, [1, 0] : vector<32x128xf32> -> vector<128x32xf32>
    %swap3A_891 = arith.constant 0 : index
    %swap3A_892 = arith.constant 3456 : index
    %swap3A_893 = arith.constant 96 : index
    %swap3A_894 = vector.load %arg3[%swap3A_891, %swap3A_892, %swap3A_893] : memref<1x4096x128xf32, #tpu.memory_space<vmem>>, vector<1x128x32xf32>
    %swap3A_895 = vector.shape_cast %swap3A_894 : vector<1x128x32xf32> to vector<128x32xf32>
    %swap3A_896 = vector.shape_cast %transpose3A_890 : vector<128x32xf32> to vector<1x128x32xf32>
    tpu.vector_store %arg3[%swap3A_891, %swap3A_892, %swap3A_893], %swap3A_896 {strides = array<i32>} : memref<1x4096x128xf32, #tpu.memory_space<vmem>>, vector<1x128x32xf32>,
    %slice3A_897 = vector.extract_strided_slice %get3A_3 {offsets = [0, 14336], sizes = [32, 128], strides = [1, 1]} : vector<32x16384xf32> to vector<32x128xf32>
    %transpose3A_898 = tpu.transpose %slice3A_897, [1, 0] : vector<32x128xf32> -> vector<128x32xf32>
    %swap3A_899 = arith.constant 0 : index
    %swap3A_900 = arith.constant 3584 : index
    %swap3A_901 = arith.constant 0 : index
    %swap3A_902 = vector.load %arg3[%swap3A_899, %swap3A_900, %swap3A_901] : memref<1x4096x128xf32, #tpu.memory_space<vmem>>, vector<1x128x32xf32>
    %swap3A_903 = vector.shape_cast %swap3A_902 : vector<1x128x32xf32> to vector<128x32xf32>
    %swap3A_904 = vector.shape_cast %transpose3A_898 : vector<128x32xf32> to vector<1x128x32xf32>
    tpu.vector_store %arg3[%swap3A_899, %swap3A_900, %swap3A_901], %swap3A_904 {strides = array<i32>} : memref<1x4096x128xf32, #tpu.memory_space<vmem>>, vector<1x128x32xf32>,
    %slice3A_905 = vector.extract_strided_slice %get3A_3 {offsets = [0, 14464], sizes = [32, 128], strides = [1, 1]} : vector<32x16384xf32> to vector<32x128xf32>
    %transpose3A_906 = tpu.transpose %slice3A_905, [1, 0] : vector<32x128xf32> -> vector<128x32xf32>
    %swap3A_907 = arith.constant 0 : index
    %swap3A_908 = arith.constant 3584 : index
    %swap3A_909 = arith.constant 32 : index
    %swap3A_910 = vector.load %arg3[%swap3A_907, %swap3A_908, %swap3A_909] : memref<1x4096x128xf32, #tpu.memory_space<vmem>>, vector<1x128x32xf32>
    %swap3A_911 = vector.shape_cast %swap3A_910 : vector<1x128x32xf32> to vector<128x32xf32>
    %swap3A_912 = vector.shape_cast %transpose3A_906 : vector<128x32xf32> to vector<1x128x32xf32>
    tpu.vector_store %arg3[%swap3A_907, %swap3A_908, %swap3A_909], %swap3A_912 {strides = array<i32>} : memref<1x4096x128xf32, #tpu.memory_space<vmem>>, vector<1x128x32xf32>,
    %slice3A_913 = vector.extract_strided_slice %get3A_3 {offsets = [0, 14592], sizes = [32, 128], strides = [1, 1]} : vector<32x16384xf32> to vector<32x128xf32>
    %transpose3A_914 = tpu.transpose %slice3A_913, [1, 0] : vector<32x128xf32> -> vector<128x32xf32>
    %swap3A_915 = arith.constant 0 : index
    %swap3A_916 = arith.constant 3584 : index
    %swap3A_917 = arith.constant 64 : index
    %swap3A_918 = vector.load %arg3[%swap3A_915, %swap3A_916, %swap3A_917] : memref<1x4096x128xf32, #tpu.memory_space<vmem>>, vector<1x128x32xf32>
    %swap3A_919 = vector.shape_cast %swap3A_918 : vector<1x128x32xf32> to vector<128x32xf32>
    %swap3A_920 = vector.shape_cast %transpose3A_914 : vector<128x32xf32> to vector<1x128x32xf32>
    tpu.vector_store %arg3[%swap3A_915, %swap3A_916, %swap3A_917], %swap3A_920 {strides = array<i32>} : memref<1x4096x128xf32, #tpu.memory_space<vmem>>, vector<1x128x32xf32>,
    %slice3A_921 = vector.extract_strided_slice %get3A_3 {offsets = [0, 14720], sizes = [32, 128], strides = [1, 1]} : vector<32x16384xf32> to vector<32x128xf32>
    %transpose3A_922 = tpu.transpose %slice3A_921, [1, 0] : vector<32x128xf32> -> vector<128x32xf32>
    %swap3A_923 = arith.constant 0 : index
    %swap3A_924 = arith.constant 3584 : index
    %swap3A_925 = arith.constant 96 : index
    %swap3A_926 = vector.load %arg3[%swap3A_923, %swap3A_924, %swap3A_925] : memref<1x4096x128xf32, #tpu.memory_space<vmem>>, vector<1x128x32xf32>
    %swap3A_927 = vector.shape_cast %swap3A_926 : vector<1x128x32xf32> to vector<128x32xf32>
    %swap3A_928 = vector.shape_cast %transpose3A_922 : vector<128x32xf32> to vector<1x128x32xf32>
    tpu.vector_store %arg3[%swap3A_923, %swap3A_924, %swap3A_925], %swap3A_928 {strides = array<i32>} : memref<1x4096x128xf32, #tpu.memory_space<vmem>>, vector<1x128x32xf32>,
    %slice3A_929 = vector.extract_strided_slice %get3A_3 {offsets = [0, 14848], sizes = [32, 128], strides = [1, 1]} : vector<32x16384xf32> to vector<32x128xf32>
    %transpose3A_930 = tpu.transpose %slice3A_929, [1, 0] : vector<32x128xf32> -> vector<128x32xf32>
    %swap3A_931 = arith.constant 0 : index
    %swap3A_932 = arith.constant 3712 : index
    %swap3A_933 = arith.constant 0 : index
    %swap3A_934 = vector.load %arg3[%swap3A_931, %swap3A_932, %swap3A_933] : memref<1x4096x128xf32, #tpu.memory_space<vmem>>, vector<1x128x32xf32>
    %swap3A_935 = vector.shape_cast %swap3A_934 : vector<1x128x32xf32> to vector<128x32xf32>
    %swap3A_936 = vector.shape_cast %transpose3A_930 : vector<128x32xf32> to vector<1x128x32xf32>
    tpu.vector_store %arg3[%swap3A_931, %swap3A_932, %swap3A_933], %swap3A_936 {strides = array<i32>} : memref<1x4096x128xf32, #tpu.memory_space<vmem>>, vector<1x128x32xf32>,
    %slice3A_937 = vector.extract_strided_slice %get3A_3 {offsets = [0, 14976], sizes = [32, 128], strides = [1, 1]} : vector<32x16384xf32> to vector<32x128xf32>
    %transpose3A_938 = tpu.transpose %slice3A_937, [1, 0] : vector<32x128xf32> -> vector<128x32xf32>
    %swap3A_939 = arith.constant 0 : index
    %swap3A_940 = arith.constant 3712 : index
    %swap3A_941 = arith.constant 32 : index
    %swap3A_942 = vector.load %arg3[%swap3A_939, %swap3A_940, %swap3A_941] : memref<1x4096x128xf32, #tpu.memory_space<vmem>>, vector<1x128x32xf32>
    %swap3A_943 = vector.shape_cast %swap3A_942 : vector<1x128x32xf32> to vector<128x32xf32>
    %swap3A_944 = vector.shape_cast %transpose3A_938 : vector<128x32xf32> to vector<1x128x32xf32>
    tpu.vector_store %arg3[%swap3A_939, %swap3A_940, %swap3A_941], %swap3A_944 {strides = array<i32>} : memref<1x4096x128xf32, #tpu.memory_space<vmem>>, vector<1x128x32xf32>,
    %slice3A_945 = vector.extract_strided_slice %get3A_3 {offsets = [0, 15104], sizes = [32, 128], strides = [1, 1]} : vector<32x16384xf32> to vector<32x128xf32>
    %transpose3A_946 = tpu.transpose %slice3A_945, [1, 0] : vector<32x128xf32> -> vector<128x32xf32>
    %swap3A_947 = arith.constant 0 : index
    %swap3A_948 = arith.constant 3712 : index
    %swap3A_949 = arith.constant 64 : index
    %swap3A_950 = vector.load %arg3[%swap3A_947, %swap3A_948, %swap3A_949] : memref<1x4096x128xf32, #tpu.memory_space<vmem>>, vector<1x128x32xf32>
    %swap3A_951 = vector.shape_cast %swap3A_950 : vector<1x128x32xf32> to vector<128x32xf32>
    %swap3A_952 = vector.shape_cast %transpose3A_946 : vector<128x32xf32> to vector<1x128x32xf32>
    tpu.vector_store %arg3[%swap3A_947, %swap3A_948, %swap3A_949], %swap3A_952 {strides = array<i32>} : memref<1x4096x128xf32, #tpu.memory_space<vmem>>, vector<1x128x32xf32>,
    %slice3A_953 = vector.extract_strided_slice %get3A_3 {offsets = [0, 15232], sizes = [32, 128], strides = [1, 1]} : vector<32x16384xf32> to vector<32x128xf32>
    %transpose3A_954 = tpu.transpose %slice3A_953, [1, 0] : vector<32x128xf32> -> vector<128x32xf32>
    %swap3A_955 = arith.constant 0 : index
    %swap3A_956 = arith.constant 3712 : index
    %swap3A_957 = arith.constant 96 : index
    %swap3A_958 = vector.load %arg3[%swap3A_955, %swap3A_956, %swap3A_957] : memref<1x4096x128xf32, #tpu.memory_space<vmem>>, vector<1x128x32xf32>
    %swap3A_959 = vector.shape_cast %swap3A_958 : vector<1x128x32xf32> to vector<128x32xf32>
    %swap3A_960 = vector.shape_cast %transpose3A_954 : vector<128x32xf32> to vector<1x128x32xf32>
    tpu.vector_store %arg3[%swap3A_955, %swap3A_956, %swap3A_957], %swap3A_960 {strides = array<i32>} : memref<1x4096x128xf32, #tpu.memory_space<vmem>>, vector<1x128x32xf32>,
    %slice3A_961 = vector.extract_strided_slice %get3A_3 {offsets = [0, 15360], sizes = [32, 128], strides = [1, 1]} : vector<32x16384xf32> to vector<32x128xf32>
    %transpose3A_962 = tpu.transpose %slice3A_961, [1, 0] : vector<32x128xf32> -> vector<128x32xf32>
    %swap3A_963 = arith.constant 0 : index
    %swap3A_964 = arith.constant 3840 : index
    %swap3A_965 = arith.constant 0 : index
    %swap3A_966 = vector.load %arg3[%swap3A_963, %swap3A_964, %swap3A_965] : memref<1x4096x128xf32, #tpu.memory_space<vmem>>, vector<1x128x32xf32>
    %swap3A_967 = vector.shape_cast %swap3A_966 : vector<1x128x32xf32> to vector<128x32xf32>
    %swap3A_968 = vector.shape_cast %transpose3A_962 : vector<128x32xf32> to vector<1x128x32xf32>
    tpu.vector_store %arg3[%swap3A_963, %swap3A_964, %swap3A_965], %swap3A_968 {strides = array<i32>} : memref<1x4096x128xf32, #tpu.memory_space<vmem>>, vector<1x128x32xf32>,
    %slice3A_969 = vector.extract_strided_slice %get3A_3 {offsets = [0, 15488], sizes = [32, 128], strides = [1, 1]} : vector<32x16384xf32> to vector<32x128xf32>
    %transpose3A_970 = tpu.transpose %slice3A_969, [1, 0] : vector<32x128xf32> -> vector<128x32xf32>
    %swap3A_971 = arith.constant 0 : index
    %swap3A_972 = arith.constant 3840 : index
    %swap3A_973 = arith.constant 32 : index
    %swap3A_974 = vector.load %arg3[%swap3A_971, %swap3A_972, %swap3A_973] : memref<1x4096x128xf32, #tpu.memory_space<vmem>>, vector<1x128x32xf32>
    %swap3A_975 = vector.shape_cast %swap3A_974 : vector<1x128x32xf32> to vector<128x32xf32>
    %swap3A_976 = vector.shape_cast %transpose3A_970 : vector<128x32xf32> to vector<1x128x32xf32>
    tpu.vector_store %arg3[%swap3A_971, %swap3A_972, %swap3A_973], %swap3A_976 {strides = array<i32>} : memref<1x4096x128xf32, #tpu.memory_space<vmem>>, vector<1x128x32xf32>,
    %slice3A_977 = vector.extract_strided_slice %get3A_3 {offsets = [0, 15616], sizes = [32, 128], strides = [1, 1]} : vector<32x16384xf32> to vector<32x128xf32>
    %transpose3A_978 = tpu.transpose %slice3A_977, [1, 0] : vector<32x128xf32> -> vector<128x32xf32>
    %swap3A_979 = arith.constant 0 : index
    %swap3A_980 = arith.constant 3840 : index
    %swap3A_981 = arith.constant 64 : index
    %swap3A_982 = vector.load %arg3[%swap3A_979, %swap3A_980, %swap3A_981] : memref<1x4096x128xf32, #tpu.memory_space<vmem>>, vector<1x128x32xf32>
    %swap3A_983 = vector.shape_cast %swap3A_982 : vector<1x128x32xf32> to vector<128x32xf32>
    %swap3A_984 = vector.shape_cast %transpose3A_978 : vector<128x32xf32> to vector<1x128x32xf32>
    tpu.vector_store %arg3[%swap3A_979, %swap3A_980, %swap3A_981], %swap3A_984 {strides = array<i32>} : memref<1x4096x128xf32, #tpu.memory_space<vmem>>, vector<1x128x32xf32>,
    %slice3A_985 = vector.extract_strided_slice %get3A_3 {offsets = [0, 15744], sizes = [32, 128], strides = [1, 1]} : vector<32x16384xf32> to vector<32x128xf32>
    %transpose3A_986 = tpu.transpose %slice3A_985, [1, 0] : vector<32x128xf32> -> vector<128x32xf32>
    %swap3A_987 = arith.constant 0 : index
    %swap3A_988 = arith.constant 3840 : index
    %swap3A_989 = arith.constant 96 : index
    %swap3A_990 = vector.load %arg3[%swap3A_987, %swap3A_988, %swap3A_989] : memref<1x4096x128xf32, #tpu.memory_space<vmem>>, vector<1x128x32xf32>
    %swap3A_991 = vector.shape_cast %swap3A_990 : vector<1x128x32xf32> to vector<128x32xf32>
    %swap3A_992 = vector.shape_cast %transpose3A_986 : vector<128x32xf32> to vector<1x128x32xf32>
    tpu.vector_store %arg3[%swap3A_987, %swap3A_988, %swap3A_989], %swap3A_992 {strides = array<i32>} : memref<1x4096x128xf32, #tpu.memory_space<vmem>>, vector<1x128x32xf32>,
    %slice3A_993 = vector.extract_strided_slice %get3A_3 {offsets = [0, 15872], sizes = [32, 128], strides = [1, 1]} : vector<32x16384xf32> to vector<32x128xf32>
    %transpose3A_994 = tpu.transpose %slice3A_993, [1, 0] : vector<32x128xf32> -> vector<128x32xf32>
    %swap3A_995 = arith.constant 0 : index
    %swap3A_996 = arith.constant 3968 : index
    %swap3A_997 = arith.constant 0 : index
    %swap3A_998 = vector.load %arg3[%swap3A_995, %swap3A_996, %swap3A_997] : memref<1x4096x128xf32, #tpu.memory_space<vmem>>, vector<1x128x32xf32>
    %swap3A_999 = vector.shape_cast %swap3A_998 : vector<1x128x32xf32> to vector<128x32xf32>
    %swap3A_1000 = vector.shape_cast %transpose3A_994 : vector<128x32xf32> to vector<1x128x32xf32>
    tpu.vector_store %arg3[%swap3A_995, %swap3A_996, %swap3A_997], %swap3A_1000 {strides = array<i32>} : memref<1x4096x128xf32, #tpu.memory_space<vmem>>, vector<1x128x32xf32>,
    %slice3A_1001 = vector.extract_strided_slice %get3A_3 {offsets = [0, 16000], sizes = [32, 128], strides = [1, 1]} : vector<32x16384xf32> to vector<32x128xf32>
    %transpose3A_1002 = tpu.transpose %slice3A_1001, [1, 0] : vector<32x128xf32> -> vector<128x32xf32>
    %swap3A_1003 = arith.constant 0 : index
    %swap3A_1004 = arith.constant 3968 : index
    %swap3A_1005 = arith.constant 32 : index
    %swap3A_1006 = vector.load %arg3[%swap3A_1003, %swap3A_1004, %swap3A_1005] : memref<1x4096x128xf32, #tpu.memory_space<vmem>>, vector<1x128x32xf32>
    %swap3A_1007 = vector.shape_cast %swap3A_1006 : vector<1x128x32xf32> to vector<128x32xf32>
    %swap3A_1008 = vector.shape_cast %transpose3A_1002 : vector<128x32xf32> to vector<1x128x32xf32>
    tpu.vector_store %arg3[%swap3A_1003, %swap3A_1004, %swap3A_1005], %swap3A_1008 {strides = array<i32>} : memref<1x4096x128xf32, #tpu.memory_space<vmem>>, vector<1x128x32xf32>,
    %slice3A_1009 = vector.extract_strided_slice %get3A_3 {offsets = [0, 16128], sizes = [32, 128], strides = [1, 1]} : vector<32x16384xf32> to vector<32x128xf32>
    %transpose3A_1010 = tpu.transpose %slice3A_1009, [1, 0] : vector<32x128xf32> -> vector<128x32xf32>
    %swap3A_1011 = arith.constant 0 : index
    %swap3A_1012 = arith.constant 3968 : index
    %swap3A_1013 = arith.constant 64 : index
    %swap3A_1014 = vector.load %arg3[%swap3A_1011, %swap3A_1012, %swap3A_1013] : memref<1x4096x128xf32, #tpu.memory_space<vmem>>, vector<1x128x32xf32>
    %swap3A_1015 = vector.shape_cast %swap3A_1014 : vector<1x128x32xf32> to vector<128x32xf32>
    %swap3A_1016 = vector.shape_cast %transpose3A_1010 : vector<128x32xf32> to vector<1x128x32xf32>
    tpu.vector_store %arg3[%swap3A_1011, %swap3A_1012, %swap3A_1013], %swap3A_1016 {strides = array<i32>} : memref<1x4096x128xf32, #tpu.memory_space<vmem>>, vector<1x128x32xf32>,
    %slice3A_1017 = vector.extract_strided_slice %get3A_3 {offsets = [0, 16256], sizes = [32, 128], strides = [1, 1]} : vector<32x16384xf32> to vector<32x128xf32>
    %transpose3A_1018 = tpu.transpose %slice3A_1017, [1, 0] : vector<32x128xf32> -> vector<128x32xf32>
    %swap3A_1019 = arith.constant 0 : index
    %swap3A_1020 = arith.constant 3968 : index
    %swap3A_1021 = arith.constant 96 : index
    %swap3A_1022 = vector.load %arg3[%swap3A_1019, %swap3A_1020, %swap3A_1021] : memref<1x4096x128xf32, #tpu.memory_space<vmem>>, vector<1x128x32xf32>
    %swap3A_1023 = vector.shape_cast %swap3A_1022 : vector<1x128x32xf32> to vector<128x32xf32>
    %swap3A_1024 = vector.shape_cast %transpose3A_1018 : vector<128x32xf32> to vector<1x128x32xf32>
    tpu.vector_store %arg3[%swap3A_1019, %swap3A_1020, %swap3A_1021], %swap3A_1024 {strides = array<i32>} : memref<1x4096x128xf32, #tpu.memory_space<vmem>>, vector<1x128x32xf32>,
    return
  }
  func.func @transform_0(%arg0: i32, %arg1: i32) -> (i32, i32, i32) {
    %c0_i32 = arith.constant 0 : i32
    %c0_i32_0 = arith.constant 0 : i32
    return %arg0, %c0_i32, %arg1 : i32, i32, i32
  }
  func.func @transform_1(%arg0: i32, %arg1: i32) -> (i32, i32, i32) {
    %c0_i32 = arith.constant 0 : i32
    %c0_i32_0 = arith.constant 0 : i32
    return %arg0, %arg1, %c0_i32 : i32, i32, i32
  }
}

</mosaic_0001>

<sc_bundles>
// kernel: kernel.4.cloned.1.call-start
scs
__scs_entry_jumppad:
0x0: {  	(pc) =	sbr.rel $0x88, $3  }
0x1: {  	(tag) =	ssettag $0x0;
	lr =	simm.s32 $0x1  }
0x2: {  	[smem:$0x3F9D] =	sst lr;
	_ =	strace $0xD0000000  }
0x3: {  	_ = 	snop  }
0x4: {  	_ = 	snop  }
0x5: {  	_ = 	snop  }
0x6: {  	_ = 	snop  }
0x7: {  	_ = 	snop  }
__scs_overlays_trampoline_lowered:
0x8: {  	[smem:$0x3FAC] =	sst s0  }
0x9: {  	[smem:$0x3FAD] =	sst s1  }
0xa: {  	[smem:$0x3FAE] =	sst s2  }
0xb: {  	[smem:$0x3FAF] =	sst s3  }
0xc: {  	[smem:$0x3FB0] =	sst s4  }
0xd: {  	[smem:$0x3FB1] =	sst s5  }
0xe: {  	[smem:$0x3FB2] =	sst s6  }
0xf: {  	[smem:$0x3FB3] =	sst s7  }
0x10: {  	[smem:$0x3FB4] =	sst s8  }
0x11: {  	[smem:$0x3FB5] =	sst s9;
	s0 =	simm.s32 @!p0 $0x0  }
0x12: {  	s1 =	sld [smem:$0x3F9B];
	s0 =	simm.s32 @p0 $0x1  }
0x13: {  	[smem:$0x3FB6] =	sst s0;
	s0 =	simm.s32 @!p1 $0x0  }
0x14: {  	s2 =	sld [smem:$0x3F9A];
	s0 =	simm.s32 @p1 $0x1  }
0x15: {  	[smem:$0x3FB7] =	sst s0;
	s0 =	simm.s32 @!p2 $0x0  }
0x16: {  	s3 =	sld [smem:$0x3FDB];
	s0 =	simm.s32 @p2 $0x1  }
0x17: {  	s4 =	simm.s32 $0x1BF5;
	[smem:$0x3FB9] =	sst s0  }
0x18: {  	s0 =	sld [smem:$0x3F9C];
	_ =	swait.ge [sflag:s4], $0x0  }
0x19: {  	s7 =	sld [smem:$0x3F9D]  }
0x1a: {  	s8 =	sadd.s32 $0xFFFFE003, lr  }
0x1b: {  	s9 =	sadd.s32 $0xFFFFFEF7, lr;
	s5 =	simm.s32 $0xFFFFFFFF;
	p2 =	slt.u32 s8, $0xFFFFF086  }
0x1c: {  	p1 =	slt.u32 s9, $0xF7A;
	s5 =	simm.s32 @!p2 $0x0  }
0x1d: {  	s5 =	simm.s32 @p1 $0x1;
	p0 =	seq.s32 s7, s2  }
0x1e: {  	s7 =	smul.u32 @!p0 $0xF7A, s2;
	p2 =	seq.s32 @!p0 s5, $0x0  }
0x1f: {  	s9 =	smul.u32 $0xF7A, s1;
	s8 =	simm.s32 @!p0 $0x1BF5;
	p2 =	por !p2, p0  }
0x20: {  	[sflag:s8] =	ssyncset.s32 @!p0 $0xFFFFF086;
	s6 =	sadd.s32 @!p0 s3, s7;
	s7 =	simm.s32 @!p0 $0x108  }
0x21: {  	s3 =	sadd.s32 s3, s9;
	s6 =	sadd.s32 @!p0 $0x88, s6;
	s7 =	simm.s32 @p2 $0x1082  }
0x22: {  	[simem:s7], [sflag:s8] =	dma.local @!p0 [hbm:s6], $0xF7A  }
0x23: {  	s9 =	sor.u32 $0xD0000000, s2;
	s6 =	simm.s32 $0x108;
	_ =	swait.ge @!p0 [sflag:s8], $0x0  }
0x24: {  	s3 =	sadd.s32 $0x88, s3;
	s6 =	simm.s32 @!p1 $0x1082;
	[sflag:s4] =	ssyncset.s32 $0xFFFFF086  }
0x25: {  	[simem:s6], [sflag:s4] =	dma.local [hbm:s3], $0xF7A  }
0x26: {  	[smem:$0x3F9D] =	sst s1;
	(tag) =	ssettag s2;
	_ =	strace s9  }
0x27: {  	s1 =	sld [smem:$0x3FAD]  }
0x28: {  	s2 =	sld [smem:$0x3FAE]  }
0x29: {  	s4 =	sld [smem:$0x3FB0]  }
0x2a: {  	p0 =	seq.s32 s5, $0x0;
	s5 =	sld [smem:$0x3FB1]  }
0x2b: {  	s6 =	sld [smem:$0x3FB2]  }
0x2c: {  	s7 =	sld [smem:$0x3FB3]  }
0x2d: {  	s3 =	simm.s32 $0x108;
	s8 =	sld [smem:$0x3FB4]  }
0x2e: {  	s3 =	simm.s32 @!p0 $0x1082;
	s9 =	sld [smem:$0x3FB5]  }
0x2f: {  	lr =	sadd.s32 s0, s3;
	s0 =	sld [smem:$0x3FAC]  }
0x30: {  	s3 =	sld [smem:$0x3FAF]  }
0x31: {  	[smem:$0x3FB8] =	sst s10  }
0x32: {  	s10 =	sld [smem:$0x3FB6];
	_ =	sdelay $0x3  }
0x33: {  	p0 =	seq.s32 s10, $0x1;
	s10 =	sld [smem:$0x3FB8];
	_ =	sdelay $0x3  }
0x34: {  	[smem:$0x3FB8] =	sst s10  }
0x35: {  	s10 =	sld [smem:$0x3FB7];
	_ =	sdelay $0x3  }
0x36: {  	p1 =	seq.s32 s10, $0x1;
	s10 =	sld [smem:$0x3FB8];
	_ =	sdelay $0x3  }
0x37: {  	[smem:$0x3FB8] =	sst s10  }
0x38: {  	s10 =	sld [smem:$0x3FB9]  }
0x39: {  	_ = 	snop;
	(pc) =	sbr.ind lr, $3  }
0x3a: {  	_ = 	snop  }
0x3b: {  	_ = 	snop  }
0x3c: {  	p2 =	seq.s32 s10, $0x1;
	s10 =	sld [smem:$0x3FB8]  }
0x3d: {  	_ =	shalt  }
0x3e: {  	_ =	shalt  }
0x3f: {  	_ =	shalt  }
0x40: {  	_ =	shalt  }
0x41: {  	_ =	shalt  }
0x42: {  	_ =	shalt  }
0x43: {  	_ =	shalt  }
0x44: {  	_ =	shalt  }
0x45: {  	_ =	shalt  }
0x46: {  	_ =	shalt  }
0x47: {  	_ =	shalt  }
0x48: {  	_ =	shalt  }
0x49: {  	_ =	shalt  }
0x4a: {  	_ =	shalt  }
0x4b: {  	_ =	shalt  }
0x4c: {  	_ =	shalt  }
0x4d: {  	_ =	shalt  }
0x4e: {  	_ =	shalt  }
0x4f: {  	_ =	shalt  }
0x50: {  	_ =	shalt  }
0x51: {  	_ =	shalt  }
0x52: {  	_ =	shalt  }
0x53: {  	_ =	shalt  }
0x54: {  	_ =	shalt  }
0x55: {  	_ =	shalt  }
0x56: {  	_ =	shalt  }
0x57: {  	_ =	shalt  }
0x58: {  	_ =	shalt  }
0x59: {  	_ =	shalt  }
0x5a: {  	_ =	shalt  }
0x5b: {  	_ =	shalt  }
0x5c: {  	_ =	shalt  }
0x5d: {  	_ =	shalt  }
0x5e: {  	_ =	shalt  }
0x5f: {  	_ =	shalt  }
0x60: {  	_ =	shalt  }
0x61: {  	_ =	shalt  }
0x62: {  	_ =	shalt  }
0x63: {  	_ =	shalt  }
0x64: {  	_ =	shalt  }
0x65: {  	_ =	shalt  }
0x66: {  	_ =	shalt  }
0x67: {  	_ =	shalt  }
0x68: {  	_ =	shalt  }
0x69: {  	_ =	shalt  }
0x6a: {  	_ =	shalt  }
0x6b: {  	_ =	shalt  }
0x6c: {  	_ =	shalt  }
0x6d: {  	_ =	shalt  }
0x6e: {  	_ =	shalt  }
0x6f: {  	_ =	shalt  }
0x70: {  	_ =	shalt  }
0x71: {  	_ =	shalt  }
0x72: {  	_ =	shalt  }
0x73: {  	_ =	shalt  }
0x74: {  	_ =	shalt  }
0x75: {  	_ =	shalt  }
0x76: {  	_ =	shalt  }
0x77: {  	_ =	shalt  }
0x78: {  	_ =	shalt  }
0x79: {  	_ =	shalt  }
0x7a: {  	_ =	shalt  }
0x7b: {  	_ =	shalt  }
0x7c: {  	_ =	shalt  }
0x7d: {  	_ =	shalt  }
0x7e: {  	_ =	shalt  }
0x7f: {  	_ =	shalt  }
0x80: {  	_ =	shalt  }
0x81: {  	_ =	shalt  }
0x82: {  	_ =	shalt  }
0x83: {  	_ =	shalt  }
0x84: {  	_ =	shalt  }
0x85: {  	_ =	shalt  }
0x86: {  	_ =	shalt  }
0x87: {  	_ =	shalt  }
.Lfunc_end0:
.L_simem_size_0:
called_computation_lowered:
.L_overlay_start_0:
0x88: {  	s2 =	sld [smem:$0x3FD9]  }
0x89: {  	s3 =	sld [smem:$0x3FFE];
	_ =	sdelay $0x1  }
0x8a: {  	s1 =	srdreg.scid  }
0x8b: {  	s0 =	sand.u32 $0x1, s1  }
0x8c: {  	s17 =	sshll.u32 s0, $0xA;
	s2 =	sadd.s32 s3, s2  }
0x8d: {  	s2 =	sadd.s32 s2, s17  }
0x8e: {  	[smem:$0x3FC4] =	sst s2  }
0x8f: {  	_ = 	snop  }
0x90: {  	s2 =	sld [smem:$0x3FD0];
	(tm) =	ssettm $0x1  }
0x91: {  	s18 =	sld [smem:$0x3FFB];
	_ =	sdelay $0x3  }
0x92: {  	_ =	strace s18  }
0x93: {  	s3 =	sld [smem:$0x3FFC];
	_ =	sdelay $0x3  }
0x94: {  	_ =	strace s3  }
0x95: {  	s3 =	sld [smem:$0x3FFD];
	_ =	sdelay $0x3  }
0x96: {  	_ =	strace s3  }
0x97: {  	_ =	strace $0x8FFFFFFF  }
0x98: {  	s19 =	sld [smem:$0x3FDB];
	_ =	sdelay $0x1  }
0x99: {  	s4 =	simm.s32 $_scs_section_size  }
0x9a: {  	s5 =	simm.s32 $_size__tile_overlayer_lowered;
	s6 =	simm.s32 $_tile_overlayer_lowered  }
0x9b: {  	s22 =	simm.s32 $0x1BFF;
	s21 =	sshll.u32 s6, $0x1;
	s3 =	sadd.s32 s4, s19  }
0x9c: {  	s7 =	simm.s32 $0x0;
	s20 =	sshll.u32 s5, $0x1;
	s5 =	sadd.s32 s21, s3  }
0x9d: {  	[timem:s7], [sflag:s22] =	dma.local [hbm:s5], s20  }
0x9e: {  	_ =	swait.ge [sflag:s22], s20  }
0x9f: {  	s4 =	ssub.s32 $0x0, s20;
	[sflag:s22] =	ssyncset.done $0x0  }
0xa0: {  	[sflag:s22] =	ssyncadd.s32 s4;
	_ =	sdelay $0x1  }
0xa1: {  	s23 =	simm.s32 $0x1B8B  }
0xa2: {  	_ =	swait.ge [sflag:s23], $0x1  }
0xa3: {  	[sflag:s23] =	ssyncset.done $0x0  }
0xa4: {  	s25 =	simm.s32 $0x1B8E;
	s24 =	sld [smem:$0x3FFE];
	[sflag:s23] =	ssyncadd.s32 $0xFFFFFFFF  }
0xa5: {  	s26 =	simm.s32 $execute0_lowered;
	[smem:$0x3FD2] =	sst s25  }
0xa6: {  	s5 =	sshll.u32 s26, $0x1;
	_ =	strace $0x80000046;
	[dreg:$0x1] =	wrdreg $0xFFFFFFFF  }
0xa7: {  	s28 =	simm.s32 $_size_execute0_lowered;
	s3 =	sadd.s32 s3, s5;
	[dreg:$0x0] =	wrdreg $0x0  }
0xa8: {  	s5 =	sshll.u32 s28, $0x1;
	[dreg:$0x2] =	wrdreg s3  }
0xa9: {  	[dreg:$0x3] =	wrdreg s5  }
0xaa: {  	[dreg:$0x4] =	wrdreg $0xC0  }
0xab: {  	_ =	task [dreg:s7], $0x5FFFF  }
0xac: {  	[dreg:$0x1] =	wrdreg $0xFFFFFFFF  }
0xad: {  	[dreg:$0x0] =	wrdreg $0x60  }
0xae: {  	[dreg:$0x2] =	wrdreg s24  }
0xaf: {  	[dreg:$0x3] =	wrdreg s2  }
0xb0: {  	[dreg:$0x4] =	wrdreg $0x9  }
0xb1: {  	_ =	task.clear_ibuf [dreg:s7], $0x5FFFF;
	_ =	strace $0x90000046  }
0xb2: {  	s29 =	simm.s32 $0x9;
	_ =	strace $0x80000048  }
0xb3: {  	_ =	swait.ge [sflag:s29], $0x1  }
0xb4: {  	[sflag:s29] =	ssyncadd.s32 $0xFFFFFFFF  }
0xb5: {  	_ =	strace $0x90000048  }
0xb6: {  	_ =	sfence  }
0xb7: {  	s30 =	sld [smem:$0x0];
	_ =	sdelay $0x2  }
0xb8: {  	s31 =	sshll.u32 s1, $0xD;
	s1 =	sshrl.u32 s1, $0x2  }
0xb9: {  	s3 =	sand.u32 $0x4000, s31;
	s1 =	sadd.s32 s1, s30  }
0xba: {  	s0 =	sor.u32 s3, s0;
	s1 =	sshll.u32 s1, $0x11  }
0xbb: {  	s0 =	sor.u32 s1, s0  }
0xbc: {  	s0 =	sadd.s32 $0x8F2B, s0  }
0xbd: {  	[sflag:s0] =	ssyncadd.remote.s32 $0x1  }
0xbe: {  	_ =	sfence.sel $0xFFFF  }
0xbf: {  	[dreg:$0x0] =	wrdreg $0xFFFFFFFF;
	(pc) =	sbr.abs _section_cstart, $3  }
0xc0: {  	[dreg:$0x1] =	wrdreg $0xFFFFFFFF  }
0xc1: {  	_ =	task.clear_ibuf [dreg:s7], $0x2FFFF;
	_ =	strace $0x9FFFFFFF  }
0xc2: {  	(tm) =	ssettm $0x7FFFFFFF  }
0xc3: {  	_ =	shalt  }
tec
execute0_lowered:
.L_overlay_start_1:
0x0: {  	(tag) =	ssettag $0x1  }
0x1: {  	s0 =	srdreg.scid;
	s1 =	rddreg [dreg:$0x0]  }
0x2: {  	s2 =	rddreg [dreg:$0x1];
	s4 =	stileid.u32;
	s0 =	sand.u32 $0x1, s0  }
0x3: {  	s6 =	simm.s32 $0x0;
	s3 =	sshll.u32 s0, $0x4;
	s0 =	ssub.s32 $0x2, s0  }
0x4: {  	[smem:$0x7FF] =	sst s6;
	s3 =	sor.u32 s4, s3;
	s5 =	sshrl.u32 s0, $0x1  }
0x5: {  	s31 =	sadd.s32 $0x14800, s1;
	s4 =	smul.u32 $0x500, s3;
	s0 =	ssub.s32 s0, s5  }
0x6: {  	_ =	strace $0x80000047;
	[dreg:$0x3] =	wrdreg s31;
	s0 =	smax.u32 s0, $0x1  }
0x7: {  	s4 =	sadd.s32 s4, s1;
	s1 =	sadd.s32 $0x600, s1;
	[dreg:$0x8] =	wrdreg s0  }
0x8: {  	[dreg:$0x4] =	wrdreg s1;
	s29 =	sadd.s32 $0xA800, s4  }
0x9: {  	s28 =	sshll.u32 s3, $0x6;
	s30 =	sadd.s32 $0x800, s4;
	[dreg:$0x5] =	wrdreg s29  }
0xa: {  	v0 =	vlaneseq.u32;
	s17 =	simm.s32 $0xD000;
	s1 =	sadd.s32 s2, s28;
	[dreg:$0x6] =	wrdreg s30  }
0xb: {  	v0 =	vmul.u32 $0x80, v0;
	s2 =	simm.s32 $0x0;
	[dreg:$0x7] =	wrdreg s1;
	s1 =	simm.s32 $0x3  }
.LBB2_1:
0xc: {  	[dreg:$0x9] =	wrdreg s2  }
0xd: {  	s0 =	rddreg [dreg:$0x5]  }
0xe: {  	[tilespmem:s6], [sflag:$0x3] =	stream.linear.gather [hbm4b:s0+s6], $0x2800, $0x38;
	[tilespmem:$0x1D400] =	vst v63  }
0xf: {  	_ =	swait.ge [sflag:s1], $0x2800  }
0x10: {  	[sflag:s1] =	ssyncset.done $0x0  }
0x11: {  	s28 =	simm.s32 $0x2800;
	s26 =	rddreg [dreg:$0x6];
	[sflag:s1] =	ssyncadd.s32 $0xFFFFD800  }
0x12: {  	[tilespmem:s28], [sflag:$0x3] =	stream.linear.gather [hbm4b:s26+s6], $0x2800, $0x38;
	[tilespmem:$0x1D400] =	vst v63  }
0x13: {  	_ =	swait.ge [sflag:s1], $0x2800  }
0x14: {  	[sflag:s1] =	ssyncset.done $0x0  }
0x15: {  	s30 =	simm.s32 $0x1D200;
	s29 =	rddreg [dreg:$0x4];
	[sflag:s1] =	ssyncadd.s32 $0xFFFFD800  }
0x16: {  	[tilespmem:s30], [sflag:$0x3] =	stream.linear.gather [hbm4b:s29+s6], $0x180, $0x38;
	[tilespmem:$0x1D400] =	vst v63  }
0x17: {  	_ =	swait.ge [sflag:s1], $0x180  }
0x18: {  	[sflag:s1] =	ssyncset.done $0x0  }
0x19: {  	[sflag:s1] =	ssyncadd.s32 $0xFFFFFE80  }
0x1a: {  	v2 =	vld [tilespmem:$0x1D200]  }
0x1b: {  	v3 =	vld [tilespmem:$0x1D280];
	_ =	sdelay $0x2  }
0x1c: {  	s0 =	simm.s32 $0x200;
	s1 =	simm.s32 $0x0;
	v1 =	vld [tilespmem:$0x1D300]  }
.LBB2_2:
0x1d: {  	p0 =	sne.s32 s0, $0x3FE00;
	[tilespmem:s1+$0xD000] =	vst v2;
	s2 =	smov.u32 s0;
	s0 =	sadd.s32 $0x200, s0  }
.Ltmp0:
0x1e: {  	[tilespmem:s1+$0xD010] =	vst v3;
	(pc) =	sbr.rel @p0 .LBB2_2-.Ltmp0, $2  }
0x1f: {  	_ =	sdelay $0x2  }
0x20: {  	s1 =	sshra.s32 s2, $0x2  }
0x21: {  	[tilespmem:s1+$0xD000] =	vst v2;
	s3 =	simm.s32 $0x0;
	s0 =	simm.s32 $0x80  }
0x22: {  	[tilespmem:s1+$0xD010] =	vst v3;
	s29 =	simm.s32 $0x5000;
	s30 =	simm.s32 $0x9000;
	s21 =	simm.s32 $0x2800  }
0x23: {  	[tilespmem:s29], [sflag:$0x1] =	stream.indirect.gather [hbm4b:s31+s0], $0x80, s3, s0, $0xb8;
	[tilespmem:$0x1D400] =	vst v63  }
0x24: {  	p0 =	por $0x0, $0x0;
	s22 =	simm.s32 $0x2880;
	s4 =	simm.s32 $0x0  }
0x25: {  	[tilespmem:s30], [sflag:$0x2] =	stream.indirect.gather [hbm4b:s31+s0], $0x80, s0, s0, $0xb8;
	[tilespmem:$0x1D400] =	vst v63  }
.LBB2_4:
0x26: {  	s0 =	simm.s32 $0x1  }
0x27: {  	_ =	swait.ge [sflag:s0], $0x4000  }
0x28: {  	[sflag:s0] =	ssyncset.done $0x0  }
0x29: {  	[sflag:s0] =	ssyncadd.s32 $0xFFFFC000  }
0x2a: {  	v3 =	vld [tilespmem:s21+$0x0];
	_ =	sdelay $0x4  }
0x2b: {  	(v2sf) =	vpush v3, $0x0;
	_ =	sdelay $0xa  }
0x2c: {  	s0 =	simm.s32 $0x1  }
0x2d: {  	s0 =	simm.s32 @!p0 $0x0  }
0x2e: {  	s0 =	sshll.u32 s0, $0xF  }
0x2f: {  	s0 =	sadd.s32 $0xD400, s0  }
0x30: {  	v2 =	vmov s0;
	s26 =	spop (v2sf)  }
0x31: {  	s1 =	sand.u32 $0x7F, s26;
	s2 =	sshll.u32 s26, $0x2  }
0x32: {  	(v2sf) =	vpush v3, $0x1;
	s2 =	sand.u32 $0xFFFFFE00, s2;
	s1 =	sshll.u32 s1, $0x2  }
0x33: {  	s1 =	sor.u32 s1, s2  }
0x34: {  	s25 =	simm.s32 $0x0;
	s1 =	sshra.s32 s1, $0x2  }
0x35: {  	v4 =	vld.idx.msk [tilespmem:v2+s25+$0xFFFFFC00 ss:$0x1], $0xffff;
	s1 =	sadd.s32 $0x0, s1  }
0x36: {  	v5 =	vld [tilespmem:s1+$0x5000];
	_ =	sdelay $0x2  }
0x37: {  	s0 =	sadd.s32 $0x10, s26  }
0x38: {  	s30 =	sand.u32 $0x7F, s0;
	s0 =	sshll.u32 s0, $0x2  }
0x39: {  	s0 =	sand.u32 $0xFFFFFE00, s0;
	s1 =	sshll.u32 s30, $0x2;
	v4 =	vmul.f32 v5, v4  }
0x3a: {  	s0 =	sor.u32 s1, s0  }
0x3b: {  	s0 =	sshra.s32 s0, $0x2;
	[tilespmem:v2+s25+$0xFFFFFC00 ss:$0x1] =	vst.idx.msk $0xffff, v4  }
0x3c: {  	s0 =	sadd.s32 $0x0, s0;
	v4 =	vld.idx.msk [tilespmem:v2+s25+$0xFFFFFC10 ss:$0x1], $0xffff  }
0x3d: {  	v5 =	vld [tilespmem:s0+$0x5000];
	_ =	sdelay $0x1  }
0x3e: {  	s31 =	spop (v2sf)  }
0x3f: {  	s5 =	sand.u32 $0x7F, s31;
	s6 =	sshll.u32 s31, $0x2  }
0x40: {  	(v2sf) =	vpush v3, $0x2;
	s1 =	sshll.u32 s5, $0x2;
	s2 =	sand.u32 $0xFFFFFE00, s6  }
0x41: {  	s1 =	sor.u32 s1, s2;
	v4 =	vmul.f32 v5, v4  }
0x42: {  	s1 =	sshra.s32 s1, $0x2  }
0x43: {  	s1 =	sadd.s32 $0x0, s1;
	[tilespmem:v2+s25+$0xFFFFFC10 ss:$0x1] =	vst.idx.msk $0xffff, v4;
	v4 =	vld.idx.msk [tilespmem:v2+s25+$0xFFFFFC80 ss:$0x1], $0xffff  }
0x44: {  	v5 =	vld [tilespmem:s1+$0x5080];
	_ =	sdelay $0x2  }
0x45: {  	s0 =	sadd.s32 $0x10, s31  }
0x46: {  	s7 =	sand.u32 $0x7F, s0;
	s0 =	sshll.u32 s0, $0x2  }
0x47: {  	s0 =	sand.u32 $0xFFFFFE00, s0;
	s1 =	sshll.u32 s7, $0x2;
	v4 =	vmul.f32 v5, v4  }
0x48: {  	s0 =	sor.u32 s1, s0  }
0x49: {  	s0 =	sshra.s32 s0, $0x2;
	[tilespmem:v2+s25+$0xFFFFFC80 ss:$0x1] =	vst.idx.msk $0xffff, v4  }
0x4a: {  	s0 =	sadd.s32 $0x0, s0;
	v4 =	vld.idx.msk [tilespmem:v2+s25+$0xFFFFFC90 ss:$0x1], $0xffff  }
0x4b: {  	v5 =	vld [tilespmem:s0+$0x5080];
	_ =	sdelay $0x1  }
0x4c: {  	s8 =	spop (v2sf)  }
0x4d: {  	s9 =	sand.u32 $0x7F, s8;
	s10 =	sshll.u32 s8, $0x2  }
0x4e: {  	(v2sf) =	vpush v3, $0x3;
	s2 =	sand.u32 $0xFFFFFE00, s10;
	s1 =	sshll.u32 s9, $0x2  }
0x4f: {  	s1 =	sor.u32 s1, s2;
	v4 =	vmul.f32 v5, v4  }
0x50: {  	s1 =	sshra.s32 s1, $0x2  }
0x51: {  	s1 =	sadd.s32 $0x0, s1;
	[tilespmem:v2+s25+$0xFFFFFC90 ss:$0x1] =	vst.idx.msk $0xffff, v4;
	v4 =	vld.idx.msk [tilespmem:v2+s25+$0xFFFFFD00 ss:$0x1], $0xffff  }
0x52: {  	v5 =	vld [tilespmem:s1+$0x5100];
	_ =	sdelay $0x2  }
0x53: {  	s0 =	sadd.s32 $0x10, s8  }
0x54: {  	s11 =	sand.u32 $0x7F, s0;
	s0 =	sshll.u32 s0, $0x2  }
0x55: {  	s0 =	sand.u32 $0xFFFFFE00, s0;
	s1 =	sshll.u32 s11, $0x2;
	v4 =	vmul.f32 v5, v4  }
0x56: {  	s0 =	sor.u32 s1, s0  }
0x57: {  	s0 =	sshra.s32 s0, $0x2;
	[tilespmem:v2+s25+$0xFFFFFD00 ss:$0x1] =	vst.idx.msk $0xffff, v4  }
0x58: {  	s0 =	sadd.s32 $0x0, s0;
	v4 =	vld.idx.msk [tilespmem:v2+s25+$0xFFFFFD10 ss:$0x1], $0xffff  }
0x59: {  	v5 =	vld [tilespmem:s0+$0x5100];
	_ =	sdelay $0x1  }
0x5a: {  	s12 =	spop (v2sf)  }
0x5b: {  	s13 =	sand.u32 $0x7F, s12;
	s14 =	sshll.u32 s12, $0x2  }
0x5c: {  	(v2sf) =	vpush v3, $0x4;
	s1 =	sshll.u32 s13, $0x2;
	s2 =	sand.u32 $0xFFFFFE00, s14  }
0x5d: {  	s1 =	sor.u32 s1, s2;
	v4 =	vmul.f32 v5, v4  }
0x5e: {  	s1 =	sshra.s32 s1, $0x2  }
0x5f: {  	s1 =	sadd.s32 $0x0, s1;
	[tilespmem:v2+s25+$0xFFFFFD10 ss:$0x1] =	vst.idx.msk $0xffff, v4;
	v4 =	vld.idx.msk [tilespmem:v2+s25+$0xFFFFFD80 ss:$0x1], $0xffff  }
0x60: {  	v5 =	vld [tilespmem:s1+$0x5180];
	_ =	sdelay $0x2  }
0x61: {  	s0 =	sadd.s32 $0x10, s12  }
0x62: {  	s15 =	sand.u32 $0x7F, s0;
	s0 =	sshll.u32 s0, $0x2  }
0x63: {  	s0 =	sand.u32 $0xFFFFFE00, s0;
	s1 =	sshll.u32 s15, $0x2;
	v4 =	vmul.f32 v5, v4  }
0x64: {  	s0 =	sor.u32 s1, s0  }
0x65: {  	s0 =	sshra.s32 s0, $0x2;
	[tilespmem:v2+s25+$0xFFFFFD80 ss:$0x1] =	vst.idx.msk $0xffff, v4  }
0x66: {  	s0 =	sadd.s32 $0x0, s0;
	v4 =	vld.idx.msk [tilespmem:v2+s25+$0xFFFFFD90 ss:$0x1], $0xffff  }
0x67: {  	v5 =	vld [tilespmem:s0+$0x5180];
	_ =	sdelay $0x1  }
0x68: {  	s16 =	spop (v2sf)  }
0x69: {  	s18 =	sand.u32 $0x7F, s16;
	s19 =	sshll.u32 s16, $0x2  }
0x6a: {  	(v2sf) =	vpush v3, $0x5;
	s1 =	sshll.u32 s18, $0x2;
	s2 =	sand.u32 $0xFFFFFE00, s19  }
0x6b: {  	s1 =	sor.u32 s1, s2;
	v4 =	vmul.f32 v5, v4  }
0x6c: {  	s1 =	sshra.s32 s1, $0x2  }
0x6d: {  	s1 =	sadd.s32 $0x0, s1;
	[tilespmem:v2+s25+$0xFFFFFD90 ss:$0x1] =	vst.idx.msk $0xffff, v4;
	v4 =	vld.idx.msk [tilespmem:v2+s25+$0xFFFFFE00 ss:$0x1], $0xffff  }
0x6e: {  	v5 =	vld [tilespmem:s1+$0x5200];
	_ =	sdelay $0x2  }
0x6f: {  	s0 =	sadd.s32 $0x10, s16  }
0x70: {  	s20 =	sand.u32 $0x7F, s0;
	s0 =	sshll.u32 s0, $0x2  }
0x71: {  	s0 =	sand.u32 $0xFFFFFE00, s0;
	s1 =	sshll.u32 s20, $0x2;
	v4 =	vmul.f32 v5, v4  }
0x72: {  	s0 =	sor.u32 s1, s0  }
0x73: {  	s0 =	sshra.s32 s0, $0x2;
	[tilespmem:v2+s25+$0xFFFFFE00 ss:$0x1] =	vst.idx.msk $0xffff, v4  }
0x74: {  	s0 =	sadd.s32 $0x0, s0;
	v4 =	vld.idx.msk [tilespmem:v2+s25+$0xFFFFFE10 ss:$0x1], $0xffff  }
0x75: {  	v5 =	vld [tilespmem:s0+$0x5200];
	_ =	sdelay $0x1  }
0x76: {  	s23 =	spop (v2sf)  }
0x77: {  	s24 =	sand.u32 $0x7F, s23;
	s26 =	sshll.u32 s23, $0x2  }
0x78: {  	(v2sf) =	vpush v3, $0x6;
	s2 =	sand.u32 $0xFFFFFE00, s26;
	s1 =	sshll.u32 s24, $0x2  }
0x79: {  	s1 =	sor.u32 s1, s2;
	v4 =	vmul.f32 v5, v4  }
0x7a: {  	s1 =	sshra.s32 s1, $0x2  }
0x7b: {  	s1 =	sadd.s32 $0x0, s1;
	[tilespmem:v2+s25+$0xFFFFFE10 ss:$0x1] =	vst.idx.msk $0xffff, v4;
	v4 =	vld.idx.msk [tilespmem:v2+s25+$0xFFFFFE80 ss:$0x1], $0xffff  }
0x7c: {  	v5 =	vld [tilespmem:s1+$0x5280];
	_ =	sdelay $0x2  }
0x7d: {  	s0 =	sadd.s32 $0x10, s23  }
0x7e: {  	s30 =	sand.u32 $0x7F, s0;
	s0 =	sshll.u32 s0, $0x2  }
0x7f: {  	s0 =	sand.u32 $0xFFFFFE00, s0;
	s1 =	sshll.u32 s30, $0x2;
	v4 =	vmul.f32 v5, v4  }
0x80: {  	s0 =	sor.u32 s1, s0  }
0x81: {  	s0 =	sshra.s32 s0, $0x2;
	[tilespmem:v2+s25+$0xFFFFFE80 ss:$0x1] =	vst.idx.msk $0xffff, v4  }
0x82: {  	s0 =	sadd.s32 $0x0, s0;
	v4 =	vld.idx.msk [tilespmem:v2+s25+$0xFFFFFE90 ss:$0x1], $0xffff  }
0x83: {  	v5 =	vld [tilespmem:s0+$0x5280];
	_ =	sdelay $0x1  }
0x84: {  	s31 =	spop (v2sf)  }
0x85: {  	s5 =	sand.u32 $0x7F, s31;
	s6 =	sshll.u32 s31, $0x2  }
0x86: {  	(v2sf) =	vpush v3, $0x7;
	s2 =	sand.u32 $0xFFFFFE00, s6;
	s1 =	sshll.u32 s5, $0x2  }
0x87: {  	s1 =	sor.u32 s1, s2;
	v4 =	vmul.f32 v5, v4  }
0x88: {  	s1 =	sshra.s32 s1, $0x2  }
0x89: {  	s1 =	sadd.s32 $0x0, s1;
	[tilespmem:v2+s25+$0xFFFFFE90 ss:$0x1] =	vst.idx.msk $0xffff, v4;
	v4 =	vld.idx.msk [tilespmem:v2+s25+$0xFFFFFF00 ss:$0x1], $0xffff  }
0x8a: {  	v5 =	vld [tilespmem:s1+$0x5300];
	_ =	sdelay $0x2  }
0x8b: {  	s0 =	sadd.s32 $0x10, s31  }
0x8c: {  	s7 =	sand.u32 $0x7F, s0;
	s0 =	sshll.u32 s0, $0x2  }
0x8d: {  	s0 =	sand.u32 $0xFFFFFE00, s0;
	s1 =	sshll.u32 s7, $0x2;
	v4 =	vmul.f32 v5, v4  }
0x8e: {  	s0 =	sor.u32 s1, s0  }
0x8f: {  	s0 =	sshra.s32 s0, $0x2;
	[tilespmem:v2+s25+$0xFFFFFF00 ss:$0x1] =	vst.idx.msk $0xffff, v4  }
0x90: {  	s0 =	sadd.s32 $0x0, s0;
	v4 =	vld.idx.msk [tilespmem:v2+s25+$0xFFFFFF10 ss:$0x1], $0xffff  }
0x91: {  	v5 =	vld [tilespmem:s0+$0x5300];
	_ =	sdelay $0x1  }
0x92: {  	s8 =	spop (v2sf)  }
0x93: {  	s9 =	sand.u32 $0x7F, s8;
	s10 =	sshll.u32 s8, $0x2  }
0x94: {  	(v2sf) =	vpush v3, $0x8;
	s2 =	sand.u32 $0xFFFFFE00, s10;
	s1 =	sshll.u32 s9, $0x2  }
0x95: {  	s1 =	sor.u32 s1, s2;
	v4 =	vmul.f32 v5, v4  }
0x96: {  	s1 =	sshra.s32 s1, $0x2  }
0x97: {  	s1 =	sadd.s32 $0x0, s1;
	[tilespmem:v2+s25+$0xFFFFFF10 ss:$0x1] =	vst.idx.msk $0xffff, v4;
	v4 =	vld.idx.msk [tilespmem:v2+s25+$0xFFFFFF80 ss:$0x1], $0xffff  }
0x98: {  	v5 =	vld [tilespmem:s1+$0x5380];
	_ =	sdelay $0x2  }
0x99: {  	s0 =	sadd.s32 $0x10, s8  }
0x9a: {  	s11 =	sand.u32 $0x7F, s0;
	s0 =	sshll.u32 s0, $0x2  }
0x9b: {  	s0 =	sand.u32 $0xFFFFFE00, s0;
	s1 =	sshll.u32 s11, $0x2;
	v4 =	vmul.f32 v5, v4  }
0x9c: {  	s0 =	sor.u32 s1, s0  }
0x9d: {  	s0 =	sshra.s32 s0, $0x2;
	[tilespmem:v2+s25+$0xFFFFFF80 ss:$0x1] =	vst.idx.msk $0xffff, v4  }
0x9e: {  	s0 =	sadd.s32 $0x0, s0;
	v4 =	vld.idx.msk [tilespmem:v2+s25+$0xFFFFFF90 ss:$0x1], $0xffff  }
0x9f: {  	v5 =	vld [tilespmem:s0+$0x5380];
	_ =	sdelay $0x1  }
0xa0: {  	s12 =	spop (v2sf)  }
0xa1: {  	s13 =	sand.u32 $0x7F, s12;
	s14 =	sshll.u32 s12, $0x2  }
0xa2: {  	(v2sf) =	vpush v3, $0x9;
	s2 =	sand.u32 $0xFFFFFE00, s14;
	s1 =	sshll.u32 s13, $0x2  }
0xa3: {  	s1 =	sor.u32 s1, s2;
	v4 =	vmul.f32 v5, v4  }
0xa4: {  	s1 =	sshra.s32 s1, $0x2  }
0xa5: {  	s1 =	sadd.s32 $0x0, s1;
	[tilespmem:v2+s25+$0xFFFFFF90 ss:$0x1] =	vst.idx.msk $0xffff, v4;
	v4 =	vld.idx.msk [tilespmem:v2+s25+$0x0 ss:$0x1], $0xffff  }
0xa6: {  	v5 =	vld [tilespmem:s1+$0x5400];
	_ =	sdelay $0x2  }
0xa7: {  	s0 =	sadd.s32 $0x10, s12  }
0xa8: {  	s15 =	sand.u32 $0x7F, s0;
	s0 =	sshll.u32 s0, $0x2  }
0xa9: {  	s0 =	sand.u32 $0xFFFFFE00, s0;
	s1 =	sshll.u32 s15, $0x2;
	v4 =	vmul.f32 v5, v4  }
0xaa: {  	s0 =	sor.u32 s1, s0  }
0xab: {  	s0 =	sshra.s32 s0, $0x2;
	[tilespmem:v2+s25+$0x0 ss:$0x1] =	vst.idx.msk $0xffff, v4  }
0xac: {  	s0 =	sadd.s32 $0x0, s0;
	v4 =	vld.idx.msk [tilespmem:v2+s25+$0x10 ss:$0x1], $0xffff  }
0xad: {  	v5 =	vld [tilespmem:s0+$0x5400];
	_ =	sdelay $0x1  }
0xae: {  	s16 =	spop (v2sf)  }
0xaf: {  	s18 =	sand.u32 $0x7F, s16;
	s19 =	sshll.u32 s16, $0x2  }
0xb0: {  	(v2sf) =	vpush v3, $0xA;
	s1 =	sshll.u32 s18, $0x2;
	s2 =	sand.u32 $0xFFFFFE00, s19  }
0xb1: {  	s1 =	sor.u32 s1, s2;
	v4 =	vmul.f32 v5, v4  }
0xb2: {  	s1 =	sshra.s32 s1, $0x2  }
0xb3: {  	s1 =	sadd.s32 $0x0, s1;
	[tilespmem:v2+s25+$0x10 ss:$0x1] =	vst.idx.msk $0xffff, v4;
	v4 =	vld.idx.msk [tilespmem:v2+s25+$0x80 ss:$0x1], $0xffff  }
0xb4: {  	v5 =	vld [tilespmem:s1+$0x5480];
	_ =	sdelay $0x2  }
0xb5: {  	s0 =	sadd.s32 $0x10, s16  }
0xb6: {  	s20 =	sand.u32 $0x7F, s0;
	s0 =	sshll.u32 s0, $0x2  }
0xb7: {  	s0 =	sand.u32 $0xFFFFFE00, s0;
	s1 =	sshll.u32 s20, $0x2;
	v4 =	vmul.f32 v5, v4  }
0xb8: {  	s0 =	sor.u32 s1, s0  }
0xb9: {  	s0 =	sshra.s32 s0, $0x2;
	[tilespmem:v2+s25+$0x80 ss:$0x1] =	vst.idx.msk $0xffff, v4  }
0xba: {  	s0 =	sadd.s32 $0x0, s0;
	v4 =	vld.idx.msk [tilespmem:v2+s25+$0x90 ss:$0x1], $0xffff  }
0xbb: {  	v5 =	vld [tilespmem:s0+$0x5480];
	_ =	sdelay $0x1  }
0xbc: {  	s23 =	spop (v2sf)  }
0xbd: {  	s24 =	sand.u32 $0x7F, s23;
	s26 =	sshll.u32 s23, $0x2  }
0xbe: {  	(v2sf) =	vpush v3, $0xB;
	s1 =	sshll.u32 s24, $0x2;
	s2 =	sand.u32 $0xFFFFFE00, s26  }
0xbf: {  	s1 =	sor.u32 s1, s2;
	v4 =	vmul.f32 v5, v4  }
0xc0: {  	s1 =	sshra.s32 s1, $0x2  }
0xc1: {  	s1 =	sadd.s32 $0x0, s1;
	[tilespmem:v2+s25+$0x90 ss:$0x1] =	vst.idx.msk $0xffff, v4;
	v4 =	vld.idx.msk [tilespmem:v2+s25+$0x100 ss:$0x1], $0xffff  }
0xc2: {  	v5 =	vld [tilespmem:s1+$0x5500];
	_ =	sdelay $0x2  }
0xc3: {  	s0 =	sadd.s32 $0x10, s23  }
0xc4: {  	s30 =	sand.u32 $0x7F, s0;
	s0 =	sshll.u32 s0, $0x2  }
0xc5: {  	s0 =	sand.u32 $0xFFFFFE00, s0;
	s1 =	sshll.u32 s30, $0x2;
	v4 =	vmul.f32 v5, v4  }
0xc6: {  	s0 =	sor.u32 s1, s0  }
0xc7: {  	s0 =	sshra.s32 s0, $0x2;
	[tilespmem:v2+s25+$0x100 ss:$0x1] =	vst.idx.msk $0xffff, v4  }
0xc8: {  	s0 =	sadd.s32 $0x0, s0;
	v4 =	vld.idx.msk [tilespmem:v2+s25+$0x110 ss:$0x1], $0xffff  }
0xc9: {  	v5 =	vld [tilespmem:s0+$0x5500];
	_ =	sdelay $0x1  }
0xca: {  	s31 =	spop (v2sf)  }
0xcb: {  	s2 =	sand.u32 $0x7F, s31;
	s5 =	sshll.u32 s31, $0x2  }
0xcc: {  	(v2sf) =	vpush v3, $0xC;
	s1 =	sshll.u32 s2, $0x2;
	s2 =	sand.u32 $0xFFFFFE00, s5  }
0xcd: {  	s1 =	sor.u32 s1, s2;
	v4 =	vmul.f32 v5, v4  }
0xce: {  	s1 =	sshra.s32 s1, $0x2  }
0xcf: {  	s1 =	sadd.s32 $0x0, s1;
	[tilespmem:v2+s25+$0x110 ss:$0x1] =	vst.idx.msk $0xffff, v4;
	v4 =	vld.idx.msk [tilespmem:v2+s25+$0x180 ss:$0x1], $0xffff  }
0xd0: {  	v5 =	vld [tilespmem:s1+$0x5580];
	_ =	sdelay $0x2  }
0xd1: {  	s0 =	sadd.s32 $0x10, s31  }
0xd2: {  	s6 =	sshll.u32 s0, $0x2;
	s0 =	sand.u32 $0x7F, s0  }
0xd3: {  	s0 =	sshll.u32 s0, $0x2;
	s1 =	sand.u32 $0xFFFFFE00, s6;
	v4 =	vmul.f32 v5, v4  }
0xd4: {  	s0 =	sor.u32 s0, s1  }
0xd5: {  	s0 =	sshra.s32 s0, $0x2;
	[tilespmem:v2+s25+$0x180 ss:$0x1] =	vst.idx.msk $0xffff, v4  }
0xd6: {  	s0 =	sadd.s32 $0x0, s0;
	v4 =	vld.idx.msk [tilespmem:v2+s25+$0x190 ss:$0x1], $0xffff  }
0xd7: {  	v5 =	vld [tilespmem:s0+$0x5580];
	_ =	sdelay $0x1  }
0xd8: {  	s7 =	spop (v2sf)  }
0xd9: {  	s8 =	sand.u32 $0x7F, s7;
	s9 =	sshll.u32 s7, $0x2  }
0xda: {  	(v2sf) =	vpush v3, $0xD;
	s2 =	sand.u32 $0xFFFFFE00, s9;
	s1 =	sshll.u32 s8, $0x2  }
0xdb: {  	s1 =	sor.u32 s1, s2;
	v4 =	vmul.f32 v5, v4  }
0xdc: {  	s1 =	sshra.s32 s1, $0x2  }
0xdd: {  	s1 =	sadd.s32 $0x0, s1;
	[tilespmem:v2+s25+$0x190 ss:$0x1] =	vst.idx.msk $0xffff, v4;
	v4 =	vld.idx.msk [tilespmem:v2+s25+$0x200 ss:$0x1], $0xffff  }
0xde: {  	v5 =	vld [tilespmem:s1+$0x5600];
	_ =	sdelay $0x2  }
0xdf: {  	s0 =	sadd.s32 $0x10, s7  }
0xe0: {  	s10 =	sand.u32 $0x7F, s0;
	s0 =	sshll.u32 s0, $0x2  }
0xe1: {  	s0 =	sand.u32 $0xFFFFFE00, s0;
	s1 =	sshll.u32 s10, $0x2;
	v4 =	vmul.f32 v5, v4  }
0xe2: {  	s0 =	sor.u32 s1, s0  }
0xe3: {  	s0 =	sshra.s32 s0, $0x2;
	[tilespmem:v2+s25+$0x200 ss:$0x1] =	vst.idx.msk $0xffff, v4  }
0xe4: {  	s0 =	sadd.s32 $0x0, s0;
	v4 =	vld.idx.msk [tilespmem:v2+s25+$0x210 ss:$0x1], $0xffff  }
0xe5: {  	v5 =	vld [tilespmem:s0+$0x5600];
	_ =	sdelay $0x1  }
0xe6: {  	s11 =	spop (v2sf)  }
0xe7: {  	s12 =	sand.u32 $0x7F, s11;
	s13 =	sshll.u32 s11, $0x2  }
0xe8: {  	(v2sf) =	vpush v3, $0xE;
	s2 =	sand.u32 $0xFFFFFE00, s13;
	s1 =	sshll.u32 s12, $0x2  }
0xe9: {  	s1 =	sor.u32 s1, s2;
	v4 =	vmul.f32 v5, v4  }
0xea: {  	s1 =	sshra.s32 s1, $0x2  }
0xeb: {  	s1 =	sadd.s32 $0x0, s1;
	[tilespmem:v2+s25+$0x210 ss:$0x1] =	vst.idx.msk $0xffff, v4;
	v4 =	vld.idx.msk [tilespmem:v2+s25+$0x280 ss:$0x1], $0xffff  }
0xec: {  	v5 =	vld [tilespmem:s1+$0x5680];
	_ =	sdelay $0x2  }
0xed: {  	s0 =	sadd.s32 $0x10, s11  }
0xee: {  	s14 =	sand.u32 $0x7F, s0;
	s0 =	sshll.u32 s0, $0x2  }
0xef: {  	s0 =	sand.u32 $0xFFFFFE00, s0;
	s1 =	sshll.u32 s14, $0x2;
	v4 =	vmul.f32 v5, v4  }
0xf0: {  	s0 =	sor.u32 s1, s0  }
0xf1: {  	s0 =	sshra.s32 s0, $0x2;
	[tilespmem:v2+s25+$0x280 ss:$0x1] =	vst.idx.msk $0xffff, v4  }
0xf2: {  	s0 =	sadd.s32 $0x0, s0;
	v4 =	vld.idx.msk [tilespmem:v2+s25+$0x290 ss:$0x1], $0xffff  }
0xf3: {  	v5 =	vld [tilespmem:s0+$0x5680];
	_ =	sdelay $0x1  }
0xf4: {  	s15 =	spop (v2sf)  }
0xf5: {  	s16 =	sand.u32 $0x7F, s15;
	s18 =	sshll.u32 s15, $0x2  }
0xf6: {  	(v2sf) =	vpush v3, $0xF;
	s2 =	sand.u32 $0xFFFFFE00, s18;
	s1 =	sshll.u32 s16, $0x2  }
0xf7: {  	s1 =	sor.u32 s1, s2;
	v3 =	vmul.f32 v5, v4  }
0xf8: {  	s1 =	sshra.s32 s1, $0x2  }
0xf9: {  	s1 =	sadd.s32 $0x0, s1;
	[tilespmem:v2+s25+$0x290 ss:$0x1] =	vst.idx.msk $0xffff, v3;
	v3 =	vld.idx.msk [tilespmem:v2+s25+$0x300 ss:$0x1], $0xffff  }
0xfa: {  	v4 =	vld [tilespmem:s1+$0x5700];
	_ =	sdelay $0x2  }
0xfb: {  	s0 =	sadd.s32 $0x10, s15  }
0xfc: {  	s19 =	sand.u32 $0x7F, s0;
	s0 =	sshll.u32 s0, $0x2  }
0xfd: {  	s0 =	sand.u32 $0xFFFFFE00, s0;
	s1 =	sshll.u32 s19, $0x2;
	v3 =	vmul.f32 v4, v3  }
0xfe: {  	s0 =	sor.u32 s1, s0  }
0xff: {  	s0 =	sshra.s32 s0, $0x2;
	[tilespmem:v2+s25+$0x300 ss:$0x1] =	vst.idx.msk $0xffff, v3  }
0x100: {  	s0 =	sadd.s32 $0x0, s0;
	v3 =	vld.idx.msk [tilespmem:v2+s25+$0x310 ss:$0x1], $0xffff  }
0x101: {  	v4 =	vld [tilespmem:s0+$0x5700];
	_ =	sdelay $0x1  }
0x102: {  	s20 =	spop (v2sf)  }
0x103: {  	s23 =	sand.u32 $0x7F, s20;
	s24 =	sshll.u32 s20, $0x2  }
0x104: {  	s2 =	sand.u32 $0xFFFFFE00, s24;
	s1 =	sshll.u32 s23, $0x2  }
0x105: {  	s1 =	sor.u32 s1, s2;
	v3 =	vmul.f32 v4, v3  }
0x106: {  	s1 =	sshra.s32 s1, $0x2  }
0x107: {  	s1 =	sadd.s32 $0x0, s1;
	[tilespmem:v2+s25+$0x310 ss:$0x1] =	vst.idx.msk $0xffff, v3;
	v3 =	vld.idx.msk [tilespmem:v2+s25+$0x380 ss:$0x1], $0xffff  }
0x108: {  	v4 =	vld [tilespmem:s1+$0x5780];
	_ =	sdelay $0x2  }
0x109: {  	s0 =	sadd.s32 $0x10, s20  }
0x10a: {  	s26 =	sand.u32 $0x7F, s0;
	s0 =	sshll.u32 s0, $0x2  }
0x10b: {  	s0 =	sand.u32 $0xFFFFFE00, s0;
	s1 =	sshll.u32 s26, $0x2;
	v3 =	vmul.f32 v4, v3  }
0x10c: {  	s0 =	sor.u32 s1, s0  }
0x10d: {  	s0 =	sshra.s32 s0, $0x2;
	[tilespmem:v2+s25+$0x380 ss:$0x1] =	vst.idx.msk $0xffff, v3  }
0x10e: {  	s0 =	sadd.s32 $0x0, s0;
	v3 =	vld.idx.msk [tilespmem:v2+s25+$0x390 ss:$0x1], $0xffff  }
0x10f: {  	v4 =	vld [tilespmem:s0+$0x5780];
	_ =	sdelay $0x2  }
0x110: {  	s28 =	simm.s32 $0x2000;
	[dreg:$0xa] =	wrdreg s3;
	s30 =	sand.u32 $0x3, s3  }
0x111: {  	[dreg:$0xb] =	wrdreg s4;
	s31 =	sshll.u32 s4, $0xA;
	s0 =	sshll.u32 s30, $0xE  }
0x112: {  	s29 =	smov.u32 s21;
	[dreg:$0xc] =	wrdreg s31;
	s26 =	sadd.s32 $0xD000, s0;
	v3 =	vmul.f32 v4, v3  }
.LBB2_5:
0x113: {  	p1 =	sne.s32 s28, $0xE000  }
0x114: {  	s29 =	sadd.s32 $0x10, s29;
	s0 =	smov.u32 s28;
	s28 =	sadd.s32 $0x2000, s28;
	[tilespmem:v2+s25+$0x390 ss:$0x1] =	vst.idx.msk $0xffff, v3  }
0x115: {  	v3 =	vld [tilespmem:s29+$0x0];
	_ =	sdelay $0x4  }
0x116: {  	(v2sf) =	vpush v3, $0x0;
	_ =	sdelay $0x3  }
0x117: {  	(v2sf) =	vpush v3, $0x1;
	_ =	sdelay $0x4  }
0x118: {  	(v2sf) =	vpush v3, $0x2;
	_ =	sdelay $0x2  }
0x119: {  	(v2sf) =	vpush v3, $0x3;
	_ =	sdelay $0x2  }
0x11a: {  	s25 =	sshra.s32 s0, $0x2;
	s0 =	spop (v2sf)  }
0x11b: {  	s1 =	sand.u32 $0x7F, s0;
	s2 =	sshll.u32 s0, $0x2;
	s0 =	sadd.s32 $0x10, s0  }
0x11c: {  	s2 =	sand.u32 $0xFFFFFE00, s2;
	s1 =	sshll.u32 s1, $0x2;
	s3 =	sand.u32 $0x7F, s0;
	(v2sf) =	vpush v3, $0x4  }
0x11d: {  	s0 =	sshll.u32 s0, $0x2;
	s1 =	sor.u32 s1, s2;
	s2 =	sshll.u32 s3, $0x2  }
0x11e: {  	s0 =	sand.u32 $0xFFFFFE00, s0;
	s1 =	sshra.s32 s1, $0x2;
	s3 =	spop (v2sf)  }
0x11f: {  	s0 =	sor.u32 s2, s0;
	v4 =	vld.idx.msk [tilespmem:v2+s25+$0xFFFFFC00 ss:$0x1], $0xffff;
	s1 =	sadd.s32 s25, s1;
	s2 =	sand.u32 $0x7F, s3  }
0x120: {  	v5 =	vld [tilespmem:s1+$0x5000];
	s1 =	sshll.u32 s3, $0x2;
	s2 =	sshll.u32 s2, $0x2;
	s3 =	sadd.s32 $0x10, s3  }
0x121: {  	s1 =	sand.u32 $0xFFFFFE00, s1;
	s4 =	sand.u32 $0x7F, s3;
	s3 =	sshll.u32 s3, $0x2  }
0x122: {  	s1 =	sor.u32 s2, s1;
	s2 =	sand.u32 $0xFFFFFE00, s3;
	s3 =	sshll.u32 s4, $0x2  }
0x123: {  	s1 =	sshra.s32 s1, $0x2;
	s2 =	sor.u32 s3, s2;
	s4 =	spop (v2sf)  }
0x124: {  	s2 =	sshra.s32 s2, $0x2;
	s5 =	sand.u32 $0x7F, s4;
	s6 =	sshll.u32 s4, $0x2;
	(v2sf) =	vpush v3, $0x5  }
0x125: {  	v4 =	vmul.f32 v5, v4;
	s3 =	sadd.s32 s25, s2;
	s2 =	sand.u32 $0xFFFFFE00, s6;
	s5 =	sshll.u32 s5, $0x2  }
0x126: {  	s4 =	sadd.s32 $0x10, s4;
	s2 =	sor.u32 s5, s2;
	s5 =	spop (v2sf)  }
0x127: {  	s0 =	sshra.s32 s0, $0x2;
	s6 =	sand.u32 $0x7F, s4;
	[tilespmem:v2+s25+$0xFFFFFC00 ss:$0x1] =	vst.idx.msk $0xffff, v4;
	s2 =	sshra.s32 s2, $0x2;
	(v2sf) =	vpush v3, $0x6  }
0x128: {  	s0 =	sadd.s32 s25, s0;
	v4 =	vld.idx.msk [tilespmem:v2+s25+$0xFFFFFC10 ss:$0x1], $0xffff;
	s7 =	sadd.s32 s25, s2;
	s2 =	sshll.u32 s4, $0x2  }
0x129: {  	s4 =	sand.u32 $0x7F, s5;
	v5 =	vld [tilespmem:s0+$0x5000];
	s0 =	sand.u32 $0xFFFFFE00, s2;
	s2 =	sshll.u32 s6, $0x2  }
0x12a: {  	s6 =	sor.u32 s2, s0;
	s0 =	sshll.u32 s5, $0x2;
	s2 =	sshll.u32 s4, $0x2  }
0x12b: {  	s4 =	sadd.s32 $0x10, s5;
	s0 =	sand.u32 $0xFFFFFE00, s0;
	s8 =	spop (v2sf)  }
0x12c: {  	s5 =	sor.u32 s2, s0;
	s0 =	sand.u32 $0x7F, s4;
	s2 =	sshll.u32 s4, $0x2  }
0x12d: {  	s4 =	sand.u32 $0x7F, s8;
	s2 =	sand.u32 $0xFFFFFE00, s2;
	s0 =	sshll.u32 s0, $0x2  }
0x12e: {  	s4 =	sshll.u32 s4, $0x2;
	v4 =	vmul.f32 v5, v4;
	s0 =	sor.u32 s0, s2;
	s2 =	sshll.u32 s8, $0x2  }
0x12f: {  	s8 =	sadd.s32 $0x10, s8;
	s0 =	sshra.s32 s0, $0x2;
	s2 =	sand.u32 $0xFFFFFE00, s2;
	(v2sf) =	vpush v3, $0x7  }
0x130: {  	s9 =	sadd.s32 s25, s1;
	[tilespmem:v2+s25+$0xFFFFFC10 ss:$0x1] =	vst.idx.msk $0xffff, v4;
	v4 =	vld.idx.msk [tilespmem:v2+s25+$0xFFFFFC80 ss:$0x1], $0xffff;
	s1 =	sadd.s32 s25, s0;
	s0 =	sor.u32 s4, s2  }
0x131: {  	s2 =	sand.u32 $0x7F, s8;
	s4 =	sshll.u32 s8, $0x2;
	v5 =	vld [tilespmem:s9+$0x5080];
	s0 =	sshra.s32 s0, $0x2  }
0x132: {  	s4 =	sand.u32 $0xFFFFFE00, s4;
	s2 =	sshll.u32 s2, $0x2;
	s0 =	sadd.s32 s25, s0;
	(v2sf) =	vpush v3, $0x8  }
0x133: {  	s2 =	sor.u32 s2, s4;
	s4 =	spop (v2sf)  }
0x134: {  	s2 =	sshra.s32 s2, $0x2;
	s8 =	sand.u32 $0x7F, s4;
	s9 =	sshll.u32 s4, $0x2  }
0x135: {  	s10 =	sadd.s32 s25, s2;
	s2 =	sand.u32 $0xFFFFFE00, s9;
	s8 =	sshll.u32 s8, $0x2  }
0x136: {  	s4 =	sadd.s32 $0x10, s4;
	v4 =	vmul.f32 v5, v4;
	s2 =	sor.u32 s8, s2;
	s8 =	spop (v2sf)  }
0x137: {  	s9 =	sand.u32 $0x7F, s4;
	s4 =	sshll.u32 s4, $0x2;
	s2 =	sshra.s32 s2, $0x2  }
0x138: {  	s4 =	sand.u32 $0xFFFFFE00, s4;
	s9 =	sshll.u32 s9, $0x2;
	[tilespmem:v2+s25+$0xFFFFFC80 ss:$0x1] =	vst.idx.msk $0xffff, v4;
	s2 =	sadd.s32 s25, s2  }
0x139: {  	s4 =	sor.u32 s9, s4;
	s9 =	sand.u32 $0x7F, s8;
	s11 =	sshll.u32 s8, $0x2;
	v4 =	vld.idx.msk [tilespmem:v2+s25+$0xFFFFFC90 ss:$0x1], $0xffff  }
0x13a: {  	s9 =	sshll.u32 s9, $0x2;
	v5 =	vld [tilespmem:s3+$0x5080];
	s3 =	sshra.s32 s4, $0x2;
	s4 =	sand.u32 $0xFFFFFE00, s11;
	(v2sf) =	vpush v3, $0x9  }
0x13b: {  	s8 =	sadd.s32 $0x10, s8;
	s3 =	sadd.s32 s25, s3;
	s4 =	sor.u32 s9, s4  }
0x13c: {  	s9 =	sand.u32 $0x7F, s8;
	s8 =	sshll.u32 s8, $0x2;
	s4 =	sshra.s32 s4, $0x2  }
0x13d: {  	s18 =	sadd.s32 s25, s4;
	s4 =	sand.u32 $0xFFFFFE00, s8;
	s8 =	sshll.u32 s9, $0x2;
	(v2sf) =	vpush v3, $0xA  }
0x13e: {  	s4 =	sor.u32 s8, s4;
	s8 =	spop (v2sf)  }
0x13f: {  	v4 =	vmul.f32 v5, v4;
	s4 =	sshra.s32 s4, $0x2;
	s9 =	sand.u32 $0x7F, s8;
	s11 =	sshll.u32 s8, $0x2  }
0x140: {  	s4 =	sadd.s32 s25, s4;
	s11 =	sand.u32 $0xFFFFFE00, s11;
	s9 =	sshll.u32 s9, $0x2  }
0x141: {  	s8 =	sadd.s32 $0x10, s8;
	[tilespmem:v2+s25+$0xFFFFFC90 ss:$0x1] =	vst.idx.msk $0xffff, v4;
	v4 =	vld.idx.msk [tilespmem:v2+s25+$0xFFFFFD00 ss:$0x1], $0xffff;
	s9 =	sor.u32 s9, s11;
	s11 =	spop (v2sf)  }
0x142: {  	s12 =	sand.u32 $0x7F, s8;
	s8 =	sshll.u32 s8, $0x2;
	v5 =	vld [tilespmem:s7+$0x5100];
	s7 =	sshra.s32 s9, $0x2  }
0x143: {  	s9 =	sadd.s32 s25, s7;
	s7 =	sand.u32 $0xFFFFFE00, s8;
	s8 =	sshll.u32 s12, $0x2  }
0x144: {  	s12 =	sshll.u32 s11, $0x2;
	s7 =	sor.u32 s8, s7;
	s8 =	sand.u32 $0x7F, s11;
	(v2sf) =	vpush v3, $0xB  }
0x145: {  	s12 =	sand.u32 $0xFFFFFE00, s12;
	s7 =	sshra.s32 s7, $0x2;
	s8 =	sshll.u32 s8, $0x2  }
0x146: {  	s19 =	sadd.s32 s25, s7;
	s7 =	sor.u32 s8, s12;
	s8 =	sadd.s32 $0x10, s11  }
0x147: {  	v4 =	vmul.f32 v5, v4;
	s7 =	sshra.s32 s7, $0x2;
	s11 =	sand.u32 $0x7F, s8;
	s8 =	sshll.u32 s8, $0x2;
	(v2sf) =	vpush v3, $0xC  }
0x148: {  	s7 =	sadd.s32 s25, s7;
	s8 =	sand.u32 $0xFFFFFE00, s8;
	s11 =	sshll.u32 s11, $0x2  }
0x149: {  	s6 =	sshra.s32 s6, $0x2;
	[tilespmem:v2+s25+$0xFFFFFD00 ss:$0x1] =	vst.idx.msk $0xffff, v4;
	s8 =	sor.u32 s11, s8;
	s11 =	spop (v2sf)  }
0x14a: {  	s6 =	sadd.s32 s25, s6;
	v4 =	vld.idx.msk [tilespmem:v2+s25+$0xFFFFFD10 ss:$0x1], $0xffff;
	s8 =	sshra.s32 s8, $0x2;
	s12 =	sand.u32 $0x7F, s11  }
0x14b: {  	v5 =	vld [tilespmem:s6+$0x5100];
	s14 =	sadd.s32 s25, s8;
	s6 =	sshll.u32 s11, $0x2;
	s8 =	sshll.u32 s12, $0x2  }
0x14c: {  	s11 =	sadd.s32 $0x10, s11;
	s6 =	sand.u32 $0xFFFFFE00, s6;
	s13 =	spop (v2sf)  }
0x14d: {  	s12 =	sor.u32 s8, s6;
	s6 =	sand.u32 $0x7F, s11;
	s8 =	sshll.u32 s11, $0x2  }
0x14e: {  	s11 =	sand.u32 $0x7F, s13;
	s8 =	sand.u32 $0xFFFFFE00, s8;
	s6 =	sshll.u32 s6, $0x2;
	(v2sf) =	vpush v3, $0xD  }
0x14f: {  	s11 =	sshll.u32 s11, $0x2;
	s6 =	sor.u32 s6, s8;
	s8 =	sshll.u32 s13, $0x2  }
0x150: {  	s13 =	sadd.s32 $0x10, s13;
	v4 =	vmul.f32 v5, v4;
	s6 =	sshra.s32 s6, $0x2;
	s8 =	sand.u32 $0xFFFFFE00, s8  }
0x151: {  	s5 =	sshra.s32 s5, $0x2;
	s15 =	sadd.s32 s25, s6;
	s6 =	sor.u32 s11, s8  }
0x152: {  	s5 =	sadd.s32 s25, s5;
	s11 =	sand.u32 $0x7F, s13;
	[tilespmem:v2+s25+$0xFFFFFD10 ss:$0x1] =	vst.idx.msk $0xffff, v4;
	v4 =	vld.idx.msk [tilespmem:v2+s25+$0xFFFFFD80 ss:$0x1], $0xffff;
	s6 =	sshra.s32 s6, $0x2  }
0x153: {  	v5 =	vld [tilespmem:s5+$0x5180];
	s8 =	sadd.s32 s25, s6;
	s5 =	sshll.u32 s13, $0x2;
	s6 =	spop (v2sf);
	(v2sf) =	vpush v3, $0xE  }
0x154: {  	s11 =	sshll.u32 s11, $0x2;
	s5 =	sand.u32 $0xFFFFFE00, s5;
	s13 =	sand.u32 $0x7F, s6  }
0x155: {  	s5 =	sor.u32 s11, s5;
	s11 =	sshll.u32 s6, $0x2;
	s13 =	sshll.u32 s13, $0x2  }
0x156: {  	s6 =	sadd.s32 $0x10, s6;
	s11 =	sand.u32 $0xFFFFFE00, s11;
	s16 =	spop (v2sf)  }
0x157: {  	s11 =	sor.u32 s13, s11;
	s13 =	sshll.u32 s6, $0x2;
	s20 =	sand.u32 $0x7F, s16  }
0x158: {  	s30 =	sand.u32 $0x7F, s6;
	v4 =	vmul.f32 v5, v4;
	s11 =	sshra.s32 s11, $0x2;
	s13 =	sand.u32 $0xFFFFFE00, s13  }
0x159: {  	s6 =	sadd.s32 s25, s11;
	s11 =	sshll.u32 s30, $0x2;
	s30 =	sshll.u32 s16, $0x2  }
0x15a: {  	s20 =	sshll.u32 s20, $0x2;
	[tilespmem:v2+s25+$0xFFFFFD80 ss:$0x1] =	vst.idx.msk $0xffff, v4;
	s11 =	sor.u32 s11, s13;
	s13 =	sand.u32 $0xFFFFFE00, s30;
	(v2sf) =	vpush v3, $0xF  }
0x15b: {  	v3 =	vld.idx.msk [tilespmem:v2+s25+$0xFFFFFD90 ss:$0x1], $0xffff;
	s11 =	sshra.s32 s11, $0x2;
	s13 =	sor.u32 s20, s13;
	s20 =	sadd.s32 $0x10, s16  }
0x15c: {  	v4 =	vld [tilespmem:s1+$0x5180];
	s16 =	sadd.s32 s25, s11;
	s1 =	sshra.s32 s13, $0x2;
	s11 =	sand.u32 $0x7F, s20  }
0x15d: {  	s13 =	sshll.u32 s20, $0x2;
	s1 =	sadd.s32 s25, s1;
	s20 =	spop (v2sf)  }
0x15e: {  	s13 =	sand.u32 $0xFFFFFE00, s13;
	s11 =	sshll.u32 s11, $0x2;
	s30 =	sand.u32 $0x7F, s20  }
0x15f: {  	s11 =	sor.u32 s11, s13;
	s13 =	sshll.u32 s20, $0x2;
	s30 =	sshll.u32 s30, $0x2  }
0x160: {  	s20 =	sadd.s32 $0x10, s20;
	s11 =	sshra.s32 s11, $0x2;
	s31 =	sand.u32 $0xFFFFFE00, s13  }
0x161: {  	s13 =	sadd.s32 s25, s11;
	s11 =	sor.u32 s30, s31;
	s30 =	sand.u32 $0x7F, s20;
	v3 =	vmul.f32 v4, v3  }
0x162: {  	s11 =	sshra.s32 s11, $0x2;
	s30 =	sshll.u32 s30, $0x2;
	s31 =	spop (v2sf)  }
0x163: {  	s20 =	sshll.u32 s20, $0x2;
	s11 =	sadd.s32 s25, s11;
	[tilespmem:v2+s25+$0xFFFFFD90 ss:$0x1] =	vst.idx.msk $0xffff, v3;
	v3 =	vld.idx.msk [tilespmem:v2+s25+$0xFFFFFE00 ss:$0x1], $0xffff;
	s24 =	sadd.s32 $0x10, s31  }
0x164: {  	v4 =	vld [tilespmem:s0+$0x5200];
	s0 =	sand.u32 $0x7F, s31;
	s31 =	sshll.u32 s31, $0x2;
	s23 =	sand.u32 $0x7F, s24  }
0x165: {  	s24 =	sshll.u32 s24, $0x2;
	s31 =	sand.u32 $0xFFFFFE00, s31;
	s0 =	sshll.u32 s0, $0x2  }
0x166: {  	s24 =	sand.u32 $0xFFFFFE00, s24;
	s23 =	sshll.u32 s23, $0x2;
	s0 =	sor.u32 s0, s31  }
0x167: {  	s20 =	sand.u32 $0xFFFFFE00, s20;
	s23 =	sor.u32 s23, s24;
	s0 =	sshra.s32 s0, $0x2  }
0x168: {  	s20 =	sor.u32 s30, s20;
	s23 =	sshra.s32 s23, $0x2;
	s0 =	sadd.s32 s25, s0  }
0x169: {  	s20 =	sshra.s32 s20, $0x2;
	s30 =	sadd.s32 s25, s23;
	v3 =	vmul.f32 v4, v3;
	s23 =	spop (v2sf)  }
0x16a: {  	s20 =	sadd.s32 s25, s20;
	s24 =	sand.u32 $0x7F, s23;
	s31 =	sshll.u32 s23, $0x2  }
0x16b: {  	s23 =	sadd.s32 $0x10, s23;
	[tilespmem:v2+s25+$0xFFFFFE00 ss:$0x1] =	vst.idx.msk $0xffff, v3;
	s31 =	sand.u32 $0xFFFFFE00, s31;
	s24 =	sshll.u32 s24, $0x2  }
0x16c: {  	v3 =	vld.idx.msk [tilespmem:v2+s25+$0xFFFFFE10 ss:$0x1], $0xffff;
	s24 =	sor.u32 s24, s31;
	s31 =	sand.u32 $0x7F, s23;
	s23 =	sshll.u32 s23, $0x2  }
0x16d: {  	v4 =	vld [tilespmem:s10+$0x5200];
	s10 =	sshra.s32 s24, $0x2;
	s23 =	sand.u32 $0xFFFFFE00, s23;
	s24 =	sshll.u32 s31, $0x2  }
0x16e: {  	s10 =	sadd.s32 s25, s10;
	s23 =	sor.u32 s24, s23  }
0x16f: {  	s23 =	sshra.s32 s23, $0x2  }
0x170: {  	s31 =	sadd.s32 s25, s23;
	_ =	sdelay $0x1  }
0x171: {  	v3 =	vmul.f32 v4, v3;
	_ =	sdelay $0x1  }
0x172: {  	[tilespmem:v2+s25+$0xFFFFFE10 ss:$0x1] =	vst.idx.msk $0xffff, v3;
	v3 =	vld.idx.msk [tilespmem:v2+s25+$0xFFFFFE80 ss:$0x1], $0xffff  }
0x173: {  	v4 =	vld [tilespmem:s2+$0x5280];
	_ =	sdelay $0x4  }
0x174: {  	v3 =	vmul.f32 v4, v3;
	_ =	sdelay $0x1  }
0x175: {  	[tilespmem:v2+s25+$0xFFFFFE80 ss:$0x1] =	vst.idx.msk $0xffff, v3  }
0x176: {  	v3 =	vld.idx.msk [tilespmem:v2+s25+$0xFFFFFE90 ss:$0x1], $0xffff  }
0x177: {  	v4 =	vld [tilespmem:s3+$0x5280];
	_ =	sdelay $0x4  }
0x178: {  	v3 =	vmul.f32 v4, v3;
	_ =	sdelay $0x1  }
0x179: {  	[tilespmem:v2+s25+$0xFFFFFE90 ss:$0x1] =	vst.idx.msk $0xffff, v3;
	v3 =	vld.idx.msk [tilespmem:v2+s25+$0xFFFFFF00 ss:$0x1], $0xffff  }
0x17a: {  	v4 =	vld [tilespmem:s18+$0x5300];
	_ =	sdelay $0x4  }
0x17b: {  	v3 =	vmul.f32 v4, v3;
	_ =	sdelay $0x1  }
0x17c: {  	[tilespmem:v2+s25+$0xFFFFFF00 ss:$0x1] =	vst.idx.msk $0xffff, v3  }
0x17d: {  	v3 =	vld.idx.msk [tilespmem:v2+s25+$0xFFFFFF10 ss:$0x1], $0xffff  }
0x17e: {  	v4 =	vld [tilespmem:s4+$0x5300];
	_ =	sdelay $0x4  }
0x17f: {  	v3 =	vmul.f32 v4, v3;
	_ =	sdelay $0x1  }
0x180: {  	[tilespmem:v2+s25+$0xFFFFFF10 ss:$0x1] =	vst.idx.msk $0xffff, v3;
	v3 =	vld.idx.msk [tilespmem:v2+s25+$0xFFFFFF80 ss:$0x1], $0xffff  }
0x181: {  	v4 =	vld [tilespmem:s9+$0x5380];
	_ =	sdelay $0x4  }
0x182: {  	v3 =	vmul.f32 v4, v3;
	_ =	sdelay $0x1  }
0x183: {  	[tilespmem:v2+s25+$0xFFFFFF80 ss:$0x1] =	vst.idx.msk $0xffff, v3  }
0x184: {  	v3 =	vld.idx.msk [tilespmem:v2+s25+$0xFFFFFF90 ss:$0x1], $0xffff  }
0x185: {  	v4 =	vld [tilespmem:s19+$0x5380];
	_ =	sdelay $0x4  }
0x186: {  	v3 =	vmul.f32 v4, v3;
	_ =	sdelay $0x1  }
0x187: {  	[tilespmem:v2+s25+$0xFFFFFF90 ss:$0x1] =	vst.idx.msk $0xffff, v3;
	v3 =	vld.idx.msk [tilespmem:v2+s25+$0x0 ss:$0x1], $0xffff  }
0x188: {  	v4 =	vld [tilespmem:s7+$0x5400];
	_ =	sdelay $0x4  }
0x189: {  	v3 =	vmul.f32 v4, v3;
	_ =	sdelay $0x1  }
0x18a: {  	[tilespmem:v2+s25+$0x0 ss:$0x1] =	vst.idx.msk $0xffff, v3  }
0x18b: {  	v3 =	vld.idx.msk [tilespmem:v2+s25+$0x10 ss:$0x1], $0xffff  }
0x18c: {  	v4 =	vld [tilespmem:s14+$0x5400];
	_ =	sdelay $0x4  }
0x18d: {  	v3 =	vmul.f32 v4, v3  }
0x18e: {  	s2 =	sshra.s32 s12, $0x2  }
0x18f: {  	s2 =	sadd.s32 s25, s2;
	[tilespmem:v2+s25+$0x10 ss:$0x1] =	vst.idx.msk $0xffff, v3;
	v3 =	vld.idx.msk [tilespmem:v2+s25+$0x80 ss:$0x1], $0xffff  }
0x190: {  	v4 =	vld [tilespmem:s2+$0x5480];
	_ =	sdelay $0x4  }
0x191: {  	v3 =	vmul.f32 v4, v3;
	_ =	sdelay $0x1  }
0x192: {  	[tilespmem:v2+s25+$0x80 ss:$0x1] =	vst.idx.msk $0xffff, v3  }
0x193: {  	v3 =	vld.idx.msk [tilespmem:v2+s25+$0x90 ss:$0x1], $0xffff  }
0x194: {  	v4 =	vld [tilespmem:s15+$0x5480];
	_ =	sdelay $0x4  }
0x195: {  	v3 =	vmul.f32 v4, v3;
	_ =	sdelay $0x1  }
0x196: {  	[tilespmem:v2+s25+$0x90 ss:$0x1] =	vst.idx.msk $0xffff, v3;
	v3 =	vld.idx.msk [tilespmem:v2+s25+$0x100 ss:$0x1], $0xffff  }
0x197: {  	v4 =	vld [tilespmem:s8+$0x5500];
	_ =	sdelay $0x4  }
0x198: {  	v3 =	vmul.f32 v4, v3;
	_ =	sdelay $0x1  }
0x199: {  	s2 =	sshra.s32 s5, $0x2;
	[tilespmem:v2+s25+$0x100 ss:$0x1] =	vst.idx.msk $0xffff, v3  }
0x19a: {  	s2 =	sadd.s32 s25, s2;
	v3 =	vld.idx.msk [tilespmem:v2+s25+$0x110 ss:$0x1], $0xffff  }
0x19b: {  	v4 =	vld [tilespmem:s2+$0x5500];
	_ =	sdelay $0x4  }
0x19c: {  	v3 =	vmul.f32 v4, v3;
	_ =	sdelay $0x1  }
0x19d: {  	[tilespmem:v2+s25+$0x110 ss:$0x1] =	vst.idx.msk $0xffff, v3;
	v3 =	vld.idx.msk [tilespmem:v2+s25+$0x180 ss:$0x1], $0xffff  }
0x19e: {  	v4 =	vld [tilespmem:s6+$0x5580];
	_ =	sdelay $0x4  }
0x19f: {  	v3 =	vmul.f32 v4, v3;
	_ =	sdelay $0x1  }
0x1a0: {  	[tilespmem:v2+s25+$0x180 ss:$0x1] =	vst.idx.msk $0xffff, v3  }
0x1a1: {  	v3 =	vld.idx.msk [tilespmem:v2+s25+$0x190 ss:$0x1], $0xffff  }
0x1a2: {  	v4 =	vld [tilespmem:s16+$0x5580];
	_ =	sdelay $0x4  }
0x1a3: {  	v3 =	vmul.f32 v4, v3;
	_ =	sdelay $0x1  }
0x1a4: {  	[tilespmem:v2+s25+$0x190 ss:$0x1] =	vst.idx.msk $0xffff, v3;
	v3 =	vld.idx.msk [tilespmem:v2+s25+$0x200 ss:$0x1], $0xffff  }
0x1a5: {  	v4 =	vld [tilespmem:s1+$0x5600];
	_ =	sdelay $0x4  }
0x1a6: {  	v3 =	vmul.f32 v4, v3;
	_ =	sdelay $0x1  }
0x1a7: {  	[tilespmem:v2+s25+$0x200 ss:$0x1] =	vst.idx.msk $0xffff, v3  }
0x1a8: {  	v3 =	vld.idx.msk [tilespmem:v2+s25+$0x210 ss:$0x1], $0xffff  }
0x1a9: {  	v4 =	vld [tilespmem:s13+$0x5600];
	_ =	sdelay $0x4  }
0x1aa: {  	v3 =	vmul.f32 v4, v3;
	_ =	sdelay $0x1  }
0x1ab: {  	[tilespmem:v2+s25+$0x210 ss:$0x1] =	vst.idx.msk $0xffff, v3;
	v3 =	vld.idx.msk [tilespmem:v2+s25+$0x280 ss:$0x1], $0xffff  }
0x1ac: {  	v4 =	vld [tilespmem:s11+$0x5680];
	_ =	sdelay $0x4  }
0x1ad: {  	v3 =	vmul.f32 v4, v3;
	_ =	sdelay $0x1  }
0x1ae: {  	[tilespmem:v2+s25+$0x280 ss:$0x1] =	vst.idx.msk $0xffff, v3  }
0x1af: {  	v3 =	vld.idx.msk [tilespmem:v2+s25+$0x290 ss:$0x1], $0xffff  }
0x1b0: {  	v4 =	vld [tilespmem:s20+$0x5680];
	_ =	sdelay $0x4  }
0x1b1: {  	v3 =	vmul.f32 v4, v3;
	_ =	sdelay $0x1  }
0x1b2: {  	[tilespmem:v2+s25+$0x290 ss:$0x1] =	vst.idx.msk $0xffff, v3;
	v3 =	vld.idx.msk [tilespmem:v2+s25+$0x300 ss:$0x1], $0xffff  }
0x1b3: {  	v4 =	vld [tilespmem:s0+$0x5700];
	_ =	sdelay $0x4  }
0x1b4: {  	v3 =	vmul.f32 v4, v3;
	_ =	sdelay $0x1  }
0x1b5: {  	[tilespmem:v2+s25+$0x300 ss:$0x1] =	vst.idx.msk $0xffff, v3  }
0x1b6: {  	v3 =	vld.idx.msk [tilespmem:v2+s25+$0x310 ss:$0x1], $0xffff  }
0x1b7: {  	v4 =	vld [tilespmem:s30+$0x5700];
	_ =	sdelay $0x4  }
0x1b8: {  	v3 =	vmul.f32 v4, v3;
	_ =	sdelay $0x1  }
0x1b9: {  	[tilespmem:v2+s25+$0x310 ss:$0x1] =	vst.idx.msk $0xffff, v3;
	v3 =	vld.idx.msk [tilespmem:v2+s25+$0x380 ss:$0x1], $0xffff  }
0x1ba: {  	v4 =	vld [tilespmem:s10+$0x5780];
	_ =	sdelay $0x4  }
0x1bb: {  	v3 =	vmul.f32 v4, v3;
	_ =	sdelay $0x1  }
0x1bc: {  	[tilespmem:v2+s25+$0x380 ss:$0x1] =	vst.idx.msk $0xffff, v3  }
0x1bd: {  	v3 =	vld.idx.msk [tilespmem:v2+s25+$0x390 ss:$0x1], $0xffff  }
0x1be: {  	v4 =	vld [tilespmem:s31+$0x5780]  }
.Ltmp1:
0x1bf: {  	(pc) =	sbr.rel @p1 .LBB2_5-.Ltmp1, $2  }
0x1c0: {  	_ =	sdelay $0x2  }
0x1c1: {  	v3 =	vmul.f32 v4, v3  }
0x1c2: {  	_ = 	snop  }
0x1c3: {  	s0 =	rddreg [dreg:$0xb]  }
0x1c4: {  	p1 =	seq.s32 s0, $0x27;
	s0 =	rddreg [dreg:$0xc]  }
0x1c5: {  	s31 =	rddreg [dreg:$0x3];
	s5 =	simm.s32 $0x2;
	s0 =	sshrl.u32 @!p1 s0, $0x2  }
0x1c6: {  	[tilespmem:v2+s25+$0x390 ss:$0x1] =	vst.idx.msk $0xffff, v3;
	s1 =	simm.s32 @!p1 $0x80;
	s2 =	simm.s32 @!p1 $0x5000;
	s0 =	sadd.s32 @!p1 $0x100, s0  }
0x1c7: {  	[tilespmem:s2], [sflag:$0x1] =	stream.indirect.gather @!p1 [hbm4b:s31+s1], $0x80, s0, s1, $0xb8;
	[tilespmem:$0x1D400] =	vst v63  }
0x1c8: {  	_ =	swait.ge [sflag:s5], $0x4000  }
0x1c9: {  	[sflag:s5] =	ssyncset.done $0x0  }
0x1ca: {  	[sflag:s5] =	ssyncadd.s32 $0xFFFFC000  }
0x1cb: {  	v3 =	vld [tilespmem:s22+$0x0];
	_ =	sdelay $0x4  }
0x1cc: {  	(v2sf) =	vpush v3, $0x0;
	_ =	sdelay $0xe  }
0x1cd: {  	v2 =	vmov s26;
	s6 =	spop (v2sf)  }
0x1ce: {  	s7 =	sand.u32 $0x7F, s6;
	s8 =	sshll.u32 s6, $0x2  }
0x1cf: {  	(v2sf) =	vpush v3, $0x1;
	s2 =	sand.u32 $0xFFFFFE00, s8;
	s1 =	sshll.u32 s7, $0x2  }
0x1d0: {  	s1 =	sor.u32 s1, s2  }
0x1d1: {  	s25 =	simm.s32 $0x0;
	s1 =	sshra.s32 s1, $0x2  }
0x1d2: {  	v4 =	vld.idx.msk [tilespmem:v2+s25+$0x4000 ss:$0x1], $0xffff;
	s1 =	sadd.s32 $0x0, s1  }
0x1d3: {  	v5 =	vld [tilespmem:s1+$0x9000];
	_ =	sdelay $0x2  }
0x1d4: {  	s0 =	sadd.s32 $0x10, s6  }
0x1d5: {  	s9 =	sand.u32 $0x7F, s0;
	s0 =	sshll.u32 s0, $0x2  }
0x1d6: {  	s0 =	sand.u32 $0xFFFFFE00, s0;
	s1 =	sshll.u32 s9, $0x2;
	v4 =	vmul.f32 v5, v4  }
0x1d7: {  	s0 =	sor.u32 s1, s0  }
0x1d8: {  	s0 =	sshra.s32 s0, $0x2;
	[tilespmem:v2+s25+$0x4000 ss:$0x1] =	vst.idx.msk $0xffff, v4  }
0x1d9: {  	s0 =	sadd.s32 $0x0, s0;
	v4 =	vld.idx.msk [tilespmem:v2+s25+$0x4010 ss:$0x1], $0xffff  }
0x1da: {  	v5 =	vld [tilespmem:s0+$0x9000];
	_ =	sdelay $0x1  }
0x1db: {  	s10 =	spop (v2sf)  }
0x1dc: {  	s11 =	sand.u32 $0x7F, s10;
	s12 =	sshll.u32 s10, $0x2  }
0x1dd: {  	(v2sf) =	vpush v3, $0x2;
	s1 =	sshll.u32 s11, $0x2;
	s2 =	sand.u32 $0xFFFFFE00, s12  }
0x1de: {  	s1 =	sor.u32 s1, s2;
	v4 =	vmul.f32 v5, v4  }
0x1df: {  	s1 =	sshra.s32 s1, $0x2  }
0x1e0: {  	s1 =	sadd.s32 $0x0, s1;
	[tilespmem:v2+s25+$0x4010 ss:$0x1] =	vst.idx.msk $0xffff, v4;
	v4 =	vld.idx.msk [tilespmem:v2+s25+$0x4080 ss:$0x1], $0xffff  }
0x1e1: {  	v5 =	vld [tilespmem:s1+$0x9080];
	_ =	sdelay $0x2  }
0x1e2: {  	s0 =	sadd.s32 $0x10, s10  }
0x1e3: {  	s13 =	sand.u32 $0x7F, s0;
	s0 =	sshll.u32 s0, $0x2  }
0x1e4: {  	s0 =	sand.u32 $0xFFFFFE00, s0;
	s1 =	sshll.u32 s13, $0x2;
	v4 =	vmul.f32 v5, v4  }
0x1e5: {  	s0 =	sor.u32 s1, s0  }
0x1e6: {  	s0 =	sshra.s32 s0, $0x2;
	[tilespmem:v2+s25+$0x4080 ss:$0x1] =	vst.idx.msk $0xffff, v4  }
0x1e7: {  	s0 =	sadd.s32 $0x0, s0;
	v4 =	vld.idx.msk [tilespmem:v2+s25+$0x4090 ss:$0x1], $0xffff  }
0x1e8: {  	v5 =	vld [tilespmem:s0+$0x9080];
	_ =	sdelay $0x1  }
0x1e9: {  	s14 =	spop (v2sf)  }
0x1ea: {  	s15 =	sand.u32 $0x7F, s14;
	s16 =	sshll.u32 s14, $0x2  }
0x1eb: {  	(v2sf) =	vpush v3, $0x3;
	s2 =	sand.u32 $0xFFFFFE00, s16;
	s1 =	sshll.u32 s15, $0x2  }
0x1ec: {  	s1 =	sor.u32 s1, s2;
	v4 =	vmul.f32 v5, v4  }
0x1ed: {  	s1 =	sshra.s32 s1, $0x2  }
0x1ee: {  	s1 =	sadd.s32 $0x0, s1;
	[tilespmem:v2+s25+$0x4090 ss:$0x1] =	vst.idx.msk $0xffff, v4;
	v4 =	vld.idx.msk [tilespmem:v2+s25+$0x4100 ss:$0x1], $0xffff  }
0x1ef: {  	v5 =	vld [tilespmem:s1+$0x9100];
	_ =	sdelay $0x2  }
0x1f0: {  	s0 =	sadd.s32 $0x10, s14  }
0x1f1: {  	s18 =	sand.u32 $0x7F, s0;
	s0 =	sshll.u32 s0, $0x2  }
0x1f2: {  	s0 =	sand.u32 $0xFFFFFE00, s0;
	s1 =	sshll.u32 s18, $0x2;
	v4 =	vmul.f32 v5, v4  }
0x1f3: {  	s0 =	sor.u32 s1, s0  }
0x1f4: {  	s0 =	sshra.s32 s0, $0x2;
	[tilespmem:v2+s25+$0x4100 ss:$0x1] =	vst.idx.msk $0xffff, v4  }
0x1f5: {  	s0 =	sadd.s32 $0x0, s0;
	v4 =	vld.idx.msk [tilespmem:v2+s25+$0x4110 ss:$0x1], $0xffff  }
0x1f6: {  	v5 =	vld [tilespmem:s0+$0x9100];
	_ =	sdelay $0x1  }
0x1f7: {  	s19 =	spop (v2sf)  }
0x1f8: {  	s20 =	sand.u32 $0x7F, s19;
	s23 =	sshll.u32 s19, $0x2  }
0x1f9: {  	(v2sf) =	vpush v3, $0x4;
	s1 =	sshll.u32 s20, $0x2;
	s2 =	sand.u32 $0xFFFFFE00, s23  }
0x1fa: {  	s1 =	sor.u32 s1, s2;
	v4 =	vmul.f32 v5, v4  }
0x1fb: {  	s1 =	sshra.s32 s1, $0x2  }
0x1fc: {  	s1 =	sadd.s32 $0x0, s1;
	[tilespmem:v2+s25+$0x4110 ss:$0x1] =	vst.idx.msk $0xffff, v4;
	v4 =	vld.idx.msk [tilespmem:v2+s25+$0x4180 ss:$0x1], $0xffff  }
0x1fd: {  	v5 =	vld [tilespmem:s1+$0x9180];
	_ =	sdelay $0x2  }
0x1fe: {  	s0 =	sadd.s32 $0x10, s19  }
0x1ff: {  	s24 =	sand.u32 $0x7F, s0;
	s0 =	sshll.u32 s0, $0x2  }
0x200: {  	s0 =	sand.u32 $0xFFFFFE00, s0;
	s1 =	sshll.u32 s24, $0x2;
	v4 =	vmul.f32 v5, v4  }
0x201: {  	s0 =	sor.u32 s1, s0  }
0x202: {  	s0 =	sshra.s32 s0, $0x2;
	[tilespmem:v2+s25+$0x4180 ss:$0x1] =	vst.idx.msk $0xffff, v4  }
0x203: {  	s0 =	sadd.s32 $0x0, s0;
	v4 =	vld.idx.msk [tilespmem:v2+s25+$0x4190 ss:$0x1], $0xffff  }
0x204: {  	v5 =	vld [tilespmem:s0+$0x9180];
	_ =	sdelay $0x1  }
0x205: {  	s26 =	spop (v2sf)  }
0x206: {  	s29 =	sand.u32 $0x7F, s26;
	s30 =	sshll.u32 s26, $0x2  }
0x207: {  	(v2sf) =	vpush v3, $0x5;
	s1 =	sshll.u32 s29, $0x2;
	s2 =	sand.u32 $0xFFFFFE00, s30  }
0x208: {  	s1 =	sor.u32 s1, s2;
	v4 =	vmul.f32 v5, v4  }
0x209: {  	s1 =	sshra.s32 s1, $0x2  }
0x20a: {  	s1 =	sadd.s32 $0x0, s1;
	[tilespmem:v2+s25+$0x4190 ss:$0x1] =	vst.idx.msk $0xffff, v4;
	v4 =	vld.idx.msk [tilespmem:v2+s25+$0x4200 ss:$0x1], $0xffff  }
0x20b: {  	v5 =	vld [tilespmem:s1+$0x9200];
	_ =	sdelay $0x2  }
0x20c: {  	s0 =	sadd.s32 $0x10, s26  }
0x20d: {  	s3 =	sand.u32 $0x7F, s0;
	s0 =	sshll.u32 s0, $0x2  }
0x20e: {  	s0 =	sand.u32 $0xFFFFFE00, s0;
	s1 =	sshll.u32 s3, $0x2;
	v4 =	vmul.f32 v5, v4  }
0x20f: {  	s0 =	sor.u32 s1, s0  }
0x210: {  	s0 =	sshra.s32 s0, $0x2;
	[tilespmem:v2+s25+$0x4200 ss:$0x1] =	vst.idx.msk $0xffff, v4  }
0x211: {  	s0 =	sadd.s32 $0x0, s0;
	v4 =	vld.idx.msk [tilespmem:v2+s25+$0x4210 ss:$0x1], $0xffff  }
0x212: {  	v5 =	vld [tilespmem:s0+$0x9200];
	_ =	sdelay $0x1  }
0x213: {  	s4 =	spop (v2sf)  }
0x214: {  	s5 =	sand.u32 $0x7F, s4;
	s6 =	sshll.u32 s4, $0x2  }
0x215: {  	(v2sf) =	vpush v3, $0x6;
	s2 =	sand.u32 $0xFFFFFE00, s6;
	s1 =	sshll.u32 s5, $0x2  }
0x216: {  	s1 =	sor.u32 s1, s2;
	v4 =	vmul.f32 v5, v4  }
0x217: {  	s1 =	sshra.s32 s1, $0x2  }
0x218: {  	s1 =	sadd.s32 $0x0, s1;
	[tilespmem:v2+s25+$0x4210 ss:$0x1] =	vst.idx.msk $0xffff, v4;
	v4 =	vld.idx.msk [tilespmem:v2+s25+$0x4280 ss:$0x1], $0xffff  }
0x219: {  	v5 =	vld [tilespmem:s1+$0x9280];
	_ =	sdelay $0x2  }
0x21a: {  	s0 =	sadd.s32 $0x10, s4  }
0x21b: {  	s7 =	sand.u32 $0x7F, s0;
	s0 =	sshll.u32 s0, $0x2  }
0x21c: {  	s0 =	sand.u32 $0xFFFFFE00, s0;
	s1 =	sshll.u32 s7, $0x2;
	v4 =	vmul.f32 v5, v4  }
0x21d: {  	s0 =	sor.u32 s1, s0  }
0x21e: {  	s0 =	sshra.s32 s0, $0x2;
	[tilespmem:v2+s25+$0x4280 ss:$0x1] =	vst.idx.msk $0xffff, v4  }
0x21f: {  	s0 =	sadd.s32 $0x0, s0;
	v4 =	vld.idx.msk [tilespmem:v2+s25+$0x4290 ss:$0x1], $0xffff  }
0x220: {  	v5 =	vld [tilespmem:s0+$0x9280];
	_ =	sdelay $0x1  }
0x221: {  	s8 =	spop (v2sf)  }
0x222: {  	s9 =	sand.u32 $0x7F, s8;
	s10 =	sshll.u32 s8, $0x2  }
0x223: {  	(v2sf) =	vpush v3, $0x7;
	s2 =	sand.u32 $0xFFFFFE00, s10;
	s1 =	sshll.u32 s9, $0x2  }
0x224: {  	s1 =	sor.u32 s1, s2;
	v4 =	vmul.f32 v5, v4  }
0x225: {  	s1 =	sshra.s32 s1, $0x2  }
0x226: {  	s1 =	sadd.s32 $0x0, s1;
	[tilespmem:v2+s25+$0x4290 ss:$0x1] =	vst.idx.msk $0xffff, v4;
	v4 =	vld.idx.msk [tilespmem:v2+s25+$0x4300 ss:$0x1], $0xffff  }
0x227: {  	v5 =	vld [tilespmem:s1+$0x9300];
	_ =	sdelay $0x2  }
0x228: {  	s0 =	sadd.s32 $0x10, s8  }
0x229: {  	s11 =	sand.u32 $0x7F, s0;
	s0 =	sshll.u32 s0, $0x2  }
0x22a: {  	s0 =	sand.u32 $0xFFFFFE00, s0;
	s1 =	sshll.u32 s11, $0x2;
	v4 =	vmul.f32 v5, v4  }
0x22b: {  	s0 =	sor.u32 s1, s0  }
0x22c: {  	s0 =	sshra.s32 s0, $0x2;
	[tilespmem:v2+s25+$0x4300 ss:$0x1] =	vst.idx.msk $0xffff, v4  }
0x22d: {  	s0 =	sadd.s32 $0x0, s0;
	v4 =	vld.idx.msk [tilespmem:v2+s25+$0x4310 ss:$0x1], $0xffff  }
0x22e: {  	v5 =	vld [tilespmem:s0+$0x9300];
	_ =	sdelay $0x1  }
0x22f: {  	s12 =	spop (v2sf)  }
0x230: {  	s13 =	sand.u32 $0x7F, s12;
	s14 =	sshll.u32 s12, $0x2  }
0x231: {  	(v2sf) =	vpush v3, $0x8;
	s2 =	sand.u32 $0xFFFFFE00, s14;
	s1 =	sshll.u32 s13, $0x2  }
0x232: {  	s1 =	sor.u32 s1, s2;
	v4 =	vmul.f32 v5, v4  }
0x233: {  	s1 =	sshra.s32 s1, $0x2  }
0x234: {  	s1 =	sadd.s32 $0x0, s1;
	[tilespmem:v2+s25+$0x4310 ss:$0x1] =	vst.idx.msk $0xffff, v4;
	v4 =	vld.idx.msk [tilespmem:v2+s25+$0x4380 ss:$0x1], $0xffff  }
0x235: {  	v5 =	vld [tilespmem:s1+$0x9380];
	_ =	sdelay $0x2  }
0x236: {  	s0 =	sadd.s32 $0x10, s12  }
0x237: {  	s15 =	sand.u32 $0x7F, s0;
	s0 =	sshll.u32 s0, $0x2  }
0x238: {  	s0 =	sand.u32 $0xFFFFFE00, s0;
	s1 =	sshll.u32 s15, $0x2;
	v4 =	vmul.f32 v5, v4  }
0x239: {  	s0 =	sor.u32 s1, s0  }
0x23a: {  	s0 =	sshra.s32 s0, $0x2;
	[tilespmem:v2+s25+$0x4380 ss:$0x1] =	vst.idx.msk $0xffff, v4  }
0x23b: {  	s0 =	sadd.s32 $0x0, s0;
	v4 =	vld.idx.msk [tilespmem:v2+s25+$0x4390 ss:$0x1], $0xffff  }
0x23c: {  	v5 =	vld [tilespmem:s0+$0x9380];
	_ =	sdelay $0x1  }
0x23d: {  	s16 =	spop (v2sf)  }
0x23e: {  	s18 =	sand.u32 $0x7F, s16;
	s19 =	sshll.u32 s16, $0x2  }
0x23f: {  	(v2sf) =	vpush v3, $0x9;
	s2 =	sand.u32 $0xFFFFFE00, s19;
	s1 =	sshll.u32 s18, $0x2  }
0x240: {  	s1 =	sor.u32 s1, s2;
	v4 =	vmul.f32 v5, v4  }
0x241: {  	s1 =	sshra.s32 s1, $0x2  }
0x242: {  	s1 =	sadd.s32 $0x0, s1;
	[tilespmem:v2+s25+$0x4390 ss:$0x1] =	vst.idx.msk $0xffff, v4;
	v4 =	vld.idx.msk [tilespmem:v2+s25+$0x4400 ss:$0x1], $0xffff  }
0x243: {  	v5 =	vld [tilespmem:s1+$0x9400];
	_ =	sdelay $0x2  }
0x244: {  	s0 =	sadd.s32 $0x10, s16  }
0x245: {  	s20 =	sand.u32 $0x7F, s0;
	s0 =	sshll.u32 s0, $0x2  }
0x246: {  	s0 =	sand.u32 $0xFFFFFE00, s0;
	s1 =	sshll.u32 s20, $0x2;
	v4 =	vmul.f32 v5, v4  }
0x247: {  	s0 =	sor.u32 s1, s0  }
0x248: {  	s0 =	sshra.s32 s0, $0x2;
	[tilespmem:v2+s25+$0x4400 ss:$0x1] =	vst.idx.msk $0xffff, v4  }
0x249: {  	s0 =	sadd.s32 $0x0, s0;
	v4 =	vld.idx.msk [tilespmem:v2+s25+$0x4410 ss:$0x1], $0xffff  }
0x24a: {  	v5 =	vld [tilespmem:s0+$0x9400];
	_ =	sdelay $0x1  }
0x24b: {  	s23 =	spop (v2sf)  }
0x24c: {  	s24 =	sand.u32 $0x7F, s23;
	s26 =	sshll.u32 s23, $0x2  }
0x24d: {  	(v2sf) =	vpush v3, $0xA;
	s1 =	sshll.u32 s24, $0x2;
	s2 =	sand.u32 $0xFFFFFE00, s26  }
0x24e: {  	s1 =	sor.u32 s1, s2;
	v4 =	vmul.f32 v5, v4  }
0x24f: {  	s1 =	sshra.s32 s1, $0x2  }
0x250: {  	s1 =	sadd.s32 $0x0, s1;
	[tilespmem:v2+s25+$0x4410 ss:$0x1] =	vst.idx.msk $0xffff, v4;
	v4 =	vld.idx.msk [tilespmem:v2+s25+$0x4480 ss:$0x1], $0xffff  }
0x251: {  	v5 =	vld [tilespmem:s1+$0x9480];
	_ =	sdelay $0x2  }
0x252: {  	s0 =	sadd.s32 $0x10, s23  }
0x253: {  	s29 =	sand.u32 $0x7F, s0;
	s0 =	sshll.u32 s0, $0x2  }
0x254: {  	s0 =	sand.u32 $0xFFFFFE00, s0;
	s1 =	sshll.u32 s29, $0x2;
	v4 =	vmul.f32 v5, v4  }
0x255: {  	s0 =	sor.u32 s1, s0  }
0x256: {  	s0 =	sshra.s32 s0, $0x2;
	[tilespmem:v2+s25+$0x4480 ss:$0x1] =	vst.idx.msk $0xffff, v4  }
0x257: {  	s0 =	sadd.s32 $0x0, s0;
	v4 =	vld.idx.msk [tilespmem:v2+s25+$0x4490 ss:$0x1], $0xffff  }
0x258: {  	v5 =	vld [tilespmem:s0+$0x9480];
	_ =	sdelay $0x1  }
0x259: {  	s30 =	spop (v2sf)  }
0x25a: {  	s2 =	sand.u32 $0x7F, s30;
	s3 =	sshll.u32 s30, $0x2  }
0x25b: {  	(v2sf) =	vpush v3, $0xB;
	s1 =	sshll.u32 s2, $0x2;
	s2 =	sand.u32 $0xFFFFFE00, s3  }
0x25c: {  	s1 =	sor.u32 s1, s2;
	v4 =	vmul.f32 v5, v4  }
0x25d: {  	s1 =	sshra.s32 s1, $0x2  }
0x25e: {  	s1 =	sadd.s32 $0x0, s1;
	[tilespmem:v2+s25+$0x4490 ss:$0x1] =	vst.idx.msk $0xffff, v4;
	v4 =	vld.idx.msk [tilespmem:v2+s25+$0x4500 ss:$0x1], $0xffff  }
0x25f: {  	v5 =	vld [tilespmem:s1+$0x9500];
	_ =	sdelay $0x2  }
0x260: {  	s0 =	sadd.s32 $0x10, s30  }
0x261: {  	s4 =	sand.u32 $0x7F, s0;
	s0 =	sshll.u32 s0, $0x2  }
0x262: {  	s0 =	sand.u32 $0xFFFFFE00, s0;
	s1 =	sshll.u32 s4, $0x2;
	v4 =	vmul.f32 v5, v4  }
0x263: {  	s0 =	sor.u32 s1, s0  }
0x264: {  	s0 =	sshra.s32 s0, $0x2;
	[tilespmem:v2+s25+$0x4500 ss:$0x1] =	vst.idx.msk $0xffff, v4  }
0x265: {  	s0 =	sadd.s32 $0x0, s0;
	v4 =	vld.idx.msk [tilespmem:v2+s25+$0x4510 ss:$0x1], $0xffff  }
0x266: {  	v5 =	vld [tilespmem:s0+$0x9500];
	_ =	sdelay $0x1  }
0x267: {  	s5 =	spop (v2sf)  }
0x268: {  	s6 =	sand.u32 $0x7F, s5;
	s7 =	sshll.u32 s5, $0x2  }
0x269: {  	(v2sf) =	vpush v3, $0xC;
	s1 =	sshll.u32 s6, $0x2;
	s2 =	sand.u32 $0xFFFFFE00, s7  }
0x26a: {  	s1 =	sor.u32 s1, s2;
	v4 =	vmul.f32 v5, v4  }
0x26b: {  	s1 =	sshra.s32 s1, $0x2  }
0x26c: {  	s1 =	sadd.s32 $0x0, s1;
	[tilespmem:v2+s25+$0x4510 ss:$0x1] =	vst.idx.msk $0xffff, v4;
	v4 =	vld.idx.msk [tilespmem:v2+s25+$0x4580 ss:$0x1], $0xffff  }
0x26d: {  	v5 =	vld [tilespmem:s1+$0x9580];
	_ =	sdelay $0x2  }
0x26e: {  	s0 =	sadd.s32 $0x10, s5  }
0x26f: {  	s8 =	sshll.u32 s0, $0x2;
	s0 =	sand.u32 $0x7F, s0  }
0x270: {  	s0 =	sshll.u32 s0, $0x2;
	s1 =	sand.u32 $0xFFFFFE00, s8;
	v4 =	vmul.f32 v5, v4  }
0x271: {  	s0 =	sor.u32 s0, s1  }
0x272: {  	s0 =	sshra.s32 s0, $0x2;
	[tilespmem:v2+s25+$0x4580 ss:$0x1] =	vst.idx.msk $0xffff, v4  }
0x273: {  	s0 =	sadd.s32 $0x0, s0;
	v4 =	vld.idx.msk [tilespmem:v2+s25+$0x4590 ss:$0x1], $0xffff  }
0x274: {  	v5 =	vld [tilespmem:s0+$0x9580];
	_ =	sdelay $0x1  }
0x275: {  	s9 =	spop (v2sf)  }
0x276: {  	s10 =	sand.u32 $0x7F, s9;
	s11 =	sshll.u32 s9, $0x2  }
0x277: {  	(v2sf) =	vpush v3, $0xD;
	s2 =	sand.u32 $0xFFFFFE00, s11;
	s1 =	sshll.u32 s10, $0x2  }
0x278: {  	s1 =	sor.u32 s1, s2;
	v4 =	vmul.f32 v5, v4  }
0x279: {  	s1 =	sshra.s32 s1, $0x2  }
0x27a: {  	s1 =	sadd.s32 $0x0, s1;
	[tilespmem:v2+s25+$0x4590 ss:$0x1] =	vst.idx.msk $0xffff, v4;
	v4 =	vld.idx.msk [tilespmem:v2+s25+$0x4600 ss:$0x1], $0xffff  }
0x27b: {  	v5 =	vld [tilespmem:s1+$0x9600];
	_ =	sdelay $0x2  }
0x27c: {  	s0 =	sadd.s32 $0x10, s9  }
0x27d: {  	s12 =	sand.u32 $0x7F, s0;
	s0 =	sshll.u32 s0, $0x2  }
0x27e: {  	s0 =	sand.u32 $0xFFFFFE00, s0;
	s1 =	sshll.u32 s12, $0x2;
	v4 =	vmul.f32 v5, v4  }
0x27f: {  	s0 =	sor.u32 s1, s0  }
0x280: {  	s0 =	sshra.s32 s0, $0x2;
	[tilespmem:v2+s25+$0x4600 ss:$0x1] =	vst.idx.msk $0xffff, v4  }
0x281: {  	s0 =	sadd.s32 $0x0, s0;
	v4 =	vld.idx.msk [tilespmem:v2+s25+$0x4610 ss:$0x1], $0xffff  }
0x282: {  	v5 =	vld [tilespmem:s0+$0x9600];
	_ =	sdelay $0x1  }
0x283: {  	s13 =	spop (v2sf)  }
0x284: {  	s14 =	sand.u32 $0x7F, s13;
	s15 =	sshll.u32 s13, $0x2  }
0x285: {  	(v2sf) =	vpush v3, $0xE;
	s2 =	sand.u32 $0xFFFFFE00, s15;
	s1 =	sshll.u32 s14, $0x2  }
0x286: {  	s1 =	sor.u32 s1, s2;
	v4 =	vmul.f32 v5, v4  }
0x287: {  	s1 =	sshra.s32 s1, $0x2  }
0x288: {  	s1 =	sadd.s32 $0x0, s1;
	[tilespmem:v2+s25+$0x4610 ss:$0x1] =	vst.idx.msk $0xffff, v4;
	v4 =	vld.idx.msk [tilespmem:v2+s25+$0x4680 ss:$0x1], $0xffff  }
0x289: {  	v5 =	vld [tilespmem:s1+$0x9680];
	_ =	sdelay $0x2  }
0x28a: {  	s0 =	sadd.s32 $0x10, s13  }
0x28b: {  	s16 =	sand.u32 $0x7F, s0;
	s0 =	sshll.u32 s0, $0x2  }
0x28c: {  	s0 =	sand.u32 $0xFFFFFE00, s0;
	s1 =	sshll.u32 s16, $0x2;
	v4 =	vmul.f32 v5, v4  }
0x28d: {  	s0 =	sor.u32 s1, s0  }
0x28e: {  	s0 =	sshra.s32 s0, $0x2;
	[tilespmem:v2+s25+$0x4680 ss:$0x1] =	vst.idx.msk $0xffff, v4  }
0x28f: {  	s0 =	sadd.s32 $0x0, s0;
	v4 =	vld.idx.msk [tilespmem:v2+s25+$0x4690 ss:$0x1], $0xffff  }
0x290: {  	v5 =	vld [tilespmem:s0+$0x9680];
	_ =	sdelay $0x1  }
0x291: {  	s18 =	spop (v2sf)  }
0x292: {  	s19 =	sand.u32 $0x7F, s18;
	s20 =	sshll.u32 s18, $0x2  }
0x293: {  	(v2sf) =	vpush v3, $0xF;
	s2 =	sand.u32 $0xFFFFFE00, s20;
	s1 =	sshll.u32 s19, $0x2  }
0x294: {  	s1 =	sor.u32 s1, s2;
	v3 =	vmul.f32 v5, v4  }
0x295: {  	s1 =	sshra.s32 s1, $0x2  }
0x296: {  	s1 =	sadd.s32 $0x0, s1;
	[tilespmem:v2+s25+$0x4690 ss:$0x1] =	vst.idx.msk $0xffff, v3;
	v3 =	vld.idx.msk [tilespmem:v2+s25+$0x4700 ss:$0x1], $0xffff  }
0x297: {  	v4 =	vld [tilespmem:s1+$0x9700];
	_ =	sdelay $0x2  }
0x298: {  	s0 =	sadd.s32 $0x10, s18  }
0x299: {  	s23 =	sand.u32 $0x7F, s0;
	s0 =	sshll.u32 s0, $0x2  }
0x29a: {  	s0 =	sand.u32 $0xFFFFFE00, s0;
	s1 =	sshll.u32 s23, $0x2;
	v3 =	vmul.f32 v4, v3  }
0x29b: {  	s0 =	sor.u32 s1, s0  }
0x29c: {  	s0 =	sshra.s32 s0, $0x2;
	[tilespmem:v2+s25+$0x4700 ss:$0x1] =	vst.idx.msk $0xffff, v3  }
0x29d: {  	s0 =	sadd.s32 $0x0, s0;
	v3 =	vld.idx.msk [tilespmem:v2+s25+$0x4710 ss:$0x1], $0xffff  }
0x29e: {  	v4 =	vld [tilespmem:s0+$0x9700];
	_ =	sdelay $0x1  }
0x29f: {  	s24 =	spop (v2sf)  }
0x2a0: {  	s26 =	sand.u32 $0x7F, s24;
	s29 =	sshll.u32 s24, $0x2  }
0x2a1: {  	s2 =	sand.u32 $0xFFFFFE00, s29;
	s1 =	sshll.u32 s26, $0x2  }
0x2a2: {  	s1 =	sor.u32 s1, s2;
	v3 =	vmul.f32 v4, v3  }
0x2a3: {  	s1 =	sshra.s32 s1, $0x2  }
0x2a4: {  	s1 =	sadd.s32 $0x0, s1;
	[tilespmem:v2+s25+$0x4710 ss:$0x1] =	vst.idx.msk $0xffff, v3;
	v3 =	vld.idx.msk [tilespmem:v2+s25+$0x4780 ss:$0x1], $0xffff  }
0x2a5: {  	v4 =	vld [tilespmem:s1+$0x9780];
	_ =	sdelay $0x2  }
0x2a6: {  	s0 =	sadd.s32 $0x10, s24  }
0x2a7: {  	s30 =	sand.u32 $0x7F, s0;
	s0 =	sshll.u32 s0, $0x2  }
0x2a8: {  	s0 =	sand.u32 $0xFFFFFE00, s0;
	s1 =	sshll.u32 s30, $0x2;
	v3 =	vmul.f32 v4, v3  }
0x2a9: {  	s0 =	sor.u32 s1, s0  }
0x2aa: {  	s0 =	sshra.s32 s0, $0x2;
	[tilespmem:v2+s25+$0x4780 ss:$0x1] =	vst.idx.msk $0xffff, v3  }
0x2ab: {  	s0 =	sadd.s32 $0x0, s0;
	v3 =	vld.idx.msk [tilespmem:v2+s25+$0x4790 ss:$0x1], $0xffff  }
0x2ac: {  	v4 =	vld [tilespmem:s0+$0x9780];
	_ =	sdelay $0x4  }
0x2ad: {  	s28 =	smov.u32 s22;
	s26 =	simm.s32 $0x2000;
	v3 =	vmul.f32 v4, v3  }
.LBB2_7:
0x2ae: {  	p2 =	sne.s32 s26, $0xE000  }
0x2af: {  	s28 =	sadd.s32 $0x10, s28;
	s0 =	smov.u32 s26;
	s26 =	sadd.s32 $0x2000, s26;
	[tilespmem:v2+s25+$0x4790 ss:$0x1] =	vst.idx.msk $0xffff, v3  }
0x2b0: {  	v3 =	vld [tilespmem:s28+$0x0];
	_ =	sdelay $0x4  }
0x2b1: {  	(v2sf) =	vpush v3, $0x0;
	_ =	sdelay $0x3  }
0x2b2: {  	(v2sf) =	vpush v3, $0x1;
	_ =	sdelay $0x4  }
0x2b3: {  	(v2sf) =	vpush v3, $0x2;
	_ =	sdelay $0x2  }
0x2b4: {  	(v2sf) =	vpush v3, $0x3;
	_ =	sdelay $0x2  }
0x2b5: {  	s25 =	sshra.s32 s0, $0x2;
	s0 =	spop (v2sf)  }
0x2b6: {  	s1 =	sand.u32 $0x7F, s0;
	s2 =	sshll.u32 s0, $0x2;
	s0 =	sadd.s32 $0x10, s0  }
0x2b7: {  	s2 =	sand.u32 $0xFFFFFE00, s2;
	s1 =	sshll.u32 s1, $0x2;
	s3 =	sand.u32 $0x7F, s0;
	(v2sf) =	vpush v3, $0x4  }
0x2b8: {  	s0 =	sshll.u32 s0, $0x2;
	s1 =	sor.u32 s1, s2;
	s2 =	sshll.u32 s3, $0x2  }
0x2b9: {  	s0 =	sand.u32 $0xFFFFFE00, s0;
	s1 =	sshra.s32 s1, $0x2;
	s3 =	spop (v2sf)  }
0x2ba: {  	s0 =	sor.u32 s2, s0;
	v4 =	vld.idx.msk [tilespmem:v2+s25+$0x4000 ss:$0x1], $0xffff;
	s1 =	sadd.s32 s25, s1;
	s2 =	sand.u32 $0x7F, s3  }
0x2bb: {  	v5 =	vld [tilespmem:s1+$0x9000];
	s1 =	sshll.u32 s3, $0x2;
	s2 =	sshll.u32 s2, $0x2;
	s3 =	sadd.s32 $0x10, s3  }
0x2bc: {  	s1 =	sand.u32 $0xFFFFFE00, s1;
	s4 =	sand.u32 $0x7F, s3;
	s3 =	sshll.u32 s3, $0x2  }
0x2bd: {  	s1 =	sor.u32 s2, s1;
	s2 =	sand.u32 $0xFFFFFE00, s3;
	s3 =	sshll.u32 s4, $0x2  }
0x2be: {  	s1 =	sshra.s32 s1, $0x2;
	s2 =	sor.u32 s3, s2;
	s4 =	spop (v2sf)  }
0x2bf: {  	s2 =	sshra.s32 s2, $0x2;
	s5 =	sand.u32 $0x7F, s4;
	s6 =	sshll.u32 s4, $0x2;
	(v2sf) =	vpush v3, $0x5  }
0x2c0: {  	v4 =	vmul.f32 v5, v4;
	s3 =	sadd.s32 s25, s2;
	s2 =	sand.u32 $0xFFFFFE00, s6;
	s5 =	sshll.u32 s5, $0x2  }
0x2c1: {  	s4 =	sadd.s32 $0x10, s4;
	s2 =	sor.u32 s5, s2;
	s5 =	spop (v2sf)  }
0x2c2: {  	s0 =	sshra.s32 s0, $0x2;
	s6 =	sand.u32 $0x7F, s4;
	[tilespmem:v2+s25+$0x4000 ss:$0x1] =	vst.idx.msk $0xffff, v4;
	s2 =	sshra.s32 s2, $0x2;
	(v2sf) =	vpush v3, $0x6  }
0x2c3: {  	s0 =	sadd.s32 s25, s0;
	v4 =	vld.idx.msk [tilespmem:v2+s25+$0x4010 ss:$0x1], $0xffff;
	s7 =	sadd.s32 s25, s2;
	s2 =	sshll.u32 s4, $0x2  }
0x2c4: {  	s4 =	sand.u32 $0x7F, s5;
	v5 =	vld [tilespmem:s0+$0x9000];
	s0 =	sand.u32 $0xFFFFFE00, s2;
	s2 =	sshll.u32 s6, $0x2  }
0x2c5: {  	s8 =	sor.u32 s2, s0;
	s0 =	sshll.u32 s5, $0x2;
	s2 =	sshll.u32 s4, $0x2  }
0x2c6: {  	s4 =	sadd.s32 $0x10, s5;
	s0 =	sand.u32 $0xFFFFFE00, s0;
	s5 =	spop (v2sf)  }
0x2c7: {  	s6 =	sor.u32 s2, s0;
	s0 =	sand.u32 $0x7F, s4;
	s2 =	sshll.u32 s4, $0x2  }
0x2c8: {  	s4 =	sand.u32 $0x7F, s5;
	s2 =	sand.u32 $0xFFFFFE00, s2;
	s0 =	sshll.u32 s0, $0x2  }
0x2c9: {  	s4 =	sshll.u32 s4, $0x2;
	v4 =	vmul.f32 v5, v4;
	s0 =	sor.u32 s0, s2;
	s2 =	sshll.u32 s5, $0x2  }
0x2ca: {  	s5 =	sadd.s32 $0x10, s5;
	s0 =	sshra.s32 s0, $0x2;
	s2 =	sand.u32 $0xFFFFFE00, s2;
	(v2sf) =	vpush v3, $0x7  }
0x2cb: {  	s9 =	sadd.s32 s25, s1;
	[tilespmem:v2+s25+$0x4010 ss:$0x1] =	vst.idx.msk $0xffff, v4;
	v4 =	vld.idx.msk [tilespmem:v2+s25+$0x4080 ss:$0x1], $0xffff;
	s1 =	sadd.s32 s25, s0;
	s0 =	sor.u32 s4, s2  }
0x2cc: {  	s2 =	sand.u32 $0x7F, s5;
	s4 =	sshll.u32 s5, $0x2;
	v5 =	vld [tilespmem:s9+$0x9080];
	s0 =	sshra.s32 s0, $0x2  }
0x2cd: {  	s4 =	sand.u32 $0xFFFFFE00, s4;
	s2 =	sshll.u32 s2, $0x2;
	s0 =	sadd.s32 s25, s0;
	(v2sf) =	vpush v3, $0x8  }
0x2ce: {  	s2 =	sor.u32 s2, s4;
	s4 =	spop (v2sf)  }
0x2cf: {  	s2 =	sshra.s32 s2, $0x2;
	s5 =	sand.u32 $0x7F, s4;
	s9 =	sshll.u32 s4, $0x2  }
0x2d0: {  	s10 =	sadd.s32 s25, s2;
	s2 =	sand.u32 $0xFFFFFE00, s9;
	s5 =	sshll.u32 s5, $0x2  }
0x2d1: {  	s4 =	sadd.s32 $0x10, s4;
	v4 =	vmul.f32 v5, v4;
	s2 =	sor.u32 s5, s2;
	s5 =	spop (v2sf)  }
0x2d2: {  	s9 =	sand.u32 $0x7F, s4;
	s4 =	sshll.u32 s4, $0x2;
	s2 =	sshra.s32 s2, $0x2  }
0x2d3: {  	s4 =	sand.u32 $0xFFFFFE00, s4;
	s9 =	sshll.u32 s9, $0x2;
	[tilespmem:v2+s25+$0x4080 ss:$0x1] =	vst.idx.msk $0xffff, v4;
	s2 =	sadd.s32 s25, s2  }
0x2d4: {  	s4 =	sor.u32 s9, s4;
	s9 =	sand.u32 $0x7F, s5;
	s11 =	sshll.u32 s5, $0x2;
	v4 =	vld.idx.msk [tilespmem:v2+s25+$0x4090 ss:$0x1], $0xffff  }
0x2d5: {  	s9 =	sshll.u32 s9, $0x2;
	v5 =	vld [tilespmem:s3+$0x9080];
	s3 =	sshra.s32 s4, $0x2;
	s4 =	sand.u32 $0xFFFFFE00, s11;
	(v2sf) =	vpush v3, $0x9  }
0x2d6: {  	s5 =	sadd.s32 $0x10, s5;
	s3 =	sadd.s32 s25, s3;
	s4 =	sor.u32 s9, s4  }
0x2d7: {  	s9 =	sand.u32 $0x7F, s5;
	s5 =	sshll.u32 s5, $0x2;
	s4 =	sshra.s32 s4, $0x2  }
0x2d8: {  	s5 =	sand.u32 $0xFFFFFE00, s5;
	s9 =	sshll.u32 s9, $0x2;
	s4 =	sadd.s32 s25, s4;
	(v2sf) =	vpush v3, $0xA  }
0x2d9: {  	s5 =	sor.u32 s9, s5;
	s9 =	spop (v2sf)  }
0x2da: {  	s5 =	sshra.s32 s5, $0x2;
	v4 =	vmul.f32 v5, v4;
	s11 =	sand.u32 $0x7F, s9;
	s12 =	sshll.u32 s9, $0x2  }
0x2db: {  	s5 =	sadd.s32 s25, s5;
	s12 =	sand.u32 $0xFFFFFE00, s12;
	s11 =	sshll.u32 s11, $0x2  }
0x2dc: {  	s9 =	sadd.s32 $0x10, s9;
	[tilespmem:v2+s25+$0x4090 ss:$0x1] =	vst.idx.msk $0xffff, v4;
	v4 =	vld.idx.msk [tilespmem:v2+s25+$0x4100 ss:$0x1], $0xffff;
	s11 =	sor.u32 s11, s12;
	s13 =	spop (v2sf)  }
0x2dd: {  	s12 =	sshll.u32 s9, $0x2;
	v5 =	vld [tilespmem:s7+$0x9100];
	s7 =	sshra.s32 s11, $0x2;
	s11 =	sand.u32 $0x7F, s9  }
0x2de: {  	s9 =	sadd.s32 s25, s7;
	s7 =	sand.u32 $0xFFFFFE00, s12;
	s11 =	sshll.u32 s11, $0x2  }
0x2df: {  	s12 =	sshll.u32 s13, $0x2;
	s7 =	sor.u32 s11, s7;
	s11 =	sand.u32 $0x7F, s13;
	(v2sf) =	vpush v3, $0xB  }
0x2e0: {  	s14 =	sand.u32 $0xFFFFFE00, s12;
	s7 =	sshra.s32 s7, $0x2;
	s11 =	sshll.u32 s11, $0x2  }
0x2e1: {  	s12 =	sadd.s32 s25, s7;
	s7 =	sor.u32 s11, s14;
	s11 =	sadd.s32 $0x10, s13  }
0x2e2: {  	v4 =	vmul.f32 v5, v4;
	s7 =	sshra.s32 s7, $0x2;
	s13 =	sand.u32 $0x7F, s11;
	s11 =	sshll.u32 s11, $0x2;
	(v2sf) =	vpush v3, $0xC  }
0x2e3: {  	s7 =	sadd.s32 s25, s7;
	s11 =	sand.u32 $0xFFFFFE00, s11;
	s13 =	sshll.u32 s13, $0x2  }
0x2e4: {  	s8 =	sshra.s32 s8, $0x2;
	[tilespmem:v2+s25+$0x4100 ss:$0x1] =	vst.idx.msk $0xffff, v4;
	s11 =	sor.u32 s13, s11;
	s13 =	spop (v2sf)  }
0x2e5: {  	s8 =	sadd.s32 s25, s8;
	v4 =	vld.idx.msk [tilespmem:v2+s25+$0x4110 ss:$0x1], $0xffff;
	s11 =	sshra.s32 s11, $0x2;
	s15 =	sand.u32 $0x7F, s13  }
0x2e6: {  	v5 =	vld [tilespmem:s8+$0x9100];
	s14 =	sadd.s32 s25, s11;
	s8 =	sshll.u32 s13, $0x2;
	s11 =	sshll.u32 s15, $0x2  }
0x2e7: {  	s13 =	sadd.s32 $0x10, s13;
	s8 =	sand.u32 $0xFFFFFE00, s8;
	s16 =	spop (v2sf)  }
0x2e8: {  	s15 =	sor.u32 s11, s8;
	s8 =	sand.u32 $0x7F, s13;
	s11 =	sshll.u32 s13, $0x2  }
0x2e9: {  	s13 =	sand.u32 $0x7F, s16;
	s11 =	sand.u32 $0xFFFFFE00, s11;
	s8 =	sshll.u32 s8, $0x2;
	(v2sf) =	vpush v3, $0xD  }
0x2ea: {  	s13 =	sshll.u32 s13, $0x2;
	s8 =	sor.u32 s8, s11;
	s11 =	sshll.u32 s16, $0x2  }
0x2eb: {  	s18 =	sadd.s32 $0x10, s16;
	v4 =	vmul.f32 v5, v4;
	s8 =	sshra.s32 s8, $0x2;
	s11 =	sand.u32 $0xFFFFFE00, s11  }
0x2ec: {  	s6 =	sshra.s32 s6, $0x2;
	s16 =	sadd.s32 s25, s8;
	s8 =	sor.u32 s13, s11  }
0x2ed: {  	s6 =	sadd.s32 s25, s6;
	s11 =	sand.u32 $0x7F, s18;
	[tilespmem:v2+s25+$0x4110 ss:$0x1] =	vst.idx.msk $0xffff, v4;
	v4 =	vld.idx.msk [tilespmem:v2+s25+$0x4180 ss:$0x1], $0xffff;
	s8 =	sshra.s32 s8, $0x2  }
0x2ee: {  	v5 =	vld [tilespmem:s6+$0x9180];
	s8 =	sadd.s32 s25, s8;
	s6 =	sshll.u32 s18, $0x2;
	s13 =	spop (v2sf);
	(v2sf) =	vpush v3, $0xE  }
0x2ef: {  	s11 =	sshll.u32 s11, $0x2;
	s6 =	sand.u32 $0xFFFFFE00, s6;
	s18 =	sand.u32 $0x7F, s13  }
0x2f0: {  	s6 =	sor.u32 s11, s6;
	s11 =	sshll.u32 s13, $0x2;
	s18 =	sshll.u32 s18, $0x2  }
0x2f1: {  	s13 =	sadd.s32 $0x10, s13;
	s11 =	sand.u32 $0xFFFFFE00, s11;
	s19 =	spop (v2sf)  }
0x2f2: {  	s11 =	sor.u32 s18, s11;
	s18 =	sshll.u32 s13, $0x2;
	s20 =	sand.u32 $0x7F, s19  }
0x2f3: {  	s13 =	sand.u32 $0x7F, s13;
	v4 =	vmul.f32 v5, v4;
	s11 =	sshra.s32 s11, $0x2;
	s23 =	sand.u32 $0xFFFFFE00, s18  }
0x2f4: {  	s18 =	sadd.s32 s25, s11;
	s11 =	sshll.u32 s13, $0x2;
	s13 =	sshll.u32 s19, $0x2  }
0x2f5: {  	s20 =	sshll.u32 s20, $0x2;
	[tilespmem:v2+s25+$0x4180 ss:$0x1] =	vst.idx.msk $0xffff, v4;
	s11 =	sor.u32 s11, s23;
	s13 =	sand.u32 $0xFFFFFE00, s13;
	(v2sf) =	vpush v3, $0xF  }
0x2f6: {  	v3 =	vld.idx.msk [tilespmem:v2+s25+$0x4190 ss:$0x1], $0xffff;
	s11 =	sshra.s32 s11, $0x2;
	s13 =	sor.u32 s20, s13;
	s20 =	sadd.s32 $0x10, s19  }
0x2f7: {  	v4 =	vld [tilespmem:s1+$0x9180];
	s19 =	sadd.s32 s25, s11;
	s1 =	sshra.s32 s13, $0x2;
	s11 =	sand.u32 $0x7F, s20  }
0x2f8: {  	s13 =	sshll.u32 s20, $0x2;
	s1 =	sadd.s32 s25, s1;
	s20 =	spop (v2sf)  }
0x2f9: {  	s13 =	sand.u32 $0xFFFFFE00, s13;
	s11 =	sshll.u32 s11, $0x2;
	s23 =	sand.u32 $0x7F, s20  }
0x2fa: {  	s11 =	sor.u32 s11, s13;
	s13 =	sshll.u32 s20, $0x2;
	s23 =	sshll.u32 s23, $0x2  }
0x2fb: {  	s20 =	sadd.s32 $0x10, s20;
	s11 =	sshra.s32 s11, $0x2;
	s24 =	sand.u32 $0xFFFFFE00, s13  }
0x2fc: {  	s13 =	sadd.s32 s25, s11;
	s11 =	sor.u32 s23, s24;
	s23 =	sand.u32 $0x7F, s20;
	v3 =	vmul.f32 v4, v3  }
0x2fd: {  	s11 =	sshra.s32 s11, $0x2;
	s23 =	sshll.u32 s23, $0x2;
	s24 =	spop (v2sf)  }
0x2fe: {  	s20 =	sshll.u32 s20, $0x2;
	s11 =	sadd.s32 s25, s11;
	[tilespmem:v2+s25+$0x4190 ss:$0x1] =	vst.idx.msk $0xffff, v3;
	v3 =	vld.idx.msk [tilespmem:v2+s25+$0x4200 ss:$0x1], $0xffff;
	s29 =	sadd.s32 $0x10, s24  }
0x2ff: {  	v4 =	vld [tilespmem:s0+$0x9200];
	s0 =	sand.u32 $0x7F, s24;
	s24 =	sshll.u32 s24, $0x2;
	s30 =	sand.u32 $0x7F, s29  }
0x300: {  	s29 =	sshll.u32 s29, $0x2;
	s24 =	sand.u32 $0xFFFFFE00, s24;
	s0 =	sshll.u32 s0, $0x2  }
0x301: {  	s0 =	sor.u32 s0, s24;
	s24 =	sand.u32 $0xFFFFFE00, s29;
	s29 =	sshll.u32 s30, $0x2  }
0x302: {  	s20 =	sand.u32 $0xFFFFFE00, s20;
	s0 =	sshra.s32 s0, $0x2;
	s24 =	sor.u32 s29, s24  }
0x303: {  	s20 =	sor.u32 s23, s20;
	s0 =	sadd.s32 s25, s0;
	s23 =	sshra.s32 s24, $0x2  }
0x304: {  	s20 =	sshra.s32 s20, $0x2;
	v3 =	vmul.f32 v4, v3;
	s29 =	sadd.s32 s25, s23;
	s23 =	spop (v2sf)  }
0x305: {  	s20 =	sadd.s32 s25, s20;
	s24 =	sand.u32 $0x7F, s23;
	s30 =	sshll.u32 s23, $0x2  }
0x306: {  	s23 =	sadd.s32 $0x10, s23;
	[tilespmem:v2+s25+$0x4200 ss:$0x1] =	vst.idx.msk $0xffff, v3;
	s30 =	sand.u32 $0xFFFFFE00, s30;
	s24 =	sshll.u32 s24, $0x2  }
0x307: {  	v3 =	vld.idx.msk [tilespmem:v2+s25+$0x4210 ss:$0x1], $0xffff;
	s24 =	sor.u32 s24, s30;
	s30 =	sand.u32 $0x7F, s23;
	s23 =	sshll.u32 s23, $0x2  }
0x308: {  	v4 =	vld [tilespmem:s10+$0x9200];
	s10 =	sshra.s32 s24, $0x2;
	s23 =	sand.u32 $0xFFFFFE00, s23;
	s24 =	sshll.u32 s30, $0x2  }
0x309: {  	s10 =	sadd.s32 s25, s10;
	s23 =	sor.u32 s24, s23  }
0x30a: {  	s23 =	sshra.s32 s23, $0x2  }
0x30b: {  	s30 =	sadd.s32 s25, s23;
	_ =	sdelay $0x1  }
0x30c: {  	v3 =	vmul.f32 v4, v3;
	_ =	sdelay $0x1  }
0x30d: {  	[tilespmem:v2+s25+$0x4210 ss:$0x1] =	vst.idx.msk $0xffff, v3;
	v3 =	vld.idx.msk [tilespmem:v2+s25+$0x4280 ss:$0x1], $0xffff  }
0x30e: {  	v4 =	vld [tilespmem:s2+$0x9280];
	_ =	sdelay $0x4  }
0x30f: {  	v3 =	vmul.f32 v4, v3;
	_ =	sdelay $0x1  }
0x310: {  	[tilespmem:v2+s25+$0x4280 ss:$0x1] =	vst.idx.msk $0xffff, v3  }
0x311: {  	v3 =	vld.idx.msk [tilespmem:v2+s25+$0x4290 ss:$0x1], $0xffff  }
0x312: {  	v4 =	vld [tilespmem:s3+$0x9280];
	_ =	sdelay $0x4  }
0x313: {  	v3 =	vmul.f32 v4, v3;
	_ =	sdelay $0x1  }
0x314: {  	[tilespmem:v2+s25+$0x4290 ss:$0x1] =	vst.idx.msk $0xffff, v3;
	v3 =	vld.idx.msk [tilespmem:v2+s25+$0x4300 ss:$0x1], $0xffff  }
0x315: {  	v4 =	vld [tilespmem:s4+$0x9300];
	_ =	sdelay $0x4  }
0x316: {  	v3 =	vmul.f32 v4, v3;
	_ =	sdelay $0x1  }
0x317: {  	[tilespmem:v2+s25+$0x4300 ss:$0x1] =	vst.idx.msk $0xffff, v3  }
0x318: {  	v3 =	vld.idx.msk [tilespmem:v2+s25+$0x4310 ss:$0x1], $0xffff  }
0x319: {  	v4 =	vld [tilespmem:s5+$0x9300];
	_ =	sdelay $0x4  }
0x31a: {  	v3 =	vmul.f32 v4, v3;
	_ =	sdelay $0x1  }
0x31b: {  	[tilespmem:v2+s25+$0x4310 ss:$0x1] =	vst.idx.msk $0xffff, v3;
	v3 =	vld.idx.msk [tilespmem:v2+s25+$0x4380 ss:$0x1], $0xffff  }
0x31c: {  	v4 =	vld [tilespmem:s9+$0x9380];
	_ =	sdelay $0x4  }
0x31d: {  	v3 =	vmul.f32 v4, v3;
	_ =	sdelay $0x1  }
0x31e: {  	[tilespmem:v2+s25+$0x4380 ss:$0x1] =	vst.idx.msk $0xffff, v3  }
0x31f: {  	v3 =	vld.idx.msk [tilespmem:v2+s25+$0x4390 ss:$0x1], $0xffff  }
0x320: {  	v4 =	vld [tilespmem:s12+$0x9380];
	_ =	sdelay $0x4  }
0x321: {  	v3 =	vmul.f32 v4, v3;
	_ =	sdelay $0x1  }
0x322: {  	[tilespmem:v2+s25+$0x4390 ss:$0x1] =	vst.idx.msk $0xffff, v3;
	v3 =	vld.idx.msk [tilespmem:v2+s25+$0x4400 ss:$0x1], $0xffff  }
0x323: {  	v4 =	vld [tilespmem:s7+$0x9400];
	_ =	sdelay $0x4  }
0x324: {  	v3 =	vmul.f32 v4, v3;
	_ =	sdelay $0x1  }
0x325: {  	[tilespmem:v2+s25+$0x4400 ss:$0x1] =	vst.idx.msk $0xffff, v3  }
0x326: {  	v3 =	vld.idx.msk [tilespmem:v2+s25+$0x4410 ss:$0x1], $0xffff  }
0x327: {  	v4 =	vld [tilespmem:s14+$0x9400];
	_ =	sdelay $0x4  }
0x328: {  	v3 =	vmul.f32 v4, v3  }
0x329: {  	s2 =	sshra.s32 s15, $0x2  }
0x32a: {  	s2 =	sadd.s32 s25, s2;
	[tilespmem:v2+s25+$0x4410 ss:$0x1] =	vst.idx.msk $0xffff, v3;
	v3 =	vld.idx.msk [tilespmem:v2+s25+$0x4480 ss:$0x1], $0xffff  }
0x32b: {  	v4 =	vld [tilespmem:s2+$0x9480];
	_ =	sdelay $0x4  }
0x32c: {  	v3 =	vmul.f32 v4, v3;
	_ =	sdelay $0x1  }
0x32d: {  	[tilespmem:v2+s25+$0x4480 ss:$0x1] =	vst.idx.msk $0xffff, v3  }
0x32e: {  	v3 =	vld.idx.msk [tilespmem:v2+s25+$0x4490 ss:$0x1], $0xffff  }
0x32f: {  	v4 =	vld [tilespmem:s16+$0x9480];
	_ =	sdelay $0x4  }
0x330: {  	v3 =	vmul.f32 v4, v3;
	_ =	sdelay $0x1  }
0x331: {  	[tilespmem:v2+s25+$0x4490 ss:$0x1] =	vst.idx.msk $0xffff, v3;
	v3 =	vld.idx.msk [tilespmem:v2+s25+$0x4500 ss:$0x1], $0xffff  }
0x332: {  	v4 =	vld [tilespmem:s8+$0x9500];
	_ =	sdelay $0x4  }
0x333: {  	v3 =	vmul.f32 v4, v3;
	_ =	sdelay $0x1  }
0x334: {  	s2 =	sshra.s32 s6, $0x2;
	[tilespmem:v2+s25+$0x4500 ss:$0x1] =	vst.idx.msk $0xffff, v3  }
0x335: {  	s2 =	sadd.s32 s25, s2;
	v3 =	vld.idx.msk [tilespmem:v2+s25+$0x4510 ss:$0x1], $0xffff  }
0x336: {  	v4 =	vld [tilespmem:s2+$0x9500];
	_ =	sdelay $0x4  }
0x337: {  	v3 =	vmul.f32 v4, v3;
	_ =	sdelay $0x1  }
0x338: {  	[tilespmem:v2+s25+$0x4510 ss:$0x1] =	vst.idx.msk $0xffff, v3;
	v3 =	vld.idx.msk [tilespmem:v2+s25+$0x4580 ss:$0x1], $0xffff  }
0x339: {  	v4 =	vld [tilespmem:s18+$0x9580];
	_ =	sdelay $0x4  }
0x33a: {  	v3 =	vmul.f32 v4, v3;
	_ =	sdelay $0x1  }
0x33b: {  	[tilespmem:v2+s25+$0x4580 ss:$0x1] =	vst.idx.msk $0xffff, v3  }
0x33c: {  	v3 =	vld.idx.msk [tilespmem:v2+s25+$0x4590 ss:$0x1], $0xffff  }
0x33d: {  	v4 =	vld [tilespmem:s19+$0x9580];
	_ =	sdelay $0x4  }
0x33e: {  	v3 =	vmul.f32 v4, v3;
	_ =	sdelay $0x1  }
0x33f: {  	[tilespmem:v2+s25+$0x4590 ss:$0x1] =	vst.idx.msk $0xffff, v3;
	v3 =	vld.idx.msk [tilespmem:v2+s25+$0x4600 ss:$0x1], $0xffff  }
0x340: {  	v4 =	vld [tilespmem:s1+$0x9600];
	_ =	sdelay $0x4  }
0x341: {  	v3 =	vmul.f32 v4, v3;
	_ =	sdelay $0x1  }
0x342: {  	[tilespmem:v2+s25+$0x4600 ss:$0x1] =	vst.idx.msk $0xffff, v3  }
0x343: {  	v3 =	vld.idx.msk [tilespmem:v2+s25+$0x4610 ss:$0x1], $0xffff  }
0x344: {  	v4 =	vld [tilespmem:s13+$0x9600];
	_ =	sdelay $0x4  }
0x345: {  	v3 =	vmul.f32 v4, v3;
	_ =	sdelay $0x1  }
0x346: {  	[tilespmem:v2+s25+$0x4610 ss:$0x1] =	vst.idx.msk $0xffff, v3;
	v3 =	vld.idx.msk [tilespmem:v2+s25+$0x4680 ss:$0x1], $0xffff  }
0x347: {  	v4 =	vld [tilespmem:s11+$0x9680];
	_ =	sdelay $0x4  }
0x348: {  	v3 =	vmul.f32 v4, v3;
	_ =	sdelay $0x1  }
0x349: {  	[tilespmem:v2+s25+$0x4680 ss:$0x1] =	vst.idx.msk $0xffff, v3  }
0x34a: {  	v3 =	vld.idx.msk [tilespmem:v2+s25+$0x4690 ss:$0x1], $0xffff  }
0x34b: {  	v4 =	vld [tilespmem:s20+$0x9680];
	_ =	sdelay $0x4  }
0x34c: {  	v3 =	vmul.f32 v4, v3;
	_ =	sdelay $0x1  }
0x34d: {  	[tilespmem:v2+s25+$0x4690 ss:$0x1] =	vst.idx.msk $0xffff, v3;
	v3 =	vld.idx.msk [tilespmem:v2+s25+$0x4700 ss:$0x1], $0xffff  }
0x34e: {  	v4 =	vld [tilespmem:s0+$0x9700];
	_ =	sdelay $0x4  }
0x34f: {  	v3 =	vmul.f32 v4, v3;
	_ =	sdelay $0x1  }
0x350: {  	[tilespmem:v2+s25+$0x4700 ss:$0x1] =	vst.idx.msk $0xffff, v3  }
0x351: {  	v3 =	vld.idx.msk [tilespmem:v2+s25+$0x4710 ss:$0x1], $0xffff  }
0x352: {  	v4 =	vld [tilespmem:s29+$0x9700];
	_ =	sdelay $0x4  }
0x353: {  	v3 =	vmul.f32 v4, v3;
	_ =	sdelay $0x1  }
0x354: {  	[tilespmem:v2+s25+$0x4710 ss:$0x1] =	vst.idx.msk $0xffff, v3;
	v3 =	vld.idx.msk [tilespmem:v2+s25+$0x4780 ss:$0x1], $0xffff  }
0x355: {  	v4 =	vld [tilespmem:s10+$0x9780];
	_ =	sdelay $0x4  }
0x356: {  	v3 =	vmul.f32 v4, v3;
	_ =	sdelay $0x1  }
0x357: {  	[tilespmem:v2+s25+$0x4780 ss:$0x1] =	vst.idx.msk $0xffff, v3  }
0x358: {  	v3 =	vld.idx.msk [tilespmem:v2+s25+$0x4790 ss:$0x1], $0xffff  }
0x359: {  	v4 =	vld [tilespmem:s30+$0x9780]  }
.Ltmp2:
0x35a: {  	(pc) =	sbr.rel @p2 .LBB2_7-.Ltmp2, $2  }
0x35b: {  	_ =	sdelay $0x2  }
0x35c: {  	v3 =	vmul.f32 v4, v3  }
.Ltmp3:
0x35d: {  	_ = 	snop;
	(pc) =	sbr.rel @p1 .LBB2_9-.Ltmp3, $2  }
0x35e: {  	_ =	sdelay $0x2  }
0x35f: {  	[tilespmem:v2+s25+$0x4790 ss:$0x1] =	vst.idx.msk $0xffff, v3  }
0x360: {  	s0 =	rddreg [dreg:$0xc]  }
.Ltmp4:
0x361: {  	s1 =	simm.s32 $0x80;
	s2 =	simm.s32 $0x9000;
	(pc) =	sbr.rel .LBB2_4-.Ltmp4, $4  }
0x362: {  	s4 =	rddreg [dreg:$0xb];
	s21 =	sadd.s32 $0x100, s21;
	p0 =	por !p0, !p0  }
0x363: {  	s3 =	rddreg [dreg:$0xa];
	s22 =	sadd.s32 $0x100, s22;
	s0 =	sshrl.u32 s0, $0x2  }
0x364: {  	s4 =	sadd.s32 $0x1, s4;
	s3 =	sadd.s32 $0x2, s3;
	s0 =	sadd.s32 $0x180, s0  }
0x365: {  	[tilespmem:s2], [sflag:$0x2] =	stream.indirect.gather [hbm4b:s31+s1], $0x80, s0, s1, $0xb8;
	[tilespmem:$0x1D400] =	vst v63  }
.LBB2_9:
0x366: {  	s0 =	simm.s32 $0x0  }
0x367: {  	v2 =	vmov s0  }
0x368: {  	v2 =	vshll.u32 v2, $0x7  }
0x369: {  	v2 =	vor.u32 v0, v2;
	_ =	sdelay $0x1  }
0x36a: {  	v3 =	vor.u32 $0x1, v2;
	_ =	sdelay $0x1  }
0x36b: {  	v4 =	vor.u32 $0x2, v2  }
0x36c: {  	v5 =	vld.idx.msk [tilespmem:v2+s17+$0x0], $0xffff  }
0x36d: {  	v6 =	vor.u32 $0x3, v2  }
0x36e: {  	v3 =	vld.idx.msk [tilespmem:v3+s17+$0x0], $0xffff  }
0x36f: {  	v7 =	vor.u32 $0x4, v2  }
0x370: {  	v4 =	vld.idx.msk [tilespmem:v4+s17+$0x0], $0xffff  }
0x371: {  	v8 =	vor.u32 $0x5, v2;
	v5 =	vadd.f32 v5, v1  }
0x372: {  	v6 =	vld.idx.msk [tilespmem:v6+s17+$0x0], $0xffff  }
0x373: {  	v9 =	vor.u32 $0x6, v2;
	v3 =	vadd.f32 v3, v5  }
0x374: {  	v5 =	vld.idx.msk [tilespmem:v7+s17+$0x0], $0xffff  }
0x375: {  	v7 =	vor.u32 $0x7, v2;
	v3 =	vadd.f32 v4, v3  }
0x376: {  	v4 =	vld.idx.msk [tilespmem:v8+s17+$0x0], $0xffff  }
0x377: {  	v31 =	vor.u32 $0x8, v2;
	v3 =	vadd.f32 v6, v3  }
0x378: {  	v6 =	vld.idx.msk [tilespmem:v9+s17+$0x0], $0xffff  }
0x379: {  	v32 =	vor.u32 $0x9, v2;
	v3 =	vadd.f32 v5, v3  }
0x37a: {  	v5 =	vld.idx.msk [tilespmem:v7+s17+$0x0], $0xffff  }
0x37b: {  	v7 =	vor.u32 $0xA, v2;
	v3 =	vadd.f32 v4, v3  }
0x37c: {  	v4 =	vld.idx.msk [tilespmem:v31+s17+$0x0], $0xffff  }
0x37d: {  	v33 =	vor.u32 $0xB, v2;
	v3 =	vadd.f32 v6, v3  }
0x37e: {  	v6 =	vld.idx.msk [tilespmem:v32+s17+$0x0], $0xffff  }
0x37f: {  	v34 =	vor.u32 $0xC, v2;
	v3 =	vadd.f32 v5, v3  }
0x380: {  	v5 =	vld.idx.msk [tilespmem:v7+s17+$0x0], $0xffff  }
0x381: {  	v7 =	vor.u32 $0xD, v2;
	v3 =	vadd.f32 v4, v3  }
0x382: {  	v4 =	vld.idx.msk [tilespmem:v33+s17+$0x0], $0xffff  }
0x383: {  	v35 =	vor.u32 $0xE, v2;
	v3 =	vadd.f32 v6, v3  }
0x384: {  	v6 =	vld.idx.msk [tilespmem:v34+s17+$0x0], $0xffff  }
0x385: {  	v36 =	vor.u32 $0xF, v2;
	v3 =	vadd.f32 v5, v3  }
0x386: {  	v5 =	vld.idx.msk [tilespmem:v7+s17+$0x0], $0xffff  }
0x387: {  	v7 =	vor.u32 $0x10, v2;
	v3 =	vadd.f32 v4, v3  }
0x388: {  	v4 =	vld.idx.msk [tilespmem:v35+s17+$0x0], $0xffff  }
0x389: {  	v37 =	vor.u32 $0x11, v2;
	v3 =	vadd.f32 v6, v3  }
0x38a: {  	v6 =	vld.idx.msk [tilespmem:v36+s17+$0x0], $0xffff  }
0x38b: {  	v38 =	vor.u32 $0x12, v2;
	v3 =	vadd.f32 v5, v3  }
0x38c: {  	v5 =	vld.idx.msk [tilespmem:v7+s17+$0x0], $0xffff  }
0x38d: {  	v7 =	vor.u32 $0x13, v2;
	v3 =	vadd.f32 v4, v3  }
0x38e: {  	v4 =	vld.idx.msk [tilespmem:v37+s17+$0x0], $0xffff  }
0x38f: {  	v39 =	vor.u32 $0x14, v2;
	v3 =	vadd.f32 v6, v3  }
0x390: {  	v6 =	vld.idx.msk [tilespmem:v38+s17+$0x0], $0xffff  }
0x391: {  	v40 =	vor.u32 $0x15, v2;
	v3 =	vadd.f32 v5, v3  }
0x392: {  	v5 =	vld.idx.msk [tilespmem:v7+s17+$0x0], $0xffff  }
0x393: {  	v7 =	vor.u32 $0x16, v2;
	v3 =	vadd.f32 v4, v3  }
0x394: {  	v4 =	vld.idx.msk [tilespmem:v39+s17+$0x0], $0xffff  }
0x395: {  	v41 =	vor.u32 $0x17, v2;
	v3 =	vadd.f32 v6, v3  }
0x396: {  	v6 =	vld.idx.msk [tilespmem:v40+s17+$0x0], $0xffff  }
0x397: {  	v42 =	vor.u32 $0x18, v2;
	v3 =	vadd.f32 v5, v3  }
0x398: {  	v5 =	vld.idx.msk [tilespmem:v7+s17+$0x0], $0xffff  }
0x399: {  	v7 =	vor.u32 $0x19, v2;
	v3 =	vadd.f32 v4, v3  }
0x39a: {  	v4 =	vld.idx.msk [tilespmem:v41+s17+$0x0], $0xffff  }
0x39b: {  	v43 =	vor.u32 $0x1A, v2;
	v3 =	vadd.f32 v6, v3  }
0x39c: {  	v6 =	vld.idx.msk [tilespmem:v42+s17+$0x0], $0xffff  }
0x39d: {  	v44 =	vor.u32 $0x1B, v2;
	v3 =	vadd.f32 v5, v3  }
0x39e: {  	v5 =	vld.idx.msk [tilespmem:v7+s17+$0x0], $0xffff  }
0x39f: {  	v7 =	vor.u32 $0x1C, v2;
	v3 =	vadd.f32 v4, v3  }
0x3a0: {  	v4 =	vld.idx.msk [tilespmem:v43+s17+$0x0], $0xffff  }
0x3a1: {  	v45 =	vor.u32 $0x1D, v2;
	v3 =	vadd.f32 v6, v3  }
0x3a2: {  	v6 =	vld.idx.msk [tilespmem:v44+s17+$0x0], $0xffff  }
0x3a3: {  	v46 =	vor.u32 $0x1E, v2;
	v3 =	vadd.f32 v5, v3  }
0x3a4: {  	v5 =	vld.idx.msk [tilespmem:v7+s17+$0x0], $0xffff  }
0x3a5: {  	v2 =	vor.u32 $0x1F, v2;
	v3 =	vadd.f32 v4, v3  }
0x3a6: {  	v4 =	vld.idx.msk [tilespmem:v45+s17+$0x0], $0xffff  }
0x3a7: {  	v3 =	vadd.f32 v6, v3  }
0x3a8: {  	v6 =	vld.idx.msk [tilespmem:v46+s17+$0x0], $0xffff  }
0x3a9: {  	v3 =	vadd.f32 v5, v3  }
0x3aa: {  	s29 =	simm.s32 $0x10;
	v2 =	vld.idx.msk [tilespmem:v2+s17+$0x0], $0xffff  }
0x3ab: {  	v5 =	vmov s29;
	v3 =	vadd.f32 v4, v3  }
0x3ac: {  	v4 =	vshll.u32 v5, $0x7  }
0x3ad: {  	v4 =	vor.u32 v0, v4;
	v3 =	vadd.f32 v6, v3;
	_ =	sdelay $0x1  }
0x3ae: {  	v5 =	vor.u32 $0x1, v4;
	v2 =	vadd.f32 v2, v3  }
0x3af: {  	s20 =	simm.s32 $0x1D000  }
0x3b0: {  	v3 =	vor.u32 $0x2, v4;
	[tilespmem:s20+$0x0] =	vst v2  }
0x3b1: {  	v2 =	vld.idx.msk [tilespmem:v4+s17+$0x0], $0xffff  }
0x3b2: {  	v6 =	vor.u32 $0x3, v4  }
0x3b3: {  	v5 =	vld.idx.msk [tilespmem:v5+s17+$0x0], $0xffff  }
0x3b4: {  	v7 =	vor.u32 $0x4, v4  }
0x3b5: {  	v3 =	vld.idx.msk [tilespmem:v3+s17+$0x0], $0xffff  }
0x3b6: {  	v47 =	vor.u32 $0x5, v4;
	v2 =	vadd.f32 v2, v1  }
0x3b7: {  	v6 =	vld.idx.msk [tilespmem:v6+s17+$0x0], $0xffff  }
0x3b8: {  	v48 =	vor.u32 $0x6, v4;
	v2 =	vadd.f32 v5, v2  }
0x3b9: {  	v5 =	vld.idx.msk [tilespmem:v7+s17+$0x0], $0xffff  }
0x3ba: {  	v7 =	vor.u32 $0x7, v4;
	v2 =	vadd.f32 v3, v2  }
0x3bb: {  	v3 =	vld.idx.msk [tilespmem:v47+s17+$0x0], $0xffff  }
0x3bc: {  	v49 =	vor.u32 $0x8, v4;
	v2 =	vadd.f32 v6, v2  }
0x3bd: {  	v6 =	vld.idx.msk [tilespmem:v48+s17+$0x0], $0xffff  }
0x3be: {  	v50 =	vor.u32 $0x9, v4;
	v2 =	vadd.f32 v5, v2  }
0x3bf: {  	v5 =	vld.idx.msk [tilespmem:v7+s17+$0x0], $0xffff  }
0x3c0: {  	v7 =	vor.u32 $0xA, v4;
	v2 =	vadd.f32 v3, v2  }
0x3c1: {  	v3 =	vld.idx.msk [tilespmem:v49+s17+$0x0], $0xffff  }
0x3c2: {  	v51 =	vor.u32 $0xB, v4;
	v2 =	vadd.f32 v6, v2  }
0x3c3: {  	v6 =	vld.idx.msk [tilespmem:v50+s17+$0x0], $0xffff  }
0x3c4: {  	v52 =	vor.u32 $0xC, v4;
	v2 =	vadd.f32 v5, v2  }
0x3c5: {  	v5 =	vld.idx.msk [tilespmem:v7+s17+$0x0], $0xffff  }
0x3c6: {  	v7 =	vor.u32 $0xD, v4;
	v2 =	vadd.f32 v3, v2  }
0x3c7: {  	v3 =	vld.idx.msk [tilespmem:v51+s17+$0x0], $0xffff  }
0x3c8: {  	v53 =	vor.u32 $0xE, v4;
	v2 =	vadd.f32 v6, v2  }
0x3c9: {  	v6 =	vld.idx.msk [tilespmem:v52+s17+$0x0], $0xffff  }
0x3ca: {  	v54 =	vor.u32 $0xF, v4;
	v2 =	vadd.f32 v5, v2  }
0x3cb: {  	v5 =	vld.idx.msk [tilespmem:v7+s17+$0x0], $0xffff  }
0x3cc: {  	v7 =	vor.u32 $0x10, v4;
	v2 =	vadd.f32 v3, v2  }
0x3cd: {  	v3 =	vld.idx.msk [tilespmem:v53+s17+$0x0], $0xffff  }
0x3ce: {  	v55 =	vor.u32 $0x11, v4;
	v2 =	vadd.f32 v6, v2  }
0x3cf: {  	v6 =	vld.idx.msk [tilespmem:v54+s17+$0x0], $0xffff  }
0x3d0: {  	v56 =	vor.u32 $0x12, v4;
	v2 =	vadd.f32 v5, v2  }
0x3d1: {  	v5 =	vld.idx.msk [tilespmem:v7+s17+$0x0], $0xffff  }
0x3d2: {  	v7 =	vor.u32 $0x13, v4;
	v2 =	vadd.f32 v3, v2  }
0x3d3: {  	v3 =	vld.idx.msk [tilespmem:v55+s17+$0x0], $0xffff  }
0x3d4: {  	v57 =	vor.u32 $0x14, v4;
	v2 =	vadd.f32 v6, v2  }
0x3d5: {  	v6 =	vld.idx.msk [tilespmem:v56+s17+$0x0], $0xffff  }
0x3d6: {  	v58 =	vor.u32 $0x15, v4;
	v2 =	vadd.f32 v5, v2  }
0x3d7: {  	v5 =	vld.idx.msk [tilespmem:v7+s17+$0x0], $0xffff  }
0x3d8: {  	v7 =	vor.u32 $0x16, v4;
	v2 =	vadd.f32 v3, v2  }
0x3d9: {  	v3 =	vld.idx.msk [tilespmem:v57+s17+$0x0], $0xffff  }
0x3da: {  	v59 =	vor.u32 $0x17, v4;
	v2 =	vadd.f32 v6, v2  }
0x3db: {  	v6 =	vld.idx.msk [tilespmem:v58+s17+$0x0], $0xffff  }
0x3dc: {  	v60 =	vor.u32 $0x18, v4;
	v2 =	vadd.f32 v5, v2  }
0x3dd: {  	v5 =	vld.idx.msk [tilespmem:v7+s17+$0x0], $0xffff  }
0x3de: {  	v7 =	vor.u32 $0x19, v4;
	v2 =	vadd.f32 v3, v2  }
0x3df: {  	v3 =	vld.idx.msk [tilespmem:v59+s17+$0x0], $0xffff  }
0x3e0: {  	v61 =	vor.u32 $0x1A, v4;
	v2 =	vadd.f32 v6, v2  }
0x3e1: {  	v6 =	vld.idx.msk [tilespmem:v60+s17+$0x0], $0xffff  }
0x3e2: {  	v62 =	vor.u32 $0x1B, v4;
	v2 =	vadd.f32 v5, v2  }
0x3e3: {  	v5 =	vld.idx.msk [tilespmem:v7+s17+$0x0], $0xffff;
	v7 =	vor.u32 $0x1C, v4  }
0x3e4: {  	v2 =	vadd.f32 v3, v2  }
0x3e5: {  	v3 =	vld.idx.msk [tilespmem:v61+s17+$0x0], $0xffff  }
0x3e6: {  	v63 =	vor.u32 $0x1D, v4;
	v2 =	vadd.f32 v6, v2  }
0x3e7: {  	v6 =	vld.idx.msk [tilespmem:v62+s17+$0x0], $0xffff  }
0x3e8: {  	v2 =	vadd.f32 v5, v2;
	v5 =	vld.idx.msk [tilespmem:v7+s17+$0x0], $0xffff;
	v7 =	vor.u32 $0x1E, v4;
	_ =	sdelay $0x1  }
0x3e9: {  	v2 =	vadd.f32 v3, v2;
	v3 =	vor.u32 $0x1F, v4  }
0x3ea: {  	v8 =	vld.idx.msk [tilespmem:v63+s17+$0x0], $0xffff  }
0x3eb: {  	v2 =	vadd.f32 v6, v2  }
0x3ec: {  	v4 =	vld.idx.msk [tilespmem:v7+s17+$0x0], $0xffff  }
0x3ed: {  	v5 =	vadd.f32 v5, v2  }
0x3ee: {  	s30 =	simm.s32 $0x20;
	v3 =	vld.idx.msk [tilespmem:v3+s17+$0x0], $0xffff  }
0x3ef: {  	s1 =	simm.s32 $0x3;
	s0 =	simm.s32 $0x30;
	v2 =	vmov s30;
	v5 =	vadd.f32 v8, v5  }
.LBB2_10:
0x3f0: {  	p0 =	sne.s32 s0, $0x1F0;
	v2 =	vshll.u32 v2, $0x7  }
0x3f1: {  	v2 =	vor.u32 v0, v2;
	v4 =	vadd.f32 v4, v5;
	_ =	sdelay $0x1  }
0x3f2: {  	v5 =	vor.u32 $0x1, v2;
	v3 =	vadd.f32 v3, v4  }
0x3f3: {  	s20 =	sadd.s32 $0x10, s20  }
0x3f4: {  	v4 =	vor.u32 $0x2, v2;
	[tilespmem:s20+$0x0] =	vst v3  }
0x3f5: {  	v3 =	vld.idx.msk [tilespmem:v2+s17+$0x0], $0xffff  }
0x3f6: {  	v6 =	vor.u32 $0x3, v2  }
0x3f7: {  	v5 =	vld.idx.msk [tilespmem:v5+s17+$0x0], $0xffff  }
0x3f8: {  	v7 =	vor.u32 $0x4, v2  }
0x3f9: {  	v4 =	vld.idx.msk [tilespmem:v4+s17+$0x0], $0xffff  }
0x3fa: {  	v8 =	vor.u32 $0x5, v2  }
0x3fb: {  	v3 =	vadd.f32 v3, v1;
	v6 =	vld.idx.msk [tilespmem:v6+s17+$0x0], $0xffff  }
0x3fc: {  	v9 =	vor.u32 $0x6, v2  }
0x3fd: {  	v3 =	vadd.f32 v5, v3;
	v5 =	vld.idx.msk [tilespmem:v7+s17+$0x0], $0xffff  }
0x3fe: {  	v7 =	vor.u32 $0x7, v2  }
0x3ff: {  	v3 =	vadd.f32 v4, v3;
	v4 =	vld.idx.msk [tilespmem:v8+s17+$0x0], $0xffff  }
0x400: {  	v8 =	vor.u32 $0x8, v2  }
0x401: {  	v3 =	vadd.f32 v6, v3;
	v6 =	vld.idx.msk [tilespmem:v9+s17+$0x0], $0xffff  }
0x402: {  	v9 =	vor.u32 $0x9, v2  }
0x403: {  	v3 =	vadd.f32 v5, v3;
	v5 =	vld.idx.msk [tilespmem:v7+s17+$0x0], $0xffff  }
0x404: {  	v7 =	vor.u32 $0xA, v2  }
0x405: {  	v3 =	vadd.f32 v4, v3;
	v4 =	vld.idx.msk [tilespmem:v8+s17+$0x0], $0xffff  }
0x406: {  	v8 =	vor.u32 $0xB, v2  }
0x407: {  	v3 =	vadd.f32 v6, v3;
	v6 =	vld.idx.msk [tilespmem:v9+s17+$0x0], $0xffff  }
0x408: {  	v9 =	vor.u32 $0xC, v2  }
0x409: {  	v3 =	vadd.f32 v5, v3;
	v5 =	vld.idx.msk [tilespmem:v7+s17+$0x0], $0xffff  }
0x40a: {  	v7 =	vor.u32 $0xD, v2  }
0x40b: {  	v3 =	vadd.f32 v4, v3;
	v4 =	vld.idx.msk [tilespmem:v8+s17+$0x0], $0xffff  }
0x40c: {  	v8 =	vor.u32 $0xE, v2  }
0x40d: {  	v3 =	vadd.f32 v6, v3;
	v6 =	vld.idx.msk [tilespmem:v9+s17+$0x0], $0xffff  }
0x40e: {  	v9 =	vor.u32 $0xF, v2  }
0x40f: {  	v3 =	vadd.f32 v5, v3;
	v5 =	vld.idx.msk [tilespmem:v7+s17+$0x0], $0xffff  }
0x410: {  	v7 =	vor.u32 $0x10, v2  }
0x411: {  	v3 =	vadd.f32 v4, v3;
	v4 =	vld.idx.msk [tilespmem:v8+s17+$0x0], $0xffff  }
0x412: {  	v8 =	vor.u32 $0x11, v2  }
0x413: {  	v3 =	vadd.f32 v6, v3;
	v6 =	vld.idx.msk [tilespmem:v9+s17+$0x0], $0xffff  }
0x414: {  	v9 =	vor.u32 $0x12, v2  }
0x415: {  	v3 =	vadd.f32 v5, v3;
	v5 =	vld.idx.msk [tilespmem:v7+s17+$0x0], $0xffff  }
0x416: {  	v7 =	vor.u32 $0x13, v2  }
0x417: {  	v3 =	vadd.f32 v4, v3;
	v4 =	vld.idx.msk [tilespmem:v8+s17+$0x0], $0xffff  }
0x418: {  	v8 =	vor.u32 $0x14, v2  }
0x419: {  	v3 =	vadd.f32 v6, v3;
	v6 =	vld.idx.msk [tilespmem:v9+s17+$0x0], $0xffff  }
0x41a: {  	v9 =	vor.u32 $0x15, v2  }
0x41b: {  	v3 =	vadd.f32 v5, v3;
	v5 =	vld.idx.msk [tilespmem:v7+s17+$0x0], $0xffff  }
0x41c: {  	v7 =	vor.u32 $0x16, v2  }
0x41d: {  	v3 =	vadd.f32 v4, v3;
	v4 =	vld.idx.msk [tilespmem:v8+s17+$0x0], $0xffff  }
0x41e: {  	v8 =	vor.u32 $0x17, v2  }
0x41f: {  	v3 =	vadd.f32 v6, v3;
	v6 =	vld.idx.msk [tilespmem:v9+s17+$0x0], $0xffff  }
0x420: {  	v9 =	vor.u32 $0x18, v2  }
0x421: {  	v3 =	vadd.f32 v5, v3;
	v5 =	vld.idx.msk [tilespmem:v7+s17+$0x0], $0xffff  }
0x422: {  	v7 =	vor.u32 $0x19, v2  }
0x423: {  	v3 =	vadd.f32 v4, v3;
	v4 =	vld.idx.msk [tilespmem:v8+s17+$0x0], $0xffff  }
0x424: {  	v8 =	vor.u32 $0x1A, v2  }
0x425: {  	v3 =	vadd.f32 v6, v3;
	v6 =	vld.idx.msk [tilespmem:v9+s17+$0x0], $0xffff  }
0x426: {  	v9 =	vor.u32 $0x1B, v2  }
0x427: {  	v3 =	vadd.f32 v5, v3;
	v5 =	vld.idx.msk [tilespmem:v7+s17+$0x0], $0xffff  }
0x428: {  	v7 =	vor.u32 $0x1C, v2  }
0x429: {  	v3 =	vadd.f32 v4, v3;
	v4 =	vld.idx.msk [tilespmem:v8+s17+$0x0], $0xffff  }
0x42a: {  	v8 =	vor.u32 $0x1D, v2  }
0x42b: {  	v3 =	vadd.f32 v6, v3;
	v6 =	vld.idx.msk [tilespmem:v9+s17+$0x0], $0xffff  }
0x42c: {  	v9 =	vor.u32 $0x1E, v2  }
0x42d: {  	v3 =	vadd.f32 v5, v3;
	v5 =	vld.idx.msk [tilespmem:v7+s17+$0x0], $0xffff  }
0x42e: {  	v2 =	vor.u32 $0x1F, v2  }
0x42f: {  	v3 =	vadd.f32 v4, v3;
	v7 =	vld.idx.msk [tilespmem:v8+s17+$0x0], $0xffff;
	_ =	sdelay $0x1  }
.Ltmp5:
0x430: {  	v3 =	vadd.f32 v6, v3;
	v4 =	vld.idx.msk [tilespmem:v9+s17+$0x0], $0xffff;
	(pc) =	sbr.rel @p0 .LBB2_10-.Ltmp5, $3  }
0x431: {  	_ = 	snop  }
0x432: {  	v5 =	vadd.f32 v5, v3;
	v3 =	vld.idx.msk [tilespmem:v2+s17+$0x0], $0xffff;
	_ =	sdelay $0x1  }
0x433: {  	v2 =	vmov s0;
	s0 =	sadd.s32 $0x10, s0;
	v5 =	vadd.f32 v7, v5  }
0x434: {  	v2 =	vshll.u32 v2, $0x7  }
0x435: {  	v2 =	vor.u32 v0, v2;
	v4 =	vadd.f32 v4, v5;
	_ =	sdelay $0x1  }
0x436: {  	v19 =	vor.u32 $0x1, v2;
	v3 =	vadd.f32 v3, v4  }
0x437: {  	s0 =	sadd.s32 $0x10, s20  }
0x438: {  	v20 =	vor.u32 $0x2, v2;
	[tilespmem:s0+$0x0] =	vst v3  }
0x439: {  	v3 =	vld.idx.msk [tilespmem:v2+s17+$0x0], $0xffff  }
0x43a: {  	v6 =	vor.u32 $0x3, v2  }
0x43b: {  	v5 =	vld.idx.msk [tilespmem:v19+s17+$0x0], $0xffff  }
0x43c: {  	v7 =	vor.u32 $0x4, v2  }
0x43d: {  	v4 =	vld.idx.msk [tilespmem:v20+s17+$0x0], $0xffff  }
0x43e: {  	v8 =	vor.u32 $0x5, v2;
	v1 =	vadd.f32 v3, v1  }
0x43f: {  	v3 =	vld.idx.msk [tilespmem:v6+s17+$0x0], $0xffff  }
0x440: {  	v21 =	vor.u32 $0x6, v2;
	v1 =	vadd.f32 v5, v1  }
0x441: {  	v22 =	vld.idx.msk [tilespmem:v7+s17+$0x0], $0xffff  }
0x442: {  	v23 =	vor.u32 $0x7, v2;
	v1 =	vadd.f32 v4, v1  }
0x443: {  	v24 =	vld.idx.msk [tilespmem:v8+s17+$0x0], $0xffff  }
0x444: {  	v25 =	vor.u32 $0x8, v2;
	v1 =	vadd.f32 v3, v1  }
0x445: {  	v3 =	vld.idx.msk [tilespmem:v21+s17+$0x0], $0xffff  }
0x446: {  	v26 =	vor.u32 $0x9, v2;
	v1 =	vadd.f32 v22, v1  }
0x447: {  	v27 =	vld.idx.msk [tilespmem:v23+s17+$0x0], $0xffff  }
0x448: {  	v28 =	vor.u32 $0xA, v2;
	v1 =	vadd.f32 v24, v1  }
0x449: {  	v29 =	vld.idx.msk [tilespmem:v25+s17+$0x0], $0xffff  }
0x44a: {  	v30 =	vor.u32 $0xB, v2;
	v1 =	vadd.f32 v3, v1  }
0x44b: {  	v3 =	vld.idx.msk [tilespmem:v26+s17+$0x0], $0xffff  }
0x44c: {  	v31 =	vor.u32 $0xC, v2;
	v1 =	vadd.f32 v27, v1  }
0x44d: {  	v32 =	vld.idx.msk [tilespmem:v28+s17+$0x0], $0xffff  }
0x44e: {  	v33 =	vor.u32 $0xD, v2;
	v1 =	vadd.f32 v29, v1  }
0x44f: {  	v34 =	vld.idx.msk [tilespmem:v30+s17+$0x0], $0xffff  }
0x450: {  	v35 =	vor.u32 $0xE, v2;
	v1 =	vadd.f32 v3, v1  }
0x451: {  	v3 =	vld.idx.msk [tilespmem:v31+s17+$0x0], $0xffff  }
0x452: {  	v36 =	vor.u32 $0xF, v2;
	v1 =	vadd.f32 v32, v1  }
0x453: {  	v37 =	vld.idx.msk [tilespmem:v33+s17+$0x0], $0xffff  }
0x454: {  	v38 =	vor.u32 $0x10, v2;
	v1 =	vadd.f32 v34, v1  }
0x455: {  	v39 =	vld.idx.msk [tilespmem:v35+s17+$0x0], $0xffff  }
0x456: {  	v40 =	vor.u32 $0x11, v2;
	v1 =	vadd.f32 v3, v1  }
0x457: {  	v3 =	vld.idx.msk [tilespmem:v36+s17+$0x0], $0xffff  }
0x458: {  	v41 =	vor.u32 $0x12, v2;
	v1 =	vadd.f32 v37, v1  }
0x459: {  	v42 =	vld.idx.msk [tilespmem:v38+s17+$0x0], $0xffff  }
0x45a: {  	v43 =	vor.u32 $0x13, v2;
	v1 =	vadd.f32 v39, v1  }
0x45b: {  	v44 =	vld.idx.msk [tilespmem:v40+s17+$0x0], $0xffff  }
0x45c: {  	v45 =	vor.u32 $0x14, v2;
	v1 =	vadd.f32 v3, v1  }
0x45d: {  	v3 =	vld.idx.msk [tilespmem:v41+s17+$0x0], $0xffff  }
0x45e: {  	v46 =	vor.u32 $0x15, v2;
	v1 =	vadd.f32 v42, v1  }
0x45f: {  	v47 =	vld.idx.msk [tilespmem:v43+s17+$0x0], $0xffff  }
0x460: {  	v48 =	vor.u32 $0x16, v2;
	v1 =	vadd.f32 v44, v1  }
0x461: {  	v49 =	vld.idx.msk [tilespmem:v45+s17+$0x0], $0xffff  }
0x462: {  	v50 =	vor.u32 $0x17, v2;
	v1 =	vadd.f32 v3, v1  }
0x463: {  	v3 =	vld.idx.msk [tilespmem:v46+s17+$0x0], $0xffff  }
0x464: {  	v51 =	vor.u32 $0x18, v2;
	v1 =	vadd.f32 v47, v1  }
0x465: {  	v52 =	vld.idx.msk [tilespmem:v48+s17+$0x0], $0xffff  }
0x466: {  	v53 =	vor.u32 $0x19, v2;
	v1 =	vadd.f32 v49, v1  }
0x467: {  	v54 =	vld.idx.msk [tilespmem:v50+s17+$0x0], $0xffff  }
0x468: {  	v55 =	vor.u32 $0x1A, v2;
	v1 =	vadd.f32 v3, v1  }
0x469: {  	v3 =	vld.idx.msk [tilespmem:v51+s17+$0x0], $0xffff  }
0x46a: {  	v56 =	vor.u32 $0x1B, v2;
	v1 =	vadd.f32 v52, v1  }
0x46b: {  	v57 =	vld.idx.msk [tilespmem:v53+s17+$0x0], $0xffff  }
0x46c: {  	v58 =	vor.u32 $0x1C, v2;
	v1 =	vadd.f32 v54, v1  }
0x46d: {  	v59 =	vld.idx.msk [tilespmem:v55+s17+$0x0], $0xffff  }
0x46e: {  	v60 =	vor.u32 $0x1D, v2;
	v1 =	vadd.f32 v3, v1  }
0x46f: {  	v3 =	vld.idx.msk [tilespmem:v56+s17+$0x0], $0xffff  }
0x470: {  	v61 =	vor.u32 $0x1E, v2;
	v1 =	vadd.f32 v57, v1  }
0x471: {  	v62 =	vld.idx.msk [tilespmem:v58+s17+$0x0], $0xffff  }
0x472: {  	v2 =	vor.u32 $0x1F, v2;
	v1 =	vadd.f32 v59, v1  }
0x473: {  	v63 =	vld.idx.msk [tilespmem:v60+s17+$0x0], $0xffff  }
0x474: {  	v1 =	vadd.f32 v3, v1  }
0x475: {  	v3 =	vld.idx.msk [tilespmem:v61+s17+$0x0], $0xffff  }
0x476: {  	v1 =	vadd.f32 v62, v1  }
0x477: {  	v2 =	vld.idx.msk [tilespmem:v2+s17+$0x0], $0xffff  }
0x478: {  	v1 =	vadd.f32 v63, v1;
	_ =	sdelay $0x1  }
0x479: {  	v1 =	vadd.f32 v3, v1;
	_ =	sdelay $0x1  }
0x47a: {  	v1 =	vadd.f32 v2, v1  }
0x47b: {  	s0 =	sadd.s32 $0x10, s0  }
0x47c: {  	s6 =	simm.s32 $0x0;
	s28 =	rddreg [dreg:$0x7];
	s2 =	simm.s32 $0x1D000;
	[tilespmem:s0+$0x0] =	vst v1  }
0x47d: {  	[hbm4b:s28+s6] =	stream.linear.scatter [tilespmem:s2], [sflag:$0x3], $0x200, $0x38;
	[tilespmem:$0x1D400] =	vst v63  }
0x47e: {  	_ =	swait.ge [sflag:s1], $0x200  }
0x47f: {  	s29 =	rddreg [dreg:$0x9]  }
0x480: {  	s30 =	rddreg [dreg:$0x8];
	s2 =	sadd.s32 $0x1, s29  }
0x481: {  	p0 =	sne.s32 s2, s30  }
.Ltmp6:
0x482: {  	_ = 	snop;
	(pc) =	sbr.rel @p0 .LBB2_1-.Ltmp6, $3  }
0x483: {  	_ =	sdelay $0x1  }
0x484: {  	[sflag:s1] =	ssyncset.done $0x0  }
0x485: {  	[sflag:s1] =	ssyncadd.s32 $0xFFFFFE00  }
0x486: {  	_ =	sfence.sel $0x180000  }
0x487: {  	[bflag:$0x0] =	sbarrier.arrive $0xFFFF  }
0x488: {  	_ =	strace $0x90000047  }
0x489: {  	s0 =	stileid.u32;
	[bflag:$0x2] =	sbarrier.arrive $0xFFFF  }
0x48a: {  	p0 =	sne.s32 s0, $0x0;
	s0 =	rddreg [dreg:$0x2]  }
0x48b: {  	s0 =	sadd.s32 @!p0 $0x100000, s0  }
0x48c: {  	[sflag:s0] =	ssyncadd.tile.s32 @!p0 $0x1;
	_ =	shalt  }
.Lfunc_end2:
_tile_overlayer_lowered:
.L_overlay_start_2:
0x48d: {  	(tag) =	ssettag $0x2  }
0x48e: {  	s0 =	rddreg [dreg:$0x0];
	s2 =	stileid.u32  }
0x48f: {  	s1 =	rddreg [dreg:$0x1];
	p0 =	sne.s32 s2, $0x0  }
0x490: {  	s3 =	rddreg [dreg:$0x2];
	[bflag:$0x3] =	sbarrier.arrive $0xFFFF;
	s2 =	simm.s32 @!p0 $0x1C03  }
0x491: {  	[timem:s3], [sflag:s2] =	dma.local @!p0 [hbm:s0], s1  }
0x492: {  	s0 =	simm.s32 @!p0 $0x3  }
0x493: {  	_ =	swait.ge @!p0 [sflag:s0], s1  }
0x494: {  	s1 =	ssub.s32 @!p0 $0x0, s1;
	[sflag:s0] =	ssyncset.done @!p0 $0x0  }
0x495: {  	[sflag:s0] =	ssyncadd.s32 @!p0 s1  }
0x496: {  	[bflag:$0x3] =	sbarrier.arrive $0xFFFF  }
0x497: {  	_ =	shalt  }

</sc_bundles>
